<compile_context>
chip_gen: v7x
topology: tpu7x:2x2x1
jax: 0.10.2.dev20260603
libtpu: 0.0.44.dev20260713+nightly
codegen_flags: <defaults>
</compile_context>

<pallas_src>
import functools
import math

import jax
import jax.numpy as jnp
from jax import lax
from jax.experimental import pallas as pl
from jax.experimental.pallas import tpu as pltpu
from jax.experimental.pallas import tpu_sc as plsc

LOG_EPS = -64.0
EPS = float(math.exp(-64.0))
V, B, T, E, S = 1024, 32, 64, 4096, 4

_NC, _NS, _NL = 2, 16, 16
_E_PER_W = E // _NS
_CH = 128
_NCH = _E_PER_W // _CH
_ZB = 8192
_M_STRIPE = (V * V) // _NS
_OD_STRIPE = V // _NS
_NK = _M_STRIPE // _ZB


def _sc_build_body(in_hbm, out_hbm, zeros_hbm, ones_hbm, m_out, od_out,
                   m_sh, od_sh, obuf, ibuf, fbuf, ones, odbuf, stage, sem):
    cid = lax.axis_index("c")
    sid = lax.axis_index("s")

    @pl.when(cid == 0)
    def _build():
        pltpu.sync_copy(ones_hbm, ones)

        h = pltpu.async_copy(
            zeros_hbm, m_sh.at[pl.ds(sid * _M_STRIPE, _M_STRIPE)], sem)
        @pl.when(sid == 0)
        def _():
            pltpu.sync_copy(zeros_hbm.at[pl.ds(0, V)], od_sh)
        h.wait()
        plsc.subcore_barrier()

        for ch in range(_NCH):
            base = sid * _E_PER_W + ch * _CH
            pltpu.sync_copy(out_hbm.at[pl.ds(base, _CH)], obuf.at[ch])
            pltpu.sync_copy(in_hbm.at[pl.ds(base, _CH)], ibuf.at[ch])
            for g in range(_CH // _NL):
                o = obuf[ch, pl.ds(g * _NL, _NL)]
                i = ibuf[ch, pl.ds(g * _NL, _NL)]
                fbuf[ch, pl.ds(g * _NL, _NL)] = o * V + i
            pltpu.sync_copy(ones, m_sh.at[fbuf.at[ch]], add=True)
            pltpu.sync_copy(ones, od_sh.at[obuf.at[ch]], add=True)
        plsc.subcore_barrier()

        handles = []
        for k in range(_NK):
            off = sid * _M_STRIPE + k * _ZB
            slot = (k % 2) * _ZB
            if k >= 2:
                handles[k - 2].wait()
            pltpu.sync_copy(m_sh.at[pl.ds(off, _ZB)],
                            stage.at[pl.ds(slot, _ZB)])
            handles.append(
                pltpu.async_copy(stage.at[pl.ds(slot, _ZB)],
                                 m_out.at[pl.ds(off, _ZB)], sem))
        @pl.when(sid == 0)
        def _():
            pltpu.sync_copy(od_sh, odbuf)
            pltpu.sync_copy(odbuf, od_out)
        for h in handles[-2:]:
            h.wait()


@functools.lru_cache(maxsize=1)
def _get_sc_build():
    return pl.kernel(
        _sc_build_body,
        out_type=(jax.ShapeDtypeStruct((V * V,), jnp.float32),
                  jax.ShapeDtypeStruct((V,), jnp.float32)),
        mesh=plsc.VectorSubcoreMesh(core_axis_name="c", subcore_axis_name="s"),
        scratch_types=[
            pltpu.VMEM_SHARED((V * V,), jnp.float32),
            pltpu.VMEM_SHARED((V,), jnp.float32),
            pltpu.VMEM((_NCH, _CH), jnp.int32),
            pltpu.VMEM((_NCH, _CH), jnp.int32),
            pltpu.VMEM((_NCH, _CH), jnp.int32),
            pltpu.VMEM((_CH,), jnp.float32),
            pltpu.VMEM((V,), jnp.float32),
            pltpu.VMEM((2 * _ZB,), jnp.float32),
            pltpu.SemaphoreType.DMA,
        ],
    )


def _tc_body(x_ref, m_ref, od_ref, lenc_ref, lenr_ref, s_ref, e_ref,
             out_ref):
    colv = lax.broadcasted_iota(jnp.int32, (1, V), 1)
    smask = (colv == s_ref[0]) | (colv == s_ref[1]) \
        | (colv == s_ref[2]) | (colv == s_ref[3])
    ecnt = ((colv == e_ref[0]).astype(jnp.float32)
            + (colv == e_ref[1]).astype(jnp.float32)
            + (colv == e_ref[2]).astype(jnp.float32)
            + (colv == e_ref[3]).astype(jnp.float32))
    lc = lenc_ref[...]
    lr = lenr_ref[...]
    bi = lax.broadcasted_iota(jnp.int32, (B, B), 0)
    bj = lax.broadcasted_iota(jnp.int32, (B, B), 1)
    eq = (lc == lr) & (bj <= bi)
    src = jnp.sum(eq.astype(jnp.int32), axis=1, keepdims=True) - 1
    sel = (bj == src).astype(jnp.float32)
    om = (od_ref[...] > 0).astype(jnp.float32)

    def _select(s4, acc, res, t):
        log_last = jnp.log(s4) + acc
        gathered = jax.lax.dot_general(
            sel, log_last, (((1,), (0,)), ((), ())),
            precision=jax.lax.Precision.HIGHEST,
            preferred_element_type=jnp.float32)
        return jnp.where(lc == t + 1, gathered, res)

    def _lanesum(v):
        y = v[:, 0:128]
        for k in range(1, V // 128):
            y = y + v[:, 128 * k:128 * (k + 1)]
        for k in (64, 32, 16, 8, 4, 2, 1):
            y = y + pltpu.roll(y, k, axis=1)
        return y[:, 0:1]

    pst = jnp.where(smask, jnp.exp(x_ref[0]), EPS)
    e = om * pst
    acc = jnp.zeros((B, 1), jnp.float32)
    res = _select(jnp.sum(pst * ecnt, axis=1, keepdims=True), acc,
                  jnp.zeros((B, 1), jnp.float32), 0)
    for t in range(1, T):
        s = jnp.sum(e, axis=1, keepdims=True)
        seps = s * EPS
        ef = jnp.maximum(e, seps).astype(jnp.bfloat16)
        a = jnp.dot(ef, m_ref[...],
                    preferred_element_type=jnp.float32)
        rs_ex = jnp.exp(x_ref[t]) * (1.0 / s)
        g = om * rs_ex
        gt = ecnt * rs_ex
        acc = acc + jnp.log(s)
        ca = jnp.maximum(a, seps)
        e = g * ca
        res = _select(jnp.sum(gt * ca, axis=1, keepdims=True), acc, res, t)
    out_ref[...] = -res


def _tc_forward(xt, m_mat, odeg, lenc, lenr, start_idxs, end_idxs,
                interpret=False):
    return pl.pallas_call(
        _tc_body,
        in_specs=[
            pl.BlockSpec((T, B, V), lambda: (0, 0, 0)),
            pl.BlockSpec((V, V), lambda: (0, 0)),
            pl.BlockSpec((1, V), lambda: (0, 0)),
            pl.BlockSpec((B, 1), lambda: (0, 0)),
            pl.BlockSpec((1, B), lambda: (0, 0)),
            pl.BlockSpec(memory_space=pltpu.SMEM),
            pl.BlockSpec(memory_space=pltpu.SMEM),
        ],
        out_specs=pl.BlockSpec((B, 1), lambda: (0, 0)),
        out_shape=jax.ShapeDtypeStruct((B, 1), jnp.float32),
        interpret=interpret,
    )(xt, m_mat, odeg, lenc, lenr, start_idxs, end_idxs)


def kernel(extracted_log_probs, target_lengths, in_idxs, out_idxs,
           start_idxs, end_idxs):
    xt = jnp.transpose(extracted_log_probs, (2, 1, 0))
    m_flat, odeg = _get_sc_build()(
        in_idxs, out_idxs,
        jnp.zeros((_M_STRIPE,), jnp.float32),
        jnp.ones((_CH,), jnp.float32))
    out = _tc_forward(xt, m_flat.reshape(V, V).astype(jnp.bfloat16),
                      odeg.reshape(1, V),
                      target_lengths.reshape(B, 1),
                      target_lengths.reshape(1, B),
                      start_idxs, end_idxs)
    return out.reshape(B)

# --- scband reference (transcript-rebuilt; emitter-appended) ---
"""Pipeline reference for scband-loss-40510131536268 (READ-ONLY COPY).

The authoritative reference and input builder live on the scoring server;
editing this copy changes nothing except your own understanding.
"""

import jax, jax.numpy as jnp
import numpy as np
from jax.scipy.special import logsumexp

LOG_EPS = -64.0
EPS = float(np.exp(-64.0))
V, B, T, E, S = 1024, 32, 64, 4096, 4


def exp_safe(x, log_eps, eps):
    # exp clamped below at log_eps (exp(log_eps) == eps)
    return jnp.exp(jnp.maximum(x, log_eps))


def log_safe(x, log_eps, eps):
    # log clamped below at eps (log(eps) == log_eps)
    return jnp.log(jnp.maximum(x, eps))


def setup_inputs(seed: int = 0) -> dict:
    key = jax.random.key(seed)
    k0, k1, k2, k3, k4, k5 = jax.random.split(key, 6)
    return {
        "extracted_log_probs": jax.random.normal(k0, (V, B, T), dtype=jnp.float32),
        "target_lengths": jax.random.randint(k1, (B,), 1, T + 1, dtype=jnp.int32),
        "in_idxs": jax.random.randint(k2, (E,), 0, V, dtype=jnp.int32),
        "out_idxs": jax.random.randint(k3, (E,), 0, V, dtype=jnp.int32),
        "start_idxs": jax.random.randint(k4, (S,), 0, V, dtype=jnp.int32),
        "end_idxs": jax.random.randint(k5, (S,), 0, V, dtype=jnp.int32),
    }


def _threefry2x32(k0, k1, x0, x1):
    ks0 = k0
    ks1 = k1
    ks2 = k0 ^ k1 ^ np.uint32(0x1BD11BDA)
    ks = (ks0, ks1, ks2)
    rotations = ((13, 15, 26, 6), (17, 29, 16, 24))
    x0 = x0 + ks0
    x1 = x1 + ks1
    for i in range(5):
        for d in rotations[i % 2]:
            x0 = x0 + x1
            x1 = (x1 << np.uint32(d)) | (x1 >> np.uint32(32 - d))
            x1 = x0 ^ x1
        x0 = x0 + ks[(i + 1) % 3]
        x1 = x1 + ks[(i + 2) % 3] + np.uint32(i + 1)
    return x0, x1


def _normal_from_index(keydata, flat_idx, total):
    # bit-exact replication of jax.random.normal(key, (B, U), float32) at
    # flat counter positions flat_idx, for traced element count total
    k0 = keydata[0]
    k1 = keydata[1]
    if jax.config.jax_threefry_partitionable:
        y0, y1 = _threefry2x32(k0, k1, jnp.zeros_like(flat_idx), flat_idx)
        bits = y0 ^ y1
    else:
        half = total >> np.uint32(1)
        first = flat_idx < half
        p = jnp.where(first, flat_idx, flat_idx - half)
        y0, y1 = _threefry2x32(k0, k1, p, p + half)
        bits = jnp.where(first, y0, y1)
    fb = (bits >> np.uint32(9)) | np.uint32(0x3F800000)
    f = jax.lax.bitcast_convert_type(fb, jnp.float32) - np.float32(1.0)
    lo = np.nextafter(np.float32(-1.0), np.float32(0.0))
    hi = np.float32(1.0)
    u = jnp.maximum(lo, f * (hi - lo) + lo)
    return np.float32(np.sqrt(2.0)) * jax.lax.erf_inv(u)


def _forward_ctreec(extracted_log_probs, target_lengths, in_idxs, out_idxs, start_idxs, end_idxs):
    log_eps = LOG_EPS
    eps = EPS
    # torch: extracted_log_probs.permute(2, 1, 0) -> [T, B, V]
    x = jnp.transpose(extracted_log_probs, (2, 1, 0))
    Tn, Bn, Vn = x.shape
    out_uniq_idx, out_uniq_inv = jnp.unique(
        out_idxs, return_inverse=True, size=Vn, fill_value=0)
    out_uniq_inv = out_uniq_inv.reshape(-1)
    n_uniq = jnp.zeros((Vn,), jnp.int32).at[out_idxs].set(1).sum()
    col = jnp.arange(Vn)
    valid = col < n_uniq
    batch_idx = jnp.arange(Bn)
    acc = jnp.zeros((Bn,), x.dtype)
    result = jnp.zeros((Bn,), x.dtype)
    log_curr = jnp.full((Bn, Vn), log_eps, dtype=x.dtype)
    log_prev = log_curr
    nkey = jax.random.key(1234)
    for t in range(Tn):
        if t == 0:
            log_curr = log_curr.at[:, start_idxs].set(x[0][:, start_idxs])
        else:
            # sum_product: gather outgoing messages over unique source nodes
            log_outgoing = log_prev[:, out_uniq_idx]
            keydata = jax.random.key_data(jax.random.fold_in(nkey, t))
            u32 = n_uniq.astype(jnp.uint32)
            row = jnp.arange(Bn, dtype=jnp.uint32)[:, None]
            flat_idx = row * u32 + col.astype(jnp.uint32)[None, :]
            total = np.uint32(Bn) * u32
            noise = _normal_from_index(keydata, flat_idx, total)
            log_outgoing = log_outgoing + 0.0001 * noise
            log_outgoing = jnp.where(valid[None, :], log_outgoing, -jnp.inf)
            log_C = logsumexp(log_outgoing, axis=-1, keepdims=True)
            acc = acc + log_C[:, 0]
            propagated = exp_safe(log_outgoing - log_C, log_eps, eps)[:, out_uniq_inv]
            # index_put(accumulate=True) == scatter-add over edges into dst nodes
            combined = jnp.zeros((Bn, Vn), dtype=x.dtype).at[
                batch_idx[:, None], in_idxs[None, :]].add(propagated)
            log_combined = log_safe(combined, log_eps, eps)
            log_curr = log_combined + x[t]
        log_prev = log_curr
        last = (t + 1) == target_lengths
        # sum_last
        log_last = logsumexp(log_curr[:, end_idxs], axis=1) + acc
        # faithful torch masked_scatter semantics: masked positions consume
        # source elements sequentially (source.flatten()[:n_masked])
        pos = jnp.clip(jnp.cumsum(last.astype(jnp.int32)) - 1, 0, Bn - 1)
        result = jnp.where(last, log_last[pos], result)
    return -result


def reference(extracted_log_probs, target_lengths, in_idxs, out_idxs, start_idxs, end_idxs):
    return _forward_ctreec(extracted_log_probs, target_lengths, in_idxs, out_idxs, start_idxs, end_idxs)

if __name__ == "__main__":
    import jax
    _d = setup_inputs()
    print(jax.jit(kernel)(*tuple(_d.values())))

</pallas_src>

<mosaic_0001>
#map = affine_map<(d0, d1) -> (0)>
module attributes {stable_mosaic.version = 14 : i64} {
  func.func @_sc_build_body(%arg0: i32, %arg1: i32, %arg2: memref<4096xi32, #tpu.memory_space<hbm>>, %arg3: memref<4096xi32, #tpu.memory_space<hbm>>, %arg4: memref<65536xf32, #tpu.memory_space<hbm>>, %arg5: memref<128xf32, #tpu.memory_space<hbm>>, %arg6: memref<1048576xf32, #tpu.memory_space<hbm>>, %arg7: memref<1024xf32, #tpu.memory_space<hbm>>, %arg8: memref<1048576xf32, #tpu.memory_space<vmem_shared>>, %arg9: memref<1024xf32, #tpu.memory_space<vmem_shared>>, %arg10: memref<2x128xi32, #tpu.memory_space<vmem>>, %arg11: memref<2x128xi32, #tpu.memory_space<vmem>>, %arg12: memref<2x128xi32, #tpu.memory_space<vmem>>, %arg13: memref<128xf32, #tpu.memory_space<vmem>>, %arg14: memref<1024xf32, #tpu.memory_space<vmem>>, %arg15: memref<16384xf32, #tpu.memory_space<vmem>>, %arg16: memref<!tpu.dma_semaphore, #tpu.memory_space<semaphore_mem>>) attributes {dimension_semantics = [#tpu.dimension_semantics<core_parallel>, #tpu.dimension_semantics<subcore_parallel>], iteration_bounds = array<i64: 2, 16>, scalar_prefetch = 0 : i64, scratch_operands = 9 : i64, tpu.core_type = #tpu.core_type<sc_vector_subcore>, window_params = [{transform_indices = #map}, {transform_indices = #map}, {transform_indices = #map}, {transform_indices = #map}, {transform_indices = #map}, {transform_indices = #map}]} {
    %eq3A = arith.constant 0 : i32
    %eq3A_0 = arith.cmpi eq, %arg0, %eq3A : i32
    %convert_element_type3A = arith.extui %eq3A_0 : i1 to i32
    %cond3A = arith.constant 0 : i32
    %cond3A_1 = arith.cmpi ne, %convert_element_type3A, %cond3A : i32
    scf.if %cond3A_1 {
      "tpu.region"() ({
        %run_scoped3A_474 = tpu.sem_alloc : memref<!tpu.dma_semaphore, #tpu.memory_space<semaphore_mem>>
        tpu.enqueue_dma source(%arg5 : memref<128xf32, #tpu.memory_space<hbm>>) target(%arg13 : memref<128xf32, #tpu.memory_space<vmem>>) target_semaphore(%run_scoped3A_474 : memref<!tpu.dma_semaphore, #tpu.memory_space<semaphore_mem>>)
        tpu.wait_dma2 semaphore(%run_scoped3A_474 : memref<!tpu.dma_semaphore, #tpu.memory_space<semaphore_mem>>) src(%arg5 : memref<128xf32, #tpu.memory_space<hbm>>) dst(%arg13 : memref<128xf32, #tpu.memory_space<vmem>>)
        tpu.yield
      }) : () -> ()
      %mul3A = arith.constant 65536 : i32
      %mul3A_2 = arith.muli %arg1, %mul3A : i32
      %dma_start3A = tpu.memref_slice %arg8[%mul3A_2] : memref<1048576xf32, #tpu.memory_space<vmem_shared>> -> memref<65536xf32, #tpu.memory_space<vmem_shared>>
      tpu.enqueue_dma source(%arg4 : memref<65536xf32, #tpu.memory_space<hbm>>) target(%dma_start3A : memref<65536xf32, #tpu.memory_space<vmem_shared>>) target_semaphore(%arg16 : memref<!tpu.dma_semaphore, #tpu.memory_space<semaphore_mem>>)
      %eq3A_3 = arith.constant 0 : i32
      %eq3A_4 = arith.cmpi eq, %arg1, %eq3A_3 : i32
      %convert_element_type3A_5 = arith.extui %eq3A_4 : i1 to i32
      %cond3A_6 = arith.constant 0 : i32
      %cond3A_7 = arith.cmpi ne, %convert_element_type3A_5, %cond3A_6 : i32
      scf.if %cond3A_7 {
        "tpu.region"() ({
          %run_scoped3A_474 = tpu.sem_alloc : memref<!tpu.dma_semaphore, #tpu.memory_space<semaphore_mem>>
          %dma_start3A_475 = arith.constant 0 : i32
          %dma_start3A_476 = tpu.memref_slice %arg4[%dma_start3A_475] : memref<65536xf32, #tpu.memory_space<hbm>> -> memref<1024xf32, #tpu.memory_space<hbm>>
          tpu.enqueue_dma source(%dma_start3A_476 : memref<1024xf32, #tpu.memory_space<hbm>>) target(%arg9 : memref<1024xf32, #tpu.memory_space<vmem_shared>>) target_semaphore(%run_scoped3A_474 : memref<!tpu.dma_semaphore, #tpu.memory_space<semaphore_mem>>)
          %dma_wait3A_477 = arith.constant 0 : i32
          %dma_wait3A_478 = tpu.memref_slice %arg4[%dma_wait3A_477] : memref<65536xf32, #tpu.memory_space<hbm>> -> memref<1024xf32, #tpu.memory_space<hbm>>
          tpu.wait_dma2 semaphore(%run_scoped3A_474 : memref<!tpu.dma_semaphore, #tpu.memory_space<semaphore_mem>>) src(%dma_wait3A_478 : memref<1024xf32, #tpu.memory_space<hbm>>) dst(%arg9 : memref<1024xf32, #tpu.memory_space<vmem_shared>>)
          tpu.yield
        }) : () -> ()
      } else {
      }
      %dma_wait3A = tpu.memref_slice %arg8[%mul3A_2] : memref<1048576xf32, #tpu.memory_space<vmem_shared>> -> memref<65536xf32, #tpu.memory_space<vmem_shared>>
      tpu.wait_dma2 semaphore(%arg16 : memref<!tpu.dma_semaphore, #tpu.memory_space<semaphore_mem>>) src(%arg4 : memref<65536xf32, #tpu.memory_space<hbm>>) dst(%dma_wait3A : memref<65536xf32, #tpu.memory_space<vmem_shared>>)
      %barrier3A = arith.constant 0 : index
      tpu.barrier barrier_id(%barrier3A)
      %mul3A_8 = arith.constant 256 : i32
      %mul3A_9 = arith.muli %arg1, %mul3A_8 : i32
      %add3A = arith.constant 0 : i32
      %add3A_10 = arith.addi %mul3A_9, %add3A : i32
      %run_scoped3A = arith.constant 0 : i32
      "tpu.region"() ({
        %run_scoped3A_474 = tpu.sem_alloc : memref<!tpu.dma_semaphore, #tpu.memory_space<semaphore_mem>>
        %dma_start3A_475 = arith.constant 0 : i32
        %dma_start3A_476 = tpu.memref_slice %arg10[%run_scoped3A, %dma_start3A_475] : memref<2x128xi32, #tpu.memory_space<vmem>> -> memref<1x128xi32, #tpu.memory_space<vmem>>
        %dma_start3A_477 = tpu.memref_squeeze %dma_start3A_476 : memref<1x128xi32, #tpu.memory_space<vmem>> -> memref<128xi32, #tpu.memory_space<vmem>>
        %dma_start3A_478 = tpu.memref_slice %arg3[%add3A_10] : memref<4096xi32, #tpu.memory_space<hbm>> -> memref<128xi32, #tpu.memory_space<hbm>>
        %dma_start3A_479 = arith.constant 0 : i32
        %dma_start3A_480 = tpu.memref_slice %arg10[%run_scoped3A, %dma_start3A_479] : memref<2x128xi32, #tpu.memory_space<vmem>> -> memref<1x128xi32, #tpu.memory_space<vmem>>
        %dma_start3A_481 = tpu.memref_squeeze %dma_start3A_480 : memref<1x128xi32, #tpu.memory_space<vmem>> -> memref<128xi32, #tpu.memory_space<vmem>>
        %dma_start3A_482 = tpu.memref_slice %arg3[%add3A_10] : memref<4096xi32, #tpu.memory_space<hbm>> -> memref<128xi32, #tpu.memory_space<hbm>>
        tpu.enqueue_dma source(%dma_start3A_482 : memref<128xi32, #tpu.memory_space<hbm>>) target(%dma_start3A_481 : memref<128xi32, #tpu.memory_space<vmem>>) target_semaphore(%run_scoped3A_474 : memref<!tpu.dma_semaphore, #tpu.memory_space<semaphore_mem>>)
        %dma_wait3A_483 = arith.constant 0 : i32
        %dma_wait3A_484 = tpu.memref_slice %arg10[%run_scoped3A, %dma_wait3A_483] : memref<2x128xi32, #tpu.memory_space<vmem>> -> memref<1x128xi32, #tpu.memory_space<vmem>>
        %dma_wait3A_485 = tpu.memref_squeeze %dma_wait3A_484 : memref<1x128xi32, #tpu.memory_space<vmem>> -> memref<128xi32, #tpu.memory_space<vmem>>
        %dma_wait3A_486 = tpu.memref_slice %arg3[%add3A_10] : memref<4096xi32, #tpu.memory_space<hbm>> -> memref<128xi32, #tpu.memory_space<hbm>>
        %dma_wait3A_487 = arith.constant 0 : i32
        %dma_wait3A_488 = tpu.memref_slice %arg10[%run_scoped3A, %dma_wait3A_487] : memref<2x128xi32, #tpu.memory_space<vmem>> -> memref<1x128xi32, #tpu.memory_space<vmem>>
        %dma_wait3A_489 = tpu.memref_squeeze %dma_wait3A_488 : memref<1x128xi32, #tpu.memory_space<vmem>> -> memref<128xi32, #tpu.memory_space<vmem>>
        %dma_wait3A_490 = tpu.memref_slice %arg3[%add3A_10] : memref<4096xi32, #tpu.memory_space<hbm>> -> memref<128xi32, #tpu.memory_space<hbm>>
        tpu.wait_dma2 semaphore(%run_scoped3A_474 : memref<!tpu.dma_semaphore, #tpu.memory_space<semaphore_mem>>) src(%dma_wait3A_490 : memref<128xi32, #tpu.memory_space<hbm>>) dst(%dma_wait3A_489 : memref<128xi32, #tpu.memory_space<vmem>>)
        tpu.yield
      }) : () -> ()
      %run_scoped3A_11 = arith.constant 0 : i32
      "tpu.region"() ({
        %run_scoped3A_474 = tpu.sem_alloc : memref<!tpu.dma_semaphore, #tpu.memory_space<semaphore_mem>>
        %dma_start3A_475 = arith.constant 0 : i32
        %dma_start3A_476 = tpu.memref_slice %arg11[%run_scoped3A_11, %dma_start3A_475] : memref<2x128xi32, #tpu.memory_space<vmem>> -> memref<1x128xi32, #tpu.memory_space<vmem>>
        %dma_start3A_477 = tpu.memref_squeeze %dma_start3A_476 : memref<1x128xi32, #tpu.memory_space<vmem>> -> memref<128xi32, #tpu.memory_space<vmem>>
        %dma_start3A_478 = tpu.memref_slice %arg2[%add3A_10] : memref<4096xi32, #tpu.memory_space<hbm>> -> memref<128xi32, #tpu.memory_space<hbm>>
        %dma_start3A_479 = arith.constant 0 : i32
        %dma_start3A_480 = tpu.memref_slice %arg11[%run_scoped3A_11, %dma_start3A_479] : memref<2x128xi32, #tpu.memory_space<vmem>> -> memref<1x128xi32, #tpu.memory_space<vmem>>
        %dma_start3A_481 = tpu.memref_squeeze %dma_start3A_480 : memref<1x128xi32, #tpu.memory_space<vmem>> -> memref<128xi32, #tpu.memory_space<vmem>>
        %dma_start3A_482 = tpu.memref_slice %arg2[%add3A_10] : memref<4096xi32, #tpu.memory_space<hbm>> -> memref<128xi32, #tpu.memory_space<hbm>>
        tpu.enqueue_dma source(%dma_start3A_482 : memref<128xi32, #tpu.memory_space<hbm>>) target(%dma_start3A_481 : memref<128xi32, #tpu.memory_space<vmem>>) target_semaphore(%run_scoped3A_474 : memref<!tpu.dma_semaphore, #tpu.memory_space<semaphore_mem>>)
        %dma_wait3A_483 = arith.constant 0 : i32
        %dma_wait3A_484 = tpu.memref_slice %arg11[%run_scoped3A_11, %dma_wait3A_483] : memref<2x128xi32, #tpu.memory_space<vmem>> -> memref<1x128xi32, #tpu.memory_space<vmem>>
        %dma_wait3A_485 = tpu.memref_squeeze %dma_wait3A_484 : memref<1x128xi32, #tpu.memory_space<vmem>> -> memref<128xi32, #tpu.memory_space<vmem>>
        %dma_wait3A_486 = tpu.memref_slice %arg2[%add3A_10] : memref<4096xi32, #tpu.memory_space<hbm>> -> memref<128xi32, #tpu.memory_space<hbm>>
        %dma_wait3A_487 = arith.constant 0 : i32
        %dma_wait3A_488 = tpu.memref_slice %arg11[%run_scoped3A_11, %dma_wait3A_487] : memref<2x128xi32, #tpu.memory_space<vmem>> -> memref<1x128xi32, #tpu.memory_space<vmem>>
        %dma_wait3A_489 = tpu.memref_squeeze %dma_wait3A_488 : memref<1x128xi32, #tpu.memory_space<vmem>> -> memref<128xi32, #tpu.memory_space<vmem>>
        %dma_wait3A_490 = tpu.memref_slice %arg2[%add3A_10] : memref<4096xi32, #tpu.memory_space<hbm>> -> memref<128xi32, #tpu.memory_space<hbm>>
        tpu.wait_dma2 semaphore(%run_scoped3A_474 : memref<!tpu.dma_semaphore, #tpu.memory_space<semaphore_mem>>) src(%dma_wait3A_490 : memref<128xi32, #tpu.memory_space<hbm>>) dst(%dma_wait3A_489 : memref<128xi32, #tpu.memory_space<vmem>>)
        tpu.yield
      }) : () -> ()
      %get3A = arith.constant 0 : i32
      %get3A_12 = arith.index_cast %get3A : i32 to index
      %get3A_13 = arith.constant 0 : index
      %get3A_14 = tpu.vector_load %arg10[%get3A_12, %get3A_13] {strides = array<i32>} : memref<2x128xi32, #tpu.memory_space<vmem>>, vector<1x16xi32>,
      %get3A_15 = vector.shape_cast %get3A_14 : vector<1x16xi32> to vector<16xi32>
      %get3A_16 = arith.constant 0 : i32
      %get3A_17 = arith.index_cast %get3A_16 : i32 to index
      %get3A_18 = arith.constant 0 : index
      %get3A_19 = tpu.vector_load %arg11[%get3A_17, %get3A_18] {strides = array<i32>} : memref<2x128xi32, #tpu.memory_space<vmem>>, vector<1x16xi32>,
      %get3A_20 = vector.shape_cast %get3A_19 : vector<1x16xi32> to vector<16xi32>
      %mul3A_21 = arith.constant 1024 : i32
      %mul3A_22 = vector.broadcast %mul3A_21 : i32 to vector<16xi32>
      %mul3A_23 = arith.muli %get3A_15, %mul3A_22 : vector<16xi32>
      %add3A_24 = arith.addi %mul3A_23, %get3A_20 : vector<16xi32>
      %swap3A = arith.constant 0 : i32
      %swap3A_25 = arith.index_cast %swap3A : i32 to index
      %swap3A_26 = arith.constant 0 : index
      %swap3A_27 = tpu.vector_load %arg12[%swap3A_25, %swap3A_26] {strides = array<i32>} : memref<2x128xi32, #tpu.memory_space<vmem>>, vector<1x16xi32>,
      %swap3A_28 = vector.shape_cast %swap3A_27 : vector<1x16xi32> to vector<16xi32>
      %swap3A_29 = vector.shape_cast %add3A_24 : vector<16xi32> to vector<1x16xi32>
      tpu.vector_store %arg12[%swap3A_25, %swap3A_26], %swap3A_29 {strides = array<i32>} : memref<2x128xi32, #tpu.memory_space<vmem>>, vector<1x16xi32>,
      %get3A_30 = arith.constant 0 : i32
      %get3A_31 = arith.index_cast %get3A_30 : i32 to index
      %get3A_32 = arith.constant 16 : index
      %get3A_33 = tpu.vector_load %arg10[%get3A_31, %get3A_32] {strides = array<i32>} : memref<2x128xi32, #tpu.memory_space<vmem>>, vector<1x16xi32>,
      %get3A_34 = vector.shape_cast %get3A_33 : vector<1x16xi32> to vector<16xi32>
      %get3A_35 = arith.constant 0 : i32
      %get3A_36 = arith.index_cast %get3A_35 : i32 to index
      %get3A_37 = arith.constant 16 : index
      %get3A_38 = tpu.vector_load %arg11[%get3A_36, %get3A_37] {strides = array<i32>} : memref<2x128xi32, #tpu.memory_space<vmem>>, vector<1x16xi32>,
      %get3A_39 = vector.shape_cast %get3A_38 : vector<1x16xi32> to vector<16xi32>
      %mul3A_40 = arith.constant 1024 : i32
      %mul3A_41 = vector.broadcast %mul3A_40 : i32 to vector<16xi32>
      %mul3A_42 = arith.muli %get3A_34, %mul3A_41 : vector<16xi32>
      %add3A_43 = arith.addi %mul3A_42, %get3A_39 : vector<16xi32>
      %swap3A_44 = arith.constant 0 : i32
      %swap3A_45 = arith.index_cast %swap3A_44 : i32 to index
      %swap3A_46 = arith.constant 16 : index
      %swap3A_47 = tpu.vector_load %arg12[%swap3A_45, %swap3A_46] {strides = array<i32>} : memref<2x128xi32, #tpu.memory_space<vmem>>, vector<1x16xi32>,
      %swap3A_48 = vector.shape_cast %swap3A_47 : vector<1x16xi32> to vector<16xi32>
      %swap3A_49 = vector.shape_cast %add3A_43 : vector<16xi32> to vector<1x16xi32>
      tpu.vector_store %arg12[%swap3A_45, %swap3A_46], %swap3A_49 {strides = array<i32>} : memref<2x128xi32, #tpu.memory_space<vmem>>, vector<1x16xi32>,
      %get3A_50 = arith.constant 0 : i32
      %get3A_51 = arith.index_cast %get3A_50 : i32 to index
      %get3A_52 = arith.constant 32 : index
      %get3A_53 = tpu.vector_load %arg10[%get3A_51, %get3A_52] {strides = array<i32>} : memref<2x128xi32, #tpu.memory_space<vmem>>, vector<1x16xi32>,
      %get3A_54 = vector.shape_cast %get3A_53 : vector<1x16xi32> to vector<16xi32>
      %get3A_55 = arith.constant 0 : i32
      %get3A_56 = arith.index_cast %get3A_55 : i32 to index
      %get3A_57 = arith.constant 32 : index
      %get3A_58 = tpu.vector_load %arg11[%get3A_56, %get3A_57] {strides = array<i32>} : memref<2x128xi32, #tpu.memory_space<vmem>>, vector<1x16xi32>,
      %get3A_59 = vector.shape_cast %get3A_58 : vector<1x16xi32> to vector<16xi32>
      %mul3A_60 = arith.constant 1024 : i32
      %mul3A_61 = vector.broadcast %mul3A_60 : i32 to vector<16xi32>
      %mul3A_62 = arith.muli %get3A_54, %mul3A_61 : vector<16xi32>
      %add3A_63 = arith.addi %mul3A_62, %get3A_59 : vector<16xi32>
      %swap3A_64 = arith.constant 0 : i32
      %swap3A_65 = arith.index_cast %swap3A_64 : i32 to index
      %swap3A_66 = arith.constant 32 : index
      %swap3A_67 = tpu.vector_load %arg12[%swap3A_65, %swap3A_66] {strides = array<i32>} : memref<2x128xi32, #tpu.memory_space<vmem>>, vector<1x16xi32>,
      %swap3A_68 = vector.shape_cast %swap3A_67 : vector<1x16xi32> to vector<16xi32>
      %swap3A_69 = vector.shape_cast %add3A_63 : vector<16xi32> to vector<1x16xi32>
      tpu.vector_store %arg12[%swap3A_65, %swap3A_66], %swap3A_69 {strides = array<i32>} : memref<2x128xi32, #tpu.memory_space<vmem>>, vector<1x16xi32>,
      %get3A_70 = arith.constant 0 : i32
      %get3A_71 = arith.index_cast %get3A_70 : i32 to index
      %get3A_72 = arith.constant 48 : index
      %get3A_73 = tpu.vector_load %arg10[%get3A_71, %get3A_72] {strides = array<i32>} : memref<2x128xi32, #tpu.memory_space<vmem>>, vector<1x16xi32>,
      %get3A_74 = vector.shape_cast %get3A_73 : vector<1x16xi32> to vector<16xi32>
      %get3A_75 = arith.constant 0 : i32
      %get3A_76 = arith.index_cast %get3A_75 : i32 to index
      %get3A_77 = arith.constant 48 : index
      %get3A_78 = tpu.vector_load %arg11[%get3A_76, %get3A_77] {strides = array<i32>} : memref<2x128xi32, #tpu.memory_space<vmem>>, vector<1x16xi32>,
      %get3A_79 = vector.shape_cast %get3A_78 : vector<1x16xi32> to vector<16xi32>
      %mul3A_80 = arith.constant 1024 : i32
      %mul3A_81 = vector.broadcast %mul3A_80 : i32 to vector<16xi32>
      %mul3A_82 = arith.muli %get3A_74, %mul3A_81 : vector<16xi32>
      %add3A_83 = arith.addi %mul3A_82, %get3A_79 : vector<16xi32>
      %swap3A_84 = arith.constant 0 : i32
      %swap3A_85 = arith.index_cast %swap3A_84 : i32 to index
      %swap3A_86 = arith.constant 48 : index
      %swap3A_87 = tpu.vector_load %arg12[%swap3A_85, %swap3A_86] {strides = array<i32>} : memref<2x128xi32, #tpu.memory_space<vmem>>, vector<1x16xi32>,
      %swap3A_88 = vector.shape_cast %swap3A_87 : vector<1x16xi32> to vector<16xi32>
      %swap3A_89 = vector.shape_cast %add3A_83 : vector<16xi32> to vector<1x16xi32>
      tpu.vector_store %arg12[%swap3A_85, %swap3A_86], %swap3A_89 {strides = array<i32>} : memref<2x128xi32, #tpu.memory_space<vmem>>, vector<1x16xi32>,
      %get3A_90 = arith.constant 0 : i32
      %get3A_91 = arith.index_cast %get3A_90 : i32 to index
      %get3A_92 = arith.constant 64 : index
      %get3A_93 = tpu.vector_load %arg10[%get3A_91, %get3A_92] {strides = array<i32>} : memref<2x128xi32, #tpu.memory_space<vmem>>, vector<1x16xi32>,
      %get3A_94 = vector.shape_cast %get3A_93 : vector<1x16xi32> to vector<16xi32>
      %get3A_95 = arith.constant 0 : i32
      %get3A_96 = arith.index_cast %get3A_95 : i32 to index
      %get3A_97 = arith.constant 64 : index
      %get3A_98 = tpu.vector_load %arg11[%get3A_96, %get3A_97] {strides = array<i32>} : memref<2x128xi32, #tpu.memory_space<vmem>>, vector<1x16xi32>,
      %get3A_99 = vector.shape_cast %get3A_98 : vector<1x16xi32> to vector<16xi32>
      %mul3A_100 = arith.constant 1024 : i32
      %mul3A_101 = vector.broadcast %mul3A_100 : i32 to vector<16xi32>
      %mul3A_102 = arith.muli %get3A_94, %mul3A_101 : vector<16xi32>
      %add3A_103 = arith.addi %mul3A_102, %get3A_99 : vector<16xi32>
      %swap3A_104 = arith.constant 0 : i32
      %swap3A_105 = arith.index_cast %swap3A_104 : i32 to index
      %swap3A_106 = arith.constant 64 : index
      %swap3A_107 = tpu.vector_load %arg12[%swap3A_105, %swap3A_106] {strides = array<i32>} : memref<2x128xi32, #tpu.memory_space<vmem>>, vector<1x16xi32>,
      %swap3A_108 = vector.shape_cast %swap3A_107 : vector<1x16xi32> to vector<16xi32>
      %swap3A_109 = vector.shape_cast %add3A_103 : vector<16xi32> to vector<1x16xi32>
      tpu.vector_store %arg12[%swap3A_105, %swap3A_106], %swap3A_109 {strides = array<i32>} : memref<2x128xi32, #tpu.memory_space<vmem>>, vector<1x16xi32>,
      %get3A_110 = arith.constant 0 : i32
      %get3A_111 = arith.index_cast %get3A_110 : i32 to index
      %get3A_112 = arith.constant 80 : index
      %get3A_113 = tpu.vector_load %arg10[%get3A_111, %get3A_112] {strides = array<i32>} : memref<2x128xi32, #tpu.memory_space<vmem>>, vector<1x16xi32>,
      %get3A_114 = vector.shape_cast %get3A_113 : vector<1x16xi32> to vector<16xi32>
      %get3A_115 = arith.constant 0 : i32
      %get3A_116 = arith.index_cast %get3A_115 : i32 to index
      %get3A_117 = arith.constant 80 : index
      %get3A_118 = tpu.vector_load %arg11[%get3A_116, %get3A_117] {strides = array<i32>} : memref<2x128xi32, #tpu.memory_space<vmem>>, vector<1x16xi32>,
      %get3A_119 = vector.shape_cast %get3A_118 : vector<1x16xi32> to vector<16xi32>
      %mul3A_120 = arith.constant 1024 : i32
      %mul3A_121 = vector.broadcast %mul3A_120 : i32 to vector<16xi32>
      %mul3A_122 = arith.muli %get3A_114, %mul3A_121 : vector<16xi32>
      %add3A_123 = arith.addi %mul3A_122, %get3A_119 : vector<16xi32>
      %swap3A_124 = arith.constant 0 : i32
      %swap3A_125 = arith.index_cast %swap3A_124 : i32 to index
      %swap3A_126 = arith.constant 80 : index
      %swap3A_127 = tpu.vector_load %arg12[%swap3A_125, %swap3A_126] {strides = array<i32>} : memref<2x128xi32, #tpu.memory_space<vmem>>, vector<1x16xi32>,
      %swap3A_128 = vector.shape_cast %swap3A_127 : vector<1x16xi32> to vector<16xi32>
      %swap3A_129 = vector.shape_cast %add3A_123 : vector<16xi32> to vector<1x16xi32>
      tpu.vector_store %arg12[%swap3A_125, %swap3A_126], %swap3A_129 {strides = array<i32>} : memref<2x128xi32, #tpu.memory_space<vmem>>, vector<1x16xi32>,
      %get3A_130 = arith.constant 0 : i32
      %get3A_131 = arith.index_cast %get3A_130 : i32 to index
      %get3A_132 = arith.constant 96 : index
      %get3A_133 = tpu.vector_load %arg10[%get3A_131, %get3A_132] {strides = array<i32>} : memref<2x128xi32, #tpu.memory_space<vmem>>, vector<1x16xi32>,
      %get3A_134 = vector.shape_cast %get3A_133 : vector<1x16xi32> to vector<16xi32>
      %get3A_135 = arith.constant 0 : i32
      %get3A_136 = arith.index_cast %get3A_135 : i32 to index
      %get3A_137 = arith.constant 96 : index
      %get3A_138 = tpu.vector_load %arg11[%get3A_136, %get3A_137] {strides = array<i32>} : memref<2x128xi32, #tpu.memory_space<vmem>>, vector<1x16xi32>,
      %get3A_139 = vector.shape_cast %get3A_138 : vector<1x16xi32> to vector<16xi32>
      %mul3A_140 = arith.constant 1024 : i32
      %mul3A_141 = vector.broadcast %mul3A_140 : i32 to vector<16xi32>
      %mul3A_142 = arith.muli %get3A_134, %mul3A_141 : vector<16xi32>
      %add3A_143 = arith.addi %mul3A_142, %get3A_139 : vector<16xi32>
      %swap3A_144 = arith.constant 0 : i32
      %swap3A_145 = arith.index_cast %swap3A_144 : i32 to index
      %swap3A_146 = arith.constant 96 : index
      %swap3A_147 = tpu.vector_load %arg12[%swap3A_145, %swap3A_146] {strides = array<i32>} : memref<2x128xi32, #tpu.memory_space<vmem>>, vector<1x16xi32>,
      %swap3A_148 = vector.shape_cast %swap3A_147 : vector<1x16xi32> to vector<16xi32>
      %swap3A_149 = vector.shape_cast %add3A_143 : vector<16xi32> to vector<1x16xi32>
      tpu.vector_store %arg12[%swap3A_145, %swap3A_146], %swap3A_149 {strides = array<i32>} : memref<2x128xi32, #tpu.memory_space<vmem>>, vector<1x16xi32>,
      %get3A_150 = arith.constant 0 : i32
      %get3A_151 = arith.index_cast %get3A_150 : i32 to index
      %get3A_152 = arith.constant 112 : index
      %get3A_153 = tpu.vector_load %arg10[%get3A_151, %get3A_152] {strides = array<i32>} : memref<2x128xi32, #tpu.memory_space<vmem>>, vector<1x16xi32>,
      %get3A_154 = vector.shape_cast %get3A_153 : vector<1x16xi32> to vector<16xi32>
      %get3A_155 = arith.constant 0 : i32
      %get3A_156 = arith.index_cast %get3A_155 : i32 to index
      %get3A_157 = arith.constant 112 : index
      %get3A_158 = tpu.vector_load %arg11[%get3A_156, %get3A_157] {strides = array<i32>} : memref<2x128xi32, #tpu.memory_space<vmem>>, vector<1x16xi32>,
      %get3A_159 = vector.shape_cast %get3A_158 : vector<1x16xi32> to vector<16xi32>
      %mul3A_160 = arith.constant 1024 : i32
      %mul3A_161 = vector.broadcast %mul3A_160 : i32 to vector<16xi32>
      %mul3A_162 = arith.muli %get3A_154, %mul3A_161 : vector<16xi32>
      %add3A_163 = arith.addi %mul3A_162, %get3A_159 : vector<16xi32>
      %swap3A_164 = arith.constant 0 : i32
      %swap3A_165 = arith.index_cast %swap3A_164 : i32 to index
      %swap3A_166 = arith.constant 112 : index
      %swap3A_167 = tpu.vector_load %arg12[%swap3A_165, %swap3A_166] {strides = array<i32>} : memref<2x128xi32, #tpu.memory_space<vmem>>, vector<1x16xi32>,
      %swap3A_168 = vector.shape_cast %swap3A_167 : vector<1x16xi32> to vector<16xi32>
      %swap3A_169 = vector.shape_cast %add3A_163 : vector<16xi32> to vector<1x16xi32>
      tpu.vector_store %arg12[%swap3A_165, %swap3A_166], %swap3A_169 {strides = array<i32>} : memref<2x128xi32, #tpu.memory_space<vmem>>, vector<1x16xi32>,
      %run_scoped3A_170 = arith.constant 0 : i32
      "tpu.region"() ({
        %run_scoped3A_474 = tpu.sem_alloc : memref<!tpu.dma_semaphore, #tpu.memory_space<semaphore_mem>>
        %dma_start3A_475 = arith.constant 0 : i32
        %dma_start3A_476 = tpu.memref_slice %arg12[%run_scoped3A_170, %dma_start3A_475] : memref<2x128xi32, #tpu.memory_space<vmem>> -> memref<1x128xi32, #tpu.memory_space<vmem>>
        %dma_start3A_477 = tpu.memref_squeeze %dma_start3A_476 : memref<1x128xi32, #tpu.memory_space<vmem>> -> memref<128xi32, #tpu.memory_space<vmem>>
        %dma_start3A_478 = arith.constant 0 : i32
        %dma_start3A_479 = tpu.memref_slice %arg8[%dma_start3A_478] : memref<1048576xf32, #tpu.memory_space<vmem_shared>> -> memref<1048576xf32, #tpu.memory_space<vmem_shared>>
        tpu.enqueue_indirect_dma source(%arg13 : memref<128xf32, #tpu.memory_space<vmem>>) target(%dma_start3A_479 : memref<1048576xf32, #tpu.memory_space<vmem_shared>>) offsets(%dma_start3A_477 : memref<128xi32, #tpu.memory_space<vmem>>) semaphore(%run_scoped3A_474 : memref<!tpu.dma_semaphore, #tpu.memory_space<semaphore_mem>>) {add = true}
        %dma_wait3A_480 = arith.constant 0 : i32
        %dma_wait3A_481 = tpu.memref_slice %arg12[%run_scoped3A_170, %dma_wait3A_480] : memref<2x128xi32, #tpu.memory_space<vmem>> -> memref<1x128xi32, #tpu.memory_space<vmem>>
        %dma_wait3A_482 = tpu.memref_squeeze %dma_wait3A_481 : memref<1x128xi32, #tpu.memory_space<vmem>> -> memref<128xi32, #tpu.memory_space<vmem>>
        %dma_wait3A_483 = arith.constant 0 : i32
        %dma_wait3A_484 = tpu.memref_slice %arg8[%dma_wait3A_483] : memref<1048576xf32, #tpu.memory_space<vmem_shared>> -> memref<1048576xf32, #tpu.memory_space<vmem_shared>>
        tpu.wait_indirect_dma semaphore(%run_scoped3A_474 : memref<!tpu.dma_semaphore, #tpu.memory_space<semaphore_mem>>) src(%arg13 : memref<128xf32, #tpu.memory_space<vmem>>) dst(%dma_wait3A_484 : memref<1048576xf32, #tpu.memory_space<vmem_shared>>)
        tpu.yield
      }) : () -> ()
      %run_scoped3A_171 = arith.constant 0 : i32
      "tpu.region"() ({
        %run_scoped3A_474 = tpu.sem_alloc : memref<!tpu.dma_semaphore, #tpu.memory_space<semaphore_mem>>
        %dma_start3A_475 = arith.constant 0 : i32
        %dma_start3A_476 = tpu.memref_slice %arg10[%run_scoped3A_171, %dma_start3A_475] : memref<2x128xi32, #tpu.memory_space<vmem>> -> memref<1x128xi32, #tpu.memory_space<vmem>>
        %dma_start3A_477 = tpu.memref_squeeze %dma_start3A_476 : memref<1x128xi32, #tpu.memory_space<vmem>> -> memref<128xi32, #tpu.memory_space<vmem>>
        %dma_start3A_478 = arith.constant 0 : i32
        %dma_start3A_479 = tpu.memref_slice %arg9[%dma_start3A_478] : memref<1024xf32, #tpu.memory_space<vmem_shared>> -> memref<1024xf32, #tpu.memory_space<vmem_shared>>
        tpu.enqueue_indirect_dma source(%arg13 : memref<128xf32, #tpu.memory_space<vmem>>) target(%dma_start3A_479 : memref<1024xf32, #tpu.memory_space<vmem_shared>>) offsets(%dma_start3A_477 : memref<128xi32, #tpu.memory_space<vmem>>) semaphore(%run_scoped3A_474 : memref<!tpu.dma_semaphore, #tpu.memory_space<semaphore_mem>>) {add = true}
        %dma_wait3A_480 = arith.constant 0 : i32
        %dma_wait3A_481 = tpu.memref_slice %arg10[%run_scoped3A_171, %dma_wait3A_480] : memref<2x128xi32, #tpu.memory_space<vmem>> -> memref<1x128xi32, #tpu.memory_space<vmem>>
        %dma_wait3A_482 = tpu.memref_squeeze %dma_wait3A_481 : memref<1x128xi32, #tpu.memory_space<vmem>> -> memref<128xi32, #tpu.memory_space<vmem>>
        %dma_wait3A_483 = arith.constant 0 : i32
        %dma_wait3A_484 = tpu.memref_slice %arg9[%dma_wait3A_483] : memref<1024xf32, #tpu.memory_space<vmem_shared>> -> memref<1024xf32, #tpu.memory_space<vmem_shared>>
        tpu.wait_indirect_dma semaphore(%run_scoped3A_474 : memref<!tpu.dma_semaphore, #tpu.memory_space<semaphore_mem>>) src(%arg13 : memref<128xf32, #tpu.memory_space<vmem>>) dst(%dma_wait3A_484 : memref<1024xf32, #tpu.memory_space<vmem_shared>>)
        tpu.yield
      }) : () -> ()
      %mul3A_172 = arith.constant 256 : i32
      %mul3A_173 = arith.muli %arg1, %mul3A_172 : i32
      %add3A_174 = arith.constant 128 : i32
      %add3A_175 = arith.addi %mul3A_173, %add3A_174 : i32
      %run_scoped3A_176 = arith.constant 1 : i32
      "tpu.region"() ({
        %run_scoped3A_474 = tpu.sem_alloc : memref<!tpu.dma_semaphore, #tpu.memory_space<semaphore_mem>>
        %dma_start3A_475 = arith.constant 0 : i32
        %dma_start3A_476 = tpu.memref_slice %arg10[%run_scoped3A_176, %dma_start3A_475] : memref<2x128xi32, #tpu.memory_space<vmem>> -> memref<1x128xi32, #tpu.memory_space<vmem>>
        %dma_start3A_477 = tpu.memref_squeeze %dma_start3A_476 : memref<1x128xi32, #tpu.memory_space<vmem>> -> memref<128xi32, #tpu.memory_space<vmem>>
        %dma_start3A_478 = tpu.memref_slice %arg3[%add3A_175] : memref<4096xi32, #tpu.memory_space<hbm>> -> memref<128xi32, #tpu.memory_space<hbm>>
        %dma_start3A_479 = arith.constant 0 : i32
        %dma_start3A_480 = tpu.memref_slice %arg10[%run_scoped3A_176, %dma_start3A_479] : memref<2x128xi32, #tpu.memory_space<vmem>> -> memref<1x128xi32, #tpu.memory_space<vmem>>
        %dma_start3A_481 = tpu.memref_squeeze %dma_start3A_480 : memref<1x128xi32, #tpu.memory_space<vmem>> -> memref<128xi32, #tpu.memory_space<vmem>>
        %dma_start3A_482 = tpu.memref_slice %arg3[%add3A_175] : memref<4096xi32, #tpu.memory_space<hbm>> -> memref<128xi32, #tpu.memory_space<hbm>>
        tpu.enqueue_dma source(%dma_start3A_482 : memref<128xi32, #tpu.memory_space<hbm>>) target(%dma_start3A_481 : memref<128xi32, #tpu.memory_space<vmem>>) target_semaphore(%run_scoped3A_474 : memref<!tpu.dma_semaphore, #tpu.memory_space<semaphore_mem>>)
        %dma_wait3A_483 = arith.constant 0 : i32
        %dma_wait3A_484 = tpu.memref_slice %arg10[%run_scoped3A_176, %dma_wait3A_483] : memref<2x128xi32, #tpu.memory_space<vmem>> -> memref<1x128xi32, #tpu.memory_space<vmem>>
        %dma_wait3A_485 = tpu.memref_squeeze %dma_wait3A_484 : memref<1x128xi32, #tpu.memory_space<vmem>> -> memref<128xi32, #tpu.memory_space<vmem>>
        %dma_wait3A_486 = tpu.memref_slice %arg3[%add3A_175] : memref<4096xi32, #tpu.memory_space<hbm>> -> memref<128xi32, #tpu.memory_space<hbm>>
        %dma_wait3A_487 = arith.constant 0 : i32
        %dma_wait3A_488 = tpu.memref_slice %arg10[%run_scoped3A_176, %dma_wait3A_487] : memref<2x128xi32, #tpu.memory_space<vmem>> -> memref<1x128xi32, #tpu.memory_space<vmem>>
        %dma_wait3A_489 = tpu.memref_squeeze %dma_wait3A_488 : memref<1x128xi32, #tpu.memory_space<vmem>> -> memref<128xi32, #tpu.memory_space<vmem>>
        %dma_wait3A_490 = tpu.memref_slice %arg3[%add3A_175] : memref<4096xi32, #tpu.memory_space<hbm>> -> memref<128xi32, #tpu.memory_space<hbm>>
        tpu.wait_dma2 semaphore(%run_scoped3A_474 : memref<!tpu.dma_semaphore, #tpu.memory_space<semaphore_mem>>) src(%dma_wait3A_490 : memref<128xi32, #tpu.memory_space<hbm>>) dst(%dma_wait3A_489 : memref<128xi32, #tpu.memory_space<vmem>>)
        tpu.yield
      }) : () -> ()
      %run_scoped3A_177 = arith.constant 1 : i32
      "tpu.region"() ({
        %run_scoped3A_474 = tpu.sem_alloc : memref<!tpu.dma_semaphore, #tpu.memory_space<semaphore_mem>>
        %dma_start3A_475 = arith.constant 0 : i32
        %dma_start3A_476 = tpu.memref_slice %arg11[%run_scoped3A_177, %dma_start3A_475] : memref<2x128xi32, #tpu.memory_space<vmem>> -> memref<1x128xi32, #tpu.memory_space<vmem>>
        %dma_start3A_477 = tpu.memref_squeeze %dma_start3A_476 : memref<1x128xi32, #tpu.memory_space<vmem>> -> memref<128xi32, #tpu.memory_space<vmem>>
        %dma_start3A_478 = tpu.memref_slice %arg2[%add3A_175] : memref<4096xi32, #tpu.memory_space<hbm>> -> memref<128xi32, #tpu.memory_space<hbm>>
        %dma_start3A_479 = arith.constant 0 : i32
        %dma_start3A_480 = tpu.memref_slice %arg11[%run_scoped3A_177, %dma_start3A_479] : memref<2x128xi32, #tpu.memory_space<vmem>> -> memref<1x128xi32, #tpu.memory_space<vmem>>
        %dma_start3A_481 = tpu.memref_squeeze %dma_start3A_480 : memref<1x128xi32, #tpu.memory_space<vmem>> -> memref<128xi32, #tpu.memory_space<vmem>>
        %dma_start3A_482 = tpu.memref_slice %arg2[%add3A_175] : memref<4096xi32, #tpu.memory_space<hbm>> -> memref<128xi32, #tpu.memory_space<hbm>>
        tpu.enqueue_dma source(%dma_start3A_482 : memref<128xi32, #tpu.memory_space<hbm>>) target(%dma_start3A_481 : memref<128xi32, #tpu.memory_space<vmem>>) target_semaphore(%run_scoped3A_474 : memref<!tpu.dma_semaphore, #tpu.memory_space<semaphore_mem>>)
        %dma_wait3A_483 = arith.constant 0 : i32
        %dma_wait3A_484 = tpu.memref_slice %arg11[%run_scoped3A_177, %dma_wait3A_483] : memref<2x128xi32, #tpu.memory_space<vmem>> -> memref<1x128xi32, #tpu.memory_space<vmem>>
        %dma_wait3A_485 = tpu.memref_squeeze %dma_wait3A_484 : memref<1x128xi32, #tpu.memory_space<vmem>> -> memref<128xi32, #tpu.memory_space<vmem>>
        %dma_wait3A_486 = tpu.memref_slice %arg2[%add3A_175] : memref<4096xi32, #tpu.memory_space<hbm>> -> memref<128xi32, #tpu.memory_space<hbm>>
        %dma_wait3A_487 = arith.constant 0 : i32
        %dma_wait3A_488 = tpu.memref_slice %arg11[%run_scoped3A_177, %dma_wait3A_487] : memref<2x128xi32, #tpu.memory_space<vmem>> -> memref<1x128xi32, #tpu.memory_space<vmem>>
        %dma_wait3A_489 = tpu.memref_squeeze %dma_wait3A_488 : memref<1x128xi32, #tpu.memory_space<vmem>> -> memref<128xi32, #tpu.memory_space<vmem>>
        %dma_wait3A_490 = tpu.memref_slice %arg2[%add3A_175] : memref<4096xi32, #tpu.memory_space<hbm>> -> memref<128xi32, #tpu.memory_space<hbm>>
        tpu.wait_dma2 semaphore(%run_scoped3A_474 : memref<!tpu.dma_semaphore, #tpu.memory_space<semaphore_mem>>) src(%dma_wait3A_490 : memref<128xi32, #tpu.memory_space<hbm>>) dst(%dma_wait3A_489 : memref<128xi32, #tpu.memory_space<vmem>>)
        tpu.yield
      }) : () -> ()
      %get3A_178 = arith.constant 1 : i32
      %get3A_179 = arith.index_cast %get3A_178 : i32 to index
      %get3A_180 = arith.constant 0 : index
      %get3A_181 = tpu.vector_load %arg10[%get3A_179, %get3A_180] {strides = array<i32>} : memref<2x128xi32, #tpu.memory_space<vmem>>, vector<1x16xi32>,
      %get3A_182 = vector.shape_cast %get3A_181 : vector<1x16xi32> to vector<16xi32>
      %get3A_183 = arith.constant 1 : i32
      %get3A_184 = arith.index_cast %get3A_183 : i32 to index
      %get3A_185 = arith.constant 0 : index
      %get3A_186 = tpu.vector_load %arg11[%get3A_184, %get3A_185] {strides = array<i32>} : memref<2x128xi32, #tpu.memory_space<vmem>>, vector<1x16xi32>,
      %get3A_187 = vector.shape_cast %get3A_186 : vector<1x16xi32> to vector<16xi32>
      %mul3A_188 = arith.constant 1024 : i32
      %mul3A_189 = vector.broadcast %mul3A_188 : i32 to vector<16xi32>
      %mul3A_190 = arith.muli %get3A_182, %mul3A_189 : vector<16xi32>
      %add3A_191 = arith.addi %mul3A_190, %get3A_187 : vector<16xi32>
      %swap3A_192 = arith.constant 1 : i32
      %swap3A_193 = arith.index_cast %swap3A_192 : i32 to index
      %swap3A_194 = arith.constant 0 : index
      %swap3A_195 = tpu.vector_load %arg12[%swap3A_193, %swap3A_194] {strides = array<i32>} : memref<2x128xi32, #tpu.memory_space<vmem>>, vector<1x16xi32>,
      %swap3A_196 = vector.shape_cast %swap3A_195 : vector<1x16xi32> to vector<16xi32>
      %swap3A_197 = vector.shape_cast %add3A_191 : vector<16xi32> to vector<1x16xi32>
      tpu.vector_store %arg12[%swap3A_193, %swap3A_194], %swap3A_197 {strides = array<i32>} : memref<2x128xi32, #tpu.memory_space<vmem>>, vector<1x16xi32>,
      %get3A_198 = arith.constant 1 : i32
      %get3A_199 = arith.index_cast %get3A_198 : i32 to index
      %get3A_200 = arith.constant 16 : index
      %get3A_201 = tpu.vector_load %arg10[%get3A_199, %get3A_200] {strides = array<i32>} : memref<2x128xi32, #tpu.memory_space<vmem>>, vector<1x16xi32>,
      %get3A_202 = vector.shape_cast %get3A_201 : vector<1x16xi32> to vector<16xi32>
      %get3A_203 = arith.constant 1 : i32
      %get3A_204 = arith.index_cast %get3A_203 : i32 to index
      %get3A_205 = arith.constant 16 : index
      %get3A_206 = tpu.vector_load %arg11[%get3A_204, %get3A_205] {strides = array<i32>} : memref<2x128xi32, #tpu.memory_space<vmem>>, vector<1x16xi32>,
      %get3A_207 = vector.shape_cast %get3A_206 : vector<1x16xi32> to vector<16xi32>
      %mul3A_208 = arith.constant 1024 : i32
      %mul3A_209 = vector.broadcast %mul3A_208 : i32 to vector<16xi32>
      %mul3A_210 = arith.muli %get3A_202, %mul3A_209 : vector<16xi32>
      %add3A_211 = arith.addi %mul3A_210, %get3A_207 : vector<16xi32>
      %swap3A_212 = arith.constant 1 : i32
      %swap3A_213 = arith.index_cast %swap3A_212 : i32 to index
      %swap3A_214 = arith.constant 16 : index
      %swap3A_215 = tpu.vector_load %arg12[%swap3A_213, %swap3A_214] {strides = array<i32>} : memref<2x128xi32, #tpu.memory_space<vmem>>, vector<1x16xi32>,
      %swap3A_216 = vector.shape_cast %swap3A_215 : vector<1x16xi32> to vector<16xi32>
      %swap3A_217 = vector.shape_cast %add3A_211 : vector<16xi32> to vector<1x16xi32>
      tpu.vector_store %arg12[%swap3A_213, %swap3A_214], %swap3A_217 {strides = array<i32>} : memref<2x128xi32, #tpu.memory_space<vmem>>, vector<1x16xi32>,
      %get3A_218 = arith.constant 1 : i32
      %get3A_219 = arith.index_cast %get3A_218 : i32 to index
      %get3A_220 = arith.constant 32 : index
      %get3A_221 = tpu.vector_load %arg10[%get3A_219, %get3A_220] {strides = array<i32>} : memref<2x128xi32, #tpu.memory_space<vmem>>, vector<1x16xi32>,
      %get3A_222 = vector.shape_cast %get3A_221 : vector<1x16xi32> to vector<16xi32>
      %get3A_223 = arith.constant 1 : i32
      %get3A_224 = arith.index_cast %get3A_223 : i32 to index
      %get3A_225 = arith.constant 32 : index
      %get3A_226 = tpu.vector_load %arg11[%get3A_224, %get3A_225] {strides = array<i32>} : memref<2x128xi32, #tpu.memory_space<vmem>>, vector<1x16xi32>,
      %get3A_227 = vector.shape_cast %get3A_226 : vector<1x16xi32> to vector<16xi32>
      %mul3A_228 = arith.constant 1024 : i32
      %mul3A_229 = vector.broadcast %mul3A_228 : i32 to vector<16xi32>
      %mul3A_230 = arith.muli %get3A_222, %mul3A_229 : vector<16xi32>
      %add3A_231 = arith.addi %mul3A_230, %get3A_227 : vector<16xi32>
      %swap3A_232 = arith.constant 1 : i32
      %swap3A_233 = arith.index_cast %swap3A_232 : i32 to index
      %swap3A_234 = arith.constant 32 : index
      %swap3A_235 = tpu.vector_load %arg12[%swap3A_233, %swap3A_234] {strides = array<i32>} : memref<2x128xi32, #tpu.memory_space<vmem>>, vector<1x16xi32>,
      %swap3A_236 = vector.shape_cast %swap3A_235 : vector<1x16xi32> to vector<16xi32>
      %swap3A_237 = vector.shape_cast %add3A_231 : vector<16xi32> to vector<1x16xi32>
      tpu.vector_store %arg12[%swap3A_233, %swap3A_234], %swap3A_237 {strides = array<i32>} : memref<2x128xi32, #tpu.memory_space<vmem>>, vector<1x16xi32>,
      %get3A_238 = arith.constant 1 : i32
      %get3A_239 = arith.index_cast %get3A_238 : i32 to index
      %get3A_240 = arith.constant 48 : index
      %get3A_241 = tpu.vector_load %arg10[%get3A_239, %get3A_240] {strides = array<i32>} : memref<2x128xi32, #tpu.memory_space<vmem>>, vector<1x16xi32>,
      %get3A_242 = vector.shape_cast %get3A_241 : vector<1x16xi32> to vector<16xi32>
      %get3A_243 = arith.constant 1 : i32
      %get3A_244 = arith.index_cast %get3A_243 : i32 to index
      %get3A_245 = arith.constant 48 : index
      %get3A_246 = tpu.vector_load %arg11[%get3A_244, %get3A_245] {strides = array<i32>} : memref<2x128xi32, #tpu.memory_space<vmem>>, vector<1x16xi32>,
      %get3A_247 = vector.shape_cast %get3A_246 : vector<1x16xi32> to vector<16xi32>
      %mul3A_248 = arith.constant 1024 : i32
      %mul3A_249 = vector.broadcast %mul3A_248 : i32 to vector<16xi32>
      %mul3A_250 = arith.muli %get3A_242, %mul3A_249 : vector<16xi32>
      %add3A_251 = arith.addi %mul3A_250, %get3A_247 : vector<16xi32>
      %swap3A_252 = arith.constant 1 : i32
      %swap3A_253 = arith.index_cast %swap3A_252 : i32 to index
      %swap3A_254 = arith.constant 48 : index
      %swap3A_255 = tpu.vector_load %arg12[%swap3A_253, %swap3A_254] {strides = array<i32>} : memref<2x128xi32, #tpu.memory_space<vmem>>, vector<1x16xi32>,
      %swap3A_256 = vector.shape_cast %swap3A_255 : vector<1x16xi32> to vector<16xi32>
      %swap3A_257 = vector.shape_cast %add3A_251 : vector<16xi32> to vector<1x16xi32>
      tpu.vector_store %arg12[%swap3A_253, %swap3A_254], %swap3A_257 {strides = array<i32>} : memref<2x128xi32, #tpu.memory_space<vmem>>, vector<1x16xi32>,
      %get3A_258 = arith.constant 1 : i32
      %get3A_259 = arith.index_cast %get3A_258 : i32 to index
      %get3A_260 = arith.constant 64 : index
      %get3A_261 = tpu.vector_load %arg10[%get3A_259, %get3A_260] {strides = array<i32>} : memref<2x128xi32, #tpu.memory_space<vmem>>, vector<1x16xi32>,
      %get3A_262 = vector.shape_cast %get3A_261 : vector<1x16xi32> to vector<16xi32>
      %get3A_263 = arith.constant 1 : i32
      %get3A_264 = arith.index_cast %get3A_263 : i32 to index
      %get3A_265 = arith.constant 64 : index
      %get3A_266 = tpu.vector_load %arg11[%get3A_264, %get3A_265] {strides = array<i32>} : memref<2x128xi32, #tpu.memory_space<vmem>>, vector<1x16xi32>,
      %get3A_267 = vector.shape_cast %get3A_266 : vector<1x16xi32> to vector<16xi32>
      %mul3A_268 = arith.constant 1024 : i32
      %mul3A_269 = vector.broadcast %mul3A_268 : i32 to vector<16xi32>
      %mul3A_270 = arith.muli %get3A_262, %mul3A_269 : vector<16xi32>
      %add3A_271 = arith.addi %mul3A_270, %get3A_267 : vector<16xi32>
      %swap3A_272 = arith.constant 1 : i32
      %swap3A_273 = arith.index_cast %swap3A_272 : i32 to index
      %swap3A_274 = arith.constant 64 : index
      %swap3A_275 = tpu.vector_load %arg12[%swap3A_273, %swap3A_274] {strides = array<i32>} : memref<2x128xi32, #tpu.memory_space<vmem>>, vector<1x16xi32>,
      %swap3A_276 = vector.shape_cast %swap3A_275 : vector<1x16xi32> to vector<16xi32>
      %swap3A_277 = vector.shape_cast %add3A_271 : vector<16xi32> to vector<1x16xi32>
      tpu.vector_store %arg12[%swap3A_273, %swap3A_274], %swap3A_277 {strides = array<i32>} : memref<2x128xi32, #tpu.memory_space<vmem>>, vector<1x16xi32>,
      %get3A_278 = arith.constant 1 : i32
      %get3A_279 = arith.index_cast %get3A_278 : i32 to index
      %get3A_280 = arith.constant 80 : index
      %get3A_281 = tpu.vector_load %arg10[%get3A_279, %get3A_280] {strides = array<i32>} : memref<2x128xi32, #tpu.memory_space<vmem>>, vector<1x16xi32>,
      %get3A_282 = vector.shape_cast %get3A_281 : vector<1x16xi32> to vector<16xi32>
      %get3A_283 = arith.constant 1 : i32
      %get3A_284 = arith.index_cast %get3A_283 : i32 to index
      %get3A_285 = arith.constant 80 : index
      %get3A_286 = tpu.vector_load %arg11[%get3A_284, %get3A_285] {strides = array<i32>} : memref<2x128xi32, #tpu.memory_space<vmem>>, vector<1x16xi32>,
      %get3A_287 = vector.shape_cast %get3A_286 : vector<1x16xi32> to vector<16xi32>
      %mul3A_288 = arith.constant 1024 : i32
      %mul3A_289 = vector.broadcast %mul3A_288 : i32 to vector<16xi32>
      %mul3A_290 = arith.muli %get3A_282, %mul3A_289 : vector<16xi32>
      %add3A_291 = arith.addi %mul3A_290, %get3A_287 : vector<16xi32>
      %swap3A_292 = arith.constant 1 : i32
      %swap3A_293 = arith.index_cast %swap3A_292 : i32 to index
      %swap3A_294 = arith.constant 80 : index
      %swap3A_295 = tpu.vector_load %arg12[%swap3A_293, %swap3A_294] {strides = array<i32>} : memref<2x128xi32, #tpu.memory_space<vmem>>, vector<1x16xi32>,
      %swap3A_296 = vector.shape_cast %swap3A_295 : vector<1x16xi32> to vector<16xi32>
      %swap3A_297 = vector.shape_cast %add3A_291 : vector<16xi32> to vector<1x16xi32>
      tpu.vector_store %arg12[%swap3A_293, %swap3A_294], %swap3A_297 {strides = array<i32>} : memref<2x128xi32, #tpu.memory_space<vmem>>, vector<1x16xi32>,
      %get3A_298 = arith.constant 1 : i32
      %get3A_299 = arith.index_cast %get3A_298 : i32 to index
      %get3A_300 = arith.constant 96 : index
      %get3A_301 = tpu.vector_load %arg10[%get3A_299, %get3A_300] {strides = array<i32>} : memref<2x128xi32, #tpu.memory_space<vmem>>, vector<1x16xi32>,
      %get3A_302 = vector.shape_cast %get3A_301 : vector<1x16xi32> to vector<16xi32>
      %get3A_303 = arith.constant 1 : i32
      %get3A_304 = arith.index_cast %get3A_303 : i32 to index
      %get3A_305 = arith.constant 96 : index
      %get3A_306 = tpu.vector_load %arg11[%get3A_304, %get3A_305] {strides = array<i32>} : memref<2x128xi32, #tpu.memory_space<vmem>>, vector<1x16xi32>,
      %get3A_307 = vector.shape_cast %get3A_306 : vector<1x16xi32> to vector<16xi32>
      %mul3A_308 = arith.constant 1024 : i32
      %mul3A_309 = vector.broadcast %mul3A_308 : i32 to vector<16xi32>
      %mul3A_310 = arith.muli %get3A_302, %mul3A_309 : vector<16xi32>
      %add3A_311 = arith.addi %mul3A_310, %get3A_307 : vector<16xi32>
      %swap3A_312 = arith.constant 1 : i32
      %swap3A_313 = arith.index_cast %swap3A_312 : i32 to index
      %swap3A_314 = arith.constant 96 : index
      %swap3A_315 = tpu.vector_load %arg12[%swap3A_313, %swap3A_314] {strides = array<i32>} : memref<2x128xi32, #tpu.memory_space<vmem>>, vector<1x16xi32>,
      %swap3A_316 = vector.shape_cast %swap3A_315 : vector<1x16xi32> to vector<16xi32>
      %swap3A_317 = vector.shape_cast %add3A_311 : vector<16xi32> to vector<1x16xi32>
      tpu.vector_store %arg12[%swap3A_313, %swap3A_314], %swap3A_317 {strides = array<i32>} : memref<2x128xi32, #tpu.memory_space<vmem>>, vector<1x16xi32>,
      %get3A_318 = arith.constant 1 : i32
      %get3A_319 = arith.index_cast %get3A_318 : i32 to index
      %get3A_320 = arith.constant 112 : index
      %get3A_321 = tpu.vector_load %arg10[%get3A_319, %get3A_320] {strides = array<i32>} : memref<2x128xi32, #tpu.memory_space<vmem>>, vector<1x16xi32>,
      %get3A_322 = vector.shape_cast %get3A_321 : vector<1x16xi32> to vector<16xi32>
      %get3A_323 = arith.constant 1 : i32
      %get3A_324 = arith.index_cast %get3A_323 : i32 to index
      %get3A_325 = arith.constant 112 : index
      %get3A_326 = tpu.vector_load %arg11[%get3A_324, %get3A_325] {strides = array<i32>} : memref<2x128xi32, #tpu.memory_space<vmem>>, vector<1x16xi32>,
      %get3A_327 = vector.shape_cast %get3A_326 : vector<1x16xi32> to vector<16xi32>
      %mul3A_328 = arith.constant 1024 : i32
      %mul3A_329 = vector.broadcast %mul3A_328 : i32 to vector<16xi32>
      %mul3A_330 = arith.muli %get3A_322, %mul3A_329 : vector<16xi32>
      %add3A_331 = arith.addi %mul3A_330, %get3A_327 : vector<16xi32>
      %swap3A_332 = arith.constant 1 : i32
      %swap3A_333 = arith.index_cast %swap3A_332 : i32 to index
      %swap3A_334 = arith.constant 112 : index
      %swap3A_335 = tpu.vector_load %arg12[%swap3A_333, %swap3A_334] {strides = array<i32>} : memref<2x128xi32, #tpu.memory_space<vmem>>, vector<1x16xi32>,
      %swap3A_336 = vector.shape_cast %swap3A_335 : vector<1x16xi32> to vector<16xi32>
      %swap3A_337 = vector.shape_cast %add3A_331 : vector<16xi32> to vector<1x16xi32>
      tpu.vector_store %arg12[%swap3A_333, %swap3A_334], %swap3A_337 {strides = array<i32>} : memref<2x128xi32, #tpu.memory_space<vmem>>, vector<1x16xi32>,
      %run_scoped3A_338 = arith.constant 1 : i32
      "tpu.region"() ({
        %run_scoped3A_474 = tpu.sem_alloc : memref<!tpu.dma_semaphore, #tpu.memory_space<semaphore_mem>>
        %dma_start3A_475 = arith.constant 0 : i32
        %dma_start3A_476 = tpu.memref_slice %arg12[%run_scoped3A_338, %dma_start3A_475] : memref<2x128xi32, #tpu.memory_space<vmem>> -> memref<1x128xi32, #tpu.memory_space<vmem>>
        %dma_start3A_477 = tpu.memref_squeeze %dma_start3A_476 : memref<1x128xi32, #tpu.memory_space<vmem>> -> memref<128xi32, #tpu.memory_space<vmem>>
        %dma_start3A_478 = arith.constant 0 : i32
        %dma_start3A_479 = tpu.memref_slice %arg8[%dma_start3A_478] : memref<1048576xf32, #tpu.memory_space<vmem_shared>> -> memref<1048576xf32, #tpu.memory_space<vmem_shared>>
        tpu.enqueue_indirect_dma source(%arg13 : memref<128xf32, #tpu.memory_space<vmem>>) target(%dma_start3A_479 : memref<1048576xf32, #tpu.memory_space<vmem_shared>>) offsets(%dma_start3A_477 : memref<128xi32, #tpu.memory_space<vmem>>) semaphore(%run_scoped3A_474 : memref<!tpu.dma_semaphore, #tpu.memory_space<semaphore_mem>>) {add = true}
        %dma_wait3A_480 = arith.constant 0 : i32
        %dma_wait3A_481 = tpu.memref_slice %arg12[%run_scoped3A_338, %dma_wait3A_480] : memref<2x128xi32, #tpu.memory_space<vmem>> -> memref<1x128xi32, #tpu.memory_space<vmem>>
        %dma_wait3A_482 = tpu.memref_squeeze %dma_wait3A_481 : memref<1x128xi32, #tpu.memory_space<vmem>> -> memref<128xi32, #tpu.memory_space<vmem>>
        %dma_wait3A_483 = arith.constant 0 : i32
        %dma_wait3A_484 = tpu.memref_slice %arg8[%dma_wait3A_483] : memref<1048576xf32, #tpu.memory_space<vmem_shared>> -> memref<1048576xf32, #tpu.memory_space<vmem_shared>>
        tpu.wait_indirect_dma semaphore(%run_scoped3A_474 : memref<!tpu.dma_semaphore, #tpu.memory_space<semaphore_mem>>) src(%arg13 : memref<128xf32, #tpu.memory_space<vmem>>) dst(%dma_wait3A_484 : memref<1048576xf32, #tpu.memory_space<vmem_shared>>)
        tpu.yield
      }) : () -> ()
      %run_scoped3A_339 = arith.constant 1 : i32
      "tpu.region"() ({
        %run_scoped3A_474 = tpu.sem_alloc : memref<!tpu.dma_semaphore, #tpu.memory_space<semaphore_mem>>
        %dma_start3A_475 = arith.constant 0 : i32
        %dma_start3A_476 = tpu.memref_slice %arg10[%run_scoped3A_339, %dma_start3A_475] : memref<2x128xi32, #tpu.memory_space<vmem>> -> memref<1x128xi32, #tpu.memory_space<vmem>>
        %dma_start3A_477 = tpu.memref_squeeze %dma_start3A_476 : memref<1x128xi32, #tpu.memory_space<vmem>> -> memref<128xi32, #tpu.memory_space<vmem>>
        %dma_start3A_478 = arith.constant 0 : i32
        %dma_start3A_479 = tpu.memref_slice %arg9[%dma_start3A_478] : memref<1024xf32, #tpu.memory_space<vmem_shared>> -> memref<1024xf32, #tpu.memory_space<vmem_shared>>
        tpu.enqueue_indirect_dma source(%arg13 : memref<128xf32, #tpu.memory_space<vmem>>) target(%dma_start3A_479 : memref<1024xf32, #tpu.memory_space<vmem_shared>>) offsets(%dma_start3A_477 : memref<128xi32, #tpu.memory_space<vmem>>) semaphore(%run_scoped3A_474 : memref<!tpu.dma_semaphore, #tpu.memory_space<semaphore_mem>>) {add = true}
        %dma_wait3A_480 = arith.constant 0 : i32
        %dma_wait3A_481 = tpu.memref_slice %arg10[%run_scoped3A_339, %dma_wait3A_480] : memref<2x128xi32, #tpu.memory_space<vmem>> -> memref<1x128xi32, #tpu.memory_space<vmem>>
        %dma_wait3A_482 = tpu.memref_squeeze %dma_wait3A_481 : memref<1x128xi32, #tpu.memory_space<vmem>> -> memref<128xi32, #tpu.memory_space<vmem>>
        %dma_wait3A_483 = arith.constant 0 : i32
        %dma_wait3A_484 = tpu.memref_slice %arg9[%dma_wait3A_483] : memref<1024xf32, #tpu.memory_space<vmem_shared>> -> memref<1024xf32, #tpu.memory_space<vmem_shared>>
        tpu.wait_indirect_dma semaphore(%run_scoped3A_474 : memref<!tpu.dma_semaphore, #tpu.memory_space<semaphore_mem>>) src(%arg13 : memref<128xf32, #tpu.memory_space<vmem>>) dst(%dma_wait3A_484 : memref<1024xf32, #tpu.memory_space<vmem_shared>>)
        tpu.yield
      }) : () -> ()
      %barrier3A_340 = arith.constant 0 : index
      tpu.barrier barrier_id(%barrier3A_340)
      %mul3A_341 = arith.constant 65536 : i32
      %mul3A_342 = arith.muli %arg1, %mul3A_341 : i32
      %add3A_343 = arith.constant 0 : i32
      %add3A_344 = arith.addi %mul3A_342, %add3A_343 : i32
      "tpu.region"() ({
        %run_scoped3A_474 = tpu.sem_alloc : memref<!tpu.dma_semaphore, #tpu.memory_space<semaphore_mem>>
        %dma_start3A_475 = arith.constant 0 : i32
        %dma_start3A_476 = tpu.memref_slice %arg15[%dma_start3A_475] : memref<16384xf32, #tpu.memory_space<vmem>> -> memref<8192xf32, #tpu.memory_space<vmem>>
        %dma_start3A_477 = tpu.memref_slice %arg8[%add3A_344] : memref<1048576xf32, #tpu.memory_space<vmem_shared>> -> memref<8192xf32, #tpu.memory_space<vmem_shared>>
        %dma_start3A_478 = arith.constant 0 : i32
        %dma_start3A_479 = tpu.memref_slice %arg15[%dma_start3A_478] : memref<16384xf32, #tpu.memory_space<vmem>> -> memref<8192xf32, #tpu.memory_space<vmem>>
        %dma_start3A_480 = tpu.memref_slice %arg8[%add3A_344] : memref<1048576xf32, #tpu.memory_space<vmem_shared>> -> memref<8192xf32, #tpu.memory_space<vmem_shared>>
        tpu.enqueue_dma source(%dma_start3A_480 : memref<8192xf32, #tpu.memory_space<vmem_shared>>) target(%dma_start3A_479 : memref<8192xf32, #tpu.memory_space<vmem>>) target_semaphore(%run_scoped3A_474 : memref<!tpu.dma_semaphore, #tpu.memory_space<semaphore_mem>>)
        %dma_wait3A_481 = arith.constant 0 : i32
        %dma_wait3A_482 = tpu.memref_slice %arg15[%dma_wait3A_481] : memref<16384xf32, #tpu.memory_space<vmem>> -> memref<8192xf32, #tpu.memory_space<vmem>>
        %dma_wait3A_483 = tpu.memref_slice %arg8[%add3A_344] : memref<1048576xf32, #tpu.memory_space<vmem_shared>> -> memref<8192xf32, #tpu.memory_space<vmem_shared>>
        %dma_wait3A_484 = arith.constant 0 : i32
        %dma_wait3A_485 = tpu.memref_slice %arg15[%dma_wait3A_484] : memref<16384xf32, #tpu.memory_space<vmem>> -> memref<8192xf32, #tpu.memory_space<vmem>>
        %dma_wait3A_486 = tpu.memref_slice %arg8[%add3A_344] : memref<1048576xf32, #tpu.memory_space<vmem_shared>> -> memref<8192xf32, #tpu.memory_space<vmem_shared>>
        tpu.wait_dma2 semaphore(%run_scoped3A_474 : memref<!tpu.dma_semaphore, #tpu.memory_space<semaphore_mem>>) src(%dma_wait3A_486 : memref<8192xf32, #tpu.memory_space<vmem_shared>>) dst(%dma_wait3A_485 : memref<8192xf32, #tpu.memory_space<vmem>>)
        tpu.yield
      }) : () -> ()
      %dma_start3A_345 = arith.constant 0 : i32
      %dma_start3A_346 = tpu.memref_slice %arg15[%dma_start3A_345] : memref<16384xf32, #tpu.memory_space<vmem>> -> memref<8192xf32, #tpu.memory_space<vmem>>
      %dma_start3A_347 = tpu.memref_slice %arg6[%add3A_344] : memref<1048576xf32, #tpu.memory_space<hbm>> -> memref<8192xf32, #tpu.memory_space<hbm>>
      %dma_start3A_348 = tpu.memref_slice %arg6[%add3A_344] : memref<1048576xf32, #tpu.memory_space<hbm>> -> memref<8192xf32, #tpu.memory_space<hbm>>
      %dma_start3A_349 = arith.constant 0 : i32
      %dma_start3A_350 = tpu.memref_slice %arg15[%dma_start3A_349] : memref<16384xf32, #tpu.memory_space<vmem>> -> memref<8192xf32, #tpu.memory_space<vmem>>
      tpu.enqueue_dma source(%dma_start3A_350 : memref<8192xf32, #tpu.memory_space<vmem>>) target(%dma_start3A_348 : memref<8192xf32, #tpu.memory_space<hbm>>) target_semaphore(%arg16 : memref<!tpu.dma_semaphore, #tpu.memory_space<semaphore_mem>>)
      %mul3A_351 = arith.constant 65536 : i32
      %mul3A_352 = arith.muli %arg1, %mul3A_351 : i32
      %add3A_353 = arith.constant 8192 : i32
      %add3A_354 = arith.addi %mul3A_352, %add3A_353 : i32
      "tpu.region"() ({
        %run_scoped3A_474 = tpu.sem_alloc : memref<!tpu.dma_semaphore, #tpu.memory_space<semaphore_mem>>
        %dma_start3A_475 = arith.constant 8192 : i32
        %dma_start3A_476 = tpu.memref_slice %arg15[%dma_start3A_475] : memref<16384xf32, #tpu.memory_space<vmem>> -> memref<8192xf32, #tpu.memory_space<vmem>>
        %dma_start3A_477 = tpu.memref_slice %arg8[%add3A_354] : memref<1048576xf32, #tpu.memory_space<vmem_shared>> -> memref<8192xf32, #tpu.memory_space<vmem_shared>>
        %dma_start3A_478 = arith.constant 8192 : i32
        %dma_start3A_479 = tpu.memref_slice %arg15[%dma_start3A_478] : memref<16384xf32, #tpu.memory_space<vmem>> -> memref<8192xf32, #tpu.memory_space<vmem>>
        %dma_start3A_480 = tpu.memref_slice %arg8[%add3A_354] : memref<1048576xf32, #tpu.memory_space<vmem_shared>> -> memref<8192xf32, #tpu.memory_space<vmem_shared>>
        tpu.enqueue_dma source(%dma_start3A_480 : memref<8192xf32, #tpu.memory_space<vmem_shared>>) target(%dma_start3A_479 : memref<8192xf32, #tpu.memory_space<vmem>>) target_semaphore(%run_scoped3A_474 : memref<!tpu.dma_semaphore, #tpu.memory_space<semaphore_mem>>)
        %dma_wait3A_481 = arith.constant 8192 : i32
        %dma_wait3A_482 = tpu.memref_slice %arg15[%dma_wait3A_481] : memref<16384xf32, #tpu.memory_space<vmem>> -> memref<8192xf32, #tpu.memory_space<vmem>>
        %dma_wait3A_483 = tpu.memref_slice %arg8[%add3A_354] : memref<1048576xf32, #tpu.memory_space<vmem_shared>> -> memref<8192xf32, #tpu.memory_space<vmem_shared>>
        %dma_wait3A_484 = arith.constant 8192 : i32
        %dma_wait3A_485 = tpu.memref_slice %arg15[%dma_wait3A_484] : memref<16384xf32, #tpu.memory_space<vmem>> -> memref<8192xf32, #tpu.memory_space<vmem>>
        %dma_wait3A_486 = tpu.memref_slice %arg8[%add3A_354] : memref<1048576xf32, #tpu.memory_space<vmem_shared>> -> memref<8192xf32, #tpu.memory_space<vmem_shared>>
        tpu.wait_dma2 semaphore(%run_scoped3A_474 : memref<!tpu.dma_semaphore, #tpu.memory_space<semaphore_mem>>) src(%dma_wait3A_486 : memref<8192xf32, #tpu.memory_space<vmem_shared>>) dst(%dma_wait3A_485 : memref<8192xf32, #tpu.memory_space<vmem>>)
        tpu.yield
      }) : () -> ()
      %dma_start3A_355 = arith.constant 8192 : i32
      %dma_start3A_356 = tpu.memref_slice %arg15[%dma_start3A_355] : memref<16384xf32, #tpu.memory_space<vmem>> -> memref<8192xf32, #tpu.memory_space<vmem>>
      %dma_start3A_357 = tpu.memref_slice %arg6[%add3A_354] : memref<1048576xf32, #tpu.memory_space<hbm>> -> memref<8192xf32, #tpu.memory_space<hbm>>
      %dma_start3A_358 = tpu.memref_slice %arg6[%add3A_354] : memref<1048576xf32, #tpu.memory_space<hbm>> -> memref<8192xf32, #tpu.memory_space<hbm>>
      %dma_start3A_359 = arith.constant 8192 : i32
      %dma_start3A_360 = tpu.memref_slice %arg15[%dma_start3A_359] : memref<16384xf32, #tpu.memory_space<vmem>> -> memref<8192xf32, #tpu.memory_space<vmem>>
      tpu.enqueue_dma source(%dma_start3A_360 : memref<8192xf32, #tpu.memory_space<vmem>>) target(%dma_start3A_358 : memref<8192xf32, #tpu.memory_space<hbm>>) target_semaphore(%arg16 : memref<!tpu.dma_semaphore, #tpu.memory_space<semaphore_mem>>)
      %mul3A_361 = arith.constant 65536 : i32
      %mul3A_362 = arith.muli %arg1, %mul3A_361 : i32
      %add3A_363 = arith.constant 16384 : i32
      %add3A_364 = arith.addi %mul3A_362, %add3A_363 : i32
      %dma_wait3A_365 = arith.constant 0 : i32
      %dma_wait3A_366 = tpu.memref_slice %arg15[%dma_wait3A_365] : memref<16384xf32, #tpu.memory_space<vmem>> -> memref<8192xf32, #tpu.memory_space<vmem>>
      %dma_wait3A_367 = tpu.memref_slice %arg6[%add3A_344] : memref<1048576xf32, #tpu.memory_space<hbm>> -> memref<8192xf32, #tpu.memory_space<hbm>>
      %dma_wait3A_368 = tpu.memref_slice %arg6[%add3A_344] : memref<1048576xf32, #tpu.memory_space<hbm>> -> memref<8192xf32, #tpu.memory_space<hbm>>
      %dma_wait3A_369 = arith.constant 0 : i32
      %dma_wait3A_370 = tpu.memref_slice %arg15[%dma_wait3A_369] : memref<16384xf32, #tpu.memory_space<vmem>> -> memref<8192xf32, #tpu.memory_space<vmem>>
      tpu.wait_dma2 semaphore(%arg16 : memref<!tpu.dma_semaphore, #tpu.memory_space<semaphore_mem>>) src(%dma_wait3A_370 : memref<8192xf32, #tpu.memory_space<vmem>>) dst(%dma_wait3A_368 : memref<8192xf32, #tpu.memory_space<hbm>>)
      "tpu.region"() ({
        %run_scoped3A_474 = tpu.sem_alloc : memref<!tpu.dma_semaphore, #tpu.memory_space<semaphore_mem>>
        %dma_start3A_475 = arith.constant 0 : i32
        %dma_start3A_476 = tpu.memref_slice %arg15[%dma_start3A_475] : memref<16384xf32, #tpu.memory_space<vmem>> -> memref<8192xf32, #tpu.memory_space<vmem>>
        %dma_start3A_477 = tpu.memref_slice %arg8[%add3A_364] : memref<1048576xf32, #tpu.memory_space<vmem_shared>> -> memref<8192xf32, #tpu.memory_space<vmem_shared>>
        %dma_start3A_478 = arith.constant 0 : i32
        %dma_start3A_479 = tpu.memref_slice %arg15[%dma_start3A_478] : memref<16384xf32, #tpu.memory_space<vmem>> -> memref<8192xf32, #tpu.memory_space<vmem>>
        %dma_start3A_480 = tpu.memref_slice %arg8[%add3A_364] : memref<1048576xf32, #tpu.memory_space<vmem_shared>> -> memref<8192xf32, #tpu.memory_space<vmem_shared>>
        tpu.enqueue_dma source(%dma_start3A_480 : memref<8192xf32, #tpu.memory_space<vmem_shared>>) target(%dma_start3A_479 : memref<8192xf32, #tpu.memory_space<vmem>>) target_semaphore(%run_scoped3A_474 : memref<!tpu.dma_semaphore, #tpu.memory_space<semaphore_mem>>)
        %dma_wait3A_481 = arith.constant 0 : i32
        %dma_wait3A_482 = tpu.memref_slice %arg15[%dma_wait3A_481] : memref<16384xf32, #tpu.memory_space<vmem>> -> memref<8192xf32, #tpu.memory_space<vmem>>
        %dma_wait3A_483 = tpu.memref_slice %arg8[%add3A_364] : memref<1048576xf32, #tpu.memory_space<vmem_shared>> -> memref<8192xf32, #tpu.memory_space<vmem_shared>>
        %dma_wait3A_484 = arith.constant 0 : i32
        %dma_wait3A_485 = tpu.memref_slice %arg15[%dma_wait3A_484] : memref<16384xf32, #tpu.memory_space<vmem>> -> memref<8192xf32, #tpu.memory_space<vmem>>
        %dma_wait3A_486 = tpu.memref_slice %arg8[%add3A_364] : memref<1048576xf32, #tpu.memory_space<vmem_shared>> -> memref<8192xf32, #tpu.memory_space<vmem_shared>>
        tpu.wait_dma2 semaphore(%run_scoped3A_474 : memref<!tpu.dma_semaphore, #tpu.memory_space<semaphore_mem>>) src(%dma_wait3A_486 : memref<8192xf32, #tpu.memory_space<vmem_shared>>) dst(%dma_wait3A_485 : memref<8192xf32, #tpu.memory_space<vmem>>)
        tpu.yield
      }) : () -> ()
      %dma_start3A_371 = arith.constant 0 : i32
      %dma_start3A_372 = tpu.memref_slice %arg15[%dma_start3A_371] : memref<16384xf32, #tpu.memory_space<vmem>> -> memref<8192xf32, #tpu.memory_space<vmem>>
      %dma_start3A_373 = tpu.memref_slice %arg6[%add3A_364] : memref<1048576xf32, #tpu.memory_space<hbm>> -> memref<8192xf32, #tpu.memory_space<hbm>>
      %dma_start3A_374 = tpu.memref_slice %arg6[%add3A_364] : memref<1048576xf32, #tpu.memory_space<hbm>> -> memref<8192xf32, #tpu.memory_space<hbm>>
      %dma_start3A_375 = arith.constant 0 : i32
      %dma_start3A_376 = tpu.memref_slice %arg15[%dma_start3A_375] : memref<16384xf32, #tpu.memory_space<vmem>> -> memref<8192xf32, #tpu.memory_space<vmem>>
      tpu.enqueue_dma source(%dma_start3A_376 : memref<8192xf32, #tpu.memory_space<vmem>>) target(%dma_start3A_374 : memref<8192xf32, #tpu.memory_space<hbm>>) target_semaphore(%arg16 : memref<!tpu.dma_semaphore, #tpu.memory_space<semaphore_mem>>)
      %mul3A_377 = arith.constant 65536 : i32
      %mul3A_378 = arith.muli %arg1, %mul3A_377 : i32
      %add3A_379 = arith.constant 24576 : i32
      %add3A_380 = arith.addi %mul3A_378, %add3A_379 : i32
      %dma_wait3A_381 = arith.constant 8192 : i32
      %dma_wait3A_382 = tpu.memref_slice %arg15[%dma_wait3A_381] : memref<16384xf32, #tpu.memory_space<vmem>> -> memref<8192xf32, #tpu.memory_space<vmem>>
      %dma_wait3A_383 = tpu.memref_slice %arg6[%add3A_354] : memref<1048576xf32, #tpu.memory_space<hbm>> -> memref<8192xf32, #tpu.memory_space<hbm>>
      %dma_wait3A_384 = tpu.memref_slice %arg6[%add3A_354] : memref<1048576xf32, #tpu.memory_space<hbm>> -> memref<8192xf32, #tpu.memory_space<hbm>>
      %dma_wait3A_385 = arith.constant 8192 : i32
      %dma_wait3A_386 = tpu.memref_slice %arg15[%dma_wait3A_385] : memref<16384xf32, #tpu.memory_space<vmem>> -> memref<8192xf32, #tpu.memory_space<vmem>>
      tpu.wait_dma2 semaphore(%arg16 : memref<!tpu.dma_semaphore, #tpu.memory_space<semaphore_mem>>) src(%dma_wait3A_386 : memref<8192xf32, #tpu.memory_space<vmem>>) dst(%dma_wait3A_384 : memref<8192xf32, #tpu.memory_space<hbm>>)
      "tpu.region"() ({
        %run_scoped3A_474 = tpu.sem_alloc : memref<!tpu.dma_semaphore, #tpu.memory_space<semaphore_mem>>
        %dma_start3A_475 = arith.constant 8192 : i32
        %dma_start3A_476 = tpu.memref_slice %arg15[%dma_start3A_475] : memref<16384xf32, #tpu.memory_space<vmem>> -> memref<8192xf32, #tpu.memory_space<vmem>>
        %dma_start3A_477 = tpu.memref_slice %arg8[%add3A_380] : memref<1048576xf32, #tpu.memory_space<vmem_shared>> -> memref<8192xf32, #tpu.memory_space<vmem_shared>>
        %dma_start3A_478 = arith.constant 8192 : i32
        %dma_start3A_479 = tpu.memref_slice %arg15[%dma_start3A_478] : memref<16384xf32, #tpu.memory_space<vmem>> -> memref<8192xf32, #tpu.memory_space<vmem>>
        %dma_start3A_480 = tpu.memref_slice %arg8[%add3A_380] : memref<1048576xf32, #tpu.memory_space<vmem_shared>> -> memref<8192xf32, #tpu.memory_space<vmem_shared>>
        tpu.enqueue_dma source(%dma_start3A_480 : memref<8192xf32, #tpu.memory_space<vmem_shared>>) target(%dma_start3A_479 : memref<8192xf32, #tpu.memory_space<vmem>>) target_semaphore(%run_scoped3A_474 : memref<!tpu.dma_semaphore, #tpu.memory_space<semaphore_mem>>)
        %dma_wait3A_481 = arith.constant 8192 : i32
        %dma_wait3A_482 = tpu.memref_slice %arg15[%dma_wait3A_481] : memref<16384xf32, #tpu.memory_space<vmem>> -> memref<8192xf32, #tpu.memory_space<vmem>>
        %dma_wait3A_483 = tpu.memref_slice %arg8[%add3A_380] : memref<1048576xf32, #tpu.memory_space<vmem_shared>> -> memref<8192xf32, #tpu.memory_space<vmem_shared>>
        %dma_wait3A_484 = arith.constant 8192 : i32
        %dma_wait3A_485 = tpu.memref_slice %arg15[%dma_wait3A_484] : memref<16384xf32, #tpu.memory_space<vmem>> -> memref<8192xf32, #tpu.memory_space<vmem>>
        %dma_wait3A_486 = tpu.memref_slice %arg8[%add3A_380] : memref<1048576xf32, #tpu.memory_space<vmem_shared>> -> memref<8192xf32, #tpu.memory_space<vmem_shared>>
        tpu.wait_dma2 semaphore(%run_scoped3A_474 : memref<!tpu.dma_semaphore, #tpu.memory_space<semaphore_mem>>) src(%dma_wait3A_486 : memref<8192xf32, #tpu.memory_space<vmem_shared>>) dst(%dma_wait3A_485 : memref<8192xf32, #tpu.memory_space<vmem>>)
        tpu.yield
      }) : () -> ()
      %dma_start3A_387 = arith.constant 8192 : i32
      %dma_start3A_388 = tpu.memref_slice %arg15[%dma_start3A_387] : memref<16384xf32, #tpu.memory_space<vmem>> -> memref<8192xf32, #tpu.memory_space<vmem>>
      %dma_start3A_389 = tpu.memref_slice %arg6[%add3A_380] : memref<1048576xf32, #tpu.memory_space<hbm>> -> memref<8192xf32, #tpu.memory_space<hbm>>
      %dma_start3A_390 = tpu.memref_slice %arg6[%add3A_380] : memref<1048576xf32, #tpu.memory_space<hbm>> -> memref<8192xf32, #tpu.memory_space<hbm>>
      %dma_start3A_391 = arith.constant 8192 : i32
      %dma_start3A_392 = tpu.memref_slice %arg15[%dma_start3A_391] : memref<16384xf32, #tpu.memory_space<vmem>> -> memref<8192xf32, #tpu.memory_space<vmem>>
      tpu.enqueue_dma source(%dma_start3A_392 : memref<8192xf32, #tpu.memory_space<vmem>>) target(%dma_start3A_390 : memref<8192xf32, #tpu.memory_space<hbm>>) target_semaphore(%arg16 : memref<!tpu.dma_semaphore, #tpu.memory_space<semaphore_mem>>)
      %mul3A_393 = arith.constant 65536 : i32
      %mul3A_394 = arith.muli %arg1, %mul3A_393 : i32
      %add3A_395 = arith.constant 32768 : i32
      %add3A_396 = arith.addi %mul3A_394, %add3A_395 : i32
      %dma_wait3A_397 = arith.constant 0 : i32
      %dma_wait3A_398 = tpu.memref_slice %arg15[%dma_wait3A_397] : memref<16384xf32, #tpu.memory_space<vmem>> -> memref<8192xf32, #tpu.memory_space<vmem>>
      %dma_wait3A_399 = tpu.memref_slice %arg6[%add3A_364] : memref<1048576xf32, #tpu.memory_space<hbm>> -> memref<8192xf32, #tpu.memory_space<hbm>>
      %dma_wait3A_400 = tpu.memref_slice %arg6[%add3A_364] : memref<1048576xf32, #tpu.memory_space<hbm>> -> memref<8192xf32, #tpu.memory_space<hbm>>
      %dma_wait3A_401 = arith.constant 0 : i32
      %dma_wait3A_402 = tpu.memref_slice %arg15[%dma_wait3A_401] : memref<16384xf32, #tpu.memory_space<vmem>> -> memref<8192xf32, #tpu.memory_space<vmem>>
      tpu.wait_dma2 semaphore(%arg16 : memref<!tpu.dma_semaphore, #tpu.memory_space<semaphore_mem>>) src(%dma_wait3A_402 : memref<8192xf32, #tpu.memory_space<vmem>>) dst(%dma_wait3A_400 : memref<8192xf32, #tpu.memory_space<hbm>>)
      "tpu.region"() ({
        %run_scoped3A_474 = tpu.sem_alloc : memref<!tpu.dma_semaphore, #tpu.memory_space<semaphore_mem>>
        %dma_start3A_475 = arith.constant 0 : i32
        %dma_start3A_476 = tpu.memref_slice %arg15[%dma_start3A_475] : memref<16384xf32, #tpu.memory_space<vmem>> -> memref<8192xf32, #tpu.memory_space<vmem>>
        %dma_start3A_477 = tpu.memref_slice %arg8[%add3A_396] : memref<1048576xf32, #tpu.memory_space<vmem_shared>> -> memref<8192xf32, #tpu.memory_space<vmem_shared>>
        %dma_start3A_478 = arith.constant 0 : i32
        %dma_start3A_479 = tpu.memref_slice %arg15[%dma_start3A_478] : memref<16384xf32, #tpu.memory_space<vmem>> -> memref<8192xf32, #tpu.memory_space<vmem>>
        %dma_start3A_480 = tpu.memref_slice %arg8[%add3A_396] : memref<1048576xf32, #tpu.memory_space<vmem_shared>> -> memref<8192xf32, #tpu.memory_space<vmem_shared>>
        tpu.enqueue_dma source(%dma_start3A_480 : memref<8192xf32, #tpu.memory_space<vmem_shared>>) target(%dma_start3A_479 : memref<8192xf32, #tpu.memory_space<vmem>>) target_semaphore(%run_scoped3A_474 : memref<!tpu.dma_semaphore, #tpu.memory_space<semaphore_mem>>)
        %dma_wait3A_481 = arith.constant 0 : i32
        %dma_wait3A_482 = tpu.memref_slice %arg15[%dma_wait3A_481] : memref<16384xf32, #tpu.memory_space<vmem>> -> memref<8192xf32, #tpu.memory_space<vmem>>
        %dma_wait3A_483 = tpu.memref_slice %arg8[%add3A_396] : memref<1048576xf32, #tpu.memory_space<vmem_shared>> -> memref<8192xf32, #tpu.memory_space<vmem_shared>>
        %dma_wait3A_484 = arith.constant 0 : i32
        %dma_wait3A_485 = tpu.memref_slice %arg15[%dma_wait3A_484] : memref<16384xf32, #tpu.memory_space<vmem>> -> memref<8192xf32, #tpu.memory_space<vmem>>
        %dma_wait3A_486 = tpu.memref_slice %arg8[%add3A_396] : memref<1048576xf32, #tpu.memory_space<vmem_shared>> -> memref<8192xf32, #tpu.memory_space<vmem_shared>>
        tpu.wait_dma2 semaphore(%run_scoped3A_474 : memref<!tpu.dma_semaphore, #tpu.memory_space<semaphore_mem>>) src(%dma_wait3A_486 : memref<8192xf32, #tpu.memory_space<vmem_shared>>) dst(%dma_wait3A_485 : memref<8192xf32, #tpu.memory_space<vmem>>)
        tpu.yield
      }) : () -> ()
      %dma_start3A_403 = arith.constant 0 : i32
      %dma_start3A_404 = tpu.memref_slice %arg15[%dma_start3A_403] : memref<16384xf32, #tpu.memory_space<vmem>> -> memref<8192xf32, #tpu.memory_space<vmem>>
      %dma_start3A_405 = tpu.memref_slice %arg6[%add3A_396] : memref<1048576xf32, #tpu.memory_space<hbm>> -> memref<8192xf32, #tpu.memory_space<hbm>>
      %dma_start3A_406 = tpu.memref_slice %arg6[%add3A_396] : memref<1048576xf32, #tpu.memory_space<hbm>> -> memref<8192xf32, #tpu.memory_space<hbm>>
      %dma_start3A_407 = arith.constant 0 : i32
      %dma_start3A_408 = tpu.memref_slice %arg15[%dma_start3A_407] : memref<16384xf32, #tpu.memory_space<vmem>> -> memref<8192xf32, #tpu.memory_space<vmem>>
      tpu.enqueue_dma source(%dma_start3A_408 : memref<8192xf32, #tpu.memory_space<vmem>>) target(%dma_start3A_406 : memref<8192xf32, #tpu.memory_space<hbm>>) target_semaphore(%arg16 : memref<!tpu.dma_semaphore, #tpu.memory_space<semaphore_mem>>)
      %mul3A_409 = arith.constant 65536 : i32
      %mul3A_410 = arith.muli %arg1, %mul3A_409 : i32
      %add3A_411 = arith.constant 40960 : i32
      %add3A_412 = arith.addi %mul3A_410, %add3A_411 : i32
      %dma_wait3A_413 = arith.constant 8192 : i32
      %dma_wait3A_414 = tpu.memref_slice %arg15[%dma_wait3A_413] : memref<16384xf32, #tpu.memory_space<vmem>> -> memref<8192xf32, #tpu.memory_space<vmem>>
      %dma_wait3A_415 = tpu.memref_slice %arg6[%add3A_380] : memref<1048576xf32, #tpu.memory_space<hbm>> -> memref<8192xf32, #tpu.memory_space<hbm>>
      %dma_wait3A_416 = tpu.memref_slice %arg6[%add3A_380] : memref<1048576xf32, #tpu.memory_space<hbm>> -> memref<8192xf32, #tpu.memory_space<hbm>>
      %dma_wait3A_417 = arith.constant 8192 : i32
      %dma_wait3A_418 = tpu.memref_slice %arg15[%dma_wait3A_417] : memref<16384xf32, #tpu.memory_space<vmem>> -> memref<8192xf32, #tpu.memory_space<vmem>>
      tpu.wait_dma2 semaphore(%arg16 : memref<!tpu.dma_semaphore, #tpu.memory_space<semaphore_mem>>) src(%dma_wait3A_418 : memref<8192xf32, #tpu.memory_space<vmem>>) dst(%dma_wait3A_416 : memref<8192xf32, #tpu.memory_space<hbm>>)
      "tpu.region"() ({
        %run_scoped3A_474 = tpu.sem_alloc : memref<!tpu.dma_semaphore, #tpu.memory_space<semaphore_mem>>
        %dma_start3A_475 = arith.constant 8192 : i32
        %dma_start3A_476 = tpu.memref_slice %arg15[%dma_start3A_475] : memref<16384xf32, #tpu.memory_space<vmem>> -> memref<8192xf32, #tpu.memory_space<vmem>>
        %dma_start3A_477 = tpu.memref_slice %arg8[%add3A_412] : memref<1048576xf32, #tpu.memory_space<vmem_shared>> -> memref<8192xf32, #tpu.memory_space<vmem_shared>>
        %dma_start3A_478 = arith.constant 8192 : i32
        %dma_start3A_479 = tpu.memref_slice %arg15[%dma_start3A_478] : memref<16384xf32, #tpu.memory_space<vmem>> -> memref<8192xf32, #tpu.memory_space<vmem>>
        %dma_start3A_480 = tpu.memref_slice %arg8[%add3A_412] : memref<1048576xf32, #tpu.memory_space<vmem_shared>> -> memref<8192xf32, #tpu.memory_space<vmem_shared>>
        tpu.enqueue_dma source(%dma_start3A_480 : memref<8192xf32, #tpu.memory_space<vmem_shared>>) target(%dma_start3A_479 : memref<8192xf32, #tpu.memory_space<vmem>>) target_semaphore(%run_scoped3A_474 : memref<!tpu.dma_semaphore, #tpu.memory_space<semaphore_mem>>)
        %dma_wait3A_481 = arith.constant 8192 : i32
        %dma_wait3A_482 = tpu.memref_slice %arg15[%dma_wait3A_481] : memref<16384xf32, #tpu.memory_space<vmem>> -> memref<8192xf32, #tpu.memory_space<vmem>>
        %dma_wait3A_483 = tpu.memref_slice %arg8[%add3A_412] : memref<1048576xf32, #tpu.memory_space<vmem_shared>> -> memref<8192xf32, #tpu.memory_space<vmem_shared>>
        %dma_wait3A_484 = arith.constant 8192 : i32
        %dma_wait3A_485 = tpu.memref_slice %arg15[%dma_wait3A_484] : memref<16384xf32, #tpu.memory_space<vmem>> -> memref<8192xf32, #tpu.memory_space<vmem>>
        %dma_wait3A_486 = tpu.memref_slice %arg8[%add3A_412] : memref<1048576xf32, #tpu.memory_space<vmem_shared>> -> memref<8192xf32, #tpu.memory_space<vmem_shared>>
        tpu.wait_dma2 semaphore(%run_scoped3A_474 : memref<!tpu.dma_semaphore, #tpu.memory_space<semaphore_mem>>) src(%dma_wait3A_486 : memref<8192xf32, #tpu.memory_space<vmem_shared>>) dst(%dma_wait3A_485 : memref<8192xf32, #tpu.memory_space<vmem>>)
        tpu.yield
      }) : () -> ()
      %dma_start3A_419 = arith.constant 8192 : i32
      %dma_start3A_420 = tpu.memref_slice %arg15[%dma_start3A_419] : memref<16384xf32, #tpu.memory_space<vmem>> -> memref<8192xf32, #tpu.memory_space<vmem>>
      %dma_start3A_421 = tpu.memref_slice %arg6[%add3A_412] : memref<1048576xf32, #tpu.memory_space<hbm>> -> memref<8192xf32, #tpu.memory_space<hbm>>
      %dma_start3A_422 = tpu.memref_slice %arg6[%add3A_412] : memref<1048576xf32, #tpu.memory_space<hbm>> -> memref<8192xf32, #tpu.memory_space<hbm>>
      %dma_start3A_423 = arith.constant 8192 : i32
      %dma_start3A_424 = tpu.memref_slice %arg15[%dma_start3A_423] : memref<16384xf32, #tpu.memory_space<vmem>> -> memref<8192xf32, #tpu.memory_space<vmem>>
      tpu.enqueue_dma source(%dma_start3A_424 : memref<8192xf32, #tpu.memory_space<vmem>>) target(%dma_start3A_422 : memref<8192xf32, #tpu.memory_space<hbm>>) target_semaphore(%arg16 : memref<!tpu.dma_semaphore, #tpu.memory_space<semaphore_mem>>)
      %mul3A_425 = arith.constant 65536 : i32
      %mul3A_426 = arith.muli %arg1, %mul3A_425 : i32
      %add3A_427 = arith.constant 49152 : i32
      %add3A_428 = arith.addi %mul3A_426, %add3A_427 : i32
      %dma_wait3A_429 = arith.constant 0 : i32
      %dma_wait3A_430 = tpu.memref_slice %arg15[%dma_wait3A_429] : memref<16384xf32, #tpu.memory_space<vmem>> -> memref<8192xf32, #tpu.memory_space<vmem>>
      %dma_wait3A_431 = tpu.memref_slice %arg6[%add3A_396] : memref<1048576xf32, #tpu.memory_space<hbm>> -> memref<8192xf32, #tpu.memory_space<hbm>>
      %dma_wait3A_432 = tpu.memref_slice %arg6[%add3A_396] : memref<1048576xf32, #tpu.memory_space<hbm>> -> memref<8192xf32, #tpu.memory_space<hbm>>
      %dma_wait3A_433 = arith.constant 0 : i32
      %dma_wait3A_434 = tpu.memref_slice %arg15[%dma_wait3A_433] : memref<16384xf32, #tpu.memory_space<vmem>> -> memref<8192xf32, #tpu.memory_space<vmem>>
      tpu.wait_dma2 semaphore(%arg16 : memref<!tpu.dma_semaphore, #tpu.memory_space<semaphore_mem>>) src(%dma_wait3A_434 : memref<8192xf32, #tpu.memory_space<vmem>>) dst(%dma_wait3A_432 : memref<8192xf32, #tpu.memory_space<hbm>>)
      "tpu.region"() ({
        %run_scoped3A_474 = tpu.sem_alloc : memref<!tpu.dma_semaphore, #tpu.memory_space<semaphore_mem>>
        %dma_start3A_475 = arith.constant 0 : i32
        %dma_start3A_476 = tpu.memref_slice %arg15[%dma_start3A_475] : memref<16384xf32, #tpu.memory_space<vmem>> -> memref<8192xf32, #tpu.memory_space<vmem>>
        %dma_start3A_477 = tpu.memref_slice %arg8[%add3A_428] : memref<1048576xf32, #tpu.memory_space<vmem_shared>> -> memref<8192xf32, #tpu.memory_space<vmem_shared>>
        %dma_start3A_478 = arith.constant 0 : i32
        %dma_start3A_479 = tpu.memref_slice %arg15[%dma_start3A_478] : memref<16384xf32, #tpu.memory_space<vmem>> -> memref<8192xf32, #tpu.memory_space<vmem>>
        %dma_start3A_480 = tpu.memref_slice %arg8[%add3A_428] : memref<1048576xf32, #tpu.memory_space<vmem_shared>> -> memref<8192xf32, #tpu.memory_space<vmem_shared>>
        tpu.enqueue_dma source(%dma_start3A_480 : memref<8192xf32, #tpu.memory_space<vmem_shared>>) target(%dma_start3A_479 : memref<8192xf32, #tpu.memory_space<vmem>>) target_semaphore(%run_scoped3A_474 : memref<!tpu.dma_semaphore, #tpu.memory_space<semaphore_mem>>)
        %dma_wait3A_481 = arith.constant 0 : i32
        %dma_wait3A_482 = tpu.memref_slice %arg15[%dma_wait3A_481] : memref<16384xf32, #tpu.memory_space<vmem>> -> memref<8192xf32, #tpu.memory_space<vmem>>
        %dma_wait3A_483 = tpu.memref_slice %arg8[%add3A_428] : memref<1048576xf32, #tpu.memory_space<vmem_shared>> -> memref<8192xf32, #tpu.memory_space<vmem_shared>>
        %dma_wait3A_484 = arith.constant 0 : i32
        %dma_wait3A_485 = tpu.memref_slice %arg15[%dma_wait3A_484] : memref<16384xf32, #tpu.memory_space<vmem>> -> memref<8192xf32, #tpu.memory_space<vmem>>
        %dma_wait3A_486 = tpu.memref_slice %arg8[%add3A_428] : memref<1048576xf32, #tpu.memory_space<vmem_shared>> -> memref<8192xf32, #tpu.memory_space<vmem_shared>>
        tpu.wait_dma2 semaphore(%run_scoped3A_474 : memref<!tpu.dma_semaphore, #tpu.memory_space<semaphore_mem>>) src(%dma_wait3A_486 : memref<8192xf32, #tpu.memory_space<vmem_shared>>) dst(%dma_wait3A_485 : memref<8192xf32, #tpu.memory_space<vmem>>)
        tpu.yield
      }) : () -> ()
      %dma_start3A_435 = arith.constant 0 : i32
      %dma_start3A_436 = tpu.memref_slice %arg15[%dma_start3A_435] : memref<16384xf32, #tpu.memory_space<vmem>> -> memref<8192xf32, #tpu.memory_space<vmem>>
      %dma_start3A_437 = tpu.memref_slice %arg6[%add3A_428] : memref<1048576xf32, #tpu.memory_space<hbm>> -> memref<8192xf32, #tpu.memory_space<hbm>>
      %dma_start3A_438 = tpu.memref_slice %arg6[%add3A_428] : memref<1048576xf32, #tpu.memory_space<hbm>> -> memref<8192xf32, #tpu.memory_space<hbm>>
      %dma_start3A_439 = arith.constant 0 : i32
      %dma_start3A_440 = tpu.memref_slice %arg15[%dma_start3A_439] : memref<16384xf32, #tpu.memory_space<vmem>> -> memref<8192xf32, #tpu.memory_space<vmem>>
      tpu.enqueue_dma source(%dma_start3A_440 : memref<8192xf32, #tpu.memory_space<vmem>>) target(%dma_start3A_438 : memref<8192xf32, #tpu.memory_space<hbm>>) target_semaphore(%arg16 : memref<!tpu.dma_semaphore, #tpu.memory_space<semaphore_mem>>)
      %mul3A_441 = arith.constant 65536 : i32
      %mul3A_442 = arith.muli %arg1, %mul3A_441 : i32
      %add3A_443 = arith.constant 57344 : i32
      %add3A_444 = arith.addi %mul3A_442, %add3A_443 : i32
      %dma_wait3A_445 = arith.constant 8192 : i32
      %dma_wait3A_446 = tpu.memref_slice %arg15[%dma_wait3A_445] : memref<16384xf32, #tpu.memory_space<vmem>> -> memref<8192xf32, #tpu.memory_space<vmem>>
      %dma_wait3A_447 = tpu.memref_slice %arg6[%add3A_412] : memref<1048576xf32, #tpu.memory_space<hbm>> -> memref<8192xf32, #tpu.memory_space<hbm>>
      %dma_wait3A_448 = tpu.memref_slice %arg6[%add3A_412] : memref<1048576xf32, #tpu.memory_space<hbm>> -> memref<8192xf32, #tpu.memory_space<hbm>>
      %dma_wait3A_449 = arith.constant 8192 : i32
      %dma_wait3A_450 = tpu.memref_slice %arg15[%dma_wait3A_449] : memref<16384xf32, #tpu.memory_space<vmem>> -> memref<8192xf32, #tpu.memory_space<vmem>>
      tpu.wait_dma2 semaphore(%arg16 : memref<!tpu.dma_semaphore, #tpu.memory_space<semaphore_mem>>) src(%dma_wait3A_450 : memref<8192xf32, #tpu.memory_space<vmem>>) dst(%dma_wait3A_448 : memref<8192xf32, #tpu.memory_space<hbm>>)
      "tpu.region"() ({
        %run_scoped3A_474 = tpu.sem_alloc : memref<!tpu.dma_semaphore, #tpu.memory_space<semaphore_mem>>
        %dma_start3A_475 = arith.constant 8192 : i32
        %dma_start3A_476 = tpu.memref_slice %arg15[%dma_start3A_475] : memref<16384xf32, #tpu.memory_space<vmem>> -> memref<8192xf32, #tpu.memory_space<vmem>>
        %dma_start3A_477 = tpu.memref_slice %arg8[%add3A_444] : memref<1048576xf32, #tpu.memory_space<vmem_shared>> -> memref<8192xf32, #tpu.memory_space<vmem_shared>>
        %dma_start3A_478 = arith.constant 8192 : i32
        %dma_start3A_479 = tpu.memref_slice %arg15[%dma_start3A_478] : memref<16384xf32, #tpu.memory_space<vmem>> -> memref<8192xf32, #tpu.memory_space<vmem>>
        %dma_start3A_480 = tpu.memref_slice %arg8[%add3A_444] : memref<1048576xf32, #tpu.memory_space<vmem_shared>> -> memref<8192xf32, #tpu.memory_space<vmem_shared>>
        tpu.enqueue_dma source(%dma_start3A_480 : memref<8192xf32, #tpu.memory_space<vmem_shared>>) target(%dma_start3A_479 : memref<8192xf32, #tpu.memory_space<vmem>>) target_semaphore(%run_scoped3A_474 : memref<!tpu.dma_semaphore, #tpu.memory_space<semaphore_mem>>)
        %dma_wait3A_481 = arith.constant 8192 : i32
        %dma_wait3A_482 = tpu.memref_slice %arg15[%dma_wait3A_481] : memref<16384xf32, #tpu.memory_space<vmem>> -> memref<8192xf32, #tpu.memory_space<vmem>>
        %dma_wait3A_483 = tpu.memref_slice %arg8[%add3A_444] : memref<1048576xf32, #tpu.memory_space<vmem_shared>> -> memref<8192xf32, #tpu.memory_space<vmem_shared>>
        %dma_wait3A_484 = arith.constant 8192 : i32
        %dma_wait3A_485 = tpu.memref_slice %arg15[%dma_wait3A_484] : memref<16384xf32, #tpu.memory_space<vmem>> -> memref<8192xf32, #tpu.memory_space<vmem>>
        %dma_wait3A_486 = tpu.memref_slice %arg8[%add3A_444] : memref<1048576xf32, #tpu.memory_space<vmem_shared>> -> memref<8192xf32, #tpu.memory_space<vmem_shared>>
        tpu.wait_dma2 semaphore(%run_scoped3A_474 : memref<!tpu.dma_semaphore, #tpu.memory_space<semaphore_mem>>) src(%dma_wait3A_486 : memref<8192xf32, #tpu.memory_space<vmem_shared>>) dst(%dma_wait3A_485 : memref<8192xf32, #tpu.memory_space<vmem>>)
        tpu.yield
      }) : () -> ()
      %dma_start3A_451 = arith.constant 8192 : i32
      %dma_start3A_452 = tpu.memref_slice %arg15[%dma_start3A_451] : memref<16384xf32, #tpu.memory_space<vmem>> -> memref<8192xf32, #tpu.memory_space<vmem>>
      %dma_start3A_453 = tpu.memref_slice %arg6[%add3A_444] : memref<1048576xf32, #tpu.memory_space<hbm>> -> memref<8192xf32, #tpu.memory_space<hbm>>
      %dma_start3A_454 = tpu.memref_slice %arg6[%add3A_444] : memref<1048576xf32, #tpu.memory_space<hbm>> -> memref<8192xf32, #tpu.memory_space<hbm>>
      %dma_start3A_455 = arith.constant 8192 : i32
      %dma_start3A_456 = tpu.memref_slice %arg15[%dma_start3A_455] : memref<16384xf32, #tpu.memory_space<vmem>> -> memref<8192xf32, #tpu.memory_space<vmem>>
      tpu.enqueue_dma source(%dma_start3A_456 : memref<8192xf32, #tpu.memory_space<vmem>>) target(%dma_start3A_454 : memref<8192xf32, #tpu.memory_space<hbm>>) target_semaphore(%arg16 : memref<!tpu.dma_semaphore, #tpu.memory_space<semaphore_mem>>)
      %eq3A_457 = arith.constant 0 : i32
      %eq3A_458 = arith.cmpi eq, %arg1, %eq3A_457 : i32
      %convert_element_type3A_459 = arith.extui %eq3A_458 : i1 to i32
      %cond3A_460 = arith.constant 0 : i32
      %cond3A_461 = arith.cmpi ne, %convert_element_type3A_459, %cond3A_460 : i32
      scf.if %cond3A_461 {
        "tpu.region"() ({
          %run_scoped3A_474 = tpu.sem_alloc : memref<!tpu.dma_semaphore, #tpu.memory_space<semaphore_mem>>
          tpu.enqueue_dma source(%arg9 : memref<1024xf32, #tpu.memory_space<vmem_shared>>) target(%arg14 : memref<1024xf32, #tpu.memory_space<vmem>>) target_semaphore(%run_scoped3A_474 : memref<!tpu.dma_semaphore, #tpu.memory_space<semaphore_mem>>)
          tpu.wait_dma2 semaphore(%run_scoped3A_474 : memref<!tpu.dma_semaphore, #tpu.memory_space<semaphore_mem>>) src(%arg9 : memref<1024xf32, #tpu.memory_space<vmem_shared>>) dst(%arg14 : memref<1024xf32, #tpu.memory_space<vmem>>)
          tpu.yield
        }) : () -> ()
        "tpu.region"() ({
          %run_scoped3A_474 = tpu.sem_alloc : memref<!tpu.dma_semaphore, #tpu.memory_space<semaphore_mem>>
          tpu.enqueue_dma source(%arg14 : memref<1024xf32, #tpu.memory_space<vmem>>) target(%arg7 : memref<1024xf32, #tpu.memory_space<hbm>>) target_semaphore(%run_scoped3A_474 : memref<!tpu.dma_semaphore, #tpu.memory_space<semaphore_mem>>)
          tpu.wait_dma2 semaphore(%run_scoped3A_474 : memref<!tpu.dma_semaphore, #tpu.memory_space<semaphore_mem>>) src(%arg14 : memref<1024xf32, #tpu.memory_space<vmem>>) dst(%arg7 : memref<1024xf32, #tpu.memory_space<hbm>>)
          tpu.yield
        }) : () -> ()
      } else {
      }
      %dma_wait3A_462 = arith.constant 0 : i32
      %dma_wait3A_463 = tpu.memref_slice %arg15[%dma_wait3A_462] : memref<16384xf32, #tpu.memory_space<vmem>> -> memref<8192xf32, #tpu.memory_space<vmem>>
      %dma_wait3A_464 = tpu.memref_slice %arg6[%add3A_428] : memref<1048576xf32, #tpu.memory_space<hbm>> -> memref<8192xf32, #tpu.memory_space<hbm>>
      %dma_wait3A_465 = tpu.memref_slice %arg6[%add3A_428] : memref<1048576xf32, #tpu.memory_space<hbm>> -> memref<8192xf32, #tpu.memory_space<hbm>>
      %dma_wait3A_466 = arith.constant 0 : i32
      %dma_wait3A_467 = tpu.memref_slice %arg15[%dma_wait3A_466] : memref<16384xf32, #tpu.memory_space<vmem>> -> memref<8192xf32, #tpu.memory_space<vmem>>
      tpu.wait_dma2 semaphore(%arg16 : memref<!tpu.dma_semaphore, #tpu.memory_space<semaphore_mem>>) src(%dma_wait3A_467 : memref<8192xf32, #tpu.memory_space<vmem>>) dst(%dma_wait3A_465 : memref<8192xf32, #tpu.memory_space<hbm>>)
      %dma_wait3A_468 = arith.constant 8192 : i32
      %dma_wait3A_469 = tpu.memref_slice %arg15[%dma_wait3A_468] : memref<16384xf32, #tpu.memory_space<vmem>> -> memref<8192xf32, #tpu.memory_space<vmem>>
      %dma_wait3A_470 = tpu.memref_slice %arg6[%add3A_444] : memref<1048576xf32, #tpu.memory_space<hbm>> -> memref<8192xf32, #tpu.memory_space<hbm>>
      %dma_wait3A_471 = tpu.memref_slice %arg6[%add3A_444] : memref<1048576xf32, #tpu.memory_space<hbm>> -> memref<8192xf32, #tpu.memory_space<hbm>>
      %dma_wait3A_472 = arith.constant 8192 : i32
      %dma_wait3A_473 = tpu.memref_slice %arg15[%dma_wait3A_472] : memref<16384xf32, #tpu.memory_space<vmem>> -> memref<8192xf32, #tpu.memory_space<vmem>>
      tpu.wait_dma2 semaphore(%arg16 : memref<!tpu.dma_semaphore, #tpu.memory_space<semaphore_mem>>) src(%dma_wait3A_473 : memref<8192xf32, #tpu.memory_space<vmem>>) dst(%dma_wait3A_471 : memref<8192xf32, #tpu.memory_space<hbm>>)
    } else {
    }
    return
  }
}

module attributes {stable_mosaic.version = 14 : i64} {
  func.func @_tc_body(%arg0: memref<64x32x1024xf32, #tpu.memory_space<vmem>>, %arg1: memref<1024x1024xbf16, #tpu.memory_space<vmem>>, %arg2: memref<1x1024xf32, #tpu.memory_space<vmem>>, %arg3: memref<32x1xi32, #tpu.memory_space<vmem>>, %arg4: memref<1x32xi32, #tpu.memory_space<vmem>>, %arg5: memref<4xi32, #tpu.memory_space<smem>>, %arg6: memref<4xi32, #tpu.memory_space<smem>>, %arg7: memref<32x1xf32, #tpu.memory_space<vmem>>) attributes {dimension_semantics = [], scalar_prefetch = 0 : i64, scratch_operands = 0 : i64, tpu.core_type = #tpu.core_type<tc>} {
    %iota3A = tpu.iota {dimensions = array<i32: 1>} : vector<1x1024xi32>
    %get3A = arith.constant 0 : index
    %get3A_0 = memref.load %arg5[%get3A] : memref<4xi32, #tpu.memory_space<smem>>
    %eq3A = vector.broadcast %get3A_0 : i32 to vector<1x1024xi32>
    %eq3A_1 = arith.cmpi eq, %iota3A, %eq3A : vector<1x1024xi32>
    %get3A_2 = arith.constant 1 : index
    %get3A_3 = memref.load %arg5[%get3A_2] : memref<4xi32, #tpu.memory_space<smem>>
    %eq3A_4 = vector.broadcast %get3A_3 : i32 to vector<1x1024xi32>
    %eq3A_5 = arith.cmpi eq, %iota3A, %eq3A_4 : vector<1x1024xi32>
    %or3A = arith.ori %eq3A_1, %eq3A_5 : vector<1x1024xi1>
    %get3A_6 = arith.constant 2 : index
    %get3A_7 = memref.load %arg5[%get3A_6] : memref<4xi32, #tpu.memory_space<smem>>
    %eq3A_8 = vector.broadcast %get3A_7 : i32 to vector<1x1024xi32>
    %eq3A_9 = arith.cmpi eq, %iota3A, %eq3A_8 : vector<1x1024xi32>
    %or3A_10 = arith.ori %or3A, %eq3A_9 : vector<1x1024xi1>
    %get3A_11 = arith.constant 3 : index
    %get3A_12 = memref.load %arg5[%get3A_11] : memref<4xi32, #tpu.memory_space<smem>>
    %eq3A_13 = vector.broadcast %get3A_12 : i32 to vector<1x1024xi32>
    %eq3A_14 = arith.cmpi eq, %iota3A, %eq3A_13 : vector<1x1024xi32>
    %or3A_15 = arith.ori %or3A_10, %eq3A_14 : vector<1x1024xi1>
    %get3A_16 = arith.constant 0 : index
    %get3A_17 = memref.load %arg6[%get3A_16] : memref<4xi32, #tpu.memory_space<smem>>
    %eq3A_18 = vector.broadcast %get3A_17 : i32 to vector<1x1024xi32>
    %eq3A_19 = arith.cmpi eq, %iota3A, %eq3A_18 : vector<1x1024xi32>
    %convert_element_type3A = arith.extui %eq3A_19 : vector<1x1024xi1> to vector<1x1024xi32>
    %convert_element_type3A_20 = arith.sitofp %convert_element_type3A : vector<1x1024xi32> to vector<1x1024xf32>
    %get3A_21 = arith.constant 1 : index
    %get3A_22 = memref.load %arg6[%get3A_21] : memref<4xi32, #tpu.memory_space<smem>>
    %eq3A_23 = vector.broadcast %get3A_22 : i32 to vector<1x1024xi32>
    %eq3A_24 = arith.cmpi eq, %iota3A, %eq3A_23 : vector<1x1024xi32>
    %convert_element_type3A_25 = arith.extui %eq3A_24 : vector<1x1024xi1> to vector<1x1024xi32>
    %convert_element_type3A_26 = arith.sitofp %convert_element_type3A_25 : vector<1x1024xi32> to vector<1x1024xf32>
    %add3A = arith.addf %convert_element_type3A_20, %convert_element_type3A_26 : vector<1x1024xf32>
    %get3A_27 = arith.constant 2 : index
    %get3A_28 = memref.load %arg6[%get3A_27] : memref<4xi32, #tpu.memory_space<smem>>
    %eq3A_29 = vector.broadcast %get3A_28 : i32 to vector<1x1024xi32>
    %eq3A_30 = arith.cmpi eq, %iota3A, %eq3A_29 : vector<1x1024xi32>
    %convert_element_type3A_31 = arith.extui %eq3A_30 : vector<1x1024xi1> to vector<1x1024xi32>
    %convert_element_type3A_32 = arith.sitofp %convert_element_type3A_31 : vector<1x1024xi32> to vector<1x1024xf32>
    %add3A_33 = arith.addf %add3A, %convert_element_type3A_32 : vector<1x1024xf32>
    %get3A_34 = arith.constant 3 : index
    %get3A_35 = memref.load %arg6[%get3A_34] : memref<4xi32, #tpu.memory_space<smem>>
    %eq3A_36 = vector.broadcast %get3A_35 : i32 to vector<1x1024xi32>
    %eq3A_37 = arith.cmpi eq, %iota3A, %eq3A_36 : vector<1x1024xi32>
    %convert_element_type3A_38 = arith.extui %eq3A_37 : vector<1x1024xi1> to vector<1x1024xi32>
    %convert_element_type3A_39 = arith.sitofp %convert_element_type3A_38 : vector<1x1024xi32> to vector<1x1024xf32>
    %add3A_40 = arith.addf %add3A_33, %convert_element_type3A_39 : vector<1x1024xf32>
    %get3A_41 = arith.constant 0 : index
    %get3A_42 = arith.constant 0 : index
    %get3A_43 = vector.load %arg3[%get3A_41, %get3A_42] : memref<32x1xi32, #tpu.memory_space<vmem>>, vector<32x1xi32>
    %get3A_44 = arith.constant 0 : index
    %get3A_45 = arith.constant 0 : index
    %get3A_46 = vector.load %arg4[%get3A_44, %get3A_45] : memref<1x32xi32, #tpu.memory_space<vmem>>, vector<1x32xi32>
    %iota3A_47 = tpu.iota {dimensions = array<i32: 0>} : vector<32x32xi32>
    %iota3A_48 = tpu.iota {dimensions = array<i32: 1>} : vector<32x32xi32>
    %eq3A_49 = vector.broadcast %get3A_43 : vector<32x1xi32> to vector<32x32xi32>
    %eq3A_50 = vector.broadcast %get3A_46 : vector<1x32xi32> to vector<32x32xi32>
    %eq3A_51 = arith.cmpi eq, %eq3A_49, %eq3A_50 : vector<32x32xi32>
    %le3A = arith.cmpi sle, %iota3A_48, %iota3A_47 : vector<32x32xi32>
    %and3A = arith.andi %eq3A_51, %le3A : vector<32x32xi1>
    %convert_element_type3A_52 = arith.extui %and3A : vector<32x32xi1> to vector<32x32xi32>
    %reduce_sum3A = arith.constant dense<0> : vector<32xi32>
    %reduce_sum3A_53 = vector.multi_reduction <add>, %convert_element_type3A_52, %reduce_sum3A [1] : vector<32x32xi32> to vector<32xi32>
    %broadcast_in_dim3A = vector.shape_cast %reduce_sum3A_53 : vector<32xi32> to vector<32x1xi32>
    %sub3A = arith.constant 1 : i32
    %sub3A_54 = vector.broadcast %sub3A : i32 to vector<32x1xi32>
    %sub3A_55 = arith.subi %broadcast_in_dim3A, %sub3A_54 : vector<32x1xi32>
    %eq3A_56 = vector.broadcast %sub3A_55 : vector<32x1xi32> to vector<32x32xi32>
    %eq3A_57 = arith.cmpi eq, %iota3A_48, %eq3A_56 : vector<32x32xi32>
    %convert_element_type3A_58 = arith.extui %eq3A_57 : vector<32x32xi1> to vector<32x32xi32>
    %convert_element_type3A_59 = arith.sitofp %convert_element_type3A_58 : vector<32x32xi32> to vector<32x32xf32>
    %get3A_60 = arith.constant 0 : index
    %get3A_61 = arith.constant 0 : index
    %get3A_62 = vector.load %arg2[%get3A_60, %get3A_61] : memref<1x1024xf32, #tpu.memory_space<vmem>>, vector<1x1024xf32>
    %gt3A = arith.constant 0.000000e+00 : f32
    %gt3A_63 = vector.broadcast %gt3A : f32 to vector<1x1024xf32>
    %gt3A_64 = arith.cmpf ogt, %get3A_62, %gt3A_63 : vector<1x1024xf32>
    %convert_element_type3A_65 = arith.extui %gt3A_64 : vector<1x1024xi1> to vector<1x1024xi32>
    %convert_element_type3A_66 = arith.sitofp %convert_element_type3A_65 : vector<1x1024xi32> to vector<1x1024xf32>
    %get3A_67 = arith.constant 0 : index
    %get3A_68 = arith.constant 0 : index
    %get3A_69 = arith.constant 0 : index
    %get3A_70 = vector.load %arg0[%get3A_67, %get3A_68, %get3A_69] : memref<64x32x1024xf32, #tpu.memory_space<vmem>>, vector<1x32x1024xf32>
    %get3A_71 = vector.shape_cast %get3A_70 : vector<1x32x1024xf32> to vector<32x1024xf32>
    %exp3A = math.exp %get3A_71 : vector<32x1024xf32>
    %jit3A = arith.constant 1.60381094E-28 : f32
    %broadcast_in_dim3A_72 = vector.shape_cast %or3A_15 : vector<1x1024xi1> to vector<1x1024xi1>
    %broadcast_in_dim3A_73 = vector.broadcast %broadcast_in_dim3A_72 : vector<1x1024xi1> to vector<32x1024xi1>
    %broadcast_in_dim3A_74 = vector.broadcast %jit3A : f32 to vector<32x1024xf32>
    %select_n3A = arith.select %broadcast_in_dim3A_73, %exp3A, %broadcast_in_dim3A_74 : vector<32x1024xi1>, vector<32x1024xf32>
    %mul3A = vector.broadcast %convert_element_type3A_66 : vector<1x1024xf32> to vector<32x1024xf32>
    %mul3A_75 = arith.mulf %mul3A, %select_n3A : vector<32x1024xf32>
    %broadcast_in_dim3A_76 = arith.constant 0.000000e+00 : f32
    %broadcast_in_dim3A_77 = vector.broadcast %broadcast_in_dim3A_76 : f32 to vector<32x1xf32>
    %mul3A_78 = vector.broadcast %add3A_40 : vector<1x1024xf32> to vector<32x1024xf32>
    %mul3A_79 = arith.mulf %select_n3A, %mul3A_78 : vector<32x1024xf32>
    %reduce_sum3A_80 = arith.constant dense<0.000000e+00> : vector<32xf32>
    %reduce_sum3A_81 = vector.multi_reduction <add>, %mul3A_79, %reduce_sum3A_80 [1] : vector<32x1024xf32> to vector<32xf32>
    %broadcast_in_dim3A_82 = vector.shape_cast %reduce_sum3A_81 : vector<32xf32> to vector<32x1xf32>
    %broadcast_in_dim3A_83 = arith.constant 0.000000e+00 : f32
    %broadcast_in_dim3A_84 = vector.broadcast %broadcast_in_dim3A_83 : f32 to vector<32x1xf32>
    %log3A = math.log %broadcast_in_dim3A_82 : vector<32x1xf32>
    %add3A_85 = arith.addf %log3A, %broadcast_in_dim3A_77 : vector<32x1xf32>
    %dot_general3A = arith.constant dense<0.000000e+00> : vector<32x1xf32>
    %dot_general3A_86 = tpu.matmul %convert_element_type3A_59, %add3A_85, %dot_general3A {dimension_numbers = #tpu.dot_dimension_numbers<[1], [0], [0], [1], [0, 0, 1, 1], [], []>, precision = #tpu.contract_precision<fp32>, transpose_lhs_hint = false} : vector<32x32xf32>, vector<32x1xf32>, vector<32x1xf32> -> vector<32x1xf32>
    %eq3A_87 = arith.constant 1 : i32
    %eq3A_88 = vector.broadcast %eq3A_87 : i32 to vector<32x1xi32>
    %eq3A_89 = arith.cmpi eq, %get3A_43, %eq3A_88 : vector<32x1xi32>
    %select_n3A_90 = arith.select %eq3A_89, %dot_general3A_86, %broadcast_in_dim3A_84 : vector<32x1xi1>, vector<32x1xf32>
    %reduce_sum3A_91 = arith.constant dense<0.000000e+00> : vector<32xf32>
    %reduce_sum3A_92 = vector.multi_reduction <add>, %mul3A_75, %reduce_sum3A_91 [1] : vector<32x1024xf32> to vector<32xf32>
    %broadcast_in_dim3A_93 = vector.shape_cast %reduce_sum3A_92 : vector<32xf32> to vector<32x1xf32>
    %mul3A_94 = arith.constant 1.60381094E-28 : f32
    %mul3A_95 = vector.broadcast %mul3A_94 : f32 to vector<32x1xf32>
    %mul3A_96 = arith.mulf %broadcast_in_dim3A_93, %mul3A_95 : vector<32x1xf32>
    %max3A = vector.broadcast %mul3A_96 : vector<32x1xf32> to vector<32x1024xf32>
    %max3A_97 = arith.maximumf %mul3A_75, %max3A : vector<32x1024xf32>
    %convert_element_type3A_98 = arith.truncf %max3A_97 : vector<32x1024xf32> to vector<32x1024xbf16>
    %get3A_99 = arith.constant 0 : index
    %get3A_100 = arith.constant 0 : index
    %get3A_101 = vector.load %arg1[%get3A_99, %get3A_100] : memref<1024x1024xbf16, #tpu.memory_space<vmem>>, vector<1024x1024xbf16>
    %dot_general3A_102 = arith.constant dense<0.000000e+00> : vector<32x1024xf32>
    %dot_general3A_103 = tpu.matmul %convert_element_type3A_98, %get3A_101, %dot_general3A_102 {dimension_numbers = #tpu.dot_dimension_numbers<[1], [0], [0], [1], [0, 0, 1, 1], [], []>, transpose_lhs_hint = false} : vector<32x1024xbf16>, vector<1024x1024xbf16>, vector<32x1024xf32> -> vector<32x1024xf32>
    %get3A_104 = arith.constant 1 : index
    %get3A_105 = arith.constant 0 : index
    %get3A_106 = arith.constant 0 : index
    %get3A_107 = vector.load %arg0[%get3A_104, %get3A_105, %get3A_106] : memref<64x32x1024xf32, #tpu.memory_space<vmem>>, vector<1x32x1024xf32>
    %get3A_108 = vector.shape_cast %get3A_107 : vector<1x32x1024xf32> to vector<32x1024xf32>
    %exp3A_109 = math.exp %get3A_108 : vector<32x1024xf32>
    %div3A = arith.constant 1.000000e+00 : f32
    %div3A_110 = vector.broadcast %div3A : f32 to vector<32x1xf32>
    %div3A_111 = arith.divf %div3A_110, %broadcast_in_dim3A_93 : vector<32x1xf32>
    %mul3A_112 = vector.broadcast %div3A_111 : vector<32x1xf32> to vector<32x1024xf32>
    %mul3A_113 = arith.mulf %exp3A_109, %mul3A_112 : vector<32x1024xf32>
    %mul3A_114 = vector.broadcast %convert_element_type3A_66 : vector<1x1024xf32> to vector<32x1024xf32>
    %mul3A_115 = arith.mulf %mul3A_114, %mul3A_113 : vector<32x1024xf32>
    %mul3A_116 = vector.broadcast %add3A_40 : vector<1x1024xf32> to vector<32x1024xf32>
    %mul3A_117 = arith.mulf %mul3A_116, %mul3A_113 : vector<32x1024xf32>
    %log3A_118 = math.log %broadcast_in_dim3A_93 : vector<32x1xf32>
    %add3A_119 = arith.addf %broadcast_in_dim3A_77, %log3A_118 : vector<32x1xf32>
    %max3A_120 = vector.broadcast %mul3A_96 : vector<32x1xf32> to vector<32x1024xf32>
    %max3A_121 = arith.maximumf %dot_general3A_103, %max3A_120 : vector<32x1024xf32>
    %mul3A_122 = arith.mulf %mul3A_115, %max3A_121 : vector<32x1024xf32>
    %mul3A_123 = arith.mulf %mul3A_117, %max3A_121 : vector<32x1024xf32>
    %reduce_sum3A_124 = arith.constant dense<0.000000e+00> : vector<32xf32>
    %reduce_sum3A_125 = vector.multi_reduction <add>, %mul3A_123, %reduce_sum3A_124 [1] : vector<32x1024xf32> to vector<32xf32>
    %broadcast_in_dim3A_126 = vector.shape_cast %reduce_sum3A_125 : vector<32xf32> to vector<32x1xf32>
    %log3A_127 = math.log %broadcast_in_dim3A_126 : vector<32x1xf32>
    %add3A_128 = arith.addf %log3A_127, %add3A_119 : vector<32x1xf32>
    %dot_general3A_129 = arith.constant dense<0.000000e+00> : vector<32x1xf32>
    %dot_general3A_130 = tpu.matmul %convert_element_type3A_59, %add3A_128, %dot_general3A_129 {dimension_numbers = #tpu.dot_dimension_numbers<[1], [0], [0], [1], [0, 0, 1, 1], [], []>, precision = #tpu.contract_precision<fp32>, transpose_lhs_hint = false} : vector<32x32xf32>, vector<32x1xf32>, vector<32x1xf32> -> vector<32x1xf32>
    %eq3A_131 = arith.constant 2 : i32
    %eq3A_132 = vector.broadcast %eq3A_131 : i32 to vector<32x1xi32>
    %eq3A_133 = arith.cmpi eq, %get3A_43, %eq3A_132 : vector<32x1xi32>
    %select_n3A_134 = arith.select %eq3A_133, %dot_general3A_130, %select_n3A_90 : vector<32x1xi1>, vector<32x1xf32>
    %reduce_sum3A_135 = arith.constant dense<0.000000e+00> : vector<32xf32>
    %reduce_sum3A_136 = vector.multi_reduction <add>, %mul3A_122, %reduce_sum3A_135 [1] : vector<32x1024xf32> to vector<32xf32>
    %broadcast_in_dim3A_137 = vector.shape_cast %reduce_sum3A_136 : vector<32xf32> to vector<32x1xf32>
    %mul3A_138 = arith.constant 1.60381094E-28 : f32
    %mul3A_139 = vector.broadcast %mul3A_138 : f32 to vector<32x1xf32>
    %mul3A_140 = arith.mulf %broadcast_in_dim3A_137, %mul3A_139 : vector<32x1xf32>
    %max3A_141 = vector.broadcast %mul3A_140 : vector<32x1xf32> to vector<32x1024xf32>
    %max3A_142 = arith.maximumf %mul3A_122, %max3A_141 : vector<32x1024xf32>
    %convert_element_type3A_143 = arith.truncf %max3A_142 : vector<32x1024xf32> to vector<32x1024xbf16>
    %get3A_144 = arith.constant 0 : index
    %get3A_145 = arith.constant 0 : index
    %get3A_146 = vector.load %arg1[%get3A_144, %get3A_145] : memref<1024x1024xbf16, #tpu.memory_space<vmem>>, vector<1024x1024xbf16>
    %dot_general3A_147 = arith.constant dense<0.000000e+00> : vector<32x1024xf32>
    %dot_general3A_148 = tpu.matmul %convert_element_type3A_143, %get3A_146, %dot_general3A_147 {dimension_numbers = #tpu.dot_dimension_numbers<[1], [0], [0], [1], [0, 0, 1, 1], [], []>, transpose_lhs_hint = false} : vector<32x1024xbf16>, vector<1024x1024xbf16>, vector<32x1024xf32> -> vector<32x1024xf32>
    %get3A_149 = arith.constant 2 : index
    %get3A_150 = arith.constant 0 : index
    %get3A_151 = arith.constant 0 : index
    %get3A_152 = vector.load %arg0[%get3A_149, %get3A_150, %get3A_151] : memref<64x32x1024xf32, #tpu.memory_space<vmem>>, vector<1x32x1024xf32>
    %get3A_153 = vector.shape_cast %get3A_152 : vector<1x32x1024xf32> to vector<32x1024xf32>
    %exp3A_154 = math.exp %get3A_153 : vector<32x1024xf32>
    %div3A_155 = arith.constant 1.000000e+00 : f32
    %div3A_156 = vector.broadcast %div3A_155 : f32 to vector<32x1xf32>
    %div3A_157 = arith.divf %div3A_156, %broadcast_in_dim3A_137 : vector<32x1xf32>
    %mul3A_158 = vector.broadcast %div3A_157 : vector<32x1xf32> to vector<32x1024xf32>
    %mul3A_159 = arith.mulf %exp3A_154, %mul3A_158 : vector<32x1024xf32>
    %mul3A_160 = vector.broadcast %convert_element_type3A_66 : vector<1x1024xf32> to vector<32x1024xf32>
    %mul3A_161 = arith.mulf %mul3A_160, %mul3A_159 : vector<32x1024xf32>
    %mul3A_162 = vector.broadcast %add3A_40 : vector<1x1024xf32> to vector<32x1024xf32>
    %mul3A_163 = arith.mulf %mul3A_162, %mul3A_159 : vector<32x1024xf32>
    %log3A_164 = math.log %broadcast_in_dim3A_137 : vector<32x1xf32>
    %add3A_165 = arith.addf %add3A_119, %log3A_164 : vector<32x1xf32>
    %max3A_166 = vector.broadcast %mul3A_140 : vector<32x1xf32> to vector<32x1024xf32>
    %max3A_167 = arith.maximumf %dot_general3A_148, %max3A_166 : vector<32x1024xf32>
    %mul3A_168 = arith.mulf %mul3A_161, %max3A_167 : vector<32x1024xf32>
    %mul3A_169 = arith.mulf %mul3A_163, %max3A_167 : vector<32x1024xf32>
    %reduce_sum3A_170 = arith.constant dense<0.000000e+00> : vector<32xf32>
    %reduce_sum3A_171 = vector.multi_reduction <add>, %mul3A_169, %reduce_sum3A_170 [1] : vector<32x1024xf32> to vector<32xf32>
    %broadcast_in_dim3A_172 = vector.shape_cast %reduce_sum3A_171 : vector<32xf32> to vector<32x1xf32>
    %log3A_173 = math.log %broadcast_in_dim3A_172 : vector<32x1xf32>
    %add3A_174 = arith.addf %log3A_173, %add3A_165 : vector<32x1xf32>
    %dot_general3A_175 = arith.constant dense<0.000000e+00> : vector<32x1xf32>
    %dot_general3A_176 = tpu.matmul %convert_element_type3A_59, %add3A_174, %dot_general3A_175 {dimension_numbers = #tpu.dot_dimension_numbers<[1], [0], [0], [1], [0, 0, 1, 1], [], []>, precision = #tpu.contract_precision<fp32>, transpose_lhs_hint = false} : vector<32x32xf32>, vector<32x1xf32>, vector<32x1xf32> -> vector<32x1xf32>
    %eq3A_177 = arith.constant 3 : i32
    %eq3A_178 = vector.broadcast %eq3A_177 : i32 to vector<32x1xi32>
    %eq3A_179 = arith.cmpi eq, %get3A_43, %eq3A_178 : vector<32x1xi32>
    %select_n3A_180 = arith.select %eq3A_179, %dot_general3A_176, %select_n3A_134 : vector<32x1xi1>, vector<32x1xf32>
    %reduce_sum3A_181 = arith.constant dense<0.000000e+00> : vector<32xf32>
    %reduce_sum3A_182 = vector.multi_reduction <add>, %mul3A_168, %reduce_sum3A_181 [1] : vector<32x1024xf32> to vector<32xf32>
    %broadcast_in_dim3A_183 = vector.shape_cast %reduce_sum3A_182 : vector<32xf32> to vector<32x1xf32>
    %mul3A_184 = arith.constant 1.60381094E-28 : f32
    %mul3A_185 = vector.broadcast %mul3A_184 : f32 to vector<32x1xf32>
    %mul3A_186 = arith.mulf %broadcast_in_dim3A_183, %mul3A_185 : vector<32x1xf32>
    %max3A_187 = vector.broadcast %mul3A_186 : vector<32x1xf32> to vector<32x1024xf32>
    %max3A_188 = arith.maximumf %mul3A_168, %max3A_187 : vector<32x1024xf32>
    %convert_element_type3A_189 = arith.truncf %max3A_188 : vector<32x1024xf32> to vector<32x1024xbf16>
    %get3A_190 = arith.constant 0 : index
    %get3A_191 = arith.constant 0 : index
    %get3A_192 = vector.load %arg1[%get3A_190, %get3A_191] : memref<1024x1024xbf16, #tpu.memory_space<vmem>>, vector<1024x1024xbf16>
    %dot_general3A_193 = arith.constant dense<0.000000e+00> : vector<32x1024xf32>
    %dot_general3A_194 = tpu.matmul %convert_element_type3A_189, %get3A_192, %dot_general3A_193 {dimension_numbers = #tpu.dot_dimension_numbers<[1], [0], [0], [1], [0, 0, 1, 1], [], []>, transpose_lhs_hint = false} : vector<32x1024xbf16>, vector<1024x1024xbf16>, vector<32x1024xf32> -> vector<32x1024xf32>
    %get3A_195 = arith.constant 3 : index
    %get3A_196 = arith.constant 0 : index
    %get3A_197 = arith.constant 0 : index
    %get3A_198 = vector.load %arg0[%get3A_195, %get3A_196, %get3A_197] : memref<64x32x1024xf32, #tpu.memory_space<vmem>>, vector<1x32x1024xf32>
    %get3A_199 = vector.shape_cast %get3A_198 : vector<1x32x1024xf32> to vector<32x1024xf32>
    %exp3A_200 = math.exp %get3A_199 : vector<32x1024xf32>
    %div3A_201 = arith.constant 1.000000e+00 : f32
    %div3A_202 = vector.broadcast %div3A_201 : f32 to vector<32x1xf32>
    %div3A_203 = arith.divf %div3A_202, %broadcast_in_dim3A_183 : vector<32x1xf32>
    %mul3A_204 = vector.broadcast %div3A_203 : vector<32x1xf32> to vector<32x1024xf32>
    %mul3A_205 = arith.mulf %exp3A_200, %mul3A_204 : vector<32x1024xf32>
    %mul3A_206 = vector.broadcast %convert_element_type3A_66 : vector<1x1024xf32> to vector<32x1024xf32>
    %mul3A_207 = arith.mulf %mul3A_206, %mul3A_205 : vector<32x1024xf32>
    %mul3A_208 = vector.broadcast %add3A_40 : vector<1x1024xf32> to vector<32x1024xf32>
    %mul3A_209 = arith.mulf %mul3A_208, %mul3A_205 : vector<32x1024xf32>
    %log3A_210 = math.log %broadcast_in_dim3A_183 : vector<32x1xf32>
    %add3A_211 = arith.addf %add3A_165, %log3A_210 : vector<32x1xf32>
    %max3A_212 = vector.broadcast %mul3A_186 : vector<32x1xf32> to vector<32x1024xf32>
    %max3A_213 = arith.maximumf %dot_general3A_194, %max3A_212 : vector<32x1024xf32>
    %mul3A_214 = arith.mulf %mul3A_207, %max3A_213 : vector<32x1024xf32>
    %mul3A_215 = arith.mulf %mul3A_209, %max3A_213 : vector<32x1024xf32>
    %reduce_sum3A_216 = arith.constant dense<0.000000e+00> : vector<32xf32>
    %reduce_sum3A_217 = vector.multi_reduction <add>, %mul3A_215, %reduce_sum3A_216 [1] : vector<32x1024xf32> to vector<32xf32>
    %broadcast_in_dim3A_218 = vector.shape_cast %reduce_sum3A_217 : vector<32xf32> to vector<32x1xf32>
    %log3A_219 = math.log %broadcast_in_dim3A_218 : vector<32x1xf32>
    %add3A_220 = arith.addf %log3A_219, %add3A_211 : vector<32x1xf32>
    %dot_general3A_221 = arith.constant dense<0.000000e+00> : vector<32x1xf32>
    %dot_general3A_222 = tpu.matmul %convert_element_type3A_59, %add3A_220, %dot_general3A_221 {dimension_numbers = #tpu.dot_dimension_numbers<[1], [0], [0], [1], [0, 0, 1, 1], [], []>, precision = #tpu.contract_precision<fp32>, transpose_lhs_hint = false} : vector<32x32xf32>, vector<32x1xf32>, vector<32x1xf32> -> vector<32x1xf32>
    %eq3A_223 = arith.constant 4 : i32
    %eq3A_224 = vector.broadcast %eq3A_223 : i32 to vector<32x1xi32>
    %eq3A_225 = arith.cmpi eq, %get3A_43, %eq3A_224 : vector<32x1xi32>
    %select_n3A_226 = arith.select %eq3A_225, %dot_general3A_222, %select_n3A_180 : vector<32x1xi1>, vector<32x1xf32>
    %reduce_sum3A_227 = arith.constant dense<0.000000e+00> : vector<32xf32>
    %reduce_sum3A_228 = vector.multi_reduction <add>, %mul3A_214, %reduce_sum3A_227 [1] : vector<32x1024xf32> to vector<32xf32>
    %broadcast_in_dim3A_229 = vector.shape_cast %reduce_sum3A_228 : vector<32xf32> to vector<32x1xf32>
    %mul3A_230 = arith.constant 1.60381094E-28 : f32
    %mul3A_231 = vector.broadcast %mul3A_230 : f32 to vector<32x1xf32>
    %mul3A_232 = arith.mulf %broadcast_in_dim3A_229, %mul3A_231 : vector<32x1xf32>
    %max3A_233 = vector.broadcast %mul3A_232 : vector<32x1xf32> to vector<32x1024xf32>
    %max3A_234 = arith.maximumf %mul3A_214, %max3A_233 : vector<32x1024xf32>
    %convert_element_type3A_235 = arith.truncf %max3A_234 : vector<32x1024xf32> to vector<32x1024xbf16>
    %get3A_236 = arith.constant 0 : index
    %get3A_237 = arith.constant 0 : index
    %get3A_238 = vector.load %arg1[%get3A_236, %get3A_237] : memref<1024x1024xbf16, #tpu.memory_space<vmem>>, vector<1024x1024xbf16>
    %dot_general3A_239 = arith.constant dense<0.000000e+00> : vector<32x1024xf32>
    %dot_general3A_240 = tpu.matmul %convert_element_type3A_235, %get3A_238, %dot_general3A_239 {dimension_numbers = #tpu.dot_dimension_numbers<[1], [0], [0], [1], [0, 0, 1, 1], [], []>, transpose_lhs_hint = false} : vector<32x1024xbf16>, vector<1024x1024xbf16>, vector<32x1024xf32> -> vector<32x1024xf32>
    %get3A_241 = arith.constant 4 : index
    %get3A_242 = arith.constant 0 : index
    %get3A_243 = arith.constant 0 : index
    %get3A_244 = vector.load %arg0[%get3A_241, %get3A_242, %get3A_243] : memref<64x32x1024xf32, #tpu.memory_space<vmem>>, vector<1x32x1024xf32>
    %get3A_245 = vector.shape_cast %get3A_244 : vector<1x32x1024xf32> to vector<32x1024xf32>
    %exp3A_246 = math.exp %get3A_245 : vector<32x1024xf32>
    %div3A_247 = arith.constant 1.000000e+00 : f32
    %div3A_248 = vector.broadcast %div3A_247 : f32 to vector<32x1xf32>
    %div3A_249 = arith.divf %div3A_248, %broadcast_in_dim3A_229 : vector<32x1xf32>
    %mul3A_250 = vector.broadcast %div3A_249 : vector<32x1xf32> to vector<32x1024xf32>
    %mul3A_251 = arith.mulf %exp3A_246, %mul3A_250 : vector<32x1024xf32>
    %mul3A_252 = vector.broadcast %convert_element_type3A_66 : vector<1x1024xf32> to vector<32x1024xf32>
    %mul3A_253 = arith.mulf %mul3A_252, %mul3A_251 : vector<32x1024xf32>
    %mul3A_254 = vector.broadcast %add3A_40 : vector<1x1024xf32> to vector<32x1024xf32>
    %mul3A_255 = arith.mulf %mul3A_254, %mul3A_251 : vector<32x1024xf32>
    %log3A_256 = math.log %broadcast_in_dim3A_229 : vector<32x1xf32>
    %add3A_257 = arith.addf %add3A_211, %log3A_256 : vector<32x1xf32>
    %max3A_258 = vector.broadcast %mul3A_232 : vector<32x1xf32> to vector<32x1024xf32>
    %max3A_259 = arith.maximumf %dot_general3A_240, %max3A_258 : vector<32x1024xf32>
    %mul3A_260 = arith.mulf %mul3A_253, %max3A_259 : vector<32x1024xf32>
    %mul3A_261 = arith.mulf %mul3A_255, %max3A_259 : vector<32x1024xf32>
    %reduce_sum3A_262 = arith.constant dense<0.000000e+00> : vector<32xf32>
    %reduce_sum3A_263 = vector.multi_reduction <add>, %mul3A_261, %reduce_sum3A_262 [1] : vector<32x1024xf32> to vector<32xf32>
    %broadcast_in_dim3A_264 = vector.shape_cast %reduce_sum3A_263 : vector<32xf32> to vector<32x1xf32>
    %log3A_265 = math.log %broadcast_in_dim3A_264 : vector<32x1xf32>
    %add3A_266 = arith.addf %log3A_265, %add3A_257 : vector<32x1xf32>
    %dot_general3A_267 = arith.constant dense<0.000000e+00> : vector<32x1xf32>
    %dot_general3A_268 = tpu.matmul %convert_element_type3A_59, %add3A_266, %dot_general3A_267 {dimension_numbers = #tpu.dot_dimension_numbers<[1], [0], [0], [1], [0, 0, 1, 1], [], []>, precision = #tpu.contract_precision<fp32>, transpose_lhs_hint = false} : vector<32x32xf32>, vector<32x1xf32>, vector<32x1xf32> -> vector<32x1xf32>
    %eq3A_269 = arith.constant 5 : i32
    %eq3A_270 = vector.broadcast %eq3A_269 : i32 to vector<32x1xi32>
    %eq3A_271 = arith.cmpi eq, %get3A_43, %eq3A_270 : vector<32x1xi32>
    %select_n3A_272 = arith.select %eq3A_271, %dot_general3A_268, %select_n3A_226 : vector<32x1xi1>, vector<32x1xf32>
    %reduce_sum3A_273 = arith.constant dense<0.000000e+00> : vector<32xf32>
    %reduce_sum3A_274 = vector.multi_reduction <add>, %mul3A_260, %reduce_sum3A_273 [1] : vector<32x1024xf32> to vector<32xf32>
    %broadcast_in_dim3A_275 = vector.shape_cast %reduce_sum3A_274 : vector<32xf32> to vector<32x1xf32>
    %mul3A_276 = arith.constant 1.60381094E-28 : f32
    %mul3A_277 = vector.broadcast %mul3A_276 : f32 to vector<32x1xf32>
    %mul3A_278 = arith.mulf %broadcast_in_dim3A_275, %mul3A_277 : vector<32x1xf32>
    %max3A_279 = vector.broadcast %mul3A_278 : vector<32x1xf32> to vector<32x1024xf32>
    %max3A_280 = arith.maximumf %mul3A_260, %max3A_279 : vector<32x1024xf32>
    %convert_element_type3A_281 = arith.truncf %max3A_280 : vector<32x1024xf32> to vector<32x1024xbf16>
    %get3A_282 = arith.constant 0 : index
    %get3A_283 = arith.constant 0 : index
    %get3A_284 = vector.load %arg1[%get3A_282, %get3A_283] : memref<1024x1024xbf16, #tpu.memory_space<vmem>>, vector<1024x1024xbf16>
    %dot_general3A_285 = arith.constant dense<0.000000e+00> : vector<32x1024xf32>
    %dot_general3A_286 = tpu.matmul %convert_element_type3A_281, %get3A_284, %dot_general3A_285 {dimension_numbers = #tpu.dot_dimension_numbers<[1], [0], [0], [1], [0, 0, 1, 1], [], []>, transpose_lhs_hint = false} : vector<32x1024xbf16>, vector<1024x1024xbf16>, vector<32x1024xf32> -> vector<32x1024xf32>
    %get3A_287 = arith.constant 5 : index
    %get3A_288 = arith.constant 0 : index
    %get3A_289 = arith.constant 0 : index
    %get3A_290 = vector.load %arg0[%get3A_287, %get3A_288, %get3A_289] : memref<64x32x1024xf32, #tpu.memory_space<vmem>>, vector<1x32x1024xf32>
    %get3A_291 = vector.shape_cast %get3A_290 : vector<1x32x1024xf32> to vector<32x1024xf32>
    %exp3A_292 = math.exp %get3A_291 : vector<32x1024xf32>
    %div3A_293 = arith.constant 1.000000e+00 : f32
    %div3A_294 = vector.broadcast %div3A_293 : f32 to vector<32x1xf32>
    %div3A_295 = arith.divf %div3A_294, %broadcast_in_dim3A_275 : vector<32x1xf32>
    %mul3A_296 = vector.broadcast %div3A_295 : vector<32x1xf32> to vector<32x1024xf32>
    %mul3A_297 = arith.mulf %exp3A_292, %mul3A_296 : vector<32x1024xf32>
    %mul3A_298 = vector.broadcast %convert_element_type3A_66 : vector<1x1024xf32> to vector<32x1024xf32>
    %mul3A_299 = arith.mulf %mul3A_298, %mul3A_297 : vector<32x1024xf32>
    %mul3A_300 = vector.broadcast %add3A_40 : vector<1x1024xf32> to vector<32x1024xf32>
    %mul3A_301 = arith.mulf %mul3A_300, %mul3A_297 : vector<32x1024xf32>
    %log3A_302 = math.log %broadcast_in_dim3A_275 : vector<32x1xf32>
    %add3A_303 = arith.addf %add3A_257, %log3A_302 : vector<32x1xf32>
    %max3A_304 = vector.broadcast %mul3A_278 : vector<32x1xf32> to vector<32x1024xf32>
    %max3A_305 = arith.maximumf %dot_general3A_286, %max3A_304 : vector<32x1024xf32>
    %mul3A_306 = arith.mulf %mul3A_299, %max3A_305 : vector<32x1024xf32>
    %mul3A_307 = arith.mulf %mul3A_301, %max3A_305 : vector<32x1024xf32>
    %reduce_sum3A_308 = arith.constant dense<0.000000e+00> : vector<32xf32>
    %reduce_sum3A_309 = vector.multi_reduction <add>, %mul3A_307, %reduce_sum3A_308 [1] : vector<32x1024xf32> to vector<32xf32>
    %broadcast_in_dim3A_310 = vector.shape_cast %reduce_sum3A_309 : vector<32xf32> to vector<32x1xf32>
    %log3A_311 = math.log %broadcast_in_dim3A_310 : vector<32x1xf32>
    %add3A_312 = arith.addf %log3A_311, %add3A_303 : vector<32x1xf32>
    %dot_general3A_313 = arith.constant dense<0.000000e+00> : vector<32x1xf32>
    %dot_general3A_314 = tpu.matmul %convert_element_type3A_59, %add3A_312, %dot_general3A_313 {dimension_numbers = #tpu.dot_dimension_numbers<[1], [0], [0], [1], [0, 0, 1, 1], [], []>, precision = #tpu.contract_precision<fp32>, transpose_lhs_hint = false} : vector<32x32xf32>, vector<32x1xf32>, vector<32x1xf32> -> vector<32x1xf32>
    %eq3A_315 = arith.constant 6 : i32
    %eq3A_316 = vector.broadcast %eq3A_315 : i32 to vector<32x1xi32>
    %eq3A_317 = arith.cmpi eq, %get3A_43, %eq3A_316 : vector<32x1xi32>
    %select_n3A_318 = arith.select %eq3A_317, %dot_general3A_314, %select_n3A_272 : vector<32x1xi1>, vector<32x1xf32>
    %reduce_sum3A_319 = arith.constant dense<0.000000e+00> : vector<32xf32>
    %reduce_sum3A_320 = vector.multi_reduction <add>, %mul3A_306, %reduce_sum3A_319 [1] : vector<32x1024xf32> to vector<32xf32>
    %broadcast_in_dim3A_321 = vector.shape_cast %reduce_sum3A_320 : vector<32xf32> to vector<32x1xf32>
    %mul3A_322 = arith.constant 1.60381094E-28 : f32
    %mul3A_323 = vector.broadcast %mul3A_322 : f32 to vector<32x1xf32>
    %mul3A_324 = arith.mulf %broadcast_in_dim3A_321, %mul3A_323 : vector<32x1xf32>
    %max3A_325 = vector.broadcast %mul3A_324 : vector<32x1xf32> to vector<32x1024xf32>
    %max3A_326 = arith.maximumf %mul3A_306, %max3A_325 : vector<32x1024xf32>
    %convert_element_type3A_327 = arith.truncf %max3A_326 : vector<32x1024xf32> to vector<32x1024xbf16>
    %get3A_328 = arith.constant 0 : index
    %get3A_329 = arith.constant 0 : index
    %get3A_330 = vector.load %arg1[%get3A_328, %get3A_329] : memref<1024x1024xbf16, #tpu.memory_space<vmem>>, vector<1024x1024xbf16>
    %dot_general3A_331 = arith.constant dense<0.000000e+00> : vector<32x1024xf32>
    %dot_general3A_332 = tpu.matmul %convert_element_type3A_327, %get3A_330, %dot_general3A_331 {dimension_numbers = #tpu.dot_dimension_numbers<[1], [0], [0], [1], [0, 0, 1, 1], [], []>, transpose_lhs_hint = false} : vector<32x1024xbf16>, vector<1024x1024xbf16>, vector<32x1024xf32> -> vector<32x1024xf32>
    %get3A_333 = arith.constant 6 : index
    %get3A_334 = arith.constant 0 : index
    %get3A_335 = arith.constant 0 : index
    %get3A_336 = vector.load %arg0[%get3A_333, %get3A_334, %get3A_335] : memref<64x32x1024xf32, #tpu.memory_space<vmem>>, vector<1x32x1024xf32>
    %get3A_337 = vector.shape_cast %get3A_336 : vector<1x32x1024xf32> to vector<32x1024xf32>
    %exp3A_338 = math.exp %get3A_337 : vector<32x1024xf32>
    %div3A_339 = arith.constant 1.000000e+00 : f32
    %div3A_340 = vector.broadcast %div3A_339 : f32 to vector<32x1xf32>
    %div3A_341 = arith.divf %div3A_340, %broadcast_in_dim3A_321 : vector<32x1xf32>
    %mul3A_342 = vector.broadcast %div3A_341 : vector<32x1xf32> to vector<32x1024xf32>
    %mul3A_343 = arith.mulf %exp3A_338, %mul3A_342 : vector<32x1024xf32>
    %mul3A_344 = vector.broadcast %convert_element_type3A_66 : vector<1x1024xf32> to vector<32x1024xf32>
    %mul3A_345 = arith.mulf %mul3A_344, %mul3A_343 : vector<32x1024xf32>
    %mul3A_346 = vector.broadcast %add3A_40 : vector<1x1024xf32> to vector<32x1024xf32>
    %mul3A_347 = arith.mulf %mul3A_346, %mul3A_343 : vector<32x1024xf32>
    %log3A_348 = math.log %broadcast_in_dim3A_321 : vector<32x1xf32>
    %add3A_349 = arith.addf %add3A_303, %log3A_348 : vector<32x1xf32>
    %max3A_350 = vector.broadcast %mul3A_324 : vector<32x1xf32> to vector<32x1024xf32>
    %max3A_351 = arith.maximumf %dot_general3A_332, %max3A_350 : vector<32x1024xf32>
    %mul3A_352 = arith.mulf %mul3A_345, %max3A_351 : vector<32x1024xf32>
    %mul3A_353 = arith.mulf %mul3A_347, %max3A_351 : vector<32x1024xf32>
    %reduce_sum3A_354 = arith.constant dense<0.000000e+00> : vector<32xf32>
    %reduce_sum3A_355 = vector.multi_reduction <add>, %mul3A_353, %reduce_sum3A_354 [1] : vector<32x1024xf32> to vector<32xf32>
    %broadcast_in_dim3A_356 = vector.shape_cast %reduce_sum3A_355 : vector<32xf32> to vector<32x1xf32>
    %log3A_357 = math.log %broadcast_in_dim3A_356 : vector<32x1xf32>
    %add3A_358 = arith.addf %log3A_357, %add3A_349 : vector<32x1xf32>
    %dot_general3A_359 = arith.constant dense<0.000000e+00> : vector<32x1xf32>
    %dot_general3A_360 = tpu.matmul %convert_element_type3A_59, %add3A_358, %dot_general3A_359 {dimension_numbers = #tpu.dot_dimension_numbers<[1], [0], [0], [1], [0, 0, 1, 1], [], []>, precision = #tpu.contract_precision<fp32>, transpose_lhs_hint = false} : vector<32x32xf32>, vector<32x1xf32>, vector<32x1xf32> -> vector<32x1xf32>
    %eq3A_361 = arith.constant 7 : i32
    %eq3A_362 = vector.broadcast %eq3A_361 : i32 to vector<32x1xi32>
    %eq3A_363 = arith.cmpi eq, %get3A_43, %eq3A_362 : vector<32x1xi32>
    %select_n3A_364 = arith.select %eq3A_363, %dot_general3A_360, %select_n3A_318 : vector<32x1xi1>, vector<32x1xf32>
    %reduce_sum3A_365 = arith.constant dense<0.000000e+00> : vector<32xf32>
    %reduce_sum3A_366 = vector.multi_reduction <add>, %mul3A_352, %reduce_sum3A_365 [1] : vector<32x1024xf32> to vector<32xf32>
    %broadcast_in_dim3A_367 = vector.shape_cast %reduce_sum3A_366 : vector<32xf32> to vector<32x1xf32>
    %mul3A_368 = arith.constant 1.60381094E-28 : f32
    %mul3A_369 = vector.broadcast %mul3A_368 : f32 to vector<32x1xf32>
    %mul3A_370 = arith.mulf %broadcast_in_dim3A_367, %mul3A_369 : vector<32x1xf32>
    %max3A_371 = vector.broadcast %mul3A_370 : vector<32x1xf32> to vector<32x1024xf32>
    %max3A_372 = arith.maximumf %mul3A_352, %max3A_371 : vector<32x1024xf32>
    %convert_element_type3A_373 = arith.truncf %max3A_372 : vector<32x1024xf32> to vector<32x1024xbf16>
    %get3A_374 = arith.constant 0 : index
    %get3A_375 = arith.constant 0 : index
    %get3A_376 = vector.load %arg1[%get3A_374, %get3A_375] : memref<1024x1024xbf16, #tpu.memory_space<vmem>>, vector<1024x1024xbf16>
    %dot_general3A_377 = arith.constant dense<0.000000e+00> : vector<32x1024xf32>
    %dot_general3A_378 = tpu.matmul %convert_element_type3A_373, %get3A_376, %dot_general3A_377 {dimension_numbers = #tpu.dot_dimension_numbers<[1], [0], [0], [1], [0, 0, 1, 1], [], []>, transpose_lhs_hint = false} : vector<32x1024xbf16>, vector<1024x1024xbf16>, vector<32x1024xf32> -> vector<32x1024xf32>
    %get3A_379 = arith.constant 7 : index
    %get3A_380 = arith.constant 0 : index
    %get3A_381 = arith.constant 0 : index
    %get3A_382 = vector.load %arg0[%get3A_379, %get3A_380, %get3A_381] : memref<64x32x1024xf32, #tpu.memory_space<vmem>>, vector<1x32x1024xf32>
    %get3A_383 = vector.shape_cast %get3A_382 : vector<1x32x1024xf32> to vector<32x1024xf32>
    %exp3A_384 = math.exp %get3A_383 : vector<32x1024xf32>
    %div3A_385 = arith.constant 1.000000e+00 : f32
    %div3A_386 = vector.broadcast %div3A_385 : f32 to vector<32x1xf32>
    %div3A_387 = arith.divf %div3A_386, %broadcast_in_dim3A_367 : vector<32x1xf32>
    %mul3A_388 = vector.broadcast %div3A_387 : vector<32x1xf32> to vector<32x1024xf32>
    %mul3A_389 = arith.mulf %exp3A_384, %mul3A_388 : vector<32x1024xf32>
    %mul3A_390 = vector.broadcast %convert_element_type3A_66 : vector<1x1024xf32> to vector<32x1024xf32>
    %mul3A_391 = arith.mulf %mul3A_390, %mul3A_389 : vector<32x1024xf32>
    %mul3A_392 = vector.broadcast %add3A_40 : vector<1x1024xf32> to vector<32x1024xf32>
    %mul3A_393 = arith.mulf %mul3A_392, %mul3A_389 : vector<32x1024xf32>
    %log3A_394 = math.log %broadcast_in_dim3A_367 : vector<32x1xf32>
    %add3A_395 = arith.addf %add3A_349, %log3A_394 : vector<32x1xf32>
    %max3A_396 = vector.broadcast %mul3A_370 : vector<32x1xf32> to vector<32x1024xf32>
    %max3A_397 = arith.maximumf %dot_general3A_378, %max3A_396 : vector<32x1024xf32>
    %mul3A_398 = arith.mulf %mul3A_391, %max3A_397 : vector<32x1024xf32>
    %mul3A_399 = arith.mulf %mul3A_393, %max3A_397 : vector<32x1024xf32>
    %reduce_sum3A_400 = arith.constant dense<0.000000e+00> : vector<32xf32>
    %reduce_sum3A_401 = vector.multi_reduction <add>, %mul3A_399, %reduce_sum3A_400 [1] : vector<32x1024xf32> to vector<32xf32>
    %broadcast_in_dim3A_402 = vector.shape_cast %reduce_sum3A_401 : vector<32xf32> to vector<32x1xf32>
    %log3A_403 = math.log %broadcast_in_dim3A_402 : vector<32x1xf32>
    %add3A_404 = arith.addf %log3A_403, %add3A_395 : vector<32x1xf32>
    %dot_general3A_405 = arith.constant dense<0.000000e+00> : vector<32x1xf32>
    %dot_general3A_406 = tpu.matmul %convert_element_type3A_59, %add3A_404, %dot_general3A_405 {dimension_numbers = #tpu.dot_dimension_numbers<[1], [0], [0], [1], [0, 0, 1, 1], [], []>, precision = #tpu.contract_precision<fp32>, transpose_lhs_hint = false} : vector<32x32xf32>, vector<32x1xf32>, vector<32x1xf32> -> vector<32x1xf32>
    %eq3A_407 = arith.constant 8 : i32
    %eq3A_408 = vector.broadcast %eq3A_407 : i32 to vector<32x1xi32>
    %eq3A_409 = arith.cmpi eq, %get3A_43, %eq3A_408 : vector<32x1xi32>
    %select_n3A_410 = arith.select %eq3A_409, %dot_general3A_406, %select_n3A_364 : vector<32x1xi1>, vector<32x1xf32>
    %reduce_sum3A_411 = arith.constant dense<0.000000e+00> : vector<32xf32>
    %reduce_sum3A_412 = vector.multi_reduction <add>, %mul3A_398, %reduce_sum3A_411 [1] : vector<32x1024xf32> to vector<32xf32>
    %broadcast_in_dim3A_413 = vector.shape_cast %reduce_sum3A_412 : vector<32xf32> to vector<32x1xf32>
    %mul3A_414 = arith.constant 1.60381094E-28 : f32
    %mul3A_415 = vector.broadcast %mul3A_414 : f32 to vector<32x1xf32>
    %mul3A_416 = arith.mulf %broadcast_in_dim3A_413, %mul3A_415 : vector<32x1xf32>
    %max3A_417 = vector.broadcast %mul3A_416 : vector<32x1xf32> to vector<32x1024xf32>
    %max3A_418 = arith.maximumf %mul3A_398, %max3A_417 : vector<32x1024xf32>
    %convert_element_type3A_419 = arith.truncf %max3A_418 : vector<32x1024xf32> to vector<32x1024xbf16>
    %get3A_420 = arith.constant 0 : index
    %get3A_421 = arith.constant 0 : index
    %get3A_422 = vector.load %arg1[%get3A_420, %get3A_421] : memref<1024x1024xbf16, #tpu.memory_space<vmem>>, vector<1024x1024xbf16>
    %dot_general3A_423 = arith.constant dense<0.000000e+00> : vector<32x1024xf32>
    %dot_general3A_424 = tpu.matmul %convert_element_type3A_419, %get3A_422, %dot_general3A_423 {dimension_numbers = #tpu.dot_dimension_numbers<[1], [0], [0], [1], [0, 0, 1, 1], [], []>, transpose_lhs_hint = false} : vector<32x1024xbf16>, vector<1024x1024xbf16>, vector<32x1024xf32> -> vector<32x1024xf32>
    %get3A_425 = arith.constant 8 : index
    %get3A_426 = arith.constant 0 : index
    %get3A_427 = arith.constant 0 : index
    %get3A_428 = vector.load %arg0[%get3A_425, %get3A_426, %get3A_427] : memref<64x32x1024xf32, #tpu.memory_space<vmem>>, vector<1x32x1024xf32>
    %get3A_429 = vector.shape_cast %get3A_428 : vector<1x32x1024xf32> to vector<32x1024xf32>
    %exp3A_430 = math.exp %get3A_429 : vector<32x1024xf32>
    %div3A_431 = arith.constant 1.000000e+00 : f32
    %div3A_432 = vector.broadcast %div3A_431 : f32 to vector<32x1xf32>
    %div3A_433 = arith.divf %div3A_432, %broadcast_in_dim3A_413 : vector<32x1xf32>
    %mul3A_434 = vector.broadcast %div3A_433 : vector<32x1xf32> to vector<32x1024xf32>
    %mul3A_435 = arith.mulf %exp3A_430, %mul3A_434 : vector<32x1024xf32>
    %mul3A_436 = vector.broadcast %convert_element_type3A_66 : vector<1x1024xf32> to vector<32x1024xf32>
    %mul3A_437 = arith.mulf %mul3A_436, %mul3A_435 : vector<32x1024xf32>
    %mul3A_438 = vector.broadcast %add3A_40 : vector<1x1024xf32> to vector<32x1024xf32>
    %mul3A_439 = arith.mulf %mul3A_438, %mul3A_435 : vector<32x1024xf32>
    %log3A_440 = math.log %broadcast_in_dim3A_413 : vector<32x1xf32>
    %add3A_441 = arith.addf %add3A_395, %log3A_440 : vector<32x1xf32>
    %max3A_442 = vector.broadcast %mul3A_416 : vector<32x1xf32> to vector<32x1024xf32>
    %max3A_443 = arith.maximumf %dot_general3A_424, %max3A_442 : vector<32x1024xf32>
    %mul3A_444 = arith.mulf %mul3A_437, %max3A_443 : vector<32x1024xf32>
    %mul3A_445 = arith.mulf %mul3A_439, %max3A_443 : vector<32x1024xf32>
    %reduce_sum3A_446 = arith.constant dense<0.000000e+00> : vector<32xf32>
    %reduce_sum3A_447 = vector.multi_reduction <add>, %mul3A_445, %reduce_sum3A_446 [1] : vector<32x1024xf32> to vector<32xf32>
    %broadcast_in_dim3A_448 = vector.shape_cast %reduce_sum3A_447 : vector<32xf32> to vector<32x1xf32>
    %log3A_449 = math.log %broadcast_in_dim3A_448 : vector<32x1xf32>
    %add3A_450 = arith.addf %log3A_449, %add3A_441 : vector<32x1xf32>
    %dot_general3A_451 = arith.constant dense<0.000000e+00> : vector<32x1xf32>
    %dot_general3A_452 = tpu.matmul %convert_element_type3A_59, %add3A_450, %dot_general3A_451 {dimension_numbers = #tpu.dot_dimension_numbers<[1], [0], [0], [1], [0, 0, 1, 1], [], []>, precision = #tpu.contract_precision<fp32>, transpose_lhs_hint = false} : vector<32x32xf32>, vector<32x1xf32>, vector<32x1xf32> -> vector<32x1xf32>
    %eq3A_453 = arith.constant 9 : i32
    %eq3A_454 = vector.broadcast %eq3A_453 : i32 to vector<32x1xi32>
    %eq3A_455 = arith.cmpi eq, %get3A_43, %eq3A_454 : vector<32x1xi32>
    %select_n3A_456 = arith.select %eq3A_455, %dot_general3A_452, %select_n3A_410 : vector<32x1xi1>, vector<32x1xf32>
    %reduce_sum3A_457 = arith.constant dense<0.000000e+00> : vector<32xf32>
    %reduce_sum3A_458 = vector.multi_reduction <add>, %mul3A_444, %reduce_sum3A_457 [1] : vector<32x1024xf32> to vector<32xf32>
    %broadcast_in_dim3A_459 = vector.shape_cast %reduce_sum3A_458 : vector<32xf32> to vector<32x1xf32>
    %mul3A_460 = arith.constant 1.60381094E-28 : f32
    %mul3A_461 = vector.broadcast %mul3A_460 : f32 to vector<32x1xf32>
    %mul3A_462 = arith.mulf %broadcast_in_dim3A_459, %mul3A_461 : vector<32x1xf32>
    %max3A_463 = vector.broadcast %mul3A_462 : vector<32x1xf32> to vector<32x1024xf32>
    %max3A_464 = arith.maximumf %mul3A_444, %max3A_463 : vector<32x1024xf32>
    %convert_element_type3A_465 = arith.truncf %max3A_464 : vector<32x1024xf32> to vector<32x1024xbf16>
    %get3A_466 = arith.constant 0 : index
    %get3A_467 = arith.constant 0 : index
    %get3A_468 = vector.load %arg1[%get3A_466, %get3A_467] : memref<1024x1024xbf16, #tpu.memory_space<vmem>>, vector<1024x1024xbf16>
    %dot_general3A_469 = arith.constant dense<0.000000e+00> : vector<32x1024xf32>
    %dot_general3A_470 = tpu.matmul %convert_element_type3A_465, %get3A_468, %dot_general3A_469 {dimension_numbers = #tpu.dot_dimension_numbers<[1], [0], [0], [1], [0, 0, 1, 1], [], []>, transpose_lhs_hint = false} : vector<32x1024xbf16>, vector<1024x1024xbf16>, vector<32x1024xf32> -> vector<32x1024xf32>
    %get3A_471 = arith.constant 9 : index
    %get3A_472 = arith.constant 0 : index
    %get3A_473 = arith.constant 0 : index
    %get3A_474 = vector.load %arg0[%get3A_471, %get3A_472, %get3A_473] : memref<64x32x1024xf32, #tpu.memory_space<vmem>>, vector<1x32x1024xf32>
    %get3A_475 = vector.shape_cast %get3A_474 : vector<1x32x1024xf32> to vector<32x1024xf32>
    %exp3A_476 = math.exp %get3A_475 : vector<32x1024xf32>
    %div3A_477 = arith.constant 1.000000e+00 : f32
    %div3A_478 = vector.broadcast %div3A_477 : f32 to vector<32x1xf32>
    %div3A_479 = arith.divf %div3A_478, %broadcast_in_dim3A_459 : vector<32x1xf32>
    %mul3A_480 = vector.broadcast %div3A_479 : vector<32x1xf32> to vector<32x1024xf32>
    %mul3A_481 = arith.mulf %exp3A_476, %mul3A_480 : vector<32x1024xf32>
    %mul3A_482 = vector.broadcast %convert_element_type3A_66 : vector<1x1024xf32> to vector<32x1024xf32>
    %mul3A_483 = arith.mulf %mul3A_482, %mul3A_481 : vector<32x1024xf32>
    %mul3A_484 = vector.broadcast %add3A_40 : vector<1x1024xf32> to vector<32x1024xf32>
    %mul3A_485 = arith.mulf %mul3A_484, %mul3A_481 : vector<32x1024xf32>
    %log3A_486 = math.log %broadcast_in_dim3A_459 : vector<32x1xf32>
    %add3A_487 = arith.addf %add3A_441, %log3A_486 : vector<32x1xf32>
    %max3A_488 = vector.broadcast %mul3A_462 : vector<32x1xf32> to vector<32x1024xf32>
    %max3A_489 = arith.maximumf %dot_general3A_470, %max3A_488 : vector<32x1024xf32>
    %mul3A_490 = arith.mulf %mul3A_483, %max3A_489 : vector<32x1024xf32>
    %mul3A_491 = arith.mulf %mul3A_485, %max3A_489 : vector<32x1024xf32>
    %reduce_sum3A_492 = arith.constant dense<0.000000e+00> : vector<32xf32>
    %reduce_sum3A_493 = vector.multi_reduction <add>, %mul3A_491, %reduce_sum3A_492 [1] : vector<32x1024xf32> to vector<32xf32>
    %broadcast_in_dim3A_494 = vector.shape_cast %reduce_sum3A_493 : vector<32xf32> to vector<32x1xf32>
    %log3A_495 = math.log %broadcast_in_dim3A_494 : vector<32x1xf32>
    %add3A_496 = arith.addf %log3A_495, %add3A_487 : vector<32x1xf32>
    %dot_general3A_497 = arith.constant dense<0.000000e+00> : vector<32x1xf32>
    %dot_general3A_498 = tpu.matmul %convert_element_type3A_59, %add3A_496, %dot_general3A_497 {dimension_numbers = #tpu.dot_dimension_numbers<[1], [0], [0], [1], [0, 0, 1, 1], [], []>, precision = #tpu.contract_precision<fp32>, transpose_lhs_hint = false} : vector<32x32xf32>, vector<32x1xf32>, vector<32x1xf32> -> vector<32x1xf32>
    %eq3A_499 = arith.constant 10 : i32
    %eq3A_500 = vector.broadcast %eq3A_499 : i32 to vector<32x1xi32>
    %eq3A_501 = arith.cmpi eq, %get3A_43, %eq3A_500 : vector<32x1xi32>
    %select_n3A_502 = arith.select %eq3A_501, %dot_general3A_498, %select_n3A_456 : vector<32x1xi1>, vector<32x1xf32>
    %reduce_sum3A_503 = arith.constant dense<0.000000e+00> : vector<32xf32>
    %reduce_sum3A_504 = vector.multi_reduction <add>, %mul3A_490, %reduce_sum3A_503 [1] : vector<32x1024xf32> to vector<32xf32>
    %broadcast_in_dim3A_505 = vector.shape_cast %reduce_sum3A_504 : vector<32xf32> to vector<32x1xf32>
    %mul3A_506 = arith.constant 1.60381094E-28 : f32
    %mul3A_507 = vector.broadcast %mul3A_506 : f32 to vector<32x1xf32>
    %mul3A_508 = arith.mulf %broadcast_in_dim3A_505, %mul3A_507 : vector<32x1xf32>
    %max3A_509 = vector.broadcast %mul3A_508 : vector<32x1xf32> to vector<32x1024xf32>
    %max3A_510 = arith.maximumf %mul3A_490, %max3A_509 : vector<32x1024xf32>
    %convert_element_type3A_511 = arith.truncf %max3A_510 : vector<32x1024xf32> to vector<32x1024xbf16>
    %get3A_512 = arith.constant 0 : index
    %get3A_513 = arith.constant 0 : index
    %get3A_514 = vector.load %arg1[%get3A_512, %get3A_513] : memref<1024x1024xbf16, #tpu.memory_space<vmem>>, vector<1024x1024xbf16>
    %dot_general3A_515 = arith.constant dense<0.000000e+00> : vector<32x1024xf32>
    %dot_general3A_516 = tpu.matmul %convert_element_type3A_511, %get3A_514, %dot_general3A_515 {dimension_numbers = #tpu.dot_dimension_numbers<[1], [0], [0], [1], [0, 0, 1, 1], [], []>, transpose_lhs_hint = false} : vector<32x1024xbf16>, vector<1024x1024xbf16>, vector<32x1024xf32> -> vector<32x1024xf32>
    %get3A_517 = arith.constant 10 : index
    %get3A_518 = arith.constant 0 : index
    %get3A_519 = arith.constant 0 : index
    %get3A_520 = vector.load %arg0[%get3A_517, %get3A_518, %get3A_519] : memref<64x32x1024xf32, #tpu.memory_space<vmem>>, vector<1x32x1024xf32>
    %get3A_521 = vector.shape_cast %get3A_520 : vector<1x32x1024xf32> to vector<32x1024xf32>
    %exp3A_522 = math.exp %get3A_521 : vector<32x1024xf32>
    %div3A_523 = arith.constant 1.000000e+00 : f32
    %div3A_524 = vector.broadcast %div3A_523 : f32 to vector<32x1xf32>
    %div3A_525 = arith.divf %div3A_524, %broadcast_in_dim3A_505 : vector<32x1xf32>
    %mul3A_526 = vector.broadcast %div3A_525 : vector<32x1xf32> to vector<32x1024xf32>
    %mul3A_527 = arith.mulf %exp3A_522, %mul3A_526 : vector<32x1024xf32>
    %mul3A_528 = vector.broadcast %convert_element_type3A_66 : vector<1x1024xf32> to vector<32x1024xf32>
    %mul3A_529 = arith.mulf %mul3A_528, %mul3A_527 : vector<32x1024xf32>
    %mul3A_530 = vector.broadcast %add3A_40 : vector<1x1024xf32> to vector<32x1024xf32>
    %mul3A_531 = arith.mulf %mul3A_530, %mul3A_527 : vector<32x1024xf32>
    %log3A_532 = math.log %broadcast_in_dim3A_505 : vector<32x1xf32>
    %add3A_533 = arith.addf %add3A_487, %log3A_532 : vector<32x1xf32>
    %max3A_534 = vector.broadcast %mul3A_508 : vector<32x1xf32> to vector<32x1024xf32>
    %max3A_535 = arith.maximumf %dot_general3A_516, %max3A_534 : vector<32x1024xf32>
    %mul3A_536 = arith.mulf %mul3A_529, %max3A_535 : vector<32x1024xf32>
    %mul3A_537 = arith.mulf %mul3A_531, %max3A_535 : vector<32x1024xf32>
    %reduce_sum3A_538 = arith.constant dense<0.000000e+00> : vector<32xf32>
    %reduce_sum3A_539 = vector.multi_reduction <add>, %mul3A_537, %reduce_sum3A_538 [1] : vector<32x1024xf32> to vector<32xf32>
    %broadcast_in_dim3A_540 = vector.shape_cast %reduce_sum3A_539 : vector<32xf32> to vector<32x1xf32>
    %log3A_541 = math.log %broadcast_in_dim3A_540 : vector<32x1xf32>
    %add3A_542 = arith.addf %log3A_541, %add3A_533 : vector<32x1xf32>
    %dot_general3A_543 = arith.constant dense<0.000000e+00> : vector<32x1xf32>
    %dot_general3A_544 = tpu.matmul %convert_element_type3A_59, %add3A_542, %dot_general3A_543 {dimension_numbers = #tpu.dot_dimension_numbers<[1], [0], [0], [1], [0, 0, 1, 1], [], []>, precision = #tpu.contract_precision<fp32>, transpose_lhs_hint = false} : vector<32x32xf32>, vector<32x1xf32>, vector<32x1xf32> -> vector<32x1xf32>
    %eq3A_545 = arith.constant 11 : i32
    %eq3A_546 = vector.broadcast %eq3A_545 : i32 to vector<32x1xi32>
    %eq3A_547 = arith.cmpi eq, %get3A_43, %eq3A_546 : vector<32x1xi32>
    %select_n3A_548 = arith.select %eq3A_547, %dot_general3A_544, %select_n3A_502 : vector<32x1xi1>, vector<32x1xf32>
    %reduce_sum3A_549 = arith.constant dense<0.000000e+00> : vector<32xf32>
    %reduce_sum3A_550 = vector.multi_reduction <add>, %mul3A_536, %reduce_sum3A_549 [1] : vector<32x1024xf32> to vector<32xf32>
    %broadcast_in_dim3A_551 = vector.shape_cast %reduce_sum3A_550 : vector<32xf32> to vector<32x1xf32>
    %mul3A_552 = arith.constant 1.60381094E-28 : f32
    %mul3A_553 = vector.broadcast %mul3A_552 : f32 to vector<32x1xf32>
    %mul3A_554 = arith.mulf %broadcast_in_dim3A_551, %mul3A_553 : vector<32x1xf32>
    %max3A_555 = vector.broadcast %mul3A_554 : vector<32x1xf32> to vector<32x1024xf32>
    %max3A_556 = arith.maximumf %mul3A_536, %max3A_555 : vector<32x1024xf32>
    %convert_element_type3A_557 = arith.truncf %max3A_556 : vector<32x1024xf32> to vector<32x1024xbf16>
    %get3A_558 = arith.constant 0 : index
    %get3A_559 = arith.constant 0 : index
    %get3A_560 = vector.load %arg1[%get3A_558, %get3A_559] : memref<1024x1024xbf16, #tpu.memory_space<vmem>>, vector<1024x1024xbf16>
    %dot_general3A_561 = arith.constant dense<0.000000e+00> : vector<32x1024xf32>
    %dot_general3A_562 = tpu.matmul %convert_element_type3A_557, %get3A_560, %dot_general3A_561 {dimension_numbers = #tpu.dot_dimension_numbers<[1], [0], [0], [1], [0, 0, 1, 1], [], []>, transpose_lhs_hint = false} : vector<32x1024xbf16>, vector<1024x1024xbf16>, vector<32x1024xf32> -> vector<32x1024xf32>
    %get3A_563 = arith.constant 11 : index
    %get3A_564 = arith.constant 0 : index
    %get3A_565 = arith.constant 0 : index
    %get3A_566 = vector.load %arg0[%get3A_563, %get3A_564, %get3A_565] : memref<64x32x1024xf32, #tpu.memory_space<vmem>>, vector<1x32x1024xf32>
    %get3A_567 = vector.shape_cast %get3A_566 : vector<1x32x1024xf32> to vector<32x1024xf32>
    %exp3A_568 = math.exp %get3A_567 : vector<32x1024xf32>
    %div3A_569 = arith.constant 1.000000e+00 : f32
    %div3A_570 = vector.broadcast %div3A_569 : f32 to vector<32x1xf32>
    %div3A_571 = arith.divf %div3A_570, %broadcast_in_dim3A_551 : vector<32x1xf32>
    %mul3A_572 = vector.broadcast %div3A_571 : vector<32x1xf32> to vector<32x1024xf32>
    %mul3A_573 = arith.mulf %exp3A_568, %mul3A_572 : vector<32x1024xf32>
    %mul3A_574 = vector.broadcast %convert_element_type3A_66 : vector<1x1024xf32> to vector<32x1024xf32>
    %mul3A_575 = arith.mulf %mul3A_574, %mul3A_573 : vector<32x1024xf32>
    %mul3A_576 = vector.broadcast %add3A_40 : vector<1x1024xf32> to vector<32x1024xf32>
    %mul3A_577 = arith.mulf %mul3A_576, %mul3A_573 : vector<32x1024xf32>
    %log3A_578 = math.log %broadcast_in_dim3A_551 : vector<32x1xf32>
    %add3A_579 = arith.addf %add3A_533, %log3A_578 : vector<32x1xf32>
    %max3A_580 = vector.broadcast %mul3A_554 : vector<32x1xf32> to vector<32x1024xf32>
    %max3A_581 = arith.maximumf %dot_general3A_562, %max3A_580 : vector<32x1024xf32>
    %mul3A_582 = arith.mulf %mul3A_575, %max3A_581 : vector<32x1024xf32>
    %mul3A_583 = arith.mulf %mul3A_577, %max3A_581 : vector<32x1024xf32>
    %reduce_sum3A_584 = arith.constant dense<0.000000e+00> : vector<32xf32>
    %reduce_sum3A_585 = vector.multi_reduction <add>, %mul3A_583, %reduce_sum3A_584 [1] : vector<32x1024xf32> to vector<32xf32>
    %broadcast_in_dim3A_586 = vector.shape_cast %reduce_sum3A_585 : vector<32xf32> to vector<32x1xf32>
    %log3A_587 = math.log %broadcast_in_dim3A_586 : vector<32x1xf32>
    %add3A_588 = arith.addf %log3A_587, %add3A_579 : vector<32x1xf32>
    %dot_general3A_589 = arith.constant dense<0.000000e+00> : vector<32x1xf32>
    %dot_general3A_590 = tpu.matmul %convert_element_type3A_59, %add3A_588, %dot_general3A_589 {dimension_numbers = #tpu.dot_dimension_numbers<[1], [0], [0], [1], [0, 0, 1, 1], [], []>, precision = #tpu.contract_precision<fp32>, transpose_lhs_hint = false} : vector<32x32xf32>, vector<32x1xf32>, vector<32x1xf32> -> vector<32x1xf32>
    %eq3A_591 = arith.constant 12 : i32
    %eq3A_592 = vector.broadcast %eq3A_591 : i32 to vector<32x1xi32>
    %eq3A_593 = arith.cmpi eq, %get3A_43, %eq3A_592 : vector<32x1xi32>
    %select_n3A_594 = arith.select %eq3A_593, %dot_general3A_590, %select_n3A_548 : vector<32x1xi1>, vector<32x1xf32>
    %reduce_sum3A_595 = arith.constant dense<0.000000e+00> : vector<32xf32>
    %reduce_sum3A_596 = vector.multi_reduction <add>, %mul3A_582, %reduce_sum3A_595 [1] : vector<32x1024xf32> to vector<32xf32>
    %broadcast_in_dim3A_597 = vector.shape_cast %reduce_sum3A_596 : vector<32xf32> to vector<32x1xf32>
    %mul3A_598 = arith.constant 1.60381094E-28 : f32
    %mul3A_599 = vector.broadcast %mul3A_598 : f32 to vector<32x1xf32>
    %mul3A_600 = arith.mulf %broadcast_in_dim3A_597, %mul3A_599 : vector<32x1xf32>
    %max3A_601 = vector.broadcast %mul3A_600 : vector<32x1xf32> to vector<32x1024xf32>
    %max3A_602 = arith.maximumf %mul3A_582, %max3A_601 : vector<32x1024xf32>
    %convert_element_type3A_603 = arith.truncf %max3A_602 : vector<32x1024xf32> to vector<32x1024xbf16>
    %get3A_604 = arith.constant 0 : index
    %get3A_605 = arith.constant 0 : index
    %get3A_606 = vector.load %arg1[%get3A_604, %get3A_605] : memref<1024x1024xbf16, #tpu.memory_space<vmem>>, vector<1024x1024xbf16>
    %dot_general3A_607 = arith.constant dense<0.000000e+00> : vector<32x1024xf32>
    %dot_general3A_608 = tpu.matmul %convert_element_type3A_603, %get3A_606, %dot_general3A_607 {dimension_numbers = #tpu.dot_dimension_numbers<[1], [0], [0], [1], [0, 0, 1, 1], [], []>, transpose_lhs_hint = false} : vector<32x1024xbf16>, vector<1024x1024xbf16>, vector<32x1024xf32> -> vector<32x1024xf32>
    %get3A_609 = arith.constant 12 : index
    %get3A_610 = arith.constant 0 : index
    %get3A_611 = arith.constant 0 : index
    %get3A_612 = vector.load %arg0[%get3A_609, %get3A_610, %get3A_611] : memref<64x32x1024xf32, #tpu.memory_space<vmem>>, vector<1x32x1024xf32>
    %get3A_613 = vector.shape_cast %get3A_612 : vector<1x32x1024xf32> to vector<32x1024xf32>
    %exp3A_614 = math.exp %get3A_613 : vector<32x1024xf32>
    %div3A_615 = arith.constant 1.000000e+00 : f32
    %div3A_616 = vector.broadcast %div3A_615 : f32 to vector<32x1xf32>
    %div3A_617 = arith.divf %div3A_616, %broadcast_in_dim3A_597 : vector<32x1xf32>
    %mul3A_618 = vector.broadcast %div3A_617 : vector<32x1xf32> to vector<32x1024xf32>
    %mul3A_619 = arith.mulf %exp3A_614, %mul3A_618 : vector<32x1024xf32>
    %mul3A_620 = vector.broadcast %convert_element_type3A_66 : vector<1x1024xf32> to vector<32x1024xf32>
    %mul3A_621 = arith.mulf %mul3A_620, %mul3A_619 : vector<32x1024xf32>
    %mul3A_622 = vector.broadcast %add3A_40 : vector<1x1024xf32> to vector<32x1024xf32>
    %mul3A_623 = arith.mulf %mul3A_622, %mul3A_619 : vector<32x1024xf32>
    %log3A_624 = math.log %broadcast_in_dim3A_597 : vector<32x1xf32>
    %add3A_625 = arith.addf %add3A_579, %log3A_624 : vector<32x1xf32>
    %max3A_626 = vector.broadcast %mul3A_600 : vector<32x1xf32> to vector<32x1024xf32>
    %max3A_627 = arith.maximumf %dot_general3A_608, %max3A_626 : vector<32x1024xf32>
    %mul3A_628 = arith.mulf %mul3A_621, %max3A_627 : vector<32x1024xf32>
    %mul3A_629 = arith.mulf %mul3A_623, %max3A_627 : vector<32x1024xf32>
    %reduce_sum3A_630 = arith.constant dense<0.000000e+00> : vector<32xf32>
    %reduce_sum3A_631 = vector.multi_reduction <add>, %mul3A_629, %reduce_sum3A_630 [1] : vector<32x1024xf32> to vector<32xf32>
    %broadcast_in_dim3A_632 = vector.shape_cast %reduce_sum3A_631 : vector<32xf32> to vector<32x1xf32>
    %log3A_633 = math.log %broadcast_in_dim3A_632 : vector<32x1xf32>
    %add3A_634 = arith.addf %log3A_633, %add3A_625 : vector<32x1xf32>
    %dot_general3A_635 = arith.constant dense<0.000000e+00> : vector<32x1xf32>
    %dot_general3A_636 = tpu.matmul %convert_element_type3A_59, %add3A_634, %dot_general3A_635 {dimension_numbers = #tpu.dot_dimension_numbers<[1], [0], [0], [1], [0, 0, 1, 1], [], []>, precision = #tpu.contract_precision<fp32>, transpose_lhs_hint = false} : vector<32x32xf32>, vector<32x1xf32>, vector<32x1xf32> -> vector<32x1xf32>
    %eq3A_637 = arith.constant 13 : i32
    %eq3A_638 = vector.broadcast %eq3A_637 : i32 to vector<32x1xi32>
    %eq3A_639 = arith.cmpi eq, %get3A_43, %eq3A_638 : vector<32x1xi32>
    %select_n3A_640 = arith.select %eq3A_639, %dot_general3A_636, %select_n3A_594 : vector<32x1xi1>, vector<32x1xf32>
    %reduce_sum3A_641 = arith.constant dense<0.000000e+00> : vector<32xf32>
    %reduce_sum3A_642 = vector.multi_reduction <add>, %mul3A_628, %reduce_sum3A_641 [1] : vector<32x1024xf32> to vector<32xf32>
    %broadcast_in_dim3A_643 = vector.shape_cast %reduce_sum3A_642 : vector<32xf32> to vector<32x1xf32>
    %mul3A_644 = arith.constant 1.60381094E-28 : f32
    %mul3A_645 = vector.broadcast %mul3A_644 : f32 to vector<32x1xf32>
    %mul3A_646 = arith.mulf %broadcast_in_dim3A_643, %mul3A_645 : vector<32x1xf32>
    %max3A_647 = vector.broadcast %mul3A_646 : vector<32x1xf32> to vector<32x1024xf32>
    %max3A_648 = arith.maximumf %mul3A_628, %max3A_647 : vector<32x1024xf32>
    %convert_element_type3A_649 = arith.truncf %max3A_648 : vector<32x1024xf32> to vector<32x1024xbf16>
    %get3A_650 = arith.constant 0 : index
    %get3A_651 = arith.constant 0 : index
    %get3A_652 = vector.load %arg1[%get3A_650, %get3A_651] : memref<1024x1024xbf16, #tpu.memory_space<vmem>>, vector<1024x1024xbf16>
    %dot_general3A_653 = arith.constant dense<0.000000e+00> : vector<32x1024xf32>
    %dot_general3A_654 = tpu.matmul %convert_element_type3A_649, %get3A_652, %dot_general3A_653 {dimension_numbers = #tpu.dot_dimension_numbers<[1], [0], [0], [1], [0, 0, 1, 1], [], []>, transpose_lhs_hint = false} : vector<32x1024xbf16>, vector<1024x1024xbf16>, vector<32x1024xf32> -> vector<32x1024xf32>
    %get3A_655 = arith.constant 13 : index
    %get3A_656 = arith.constant 0 : index
    %get3A_657 = arith.constant 0 : index
    %get3A_658 = vector.load %arg0[%get3A_655, %get3A_656, %get3A_657] : memref<64x32x1024xf32, #tpu.memory_space<vmem>>, vector<1x32x1024xf32>
    %get3A_659 = vector.shape_cast %get3A_658 : vector<1x32x1024xf32> to vector<32x1024xf32>
    %exp3A_660 = math.exp %get3A_659 : vector<32x1024xf32>
    %div3A_661 = arith.constant 1.000000e+00 : f32
    %div3A_662 = vector.broadcast %div3A_661 : f32 to vector<32x1xf32>
    %div3A_663 = arith.divf %div3A_662, %broadcast_in_dim3A_643 : vector<32x1xf32>
    %mul3A_664 = vector.broadcast %div3A_663 : vector<32x1xf32> to vector<32x1024xf32>
    %mul3A_665 = arith.mulf %exp3A_660, %mul3A_664 : vector<32x1024xf32>
    %mul3A_666 = vector.broadcast %convert_element_type3A_66 : vector<1x1024xf32> to vector<32x1024xf32>
    %mul3A_667 = arith.mulf %mul3A_666, %mul3A_665 : vector<32x1024xf32>
    %mul3A_668 = vector.broadcast %add3A_40 : vector<1x1024xf32> to vector<32x1024xf32>
    %mul3A_669 = arith.mulf %mul3A_668, %mul3A_665 : vector<32x1024xf32>
    %log3A_670 = math.log %broadcast_in_dim3A_643 : vector<32x1xf32>
    %add3A_671 = arith.addf %add3A_625, %log3A_670 : vector<32x1xf32>
    %max3A_672 = vector.broadcast %mul3A_646 : vector<32x1xf32> to vector<32x1024xf32>
    %max3A_673 = arith.maximumf %dot_general3A_654, %max3A_672 : vector<32x1024xf32>
    %mul3A_674 = arith.mulf %mul3A_667, %max3A_673 : vector<32x1024xf32>
    %mul3A_675 = arith.mulf %mul3A_669, %max3A_673 : vector<32x1024xf32>
    %reduce_sum3A_676 = arith.constant dense<0.000000e+00> : vector<32xf32>
    %reduce_sum3A_677 = vector.multi_reduction <add>, %mul3A_675, %reduce_sum3A_676 [1] : vector<32x1024xf32> to vector<32xf32>
    %broadcast_in_dim3A_678 = vector.shape_cast %reduce_sum3A_677 : vector<32xf32> to vector<32x1xf32>
    %log3A_679 = math.log %broadcast_in_dim3A_678 : vector<32x1xf32>
    %add3A_680 = arith.addf %log3A_679, %add3A_671 : vector<32x1xf32>
    %dot_general3A_681 = arith.constant dense<0.000000e+00> : vector<32x1xf32>
    %dot_general3A_682 = tpu.matmul %convert_element_type3A_59, %add3A_680, %dot_general3A_681 {dimension_numbers = #tpu.dot_dimension_numbers<[1], [0], [0], [1], [0, 0, 1, 1], [], []>, precision = #tpu.contract_precision<fp32>, transpose_lhs_hint = false} : vector<32x32xf32>, vector<32x1xf32>, vector<32x1xf32> -> vector<32x1xf32>
    %eq3A_683 = arith.constant 14 : i32
    %eq3A_684 = vector.broadcast %eq3A_683 : i32 to vector<32x1xi32>
    %eq3A_685 = arith.cmpi eq, %get3A_43, %eq3A_684 : vector<32x1xi32>
    %select_n3A_686 = arith.select %eq3A_685, %dot_general3A_682, %select_n3A_640 : vector<32x1xi1>, vector<32x1xf32>
    %reduce_sum3A_687 = arith.constant dense<0.000000e+00> : vector<32xf32>
    %reduce_sum3A_688 = vector.multi_reduction <add>, %mul3A_674, %reduce_sum3A_687 [1] : vector<32x1024xf32> to vector<32xf32>
    %broadcast_in_dim3A_689 = vector.shape_cast %reduce_sum3A_688 : vector<32xf32> to vector<32x1xf32>
    %mul3A_690 = arith.constant 1.60381094E-28 : f32
    %mul3A_691 = vector.broadcast %mul3A_690 : f32 to vector<32x1xf32>
    %mul3A_692 = arith.mulf %broadcast_in_dim3A_689, %mul3A_691 : vector<32x1xf32>
    %max3A_693 = vector.broadcast %mul3A_692 : vector<32x1xf32> to vector<32x1024xf32>
    %max3A_694 = arith.maximumf %mul3A_674, %max3A_693 : vector<32x1024xf32>
    %convert_element_type3A_695 = arith.truncf %max3A_694 : vector<32x1024xf32> to vector<32x1024xbf16>
    %get3A_696 = arith.constant 0 : index
    %get3A_697 = arith.constant 0 : index
    %get3A_698 = vector.load %arg1[%get3A_696, %get3A_697] : memref<1024x1024xbf16, #tpu.memory_space<vmem>>, vector<1024x1024xbf16>
    %dot_general3A_699 = arith.constant dense<0.000000e+00> : vector<32x1024xf32>
    %dot_general3A_700 = tpu.matmul %convert_element_type3A_695, %get3A_698, %dot_general3A_699 {dimension_numbers = #tpu.dot_dimension_numbers<[1], [0], [0], [1], [0, 0, 1, 1], [], []>, transpose_lhs_hint = false} : vector<32x1024xbf16>, vector<1024x1024xbf16>, vector<32x1024xf32> -> vector<32x1024xf32>
    %get3A_701 = arith.constant 14 : index
    %get3A_702 = arith.constant 0 : index
    %get3A_703 = arith.constant 0 : index
    %get3A_704 = vector.load %arg0[%get3A_701, %get3A_702, %get3A_703] : memref<64x32x1024xf32, #tpu.memory_space<vmem>>, vector<1x32x1024xf32>
    %get3A_705 = vector.shape_cast %get3A_704 : vector<1x32x1024xf32> to vector<32x1024xf32>
    %exp3A_706 = math.exp %get3A_705 : vector<32x1024xf32>
    %div3A_707 = arith.constant 1.000000e+00 : f32
    %div3A_708 = vector.broadcast %div3A_707 : f32 to vector<32x1xf32>
    %div3A_709 = arith.divf %div3A_708, %broadcast_in_dim3A_689 : vector<32x1xf32>
    %mul3A_710 = vector.broadcast %div3A_709 : vector<32x1xf32> to vector<32x1024xf32>
    %mul3A_711 = arith.mulf %exp3A_706, %mul3A_710 : vector<32x1024xf32>
    %mul3A_712 = vector.broadcast %convert_element_type3A_66 : vector<1x1024xf32> to vector<32x1024xf32>
    %mul3A_713 = arith.mulf %mul3A_712, %mul3A_711 : vector<32x1024xf32>
    %mul3A_714 = vector.broadcast %add3A_40 : vector<1x1024xf32> to vector<32x1024xf32>
    %mul3A_715 = arith.mulf %mul3A_714, %mul3A_711 : vector<32x1024xf32>
    %log3A_716 = math.log %broadcast_in_dim3A_689 : vector<32x1xf32>
    %add3A_717 = arith.addf %add3A_671, %log3A_716 : vector<32x1xf32>
    %max3A_718 = vector.broadcast %mul3A_692 : vector<32x1xf32> to vector<32x1024xf32>
    %max3A_719 = arith.maximumf %dot_general3A_700, %max3A_718 : vector<32x1024xf32>
    %mul3A_720 = arith.mulf %mul3A_713, %max3A_719 : vector<32x1024xf32>
    %mul3A_721 = arith.mulf %mul3A_715, %max3A_719 : vector<32x1024xf32>
    %reduce_sum3A_722 = arith.constant dense<0.000000e+00> : vector<32xf32>
    %reduce_sum3A_723 = vector.multi_reduction <add>, %mul3A_721, %reduce_sum3A_722 [1] : vector<32x1024xf32> to vector<32xf32>
    %broadcast_in_dim3A_724 = vector.shape_cast %reduce_sum3A_723 : vector<32xf32> to vector<32x1xf32>
    %log3A_725 = math.log %broadcast_in_dim3A_724 : vector<32x1xf32>
    %add3A_726 = arith.addf %log3A_725, %add3A_717 : vector<32x1xf32>
    %dot_general3A_727 = arith.constant dense<0.000000e+00> : vector<32x1xf32>
    %dot_general3A_728 = tpu.matmul %convert_element_type3A_59, %add3A_726, %dot_general3A_727 {dimension_numbers = #tpu.dot_dimension_numbers<[1], [0], [0], [1], [0, 0, 1, 1], [], []>, precision = #tpu.contract_precision<fp32>, transpose_lhs_hint = false} : vector<32x32xf32>, vector<32x1xf32>, vector<32x1xf32> -> vector<32x1xf32>
    %eq3A_729 = arith.constant 15 : i32
    %eq3A_730 = vector.broadcast %eq3A_729 : i32 to vector<32x1xi32>
    %eq3A_731 = arith.cmpi eq, %get3A_43, %eq3A_730 : vector<32x1xi32>
    %select_n3A_732 = arith.select %eq3A_731, %dot_general3A_728, %select_n3A_686 : vector<32x1xi1>, vector<32x1xf32>
    %reduce_sum3A_733 = arith.constant dense<0.000000e+00> : vector<32xf32>
    %reduce_sum3A_734 = vector.multi_reduction <add>, %mul3A_720, %reduce_sum3A_733 [1] : vector<32x1024xf32> to vector<32xf32>
    %broadcast_in_dim3A_735 = vector.shape_cast %reduce_sum3A_734 : vector<32xf32> to vector<32x1xf32>
    %mul3A_736 = arith.constant 1.60381094E-28 : f32
    %mul3A_737 = vector.broadcast %mul3A_736 : f32 to vector<32x1xf32>
    %mul3A_738 = arith.mulf %broadcast_in_dim3A_735, %mul3A_737 : vector<32x1xf32>
    %max3A_739 = vector.broadcast %mul3A_738 : vector<32x1xf32> to vector<32x1024xf32>
    %max3A_740 = arith.maximumf %mul3A_720, %max3A_739 : vector<32x1024xf32>
    %convert_element_type3A_741 = arith.truncf %max3A_740 : vector<32x1024xf32> to vector<32x1024xbf16>
    %get3A_742 = arith.constant 0 : index
    %get3A_743 = arith.constant 0 : index
    %get3A_744 = vector.load %arg1[%get3A_742, %get3A_743] : memref<1024x1024xbf16, #tpu.memory_space<vmem>>, vector<1024x1024xbf16>
    %dot_general3A_745 = arith.constant dense<0.000000e+00> : vector<32x1024xf32>
    %dot_general3A_746 = tpu.matmul %convert_element_type3A_741, %get3A_744, %dot_general3A_745 {dimension_numbers = #tpu.dot_dimension_numbers<[1], [0], [0], [1], [0, 0, 1, 1], [], []>, transpose_lhs_hint = false} : vector<32x1024xbf16>, vector<1024x1024xbf16>, vector<32x1024xf32> -> vector<32x1024xf32>
    %get3A_747 = arith.constant 15 : index
    %get3A_748 = arith.constant 0 : index
    %get3A_749 = arith.constant 0 : index
    %get3A_750 = vector.load %arg0[%get3A_747, %get3A_748, %get3A_749] : memref<64x32x1024xf32, #tpu.memory_space<vmem>>, vector<1x32x1024xf32>
    %get3A_751 = vector.shape_cast %get3A_750 : vector<1x32x1024xf32> to vector<32x1024xf32>
    %exp3A_752 = math.exp %get3A_751 : vector<32x1024xf32>
    %div3A_753 = arith.constant 1.000000e+00 : f32
    %div3A_754 = vector.broadcast %div3A_753 : f32 to vector<32x1xf32>
    %div3A_755 = arith.divf %div3A_754, %broadcast_in_dim3A_735 : vector<32x1xf32>
    %mul3A_756 = vector.broadcast %div3A_755 : vector<32x1xf32> to vector<32x1024xf32>
    %mul3A_757 = arith.mulf %exp3A_752, %mul3A_756 : vector<32x1024xf32>
    %mul3A_758 = vector.broadcast %convert_element_type3A_66 : vector<1x1024xf32> to vector<32x1024xf32>
    %mul3A_759 = arith.mulf %mul3A_758, %mul3A_757 : vector<32x1024xf32>
    %mul3A_760 = vector.broadcast %add3A_40 : vector<1x1024xf32> to vector<32x1024xf32>
    %mul3A_761 = arith.mulf %mul3A_760, %mul3A_757 : vector<32x1024xf32>
    %log3A_762 = math.log %broadcast_in_dim3A_735 : vector<32x1xf32>
    %add3A_763 = arith.addf %add3A_717, %log3A_762 : vector<32x1xf32>
    %max3A_764 = vector.broadcast %mul3A_738 : vector<32x1xf32> to vector<32x1024xf32>
    %max3A_765 = arith.maximumf %dot_general3A_746, %max3A_764 : vector<32x1024xf32>
    %mul3A_766 = arith.mulf %mul3A_759, %max3A_765 : vector<32x1024xf32>
    %mul3A_767 = arith.mulf %mul3A_761, %max3A_765 : vector<32x1024xf32>
    %reduce_sum3A_768 = arith.constant dense<0.000000e+00> : vector<32xf32>
    %reduce_sum3A_769 = vector.multi_reduction <add>, %mul3A_767, %reduce_sum3A_768 [1] : vector<32x1024xf32> to vector<32xf32>
    %broadcast_in_dim3A_770 = vector.shape_cast %reduce_sum3A_769 : vector<32xf32> to vector<32x1xf32>
    %log3A_771 = math.log %broadcast_in_dim3A_770 : vector<32x1xf32>
    %add3A_772 = arith.addf %log3A_771, %add3A_763 : vector<32x1xf32>
    %dot_general3A_773 = arith.constant dense<0.000000e+00> : vector<32x1xf32>
    %dot_general3A_774 = tpu.matmul %convert_element_type3A_59, %add3A_772, %dot_general3A_773 {dimension_numbers = #tpu.dot_dimension_numbers<[1], [0], [0], [1], [0, 0, 1, 1], [], []>, precision = #tpu.contract_precision<fp32>, transpose_lhs_hint = false} : vector<32x32xf32>, vector<32x1xf32>, vector<32x1xf32> -> vector<32x1xf32>
    %eq3A_775 = arith.constant 16 : i32
    %eq3A_776 = vector.broadcast %eq3A_775 : i32 to vector<32x1xi32>
    %eq3A_777 = arith.cmpi eq, %get3A_43, %eq3A_776 : vector<32x1xi32>
    %select_n3A_778 = arith.select %eq3A_777, %dot_general3A_774, %select_n3A_732 : vector<32x1xi1>, vector<32x1xf32>
    %reduce_sum3A_779 = arith.constant dense<0.000000e+00> : vector<32xf32>
    %reduce_sum3A_780 = vector.multi_reduction <add>, %mul3A_766, %reduce_sum3A_779 [1] : vector<32x1024xf32> to vector<32xf32>
    %broadcast_in_dim3A_781 = vector.shape_cast %reduce_sum3A_780 : vector<32xf32> to vector<32x1xf32>
    %mul3A_782 = arith.constant 1.60381094E-28 : f32
    %mul3A_783 = vector.broadcast %mul3A_782 : f32 to vector<32x1xf32>
    %mul3A_784 = arith.mulf %broadcast_in_dim3A_781, %mul3A_783 : vector<32x1xf32>
    %max3A_785 = vector.broadcast %mul3A_784 : vector<32x1xf32> to vector<32x1024xf32>
    %max3A_786 = arith.maximumf %mul3A_766, %max3A_785 : vector<32x1024xf32>
    %convert_element_type3A_787 = arith.truncf %max3A_786 : vector<32x1024xf32> to vector<32x1024xbf16>
    %get3A_788 = arith.constant 0 : index
    %get3A_789 = arith.constant 0 : index
    %get3A_790 = vector.load %arg1[%get3A_788, %get3A_789] : memref<1024x1024xbf16, #tpu.memory_space<vmem>>, vector<1024x1024xbf16>
    %dot_general3A_791 = arith.constant dense<0.000000e+00> : vector<32x1024xf32>
    %dot_general3A_792 = tpu.matmul %convert_element_type3A_787, %get3A_790, %dot_general3A_791 {dimension_numbers = #tpu.dot_dimension_numbers<[1], [0], [0], [1], [0, 0, 1, 1], [], []>, transpose_lhs_hint = false} : vector<32x1024xbf16>, vector<1024x1024xbf16>, vector<32x1024xf32> -> vector<32x1024xf32>
    %get3A_793 = arith.constant 16 : index
    %get3A_794 = arith.constant 0 : index
    %get3A_795 = arith.constant 0 : index
    %get3A_796 = vector.load %arg0[%get3A_793, %get3A_794, %get3A_795] : memref<64x32x1024xf32, #tpu.memory_space<vmem>>, vector<1x32x1024xf32>
    %get3A_797 = vector.shape_cast %get3A_796 : vector<1x32x1024xf32> to vector<32x1024xf32>
    %exp3A_798 = math.exp %get3A_797 : vector<32x1024xf32>
    %div3A_799 = arith.constant 1.000000e+00 : f32
    %div3A_800 = vector.broadcast %div3A_799 : f32 to vector<32x1xf32>
    %div3A_801 = arith.divf %div3A_800, %broadcast_in_dim3A_781 : vector<32x1xf32>
    %mul3A_802 = vector.broadcast %div3A_801 : vector<32x1xf32> to vector<32x1024xf32>
    %mul3A_803 = arith.mulf %exp3A_798, %mul3A_802 : vector<32x1024xf32>
    %mul3A_804 = vector.broadcast %convert_element_type3A_66 : vector<1x1024xf32> to vector<32x1024xf32>
    %mul3A_805 = arith.mulf %mul3A_804, %mul3A_803 : vector<32x1024xf32>
    %mul3A_806 = vector.broadcast %add3A_40 : vector<1x1024xf32> to vector<32x1024xf32>
    %mul3A_807 = arith.mulf %mul3A_806, %mul3A_803 : vector<32x1024xf32>
    %log3A_808 = math.log %broadcast_in_dim3A_781 : vector<32x1xf32>
    %add3A_809 = arith.addf %add3A_763, %log3A_808 : vector<32x1xf32>
    %max3A_810 = vector.broadcast %mul3A_784 : vector<32x1xf32> to vector<32x1024xf32>
    %max3A_811 = arith.maximumf %dot_general3A_792, %max3A_810 : vector<32x1024xf32>
    %mul3A_812 = arith.mulf %mul3A_805, %max3A_811 : vector<32x1024xf32>
    %mul3A_813 = arith.mulf %mul3A_807, %max3A_811 : vector<32x1024xf32>
    %reduce_sum3A_814 = arith.constant dense<0.000000e+00> : vector<32xf32>
    %reduce_sum3A_815 = vector.multi_reduction <add>, %mul3A_813, %reduce_sum3A_814 [1] : vector<32x1024xf32> to vector<32xf32>
    %broadcast_in_dim3A_816 = vector.shape_cast %reduce_sum3A_815 : vector<32xf32> to vector<32x1xf32>
    %log3A_817 = math.log %broadcast_in_dim3A_816 : vector<32x1xf32>
    %add3A_818 = arith.addf %log3A_817, %add3A_809 : vector<32x1xf32>
    %dot_general3A_819 = arith.constant dense<0.000000e+00> : vector<32x1xf32>
    %dot_general3A_820 = tpu.matmul %convert_element_type3A_59, %add3A_818, %dot_general3A_819 {dimension_numbers = #tpu.dot_dimension_numbers<[1], [0], [0], [1], [0, 0, 1, 1], [], []>, precision = #tpu.contract_precision<fp32>, transpose_lhs_hint = false} : vector<32x32xf32>, vector<32x1xf32>, vector<32x1xf32> -> vector<32x1xf32>
    %eq3A_821 = arith.constant 17 : i32
    %eq3A_822 = vector.broadcast %eq3A_821 : i32 to vector<32x1xi32>
    %eq3A_823 = arith.cmpi eq, %get3A_43, %eq3A_822 : vector<32x1xi32>
    %select_n3A_824 = arith.select %eq3A_823, %dot_general3A_820, %select_n3A_778 : vector<32x1xi1>, vector<32x1xf32>
    %reduce_sum3A_825 = arith.constant dense<0.000000e+00> : vector<32xf32>
    %reduce_sum3A_826 = vector.multi_reduction <add>, %mul3A_812, %reduce_sum3A_825 [1] : vector<32x1024xf32> to vector<32xf32>
    %broadcast_in_dim3A_827 = vector.shape_cast %reduce_sum3A_826 : vector<32xf32> to vector<32x1xf32>
    %mul3A_828 = arith.constant 1.60381094E-28 : f32
    %mul3A_829 = vector.broadcast %mul3A_828 : f32 to vector<32x1xf32>
    %mul3A_830 = arith.mulf %broadcast_in_dim3A_827, %mul3A_829 : vector<32x1xf32>
    %max3A_831 = vector.broadcast %mul3A_830 : vector<32x1xf32> to vector<32x1024xf32>
    %max3A_832 = arith.maximumf %mul3A_812, %max3A_831 : vector<32x1024xf32>
    %convert_element_type3A_833 = arith.truncf %max3A_832 : vector<32x1024xf32> to vector<32x1024xbf16>
    %get3A_834 = arith.constant 0 : index
    %get3A_835 = arith.constant 0 : index
    %get3A_836 = vector.load %arg1[%get3A_834, %get3A_835] : memref<1024x1024xbf16, #tpu.memory_space<vmem>>, vector<1024x1024xbf16>
    %dot_general3A_837 = arith.constant dense<0.000000e+00> : vector<32x1024xf32>
    %dot_general3A_838 = tpu.matmul %convert_element_type3A_833, %get3A_836, %dot_general3A_837 {dimension_numbers = #tpu.dot_dimension_numbers<[1], [0], [0], [1], [0, 0, 1, 1], [], []>, transpose_lhs_hint = false} : vector<32x1024xbf16>, vector<1024x1024xbf16>, vector<32x1024xf32> -> vector<32x1024xf32>
    %get3A_839 = arith.constant 17 : index
    %get3A_840 = arith.constant 0 : index
    %get3A_841 = arith.constant 0 : index
    %get3A_842 = vector.load %arg0[%get3A_839, %get3A_840, %get3A_841] : memref<64x32x1024xf32, #tpu.memory_space<vmem>>, vector<1x32x1024xf32>
    %get3A_843 = vector.shape_cast %get3A_842 : vector<1x32x1024xf32> to vector<32x1024xf32>
    %exp3A_844 = math.exp %get3A_843 : vector<32x1024xf32>
    %div3A_845 = arith.constant 1.000000e+00 : f32
    %div3A_846 = vector.broadcast %div3A_845 : f32 to vector<32x1xf32>
    %div3A_847 = arith.divf %div3A_846, %broadcast_in_dim3A_827 : vector<32x1xf32>
    %mul3A_848 = vector.broadcast %div3A_847 : vector<32x1xf32> to vector<32x1024xf32>
    %mul3A_849 = arith.mulf %exp3A_844, %mul3A_848 : vector<32x1024xf32>
    %mul3A_850 = vector.broadcast %convert_element_type3A_66 : vector<1x1024xf32> to vector<32x1024xf32>
    %mul3A_851 = arith.mulf %mul3A_850, %mul3A_849 : vector<32x1024xf32>
    %mul3A_852 = vector.broadcast %add3A_40 : vector<1x1024xf32> to vector<32x1024xf32>
    %mul3A_853 = arith.mulf %mul3A_852, %mul3A_849 : vector<32x1024xf32>
    %log3A_854 = math.log %broadcast_in_dim3A_827 : vector<32x1xf32>
    %add3A_855 = arith.addf %add3A_809, %log3A_854 : vector<32x1xf32>
    %max3A_856 = vector.broadcast %mul3A_830 : vector<32x1xf32> to vector<32x1024xf32>
    %max3A_857 = arith.maximumf %dot_general3A_838, %max3A_856 : vector<32x1024xf32>
    %mul3A_858 = arith.mulf %mul3A_851, %max3A_857 : vector<32x1024xf32>
    %mul3A_859 = arith.mulf %mul3A_853, %max3A_857 : vector<32x1024xf32>
    %reduce_sum3A_860 = arith.constant dense<0.000000e+00> : vector<32xf32>
    %reduce_sum3A_861 = vector.multi_reduction <add>, %mul3A_859, %reduce_sum3A_860 [1] : vector<32x1024xf32> to vector<32xf32>
    %broadcast_in_dim3A_862 = vector.shape_cast %reduce_sum3A_861 : vector<32xf32> to vector<32x1xf32>
    %log3A_863 = math.log %broadcast_in_dim3A_862 : vector<32x1xf32>
    %add3A_864 = arith.addf %log3A_863, %add3A_855 : vector<32x1xf32>
    %dot_general3A_865 = arith.constant dense<0.000000e+00> : vector<32x1xf32>
    %dot_general3A_866 = tpu.matmul %convert_element_type3A_59, %add3A_864, %dot_general3A_865 {dimension_numbers = #tpu.dot_dimension_numbers<[1], [0], [0], [1], [0, 0, 1, 1], [], []>, precision = #tpu.contract_precision<fp32>, transpose_lhs_hint = false} : vector<32x32xf32>, vector<32x1xf32>, vector<32x1xf32> -> vector<32x1xf32>
    %eq3A_867 = arith.constant 18 : i32
    %eq3A_868 = vector.broadcast %eq3A_867 : i32 to vector<32x1xi32>
    %eq3A_869 = arith.cmpi eq, %get3A_43, %eq3A_868 : vector<32x1xi32>
    %select_n3A_870 = arith.select %eq3A_869, %dot_general3A_866, %select_n3A_824 : vector<32x1xi1>, vector<32x1xf32>
    %reduce_sum3A_871 = arith.constant dense<0.000000e+00> : vector<32xf32>
    %reduce_sum3A_872 = vector.multi_reduction <add>, %mul3A_858, %reduce_sum3A_871 [1] : vector<32x1024xf32> to vector<32xf32>
    %broadcast_in_dim3A_873 = vector.shape_cast %reduce_sum3A_872 : vector<32xf32> to vector<32x1xf32>
    %mul3A_874 = arith.constant 1.60381094E-28 : f32
    %mul3A_875 = vector.broadcast %mul3A_874 : f32 to vector<32x1xf32>
    %mul3A_876 = arith.mulf %broadcast_in_dim3A_873, %mul3A_875 : vector<32x1xf32>
    %max3A_877 = vector.broadcast %mul3A_876 : vector<32x1xf32> to vector<32x1024xf32>
    %max3A_878 = arith.maximumf %mul3A_858, %max3A_877 : vector<32x1024xf32>
    %convert_element_type3A_879 = arith.truncf %max3A_878 : vector<32x1024xf32> to vector<32x1024xbf16>
    %get3A_880 = arith.constant 0 : index
    %get3A_881 = arith.constant 0 : index
    %get3A_882 = vector.load %arg1[%get3A_880, %get3A_881] : memref<1024x1024xbf16, #tpu.memory_space<vmem>>, vector<1024x1024xbf16>
    %dot_general3A_883 = arith.constant dense<0.000000e+00> : vector<32x1024xf32>
    %dot_general3A_884 = tpu.matmul %convert_element_type3A_879, %get3A_882, %dot_general3A_883 {dimension_numbers = #tpu.dot_dimension_numbers<[1], [0], [0], [1], [0, 0, 1, 1], [], []>, transpose_lhs_hint = false} : vector<32x1024xbf16>, vector<1024x1024xbf16>, vector<32x1024xf32> -> vector<32x1024xf32>
    %get3A_885 = arith.constant 18 : index
    %get3A_886 = arith.constant 0 : index
    %get3A_887 = arith.constant 0 : index
    %get3A_888 = vector.load %arg0[%get3A_885, %get3A_886, %get3A_887] : memref<64x32x1024xf32, #tpu.memory_space<vmem>>, vector<1x32x1024xf32>
    %get3A_889 = vector.shape_cast %get3A_888 : vector<1x32x1024xf32> to vector<32x1024xf32>
    %exp3A_890 = math.exp %get3A_889 : vector<32x1024xf32>
    %div3A_891 = arith.constant 1.000000e+00 : f32
    %div3A_892 = vector.broadcast %div3A_891 : f32 to vector<32x1xf32>
    %div3A_893 = arith.divf %div3A_892, %broadcast_in_dim3A_873 : vector<32x1xf32>
    %mul3A_894 = vector.broadcast %div3A_893 : vector<32x1xf32> to vector<32x1024xf32>
    %mul3A_895 = arith.mulf %exp3A_890, %mul3A_894 : vector<32x1024xf32>
    %mul3A_896 = vector.broadcast %convert_element_type3A_66 : vector<1x1024xf32> to vector<32x1024xf32>
    %mul3A_897 = arith.mulf %mul3A_896, %mul3A_895 : vector<32x1024xf32>
    %mul3A_898 = vector.broadcast %add3A_40 : vector<1x1024xf32> to vector<32x1024xf32>
    %mul3A_899 = arith.mulf %mul3A_898, %mul3A_895 : vector<32x1024xf32>
    %log3A_900 = math.log %broadcast_in_dim3A_873 : vector<32x1xf32>
    %add3A_901 = arith.addf %add3A_855, %log3A_900 : vector<32x1xf32>
    %max3A_902 = vector.broadcast %mul3A_876 : vector<32x1xf32> to vector<32x1024xf32>
    %max3A_903 = arith.maximumf %dot_general3A_884, %max3A_902 : vector<32x1024xf32>
    %mul3A_904 = arith.mulf %mul3A_897, %max3A_903 : vector<32x1024xf32>
    %mul3A_905 = arith.mulf %mul3A_899, %max3A_903 : vector<32x1024xf32>
    %reduce_sum3A_906 = arith.constant dense<0.000000e+00> : vector<32xf32>
    %reduce_sum3A_907 = vector.multi_reduction <add>, %mul3A_905, %reduce_sum3A_906 [1] : vector<32x1024xf32> to vector<32xf32>
    %broadcast_in_dim3A_908 = vector.shape_cast %reduce_sum3A_907 : vector<32xf32> to vector<32x1xf32>
    %log3A_909 = math.log %broadcast_in_dim3A_908 : vector<32x1xf32>
    %add3A_910 = arith.addf %log3A_909, %add3A_901 : vector<32x1xf32>
    %dot_general3A_911 = arith.constant dense<0.000000e+00> : vector<32x1xf32>
    %dot_general3A_912 = tpu.matmul %convert_element_type3A_59, %add3A_910, %dot_general3A_911 {dimension_numbers = #tpu.dot_dimension_numbers<[1], [0], [0], [1], [0, 0, 1, 1], [], []>, precision = #tpu.contract_precision<fp32>, transpose_lhs_hint = false} : vector<32x32xf32>, vector<32x1xf32>, vector<32x1xf32> -> vector<32x1xf32>
    %eq3A_913 = arith.constant 19 : i32
    %eq3A_914 = vector.broadcast %eq3A_913 : i32 to vector<32x1xi32>
    %eq3A_915 = arith.cmpi eq, %get3A_43, %eq3A_914 : vector<32x1xi32>
    %select_n3A_916 = arith.select %eq3A_915, %dot_general3A_912, %select_n3A_870 : vector<32x1xi1>, vector<32x1xf32>
    %reduce_sum3A_917 = arith.constant dense<0.000000e+00> : vector<32xf32>
    %reduce_sum3A_918 = vector.multi_reduction <add>, %mul3A_904, %reduce_sum3A_917 [1] : vector<32x1024xf32> to vector<32xf32>
    %broadcast_in_dim3A_919 = vector.shape_cast %reduce_sum3A_918 : vector<32xf32> to vector<32x1xf32>
    %mul3A_920 = arith.constant 1.60381094E-28 : f32
    %mul3A_921 = vector.broadcast %mul3A_920 : f32 to vector<32x1xf32>
    %mul3A_922 = arith.mulf %broadcast_in_dim3A_919, %mul3A_921 : vector<32x1xf32>
    %max3A_923 = vector.broadcast %mul3A_922 : vector<32x1xf32> to vector<32x1024xf32>
    %max3A_924 = arith.maximumf %mul3A_904, %max3A_923 : vector<32x1024xf32>
    %convert_element_type3A_925 = arith.truncf %max3A_924 : vector<32x1024xf32> to vector<32x1024xbf16>
    %get3A_926 = arith.constant 0 : index
    %get3A_927 = arith.constant 0 : index
    %get3A_928 = vector.load %arg1[%get3A_926, %get3A_927] : memref<1024x1024xbf16, #tpu.memory_space<vmem>>, vector<1024x1024xbf16>
    %dot_general3A_929 = arith.constant dense<0.000000e+00> : vector<32x1024xf32>
    %dot_general3A_930 = tpu.matmul %convert_element_type3A_925, %get3A_928, %dot_general3A_929 {dimension_numbers = #tpu.dot_dimension_numbers<[1], [0], [0], [1], [0, 0, 1, 1], [], []>, transpose_lhs_hint = false} : vector<32x1024xbf16>, vector<1024x1024xbf16>, vector<32x1024xf32> -> vector<32x1024xf32>
    %get3A_931 = arith.constant 19 : index
    %get3A_932 = arith.constant 0 : index
    %get3A_933 = arith.constant 0 : index
    %get3A_934 = vector.load %arg0[%get3A_931, %get3A_932, %get3A_933] : memref<64x32x1024xf32, #tpu.memory_space<vmem>>, vector<1x32x1024xf32>
    %get3A_935 = vector.shape_cast %get3A_934 : vector<1x32x1024xf32> to vector<32x1024xf32>
    %exp3A_936 = math.exp %get3A_935 : vector<32x1024xf32>
    %div3A_937 = arith.constant 1.000000e+00 : f32
    %div3A_938 = vector.broadcast %div3A_937 : f32 to vector<32x1xf32>
    %div3A_939 = arith.divf %div3A_938, %broadcast_in_dim3A_919 : vector<32x1xf32>
    %mul3A_940 = vector.broadcast %div3A_939 : vector<32x1xf32> to vector<32x1024xf32>
    %mul3A_941 = arith.mulf %exp3A_936, %mul3A_940 : vector<32x1024xf32>
    %mul3A_942 = vector.broadcast %convert_element_type3A_66 : vector<1x1024xf32> to vector<32x1024xf32>
    %mul3A_943 = arith.mulf %mul3A_942, %mul3A_941 : vector<32x1024xf32>
    %mul3A_944 = vector.broadcast %add3A_40 : vector<1x1024xf32> to vector<32x1024xf32>
    %mul3A_945 = arith.mulf %mul3A_944, %mul3A_941 : vector<32x1024xf32>
    %log3A_946 = math.log %broadcast_in_dim3A_919 : vector<32x1xf32>
    %add3A_947 = arith.addf %add3A_901, %log3A_946 : vector<32x1xf32>
    %max3A_948 = vector.broadcast %mul3A_922 : vector<32x1xf32> to vector<32x1024xf32>
    %max3A_949 = arith.maximumf %dot_general3A_930, %max3A_948 : vector<32x1024xf32>
    %mul3A_950 = arith.mulf %mul3A_943, %max3A_949 : vector<32x1024xf32>
    %mul3A_951 = arith.mulf %mul3A_945, %max3A_949 : vector<32x1024xf32>
    %reduce_sum3A_952 = arith.constant dense<0.000000e+00> : vector<32xf32>
    %reduce_sum3A_953 = vector.multi_reduction <add>, %mul3A_951, %reduce_sum3A_952 [1] : vector<32x1024xf32> to vector<32xf32>
    %broadcast_in_dim3A_954 = vector.shape_cast %reduce_sum3A_953 : vector<32xf32> to vector<32x1xf32>
    %log3A_955 = math.log %broadcast_in_dim3A_954 : vector<32x1xf32>
    %add3A_956 = arith.addf %log3A_955, %add3A_947 : vector<32x1xf32>
    %dot_general3A_957 = arith.constant dense<0.000000e+00> : vector<32x1xf32>
    %dot_general3A_958 = tpu.matmul %convert_element_type3A_59, %add3A_956, %dot_general3A_957 {dimension_numbers = #tpu.dot_dimension_numbers<[1], [0], [0], [1], [0, 0, 1, 1], [], []>, precision = #tpu.contract_precision<fp32>, transpose_lhs_hint = false} : vector<32x32xf32>, vector<32x1xf32>, vector<32x1xf32> -> vector<32x1xf32>
    %eq3A_959 = arith.constant 20 : i32
    %eq3A_960 = vector.broadcast %eq3A_959 : i32 to vector<32x1xi32>
    %eq3A_961 = arith.cmpi eq, %get3A_43, %eq3A_960 : vector<32x1xi32>
    %select_n3A_962 = arith.select %eq3A_961, %dot_general3A_958, %select_n3A_916 : vector<32x1xi1>, vector<32x1xf32>
    %reduce_sum3A_963 = arith.constant dense<0.000000e+00> : vector<32xf32>
    %reduce_sum3A_964 = vector.multi_reduction <add>, %mul3A_950, %reduce_sum3A_963 [1] : vector<32x1024xf32> to vector<32xf32>
    %broadcast_in_dim3A_965 = vector.shape_cast %reduce_sum3A_964 : vector<32xf32> to vector<32x1xf32>
    %mul3A_966 = arith.constant 1.60381094E-28 : f32
    %mul3A_967 = vector.broadcast %mul3A_966 : f32 to vector<32x1xf32>
    %mul3A_968 = arith.mulf %broadcast_in_dim3A_965, %mul3A_967 : vector<32x1xf32>
    %max3A_969 = vector.broadcast %mul3A_968 : vector<32x1xf32> to vector<32x1024xf32>
    %max3A_970 = arith.maximumf %mul3A_950, %max3A_969 : vector<32x1024xf32>
    %convert_element_type3A_971 = arith.truncf %max3A_970 : vector<32x1024xf32> to vector<32x1024xbf16>
    %get3A_972 = arith.constant 0 : index
    %get3A_973 = arith.constant 0 : index
    %get3A_974 = vector.load %arg1[%get3A_972, %get3A_973] : memref<1024x1024xbf16, #tpu.memory_space<vmem>>, vector<1024x1024xbf16>
    %dot_general3A_975 = arith.constant dense<0.000000e+00> : vector<32x1024xf32>
    %dot_general3A_976 = tpu.matmul %convert_element_type3A_971, %get3A_974, %dot_general3A_975 {dimension_numbers = #tpu.dot_dimension_numbers<[1], [0], [0], [1], [0, 0, 1, 1], [], []>, transpose_lhs_hint = false} : vector<32x1024xbf16>, vector<1024x1024xbf16>, vector<32x1024xf32> -> vector<32x1024xf32>
    %get3A_977 = arith.constant 20 : index
    %get3A_978 = arith.constant 0 : index
    %get3A_979 = arith.constant 0 : index
    %get3A_980 = vector.load %arg0[%get3A_977, %get3A_978, %get3A_979] : memref<64x32x1024xf32, #tpu.memory_space<vmem>>, vector<1x32x1024xf32>
    %get3A_981 = vector.shape_cast %get3A_980 : vector<1x32x1024xf32> to vector<32x1024xf32>
    %exp3A_982 = math.exp %get3A_981 : vector<32x1024xf32>
    %div3A_983 = arith.constant 1.000000e+00 : f32
    %div3A_984 = vector.broadcast %div3A_983 : f32 to vector<32x1xf32>
    %div3A_985 = arith.divf %div3A_984, %broadcast_in_dim3A_965 : vector<32x1xf32>
    %mul3A_986 = vector.broadcast %div3A_985 : vector<32x1xf32> to vector<32x1024xf32>
    %mul3A_987 = arith.mulf %exp3A_982, %mul3A_986 : vector<32x1024xf32>
    %mul3A_988 = vector.broadcast %convert_element_type3A_66 : vector<1x1024xf32> to vector<32x1024xf32>
    %mul3A_989 = arith.mulf %mul3A_988, %mul3A_987 : vector<32x1024xf32>
    %mul3A_990 = vector.broadcast %add3A_40 : vector<1x1024xf32> to vector<32x1024xf32>
    %mul3A_991 = arith.mulf %mul3A_990, %mul3A_987 : vector<32x1024xf32>
    %log3A_992 = math.log %broadcast_in_dim3A_965 : vector<32x1xf32>
    %add3A_993 = arith.addf %add3A_947, %log3A_992 : vector<32x1xf32>
    %max3A_994 = vector.broadcast %mul3A_968 : vector<32x1xf32> to vector<32x1024xf32>
    %max3A_995 = arith.maximumf %dot_general3A_976, %max3A_994 : vector<32x1024xf32>
    %mul3A_996 = arith.mulf %mul3A_989, %max3A_995 : vector<32x1024xf32>
    %mul3A_997 = arith.mulf %mul3A_991, %max3A_995 : vector<32x1024xf32>
    %reduce_sum3A_998 = arith.constant dense<0.000000e+00> : vector<32xf32>
    %reduce_sum3A_999 = vector.multi_reduction <add>, %mul3A_997, %reduce_sum3A_998 [1] : vector<32x1024xf32> to vector<32xf32>
    %broadcast_in_dim3A_1000 = vector.shape_cast %reduce_sum3A_999 : vector<32xf32> to vector<32x1xf32>
    %log3A_1001 = math.log %broadcast_in_dim3A_1000 : vector<32x1xf32>
    %add3A_1002 = arith.addf %log3A_1001, %add3A_993 : vector<32x1xf32>
    %dot_general3A_1003 = arith.constant dense<0.000000e+00> : vector<32x1xf32>
    %dot_general3A_1004 = tpu.matmul %convert_element_type3A_59, %add3A_1002, %dot_general3A_1003 {dimension_numbers = #tpu.dot_dimension_numbers<[1], [0], [0], [1], [0, 0, 1, 1], [], []>, precision = #tpu.contract_precision<fp32>, transpose_lhs_hint = false} : vector<32x32xf32>, vector<32x1xf32>, vector<32x1xf32> -> vector<32x1xf32>
    %eq3A_1005 = arith.constant 21 : i32
    %eq3A_1006 = vector.broadcast %eq3A_1005 : i32 to vector<32x1xi32>
    %eq3A_1007 = arith.cmpi eq, %get3A_43, %eq3A_1006 : vector<32x1xi32>
    %select_n3A_1008 = arith.select %eq3A_1007, %dot_general3A_1004, %select_n3A_962 : vector<32x1xi1>, vector<32x1xf32>
    %reduce_sum3A_1009 = arith.constant dense<0.000000e+00> : vector<32xf32>
    %reduce_sum3A_1010 = vector.multi_reduction <add>, %mul3A_996, %reduce_sum3A_1009 [1] : vector<32x1024xf32> to vector<32xf32>
    %broadcast_in_dim3A_1011 = vector.shape_cast %reduce_sum3A_1010 : vector<32xf32> to vector<32x1xf32>
    %mul3A_1012 = arith.constant 1.60381094E-28 : f32
    %mul3A_1013 = vector.broadcast %mul3A_1012 : f32 to vector<32x1xf32>
    %mul3A_1014 = arith.mulf %broadcast_in_dim3A_1011, %mul3A_1013 : vector<32x1xf32>
    %max3A_1015 = vector.broadcast %mul3A_1014 : vector<32x1xf32> to vector<32x1024xf32>
    %max3A_1016 = arith.maximumf %mul3A_996, %max3A_1015 : vector<32x1024xf32>
    %convert_element_type3A_1017 = arith.truncf %max3A_1016 : vector<32x1024xf32> to vector<32x1024xbf16>
    %get3A_1018 = arith.constant 0 : index
    %get3A_1019 = arith.constant 0 : index
    %get3A_1020 = vector.load %arg1[%get3A_1018, %get3A_1019] : memref<1024x1024xbf16, #tpu.memory_space<vmem>>, vector<1024x1024xbf16>
    %dot_general3A_1021 = arith.constant dense<0.000000e+00> : vector<32x1024xf32>
    %dot_general3A_1022 = tpu.matmul %convert_element_type3A_1017, %get3A_1020, %dot_general3A_1021 {dimension_numbers = #tpu.dot_dimension_numbers<[1], [0], [0], [1], [0, 0, 1, 1], [], []>, transpose_lhs_hint = false} : vector<32x1024xbf16>, vector<1024x1024xbf16>, vector<32x1024xf32> -> vector<32x1024xf32>
    %get3A_1023 = arith.constant 21 : index
    %get3A_1024 = arith.constant 0 : index
    %get3A_1025 = arith.constant 0 : index
    %get3A_1026 = vector.load %arg0[%get3A_1023, %get3A_1024, %get3A_1025] : memref<64x32x1024xf32, #tpu.memory_space<vmem>>, vector<1x32x1024xf32>
    %get3A_1027 = vector.shape_cast %get3A_1026 : vector<1x32x1024xf32> to vector<32x1024xf32>
    %exp3A_1028 = math.exp %get3A_1027 : vector<32x1024xf32>
    %div3A_1029 = arith.constant 1.000000e+00 : f32
    %div3A_1030 = vector.broadcast %div3A_1029 : f32 to vector<32x1xf32>
    %div3A_1031 = arith.divf %div3A_1030, %broadcast_in_dim3A_1011 : vector<32x1xf32>
    %mul3A_1032 = vector.broadcast %div3A_1031 : vector<32x1xf32> to vector<32x1024xf32>
    %mul3A_1033 = arith.mulf %exp3A_1028, %mul3A_1032 : vector<32x1024xf32>
    %mul3A_1034 = vector.broadcast %convert_element_type3A_66 : vector<1x1024xf32> to vector<32x1024xf32>
    %mul3A_1035 = arith.mulf %mul3A_1034, %mul3A_1033 : vector<32x1024xf32>
    %mul3A_1036 = vector.broadcast %add3A_40 : vector<1x1024xf32> to vector<32x1024xf32>
    %mul3A_1037 = arith.mulf %mul3A_1036, %mul3A_1033 : vector<32x1024xf32>
    %log3A_1038 = math.log %broadcast_in_dim3A_1011 : vector<32x1xf32>
    %add3A_1039 = arith.addf %add3A_993, %log3A_1038 : vector<32x1xf32>
    %max3A_1040 = vector.broadcast %mul3A_1014 : vector<32x1xf32> to vector<32x1024xf32>
    %max3A_1041 = arith.maximumf %dot_general3A_1022, %max3A_1040 : vector<32x1024xf32>
    %mul3A_1042 = arith.mulf %mul3A_1035, %max3A_1041 : vector<32x1024xf32>
    %mul3A_1043 = arith.mulf %mul3A_1037, %max3A_1041 : vector<32x1024xf32>
    %reduce_sum3A_1044 = arith.constant dense<0.000000e+00> : vector<32xf32>
    %reduce_sum3A_1045 = vector.multi_reduction <add>, %mul3A_1043, %reduce_sum3A_1044 [1] : vector<32x1024xf32> to vector<32xf32>
    %broadcast_in_dim3A_1046 = vector.shape_cast %reduce_sum3A_1045 : vector<32xf32> to vector<32x1xf32>
    %log3A_1047 = math.log %broadcast_in_dim3A_1046 : vector<32x1xf32>
    %add3A_1048 = arith.addf %log3A_1047, %add3A_1039 : vector<32x1xf32>
    %dot_general3A_1049 = arith.constant dense<0.000000e+00> : vector<32x1xf32>
    %dot_general3A_1050 = tpu.matmul %convert_element_type3A_59, %add3A_1048, %dot_general3A_1049 {dimension_numbers = #tpu.dot_dimension_numbers<[1], [0], [0], [1], [0, 0, 1, 1], [], []>, precision = #tpu.contract_precision<fp32>, transpose_lhs_hint = false} : vector<32x32xf32>, vector<32x1xf32>, vector<32x1xf32> -> vector<32x1xf32>
    %eq3A_1051 = arith.constant 22 : i32
    %eq3A_1052 = vector.broadcast %eq3A_1051 : i32 to vector<32x1xi32>
    %eq3A_1053 = arith.cmpi eq, %get3A_43, %eq3A_1052 : vector<32x1xi32>
    %select_n3A_1054 = arith.select %eq3A_1053, %dot_general3A_1050, %select_n3A_1008 : vector<32x1xi1>, vector<32x1xf32>
    %reduce_sum3A_1055 = arith.constant dense<0.000000e+00> : vector<32xf32>
    %reduce_sum3A_1056 = vector.multi_reduction <add>, %mul3A_1042, %reduce_sum3A_1055 [1] : vector<32x1024xf32> to vector<32xf32>
    %broadcast_in_dim3A_1057 = vector.shape_cast %reduce_sum3A_1056 : vector<32xf32> to vector<32x1xf32>
    %mul3A_1058 = arith.constant 1.60381094E-28 : f32
    %mul3A_1059 = vector.broadcast %mul3A_1058 : f32 to vector<32x1xf32>
    %mul3A_1060 = arith.mulf %broadcast_in_dim3A_1057, %mul3A_1059 : vector<32x1xf32>
    %max3A_1061 = vector.broadcast %mul3A_1060 : vector<32x1xf32> to vector<32x1024xf32>
    %max3A_1062 = arith.maximumf %mul3A_1042, %max3A_1061 : vector<32x1024xf32>
    %convert_element_type3A_1063 = arith.truncf %max3A_1062 : vector<32x1024xf32> to vector<32x1024xbf16>
    %get3A_1064 = arith.constant 0 : index
    %get3A_1065 = arith.constant 0 : index
    %get3A_1066 = vector.load %arg1[%get3A_1064, %get3A_1065] : memref<1024x1024xbf16, #tpu.memory_space<vmem>>, vector<1024x1024xbf16>
    %dot_general3A_1067 = arith.constant dense<0.000000e+00> : vector<32x1024xf32>
    %dot_general3A_1068 = tpu.matmul %convert_element_type3A_1063, %get3A_1066, %dot_general3A_1067 {dimension_numbers = #tpu.dot_dimension_numbers<[1], [0], [0], [1], [0, 0, 1, 1], [], []>, transpose_lhs_hint = false} : vector<32x1024xbf16>, vector<1024x1024xbf16>, vector<32x1024xf32> -> vector<32x1024xf32>
    %get3A_1069 = arith.constant 22 : index
    %get3A_1070 = arith.constant 0 : index
    %get3A_1071 = arith.constant 0 : index
    %get3A_1072 = vector.load %arg0[%get3A_1069, %get3A_1070, %get3A_1071] : memref<64x32x1024xf32, #tpu.memory_space<vmem>>, vector<1x32x1024xf32>
    %get3A_1073 = vector.shape_cast %get3A_1072 : vector<1x32x1024xf32> to vector<32x1024xf32>
    %exp3A_1074 = math.exp %get3A_1073 : vector<32x1024xf32>
    %div3A_1075 = arith.constant 1.000000e+00 : f32
    %div3A_1076 = vector.broadcast %div3A_1075 : f32 to vector<32x1xf32>
    %div3A_1077 = arith.divf %div3A_1076, %broadcast_in_dim3A_1057 : vector<32x1xf32>
    %mul3A_1078 = vector.broadcast %div3A_1077 : vector<32x1xf32> to vector<32x1024xf32>
    %mul3A_1079 = arith.mulf %exp3A_1074, %mul3A_1078 : vector<32x1024xf32>
    %mul3A_1080 = vector.broadcast %convert_element_type3A_66 : vector<1x1024xf32> to vector<32x1024xf32>
    %mul3A_1081 = arith.mulf %mul3A_1080, %mul3A_1079 : vector<32x1024xf32>
    %mul3A_1082 = vector.broadcast %add3A_40 : vector<1x1024xf32> to vector<32x1024xf32>
    %mul3A_1083 = arith.mulf %mul3A_1082, %mul3A_1079 : vector<32x1024xf32>
    %log3A_1084 = math.log %broadcast_in_dim3A_1057 : vector<32x1xf32>
    %add3A_1085 = arith.addf %add3A_1039, %log3A_1084 : vector<32x1xf32>
    %max3A_1086 = vector.broadcast %mul3A_1060 : vector<32x1xf32> to vector<32x1024xf32>
    %max3A_1087 = arith.maximumf %dot_general3A_1068, %max3A_1086 : vector<32x1024xf32>
    %mul3A_1088 = arith.mulf %mul3A_1081, %max3A_1087 : vector<32x1024xf32>
    %mul3A_1089 = arith.mulf %mul3A_1083, %max3A_1087 : vector<32x1024xf32>
    %reduce_sum3A_1090 = arith.constant dense<0.000000e+00> : vector<32xf32>
    %reduce_sum3A_1091 = vector.multi_reduction <add>, %mul3A_1089, %reduce_sum3A_1090 [1] : vector<32x1024xf32> to vector<32xf32>
    %broadcast_in_dim3A_1092 = vector.shape_cast %reduce_sum3A_1091 : vector<32xf32> to vector<32x1xf32>
    %log3A_1093 = math.log %broadcast_in_dim3A_1092 : vector<32x1xf32>
    %add3A_1094 = arith.addf %log3A_1093, %add3A_1085 : vector<32x1xf32>
    %dot_general3A_1095 = arith.constant dense<0.000000e+00> : vector<32x1xf32>
    %dot_general3A_1096 = tpu.matmul %convert_element_type3A_59, %add3A_1094, %dot_general3A_1095 {dimension_numbers = #tpu.dot_dimension_numbers<[1], [0], [0], [1], [0, 0, 1, 1], [], []>, precision = #tpu.contract_precision<fp32>, transpose_lhs_hint = false} : vector<32x32xf32>, vector<32x1xf32>, vector<32x1xf32> -> vector<32x1xf32>
    %eq3A_1097 = arith.constant 23 : i32
    %eq3A_1098 = vector.broadcast %eq3A_1097 : i32 to vector<32x1xi32>
    %eq3A_1099 = arith.cmpi eq, %get3A_43, %eq3A_1098 : vector<32x1xi32>
    %select_n3A_1100 = arith.select %eq3A_1099, %dot_general3A_1096, %select_n3A_1054 : vector<32x1xi1>, vector<32x1xf32>
    %reduce_sum3A_1101 = arith.constant dense<0.000000e+00> : vector<32xf32>
    %reduce_sum3A_1102 = vector.multi_reduction <add>, %mul3A_1088, %reduce_sum3A_1101 [1] : vector<32x1024xf32> to vector<32xf32>
    %broadcast_in_dim3A_1103 = vector.shape_cast %reduce_sum3A_1102 : vector<32xf32> to vector<32x1xf32>
    %mul3A_1104 = arith.constant 1.60381094E-28 : f32
    %mul3A_1105 = vector.broadcast %mul3A_1104 : f32 to vector<32x1xf32>
    %mul3A_1106 = arith.mulf %broadcast_in_dim3A_1103, %mul3A_1105 : vector<32x1xf32>
    %max3A_1107 = vector.broadcast %mul3A_1106 : vector<32x1xf32> to vector<32x1024xf32>
    %max3A_1108 = arith.maximumf %mul3A_1088, %max3A_1107 : vector<32x1024xf32>
    %convert_element_type3A_1109 = arith.truncf %max3A_1108 : vector<32x1024xf32> to vector<32x1024xbf16>
    %get3A_1110 = arith.constant 0 : index
    %get3A_1111 = arith.constant 0 : index
    %get3A_1112 = vector.load %arg1[%get3A_1110, %get3A_1111] : memref<1024x1024xbf16, #tpu.memory_space<vmem>>, vector<1024x1024xbf16>
    %dot_general3A_1113 = arith.constant dense<0.000000e+00> : vector<32x1024xf32>
    %dot_general3A_1114 = tpu.matmul %convert_element_type3A_1109, %get3A_1112, %dot_general3A_1113 {dimension_numbers = #tpu.dot_dimension_numbers<[1], [0], [0], [1], [0, 0, 1, 1], [], []>, transpose_lhs_hint = false} : vector<32x1024xbf16>, vector<1024x1024xbf16>, vector<32x1024xf32> -> vector<32x1024xf32>
    %get3A_1115 = arith.constant 23 : index
    %get3A_1116 = arith.constant 0 : index
    %get3A_1117 = arith.constant 0 : index
    %get3A_1118 = vector.load %arg0[%get3A_1115, %get3A_1116, %get3A_1117] : memref<64x32x1024xf32, #tpu.memory_space<vmem>>, vector<1x32x1024xf32>
    %get3A_1119 = vector.shape_cast %get3A_1118 : vector<1x32x1024xf32> to vector<32x1024xf32>
    %exp3A_1120 = math.exp %get3A_1119 : vector<32x1024xf32>
    %div3A_1121 = arith.constant 1.000000e+00 : f32
    %div3A_1122 = vector.broadcast %div3A_1121 : f32 to vector<32x1xf32>
    %div3A_1123 = arith.divf %div3A_1122, %broadcast_in_dim3A_1103 : vector<32x1xf32>
    %mul3A_1124 = vector.broadcast %div3A_1123 : vector<32x1xf32> to vector<32x1024xf32>
    %mul3A_1125 = arith.mulf %exp3A_1120, %mul3A_1124 : vector<32x1024xf32>
    %mul3A_1126 = vector.broadcast %convert_element_type3A_66 : vector<1x1024xf32> to vector<32x1024xf32>
    %mul3A_1127 = arith.mulf %mul3A_1126, %mul3A_1125 : vector<32x1024xf32>
    %mul3A_1128 = vector.broadcast %add3A_40 : vector<1x1024xf32> to vector<32x1024xf32>
    %mul3A_1129 = arith.mulf %mul3A_1128, %mul3A_1125 : vector<32x1024xf32>
    %log3A_1130 = math.log %broadcast_in_dim3A_1103 : vector<32x1xf32>
    %add3A_1131 = arith.addf %add3A_1085, %log3A_1130 : vector<32x1xf32>
    %max3A_1132 = vector.broadcast %mul3A_1106 : vector<32x1xf32> to vector<32x1024xf32>
    %max3A_1133 = arith.maximumf %dot_general3A_1114, %max3A_1132 : vector<32x1024xf32>
    %mul3A_1134 = arith.mulf %mul3A_1127, %max3A_1133 : vector<32x1024xf32>
    %mul3A_1135 = arith.mulf %mul3A_1129, %max3A_1133 : vector<32x1024xf32>
    %reduce_sum3A_1136 = arith.constant dense<0.000000e+00> : vector<32xf32>
    %reduce_sum3A_1137 = vector.multi_reduction <add>, %mul3A_1135, %reduce_sum3A_1136 [1] : vector<32x1024xf32> to vector<32xf32>
    %broadcast_in_dim3A_1138 = vector.shape_cast %reduce_sum3A_1137 : vector<32xf32> to vector<32x1xf32>
    %log3A_1139 = math.log %broadcast_in_dim3A_1138 : vector<32x1xf32>
    %add3A_1140 = arith.addf %log3A_1139, %add3A_1131 : vector<32x1xf32>
    %dot_general3A_1141 = arith.constant dense<0.000000e+00> : vector<32x1xf32>
    %dot_general3A_1142 = tpu.matmul %convert_element_type3A_59, %add3A_1140, %dot_general3A_1141 {dimension_numbers = #tpu.dot_dimension_numbers<[1], [0], [0], [1], [0, 0, 1, 1], [], []>, precision = #tpu.contract_precision<fp32>, transpose_lhs_hint = false} : vector<32x32xf32>, vector<32x1xf32>, vector<32x1xf32> -> vector<32x1xf32>
    %eq3A_1143 = arith.constant 24 : i32
    %eq3A_1144 = vector.broadcast %eq3A_1143 : i32 to vector<32x1xi32>
    %eq3A_1145 = arith.cmpi eq, %get3A_43, %eq3A_1144 : vector<32x1xi32>
    %select_n3A_1146 = arith.select %eq3A_1145, %dot_general3A_1142, %select_n3A_1100 : vector<32x1xi1>, vector<32x1xf32>
    %reduce_sum3A_1147 = arith.constant dense<0.000000e+00> : vector<32xf32>
    %reduce_sum3A_1148 = vector.multi_reduction <add>, %mul3A_1134, %reduce_sum3A_1147 [1] : vector<32x1024xf32> to vector<32xf32>
    %broadcast_in_dim3A_1149 = vector.shape_cast %reduce_sum3A_1148 : vector<32xf32> to vector<32x1xf32>
    %mul3A_1150 = arith.constant 1.60381094E-28 : f32
    %mul3A_1151 = vector.broadcast %mul3A_1150 : f32 to vector<32x1xf32>
    %mul3A_1152 = arith.mulf %broadcast_in_dim3A_1149, %mul3A_1151 : vector<32x1xf32>
    %max3A_1153 = vector.broadcast %mul3A_1152 : vector<32x1xf32> to vector<32x1024xf32>
    %max3A_1154 = arith.maximumf %mul3A_1134, %max3A_1153 : vector<32x1024xf32>
    %convert_element_type3A_1155 = arith.truncf %max3A_1154 : vector<32x1024xf32> to vector<32x1024xbf16>
    %get3A_1156 = arith.constant 0 : index
    %get3A_1157 = arith.constant 0 : index
    %get3A_1158 = vector.load %arg1[%get3A_1156, %get3A_1157] : memref<1024x1024xbf16, #tpu.memory_space<vmem>>, vector<1024x1024xbf16>
    %dot_general3A_1159 = arith.constant dense<0.000000e+00> : vector<32x1024xf32>
    %dot_general3A_1160 = tpu.matmul %convert_element_type3A_1155, %get3A_1158, %dot_general3A_1159 {dimension_numbers = #tpu.dot_dimension_numbers<[1], [0], [0], [1], [0, 0, 1, 1], [], []>, transpose_lhs_hint = false} : vector<32x1024xbf16>, vector<1024x1024xbf16>, vector<32x1024xf32> -> vector<32x1024xf32>
    %get3A_1161 = arith.constant 24 : index
    %get3A_1162 = arith.constant 0 : index
    %get3A_1163 = arith.constant 0 : index
    %get3A_1164 = vector.load %arg0[%get3A_1161, %get3A_1162, %get3A_1163] : memref<64x32x1024xf32, #tpu.memory_space<vmem>>, vector<1x32x1024xf32>
    %get3A_1165 = vector.shape_cast %get3A_1164 : vector<1x32x1024xf32> to vector<32x1024xf32>
    %exp3A_1166 = math.exp %get3A_1165 : vector<32x1024xf32>
    %div3A_1167 = arith.constant 1.000000e+00 : f32
    %div3A_1168 = vector.broadcast %div3A_1167 : f32 to vector<32x1xf32>
    %div3A_1169 = arith.divf %div3A_1168, %broadcast_in_dim3A_1149 : vector<32x1xf32>
    %mul3A_1170 = vector.broadcast %div3A_1169 : vector<32x1xf32> to vector<32x1024xf32>
    %mul3A_1171 = arith.mulf %exp3A_1166, %mul3A_1170 : vector<32x1024xf32>
    %mul3A_1172 = vector.broadcast %convert_element_type3A_66 : vector<1x1024xf32> to vector<32x1024xf32>
    %mul3A_1173 = arith.mulf %mul3A_1172, %mul3A_1171 : vector<32x1024xf32>
    %mul3A_1174 = vector.broadcast %add3A_40 : vector<1x1024xf32> to vector<32x1024xf32>
    %mul3A_1175 = arith.mulf %mul3A_1174, %mul3A_1171 : vector<32x1024xf32>
    %log3A_1176 = math.log %broadcast_in_dim3A_1149 : vector<32x1xf32>
    %add3A_1177 = arith.addf %add3A_1131, %log3A_1176 : vector<32x1xf32>
    %max3A_1178 = vector.broadcast %mul3A_1152 : vector<32x1xf32> to vector<32x1024xf32>
    %max3A_1179 = arith.maximumf %dot_general3A_1160, %max3A_1178 : vector<32x1024xf32>
    %mul3A_1180 = arith.mulf %mul3A_1173, %max3A_1179 : vector<32x1024xf32>
    %mul3A_1181 = arith.mulf %mul3A_1175, %max3A_1179 : vector<32x1024xf32>
    %reduce_sum3A_1182 = arith.constant dense<0.000000e+00> : vector<32xf32>
    %reduce_sum3A_1183 = vector.multi_reduction <add>, %mul3A_1181, %reduce_sum3A_1182 [1] : vector<32x1024xf32> to vector<32xf32>
    %broadcast_in_dim3A_1184 = vector.shape_cast %reduce_sum3A_1183 : vector<32xf32> to vector<32x1xf32>
    %log3A_1185 = math.log %broadcast_in_dim3A_1184 : vector<32x1xf32>
    %add3A_1186 = arith.addf %log3A_1185, %add3A_1177 : vector<32x1xf32>
    %dot_general3A_1187 = arith.constant dense<0.000000e+00> : vector<32x1xf32>
    %dot_general3A_1188 = tpu.matmul %convert_element_type3A_59, %add3A_1186, %dot_general3A_1187 {dimension_numbers = #tpu.dot_dimension_numbers<[1], [0], [0], [1], [0, 0, 1, 1], [], []>, precision = #tpu.contract_precision<fp32>, transpose_lhs_hint = false} : vector<32x32xf32>, vector<32x1xf32>, vector<32x1xf32> -> vector<32x1xf32>
    %eq3A_1189 = arith.constant 25 : i32
    %eq3A_1190 = vector.broadcast %eq3A_1189 : i32 to vector<32x1xi32>
    %eq3A_1191 = arith.cmpi eq, %get3A_43, %eq3A_1190 : vector<32x1xi32>
    %select_n3A_1192 = arith.select %eq3A_1191, %dot_general3A_1188, %select_n3A_1146 : vector<32x1xi1>, vector<32x1xf32>
    %reduce_sum3A_1193 = arith.constant dense<0.000000e+00> : vector<32xf32>
    %reduce_sum3A_1194 = vector.multi_reduction <add>, %mul3A_1180, %reduce_sum3A_1193 [1] : vector<32x1024xf32> to vector<32xf32>
    %broadcast_in_dim3A_1195 = vector.shape_cast %reduce_sum3A_1194 : vector<32xf32> to vector<32x1xf32>
    %mul3A_1196 = arith.constant 1.60381094E-28 : f32
    %mul3A_1197 = vector.broadcast %mul3A_1196 : f32 to vector<32x1xf32>
    %mul3A_1198 = arith.mulf %broadcast_in_dim3A_1195, %mul3A_1197 : vector<32x1xf32>
    %max3A_1199 = vector.broadcast %mul3A_1198 : vector<32x1xf32> to vector<32x1024xf32>
    %max3A_1200 = arith.maximumf %mul3A_1180, %max3A_1199 : vector<32x1024xf32>
    %convert_element_type3A_1201 = arith.truncf %max3A_1200 : vector<32x1024xf32> to vector<32x1024xbf16>
    %get3A_1202 = arith.constant 0 : index
    %get3A_1203 = arith.constant 0 : index
    %get3A_1204 = vector.load %arg1[%get3A_1202, %get3A_1203] : memref<1024x1024xbf16, #tpu.memory_space<vmem>>, vector<1024x1024xbf16>
    %dot_general3A_1205 = arith.constant dense<0.000000e+00> : vector<32x1024xf32>
    %dot_general3A_1206 = tpu.matmul %convert_element_type3A_1201, %get3A_1204, %dot_general3A_1205 {dimension_numbers = #tpu.dot_dimension_numbers<[1], [0], [0], [1], [0, 0, 1, 1], [], []>, transpose_lhs_hint = false} : vector<32x1024xbf16>, vector<1024x1024xbf16>, vector<32x1024xf32> -> vector<32x1024xf32>
    %get3A_1207 = arith.constant 25 : index
    %get3A_1208 = arith.constant 0 : index
    %get3A_1209 = arith.constant 0 : index
    %get3A_1210 = vector.load %arg0[%get3A_1207, %get3A_1208, %get3A_1209] : memref<64x32x1024xf32, #tpu.memory_space<vmem>>, vector<1x32x1024xf32>
    %get3A_1211 = vector.shape_cast %get3A_1210 : vector<1x32x1024xf32> to vector<32x1024xf32>
    %exp3A_1212 = math.exp %get3A_1211 : vector<32x1024xf32>
    %div3A_1213 = arith.constant 1.000000e+00 : f32
    %div3A_1214 = vector.broadcast %div3A_1213 : f32 to vector<32x1xf32>
    %div3A_1215 = arith.divf %div3A_1214, %broadcast_in_dim3A_1195 : vector<32x1xf32>
    %mul3A_1216 = vector.broadcast %div3A_1215 : vector<32x1xf32> to vector<32x1024xf32>
    %mul3A_1217 = arith.mulf %exp3A_1212, %mul3A_1216 : vector<32x1024xf32>
    %mul3A_1218 = vector.broadcast %convert_element_type3A_66 : vector<1x1024xf32> to vector<32x1024xf32>
    %mul3A_1219 = arith.mulf %mul3A_1218, %mul3A_1217 : vector<32x1024xf32>
    %mul3A_1220 = vector.broadcast %add3A_40 : vector<1x1024xf32> to vector<32x1024xf32>
    %mul3A_1221 = arith.mulf %mul3A_1220, %mul3A_1217 : vector<32x1024xf32>
    %log3A_1222 = math.log %broadcast_in_dim3A_1195 : vector<32x1xf32>
    %add3A_1223 = arith.addf %add3A_1177, %log3A_1222 : vector<32x1xf32>
    %max3A_1224 = vector.broadcast %mul3A_1198 : vector<32x1xf32> to vector<32x1024xf32>
    %max3A_1225 = arith.maximumf %dot_general3A_1206, %max3A_1224 : vector<32x1024xf32>
    %mul3A_1226 = arith.mulf %mul3A_1219, %max3A_1225 : vector<32x1024xf32>
    %mul3A_1227 = arith.mulf %mul3A_1221, %max3A_1225 : vector<32x1024xf32>
    %reduce_sum3A_1228 = arith.constant dense<0.000000e+00> : vector<32xf32>
    %reduce_sum3A_1229 = vector.multi_reduction <add>, %mul3A_1227, %reduce_sum3A_1228 [1] : vector<32x1024xf32> to vector<32xf32>
    %broadcast_in_dim3A_1230 = vector.shape_cast %reduce_sum3A_1229 : vector<32xf32> to vector<32x1xf32>
    %log3A_1231 = math.log %broadcast_in_dim3A_1230 : vector<32x1xf32>
    %add3A_1232 = arith.addf %log3A_1231, %add3A_1223 : vector<32x1xf32>
    %dot_general3A_1233 = arith.constant dense<0.000000e+00> : vector<32x1xf32>
    %dot_general3A_1234 = tpu.matmul %convert_element_type3A_59, %add3A_1232, %dot_general3A_1233 {dimension_numbers = #tpu.dot_dimension_numbers<[1], [0], [0], [1], [0, 0, 1, 1], [], []>, precision = #tpu.contract_precision<fp32>, transpose_lhs_hint = false} : vector<32x32xf32>, vector<32x1xf32>, vector<32x1xf32> -> vector<32x1xf32>
    %eq3A_1235 = arith.constant 26 : i32
    %eq3A_1236 = vector.broadcast %eq3A_1235 : i32 to vector<32x1xi32>
    %eq3A_1237 = arith.cmpi eq, %get3A_43, %eq3A_1236 : vector<32x1xi32>
    %select_n3A_1238 = arith.select %eq3A_1237, %dot_general3A_1234, %select_n3A_1192 : vector<32x1xi1>, vector<32x1xf32>
    %reduce_sum3A_1239 = arith.constant dense<0.000000e+00> : vector<32xf32>
    %reduce_sum3A_1240 = vector.multi_reduction <add>, %mul3A_1226, %reduce_sum3A_1239 [1] : vector<32x1024xf32> to vector<32xf32>
    %broadcast_in_dim3A_1241 = vector.shape_cast %reduce_sum3A_1240 : vector<32xf32> to vector<32x1xf32>
    %mul3A_1242 = arith.constant 1.60381094E-28 : f32
    %mul3A_1243 = vector.broadcast %mul3A_1242 : f32 to vector<32x1xf32>
    %mul3A_1244 = arith.mulf %broadcast_in_dim3A_1241, %mul3A_1243 : vector<32x1xf32>
    %max3A_1245 = vector.broadcast %mul3A_1244 : vector<32x1xf32> to vector<32x1024xf32>
    %max3A_1246 = arith.maximumf %mul3A_1226, %max3A_1245 : vector<32x1024xf32>
    %convert_element_type3A_1247 = arith.truncf %max3A_1246 : vector<32x1024xf32> to vector<32x1024xbf16>
    %get3A_1248 = arith.constant 0 : index
    %get3A_1249 = arith.constant 0 : index
    %get3A_1250 = vector.load %arg1[%get3A_1248, %get3A_1249] : memref<1024x1024xbf16, #tpu.memory_space<vmem>>, vector<1024x1024xbf16>
    %dot_general3A_1251 = arith.constant dense<0.000000e+00> : vector<32x1024xf32>
    %dot_general3A_1252 = tpu.matmul %convert_element_type3A_1247, %get3A_1250, %dot_general3A_1251 {dimension_numbers = #tpu.dot_dimension_numbers<[1], [0], [0], [1], [0, 0, 1, 1], [], []>, transpose_lhs_hint = false} : vector<32x1024xbf16>, vector<1024x1024xbf16>, vector<32x1024xf32> -> vector<32x1024xf32>
    %get3A_1253 = arith.constant 26 : index
    %get3A_1254 = arith.constant 0 : index
    %get3A_1255 = arith.constant 0 : index
    %get3A_1256 = vector.load %arg0[%get3A_1253, %get3A_1254, %get3A_1255] : memref<64x32x1024xf32, #tpu.memory_space<vmem>>, vector<1x32x1024xf32>
    %get3A_1257 = vector.shape_cast %get3A_1256 : vector<1x32x1024xf32> to vector<32x1024xf32>
    %exp3A_1258 = math.exp %get3A_1257 : vector<32x1024xf32>
    %div3A_1259 = arith.constant 1.000000e+00 : f32
    %div3A_1260 = vector.broadcast %div3A_1259 : f32 to vector<32x1xf32>
    %div3A_1261 = arith.divf %div3A_1260, %broadcast_in_dim3A_1241 : vector<32x1xf32>
    %mul3A_1262 = vector.broadcast %div3A_1261 : vector<32x1xf32> to vector<32x1024xf32>
    %mul3A_1263 = arith.mulf %exp3A_1258, %mul3A_1262 : vector<32x1024xf32>
    %mul3A_1264 = vector.broadcast %convert_element_type3A_66 : vector<1x1024xf32> to vector<32x1024xf32>
    %mul3A_1265 = arith.mulf %mul3A_1264, %mul3A_1263 : vector<32x1024xf32>
    %mul3A_1266 = vector.broadcast %add3A_40 : vector<1x1024xf32> to vector<32x1024xf32>
    %mul3A_1267 = arith.mulf %mul3A_1266, %mul3A_1263 : vector<32x1024xf32>
    %log3A_1268 = math.log %broadcast_in_dim3A_1241 : vector<32x1xf32>
    %add3A_1269 = arith.addf %add3A_1223, %log3A_1268 : vector<32x1xf32>
    %max3A_1270 = vector.broadcast %mul3A_1244 : vector<32x1xf32> to vector<32x1024xf32>
    %max3A_1271 = arith.maximumf %dot_general3A_1252, %max3A_1270 : vector<32x1024xf32>
    %mul3A_1272 = arith.mulf %mul3A_1265, %max3A_1271 : vector<32x1024xf32>
    %mul3A_1273 = arith.mulf %mul3A_1267, %max3A_1271 : vector<32x1024xf32>
    %reduce_sum3A_1274 = arith.constant dense<0.000000e+00> : vector<32xf32>
    %reduce_sum3A_1275 = vector.multi_reduction <add>, %mul3A_1273, %reduce_sum3A_1274 [1] : vector<32x1024xf32> to vector<32xf32>
    %broadcast_in_dim3A_1276 = vector.shape_cast %reduce_sum3A_1275 : vector<32xf32> to vector<32x1xf32>
    %log3A_1277 = math.log %broadcast_in_dim3A_1276 : vector<32x1xf32>
    %add3A_1278 = arith.addf %log3A_1277, %add3A_1269 : vector<32x1xf32>
    %dot_general3A_1279 = arith.constant dense<0.000000e+00> : vector<32x1xf32>
    %dot_general3A_1280 = tpu.matmul %convert_element_type3A_59, %add3A_1278, %dot_general3A_1279 {dimension_numbers = #tpu.dot_dimension_numbers<[1], [0], [0], [1], [0, 0, 1, 1], [], []>, precision = #tpu.contract_precision<fp32>, transpose_lhs_hint = false} : vector<32x32xf32>, vector<32x1xf32>, vector<32x1xf32> -> vector<32x1xf32>
    %eq3A_1281 = arith.constant 27 : i32
    %eq3A_1282 = vector.broadcast %eq3A_1281 : i32 to vector<32x1xi32>
    %eq3A_1283 = arith.cmpi eq, %get3A_43, %eq3A_1282 : vector<32x1xi32>
    %select_n3A_1284 = arith.select %eq3A_1283, %dot_general3A_1280, %select_n3A_1238 : vector<32x1xi1>, vector<32x1xf32>
    %reduce_sum3A_1285 = arith.constant dense<0.000000e+00> : vector<32xf32>
    %reduce_sum3A_1286 = vector.multi_reduction <add>, %mul3A_1272, %reduce_sum3A_1285 [1] : vector<32x1024xf32> to vector<32xf32>
    %broadcast_in_dim3A_1287 = vector.shape_cast %reduce_sum3A_1286 : vector<32xf32> to vector<32x1xf32>
    %mul3A_1288 = arith.constant 1.60381094E-28 : f32
    %mul3A_1289 = vector.broadcast %mul3A_1288 : f32 to vector<32x1xf32>
    %mul3A_1290 = arith.mulf %broadcast_in_dim3A_1287, %mul3A_1289 : vector<32x1xf32>
    %max3A_1291 = vector.broadcast %mul3A_1290 : vector<32x1xf32> to vector<32x1024xf32>
    %max3A_1292 = arith.maximumf %mul3A_1272, %max3A_1291 : vector<32x1024xf32>
    %convert_element_type3A_1293 = arith.truncf %max3A_1292 : vector<32x1024xf32> to vector<32x1024xbf16>
    %get3A_1294 = arith.constant 0 : index
    %get3A_1295 = arith.constant 0 : index
    %get3A_1296 = vector.load %arg1[%get3A_1294, %get3A_1295] : memref<1024x1024xbf16, #tpu.memory_space<vmem>>, vector<1024x1024xbf16>
    %dot_general3A_1297 = arith.constant dense<0.000000e+00> : vector<32x1024xf32>
    %dot_general3A_1298 = tpu.matmul %convert_element_type3A_1293, %get3A_1296, %dot_general3A_1297 {dimension_numbers = #tpu.dot_dimension_numbers<[1], [0], [0], [1], [0, 0, 1, 1], [], []>, transpose_lhs_hint = false} : vector<32x1024xbf16>, vector<1024x1024xbf16>, vector<32x1024xf32> -> vector<32x1024xf32>
    %get3A_1299 = arith.constant 27 : index
    %get3A_1300 = arith.constant 0 : index
    %get3A_1301 = arith.constant 0 : index
    %get3A_1302 = vector.load %arg0[%get3A_1299, %get3A_1300, %get3A_1301] : memref<64x32x1024xf32, #tpu.memory_space<vmem>>, vector<1x32x1024xf32>
    %get3A_1303 = vector.shape_cast %get3A_1302 : vector<1x32x1024xf32> to vector<32x1024xf32>
    %exp3A_1304 = math.exp %get3A_1303 : vector<32x1024xf32>
    %div3A_1305 = arith.constant 1.000000e+00 : f32
    %div3A_1306 = vector.broadcast %div3A_1305 : f32 to vector<32x1xf32>
    %div3A_1307 = arith.divf %div3A_1306, %broadcast_in_dim3A_1287 : vector<32x1xf32>
    %mul3A_1308 = vector.broadcast %div3A_1307 : vector<32x1xf32> to vector<32x1024xf32>
    %mul3A_1309 = arith.mulf %exp3A_1304, %mul3A_1308 : vector<32x1024xf32>
    %mul3A_1310 = vector.broadcast %convert_element_type3A_66 : vector<1x1024xf32> to vector<32x1024xf32>
    %mul3A_1311 = arith.mulf %mul3A_1310, %mul3A_1309 : vector<32x1024xf32>
    %mul3A_1312 = vector.broadcast %add3A_40 : vector<1x1024xf32> to vector<32x1024xf32>
    %mul3A_1313 = arith.mulf %mul3A_1312, %mul3A_1309 : vector<32x1024xf32>
    %log3A_1314 = math.log %broadcast_in_dim3A_1287 : vector<32x1xf32>
    %add3A_1315 = arith.addf %add3A_1269, %log3A_1314 : vector<32x1xf32>
    %max3A_1316 = vector.broadcast %mul3A_1290 : vector<32x1xf32> to vector<32x1024xf32>
    %max3A_1317 = arith.maximumf %dot_general3A_1298, %max3A_1316 : vector<32x1024xf32>
    %mul3A_1318 = arith.mulf %mul3A_1311, %max3A_1317 : vector<32x1024xf32>
    %mul3A_1319 = arith.mulf %mul3A_1313, %max3A_1317 : vector<32x1024xf32>
    %reduce_sum3A_1320 = arith.constant dense<0.000000e+00> : vector<32xf32>
    %reduce_sum3A_1321 = vector.multi_reduction <add>, %mul3A_1319, %reduce_sum3A_1320 [1] : vector<32x1024xf32> to vector<32xf32>
    %broadcast_in_dim3A_1322 = vector.shape_cast %reduce_sum3A_1321 : vector<32xf32> to vector<32x1xf32>
    %log3A_1323 = math.log %broadcast_in_dim3A_1322 : vector<32x1xf32>
    %add3A_1324 = arith.addf %log3A_1323, %add3A_1315 : vector<32x1xf32>
    %dot_general3A_1325 = arith.constant dense<0.000000e+00> : vector<32x1xf32>
    %dot_general3A_1326 = tpu.matmul %convert_element_type3A_59, %add3A_1324, %dot_general3A_1325 {dimension_numbers = #tpu.dot_dimension_numbers<[1], [0], [0], [1], [0, 0, 1, 1], [], []>, precision = #tpu.contract_precision<fp32>, transpose_lhs_hint = false} : vector<32x32xf32>, vector<32x1xf32>, vector<32x1xf32> -> vector<32x1xf32>
    %eq3A_1327 = arith.constant 28 : i32
    %eq3A_1328 = vector.broadcast %eq3A_1327 : i32 to vector<32x1xi32>
    %eq3A_1329 = arith.cmpi eq, %get3A_43, %eq3A_1328 : vector<32x1xi32>
    %select_n3A_1330 = arith.select %eq3A_1329, %dot_general3A_1326, %select_n3A_1284 : vector<32x1xi1>, vector<32x1xf32>
    %reduce_sum3A_1331 = arith.constant dense<0.000000e+00> : vector<32xf32>
    %reduce_sum3A_1332 = vector.multi_reduction <add>, %mul3A_1318, %reduce_sum3A_1331 [1] : vector<32x1024xf32> to vector<32xf32>
    %broadcast_in_dim3A_1333 = vector.shape_cast %reduce_sum3A_1332 : vector<32xf32> to vector<32x1xf32>
    %mul3A_1334 = arith.constant 1.60381094E-28 : f32
    %mul3A_1335 = vector.broadcast %mul3A_1334 : f32 to vector<32x1xf32>
    %mul3A_1336 = arith.mulf %broadcast_in_dim3A_1333, %mul3A_1335 : vector<32x1xf32>
    %max3A_1337 = vector.broadcast %mul3A_1336 : vector<32x1xf32> to vector<32x1024xf32>
    %max3A_1338 = arith.maximumf %mul3A_1318, %max3A_1337 : vector<32x1024xf32>
    %convert_element_type3A_1339 = arith.truncf %max3A_1338 : vector<32x1024xf32> to vector<32x1024xbf16>
    %get3A_1340 = arith.constant 0 : index
    %get3A_1341 = arith.constant 0 : index
    %get3A_1342 = vector.load %arg1[%get3A_1340, %get3A_1341] : memref<1024x1024xbf16, #tpu.memory_space<vmem>>, vector<1024x1024xbf16>
    %dot_general3A_1343 = arith.constant dense<0.000000e+00> : vector<32x1024xf32>
    %dot_general3A_1344 = tpu.matmul %convert_element_type3A_1339, %get3A_1342, %dot_general3A_1343 {dimension_numbers = #tpu.dot_dimension_numbers<[1], [0], [0], [1], [0, 0, 1, 1], [], []>, transpose_lhs_hint = false} : vector<32x1024xbf16>, vector<1024x1024xbf16>, vector<32x1024xf32> -> vector<32x1024xf32>
    %get3A_1345 = arith.constant 28 : index
    %get3A_1346 = arith.constant 0 : index
    %get3A_1347 = arith.constant 0 : index
    %get3A_1348 = vector.load %arg0[%get3A_1345, %get3A_1346, %get3A_1347] : memref<64x32x1024xf32, #tpu.memory_space<vmem>>, vector<1x32x1024xf32>
    %get3A_1349 = vector.shape_cast %get3A_1348 : vector<1x32x1024xf32> to vector<32x1024xf32>
    %exp3A_1350 = math.exp %get3A_1349 : vector<32x1024xf32>
    %div3A_1351 = arith.constant 1.000000e+00 : f32
    %div3A_1352 = vector.broadcast %div3A_1351 : f32 to vector<32x1xf32>
    %div3A_1353 = arith.divf %div3A_1352, %broadcast_in_dim3A_1333 : vector<32x1xf32>
    %mul3A_1354 = vector.broadcast %div3A_1353 : vector<32x1xf32> to vector<32x1024xf32>
    %mul3A_1355 = arith.mulf %exp3A_1350, %mul3A_1354 : vector<32x1024xf32>
    %mul3A_1356 = vector.broadcast %convert_element_type3A_66 : vector<1x1024xf32> to vector<32x1024xf32>
    %mul3A_1357 = arith.mulf %mul3A_1356, %mul3A_1355 : vector<32x1024xf32>
    %mul3A_1358 = vector.broadcast %add3A_40 : vector<1x1024xf32> to vector<32x1024xf32>
    %mul3A_1359 = arith.mulf %mul3A_1358, %mul3A_1355 : vector<32x1024xf32>
    %log3A_1360 = math.log %broadcast_in_dim3A_1333 : vector<32x1xf32>
    %add3A_1361 = arith.addf %add3A_1315, %log3A_1360 : vector<32x1xf32>
    %max3A_1362 = vector.broadcast %mul3A_1336 : vector<32x1xf32> to vector<32x1024xf32>
    %max3A_1363 = arith.maximumf %dot_general3A_1344, %max3A_1362 : vector<32x1024xf32>
    %mul3A_1364 = arith.mulf %mul3A_1357, %max3A_1363 : vector<32x1024xf32>
    %mul3A_1365 = arith.mulf %mul3A_1359, %max3A_1363 : vector<32x1024xf32>
    %reduce_sum3A_1366 = arith.constant dense<0.000000e+00> : vector<32xf32>
    %reduce_sum3A_1367 = vector.multi_reduction <add>, %mul3A_1365, %reduce_sum3A_1366 [1] : vector<32x1024xf32> to vector<32xf32>
    %broadcast_in_dim3A_1368 = vector.shape_cast %reduce_sum3A_1367 : vector<32xf32> to vector<32x1xf32>
    %log3A_1369 = math.log %broadcast_in_dim3A_1368 : vector<32x1xf32>
    %add3A_1370 = arith.addf %log3A_1369, %add3A_1361 : vector<32x1xf32>
    %dot_general3A_1371 = arith.constant dense<0.000000e+00> : vector<32x1xf32>
    %dot_general3A_1372 = tpu.matmul %convert_element_type3A_59, %add3A_1370, %dot_general3A_1371 {dimension_numbers = #tpu.dot_dimension_numbers<[1], [0], [0], [1], [0, 0, 1, 1], [], []>, precision = #tpu.contract_precision<fp32>, transpose_lhs_hint = false} : vector<32x32xf32>, vector<32x1xf32>, vector<32x1xf32> -> vector<32x1xf32>
    %eq3A_1373 = arith.constant 29 : i32
    %eq3A_1374 = vector.broadcast %eq3A_1373 : i32 to vector<32x1xi32>
    %eq3A_1375 = arith.cmpi eq, %get3A_43, %eq3A_1374 : vector<32x1xi32>
    %select_n3A_1376 = arith.select %eq3A_1375, %dot_general3A_1372, %select_n3A_1330 : vector<32x1xi1>, vector<32x1xf32>
    %reduce_sum3A_1377 = arith.constant dense<0.000000e+00> : vector<32xf32>
    %reduce_sum3A_1378 = vector.multi_reduction <add>, %mul3A_1364, %reduce_sum3A_1377 [1] : vector<32x1024xf32> to vector<32xf32>
    %broadcast_in_dim3A_1379 = vector.shape_cast %reduce_sum3A_1378 : vector<32xf32> to vector<32x1xf32>
    %mul3A_1380 = arith.constant 1.60381094E-28 : f32
    %mul3A_1381 = vector.broadcast %mul3A_1380 : f32 to vector<32x1xf32>
    %mul3A_1382 = arith.mulf %broadcast_in_dim3A_1379, %mul3A_1381 : vector<32x1xf32>
    %max3A_1383 = vector.broadcast %mul3A_1382 : vector<32x1xf32> to vector<32x1024xf32>
    %max3A_1384 = arith.maximumf %mul3A_1364, %max3A_1383 : vector<32x1024xf32>
    %convert_element_type3A_1385 = arith.truncf %max3A_1384 : vector<32x1024xf32> to vector<32x1024xbf16>
    %get3A_1386 = arith.constant 0 : index
    %get3A_1387 = arith.constant 0 : index
    %get3A_1388 = vector.load %arg1[%get3A_1386, %get3A_1387] : memref<1024x1024xbf16, #tpu.memory_space<vmem>>, vector<1024x1024xbf16>
    %dot_general3A_1389 = arith.constant dense<0.000000e+00> : vector<32x1024xf32>
    %dot_general3A_1390 = tpu.matmul %convert_element_type3A_1385, %get3A_1388, %dot_general3A_1389 {dimension_numbers = #tpu.dot_dimension_numbers<[1], [0], [0], [1], [0, 0, 1, 1], [], []>, transpose_lhs_hint = false} : vector<32x1024xbf16>, vector<1024x1024xbf16>, vector<32x1024xf32> -> vector<32x1024xf32>
    %get3A_1391 = arith.constant 29 : index
    %get3A_1392 = arith.constant 0 : index
    %get3A_1393 = arith.constant 0 : index
    %get3A_1394 = vector.load %arg0[%get3A_1391, %get3A_1392, %get3A_1393] : memref<64x32x1024xf32, #tpu.memory_space<vmem>>, vector<1x32x1024xf32>
    %get3A_1395 = vector.shape_cast %get3A_1394 : vector<1x32x1024xf32> to vector<32x1024xf32>
    %exp3A_1396 = math.exp %get3A_1395 : vector<32x1024xf32>
    %div3A_1397 = arith.constant 1.000000e+00 : f32
    %div3A_1398 = vector.broadcast %div3A_1397 : f32 to vector<32x1xf32>
    %div3A_1399 = arith.divf %div3A_1398, %broadcast_in_dim3A_1379 : vector<32x1xf32>
    %mul3A_1400 = vector.broadcast %div3A_1399 : vector<32x1xf32> to vector<32x1024xf32>
    %mul3A_1401 = arith.mulf %exp3A_1396, %mul3A_1400 : vector<32x1024xf32>
    %mul3A_1402 = vector.broadcast %convert_element_type3A_66 : vector<1x1024xf32> to vector<32x1024xf32>
    %mul3A_1403 = arith.mulf %mul3A_1402, %mul3A_1401 : vector<32x1024xf32>
    %mul3A_1404 = vector.broadcast %add3A_40 : vector<1x1024xf32> to vector<32x1024xf32>
    %mul3A_1405 = arith.mulf %mul3A_1404, %mul3A_1401 : vector<32x1024xf32>
    %log3A_1406 = math.log %broadcast_in_dim3A_1379 : vector<32x1xf32>
    %add3A_1407 = arith.addf %add3A_1361, %log3A_1406 : vector<32x1xf32>
    %max3A_1408 = vector.broadcast %mul3A_1382 : vector<32x1xf32> to vector<32x1024xf32>
    %max3A_1409 = arith.maximumf %dot_general3A_1390, %max3A_1408 : vector<32x1024xf32>
    %mul3A_1410 = arith.mulf %mul3A_1403, %max3A_1409 : vector<32x1024xf32>
    %mul3A_1411 = arith.mulf %mul3A_1405, %max3A_1409 : vector<32x1024xf32>
    %reduce_sum3A_1412 = arith.constant dense<0.000000e+00> : vector<32xf32>
    %reduce_sum3A_1413 = vector.multi_reduction <add>, %mul3A_1411, %reduce_sum3A_1412 [1] : vector<32x1024xf32> to vector<32xf32>
    %broadcast_in_dim3A_1414 = vector.shape_cast %reduce_sum3A_1413 : vector<32xf32> to vector<32x1xf32>
    %log3A_1415 = math.log %broadcast_in_dim3A_1414 : vector<32x1xf32>
    %add3A_1416 = arith.addf %log3A_1415, %add3A_1407 : vector<32x1xf32>
    %dot_general3A_1417 = arith.constant dense<0.000000e+00> : vector<32x1xf32>
    %dot_general3A_1418 = tpu.matmul %convert_element_type3A_59, %add3A_1416, %dot_general3A_1417 {dimension_numbers = #tpu.dot_dimension_numbers<[1], [0], [0], [1], [0, 0, 1, 1], [], []>, precision = #tpu.contract_precision<fp32>, transpose_lhs_hint = false} : vector<32x32xf32>, vector<32x1xf32>, vector<32x1xf32> -> vector<32x1xf32>
    %eq3A_1419 = arith.constant 30 : i32
    %eq3A_1420 = vector.broadcast %eq3A_1419 : i32 to vector<32x1xi32>
    %eq3A_1421 = arith.cmpi eq, %get3A_43, %eq3A_1420 : vector<32x1xi32>
    %select_n3A_1422 = arith.select %eq3A_1421, %dot_general3A_1418, %select_n3A_1376 : vector<32x1xi1>, vector<32x1xf32>
    %reduce_sum3A_1423 = arith.constant dense<0.000000e+00> : vector<32xf32>
    %reduce_sum3A_1424 = vector.multi_reduction <add>, %mul3A_1410, %reduce_sum3A_1423 [1] : vector<32x1024xf32> to vector<32xf32>
    %broadcast_in_dim3A_1425 = vector.shape_cast %reduce_sum3A_1424 : vector<32xf32> to vector<32x1xf32>
    %mul3A_1426 = arith.constant 1.60381094E-28 : f32
    %mul3A_1427 = vector.broadcast %mul3A_1426 : f32 to vector<32x1xf32>
    %mul3A_1428 = arith.mulf %broadcast_in_dim3A_1425, %mul3A_1427 : vector<32x1xf32>
    %max3A_1429 = vector.broadcast %mul3A_1428 : vector<32x1xf32> to vector<32x1024xf32>
    %max3A_1430 = arith.maximumf %mul3A_1410, %max3A_1429 : vector<32x1024xf32>
    %convert_element_type3A_1431 = arith.truncf %max3A_1430 : vector<32x1024xf32> to vector<32x1024xbf16>
    %get3A_1432 = arith.constant 0 : index
    %get3A_1433 = arith.constant 0 : index
    %get3A_1434 = vector.load %arg1[%get3A_1432, %get3A_1433] : memref<1024x1024xbf16, #tpu.memory_space<vmem>>, vector<1024x1024xbf16>
    %dot_general3A_1435 = arith.constant dense<0.000000e+00> : vector<32x1024xf32>
    %dot_general3A_1436 = tpu.matmul %convert_element_type3A_1431, %get3A_1434, %dot_general3A_1435 {dimension_numbers = #tpu.dot_dimension_numbers<[1], [0], [0], [1], [0, 0, 1, 1], [], []>, transpose_lhs_hint = false} : vector<32x1024xbf16>, vector<1024x1024xbf16>, vector<32x1024xf32> -> vector<32x1024xf32>
    %get3A_1437 = arith.constant 30 : index
    %get3A_1438 = arith.constant 0 : index
    %get3A_1439 = arith.constant 0 : index
    %get3A_1440 = vector.load %arg0[%get3A_1437, %get3A_1438, %get3A_1439] : memref<64x32x1024xf32, #tpu.memory_space<vmem>>, vector<1x32x1024xf32>
    %get3A_1441 = vector.shape_cast %get3A_1440 : vector<1x32x1024xf32> to vector<32x1024xf32>
    %exp3A_1442 = math.exp %get3A_1441 : vector<32x1024xf32>
    %div3A_1443 = arith.constant 1.000000e+00 : f32
    %div3A_1444 = vector.broadcast %div3A_1443 : f32 to vector<32x1xf32>
    %div3A_1445 = arith.divf %div3A_1444, %broadcast_in_dim3A_1425 : vector<32x1xf32>
    %mul3A_1446 = vector.broadcast %div3A_1445 : vector<32x1xf32> to vector<32x1024xf32>
    %mul3A_1447 = arith.mulf %exp3A_1442, %mul3A_1446 : vector<32x1024xf32>
    %mul3A_1448 = vector.broadcast %convert_element_type3A_66 : vector<1x1024xf32> to vector<32x1024xf32>
    %mul3A_1449 = arith.mulf %mul3A_1448, %mul3A_1447 : vector<32x1024xf32>
    %mul3A_1450 = vector.broadcast %add3A_40 : vector<1x1024xf32> to vector<32x1024xf32>
    %mul3A_1451 = arith.mulf %mul3A_1450, %mul3A_1447 : vector<32x1024xf32>
    %log3A_1452 = math.log %broadcast_in_dim3A_1425 : vector<32x1xf32>
    %add3A_1453 = arith.addf %add3A_1407, %log3A_1452 : vector<32x1xf32>
    %max3A_1454 = vector.broadcast %mul3A_1428 : vector<32x1xf32> to vector<32x1024xf32>
    %max3A_1455 = arith.maximumf %dot_general3A_1436, %max3A_1454 : vector<32x1024xf32>
    %mul3A_1456 = arith.mulf %mul3A_1449, %max3A_1455 : vector<32x1024xf32>
    %mul3A_1457 = arith.mulf %mul3A_1451, %max3A_1455 : vector<32x1024xf32>
    %reduce_sum3A_1458 = arith.constant dense<0.000000e+00> : vector<32xf32>
    %reduce_sum3A_1459 = vector.multi_reduction <add>, %mul3A_1457, %reduce_sum3A_1458 [1] : vector<32x1024xf32> to vector<32xf32>
    %broadcast_in_dim3A_1460 = vector.shape_cast %reduce_sum3A_1459 : vector<32xf32> to vector<32x1xf32>
    %log3A_1461 = math.log %broadcast_in_dim3A_1460 : vector<32x1xf32>
    %add3A_1462 = arith.addf %log3A_1461, %add3A_1453 : vector<32x1xf32>
    %dot_general3A_1463 = arith.constant dense<0.000000e+00> : vector<32x1xf32>
    %dot_general3A_1464 = tpu.matmul %convert_element_type3A_59, %add3A_1462, %dot_general3A_1463 {dimension_numbers = #tpu.dot_dimension_numbers<[1], [0], [0], [1], [0, 0, 1, 1], [], []>, precision = #tpu.contract_precision<fp32>, transpose_lhs_hint = false} : vector<32x32xf32>, vector<32x1xf32>, vector<32x1xf32> -> vector<32x1xf32>
    %eq3A_1465 = arith.constant 31 : i32
    %eq3A_1466 = vector.broadcast %eq3A_1465 : i32 to vector<32x1xi32>
    %eq3A_1467 = arith.cmpi eq, %get3A_43, %eq3A_1466 : vector<32x1xi32>
    %select_n3A_1468 = arith.select %eq3A_1467, %dot_general3A_1464, %select_n3A_1422 : vector<32x1xi1>, vector<32x1xf32>
    %reduce_sum3A_1469 = arith.constant dense<0.000000e+00> : vector<32xf32>
    %reduce_sum3A_1470 = vector.multi_reduction <add>, %mul3A_1456, %reduce_sum3A_1469 [1] : vector<32x1024xf32> to vector<32xf32>
    %broadcast_in_dim3A_1471 = vector.shape_cast %reduce_sum3A_1470 : vector<32xf32> to vector<32x1xf32>
    %mul3A_1472 = arith.constant 1.60381094E-28 : f32
    %mul3A_1473 = vector.broadcast %mul3A_1472 : f32 to vector<32x1xf32>
    %mul3A_1474 = arith.mulf %broadcast_in_dim3A_1471, %mul3A_1473 : vector<32x1xf32>
    %max3A_1475 = vector.broadcast %mul3A_1474 : vector<32x1xf32> to vector<32x1024xf32>
    %max3A_1476 = arith.maximumf %mul3A_1456, %max3A_1475 : vector<32x1024xf32>
    %convert_element_type3A_1477 = arith.truncf %max3A_1476 : vector<32x1024xf32> to vector<32x1024xbf16>
    %get3A_1478 = arith.constant 0 : index
    %get3A_1479 = arith.constant 0 : index
    %get3A_1480 = vector.load %arg1[%get3A_1478, %get3A_1479] : memref<1024x1024xbf16, #tpu.memory_space<vmem>>, vector<1024x1024xbf16>
    %dot_general3A_1481 = arith.constant dense<0.000000e+00> : vector<32x1024xf32>
    %dot_general3A_1482 = tpu.matmul %convert_element_type3A_1477, %get3A_1480, %dot_general3A_1481 {dimension_numbers = #tpu.dot_dimension_numbers<[1], [0], [0], [1], [0, 0, 1, 1], [], []>, transpose_lhs_hint = false} : vector<32x1024xbf16>, vector<1024x1024xbf16>, vector<32x1024xf32> -> vector<32x1024xf32>
    %get3A_1483 = arith.constant 31 : index
    %get3A_1484 = arith.constant 0 : index
    %get3A_1485 = arith.constant 0 : index
    %get3A_1486 = vector.load %arg0[%get3A_1483, %get3A_1484, %get3A_1485] : memref<64x32x1024xf32, #tpu.memory_space<vmem>>, vector<1x32x1024xf32>
    %get3A_1487 = vector.shape_cast %get3A_1486 : vector<1x32x1024xf32> to vector<32x1024xf32>
    %exp3A_1488 = math.exp %get3A_1487 : vector<32x1024xf32>
    %div3A_1489 = arith.constant 1.000000e+00 : f32
    %div3A_1490 = vector.broadcast %div3A_1489 : f32 to vector<32x1xf32>
    %div3A_1491 = arith.divf %div3A_1490, %broadcast_in_dim3A_1471 : vector<32x1xf32>
    %mul3A_1492 = vector.broadcast %div3A_1491 : vector<32x1xf32> to vector<32x1024xf32>
    %mul3A_1493 = arith.mulf %exp3A_1488, %mul3A_1492 : vector<32x1024xf32>
    %mul3A_1494 = vector.broadcast %convert_element_type3A_66 : vector<1x1024xf32> to vector<32x1024xf32>
    %mul3A_1495 = arith.mulf %mul3A_1494, %mul3A_1493 : vector<32x1024xf32>
    %mul3A_1496 = vector.broadcast %add3A_40 : vector<1x1024xf32> to vector<32x1024xf32>
    %mul3A_1497 = arith.mulf %mul3A_1496, %mul3A_1493 : vector<32x1024xf32>
    %log3A_1498 = math.log %broadcast_in_dim3A_1471 : vector<32x1xf32>
    %add3A_1499 = arith.addf %add3A_1453, %log3A_1498 : vector<32x1xf32>
    %max3A_1500 = vector.broadcast %mul3A_1474 : vector<32x1xf32> to vector<32x1024xf32>
    %max3A_1501 = arith.maximumf %dot_general3A_1482, %max3A_1500 : vector<32x1024xf32>
    %mul3A_1502 = arith.mulf %mul3A_1495, %max3A_1501 : vector<32x1024xf32>
    %mul3A_1503 = arith.mulf %mul3A_1497, %max3A_1501 : vector<32x1024xf32>
    %reduce_sum3A_1504 = arith.constant dense<0.000000e+00> : vector<32xf32>
    %reduce_sum3A_1505 = vector.multi_reduction <add>, %mul3A_1503, %reduce_sum3A_1504 [1] : vector<32x1024xf32> to vector<32xf32>
    %broadcast_in_dim3A_1506 = vector.shape_cast %reduce_sum3A_1505 : vector<32xf32> to vector<32x1xf32>
    %log3A_1507 = math.log %broadcast_in_dim3A_1506 : vector<32x1xf32>
    %add3A_1508 = arith.addf %log3A_1507, %add3A_1499 : vector<32x1xf32>
    %dot_general3A_1509 = arith.constant dense<0.000000e+00> : vector<32x1xf32>
    %dot_general3A_1510 = tpu.matmul %convert_element_type3A_59, %add3A_1508, %dot_general3A_1509 {dimension_numbers = #tpu.dot_dimension_numbers<[1], [0], [0], [1], [0, 0, 1, 1], [], []>, precision = #tpu.contract_precision<fp32>, transpose_lhs_hint = false} : vector<32x32xf32>, vector<32x1xf32>, vector<32x1xf32> -> vector<32x1xf32>
    %eq3A_1511 = arith.constant 32 : i32
    %eq3A_1512 = vector.broadcast %eq3A_1511 : i32 to vector<32x1xi32>
    %eq3A_1513 = arith.cmpi eq, %get3A_43, %eq3A_1512 : vector<32x1xi32>
    %select_n3A_1514 = arith.select %eq3A_1513, %dot_general3A_1510, %select_n3A_1468 : vector<32x1xi1>, vector<32x1xf32>
    %reduce_sum3A_1515 = arith.constant dense<0.000000e+00> : vector<32xf32>
    %reduce_sum3A_1516 = vector.multi_reduction <add>, %mul3A_1502, %reduce_sum3A_1515 [1] : vector<32x1024xf32> to vector<32xf32>
    %broadcast_in_dim3A_1517 = vector.shape_cast %reduce_sum3A_1516 : vector<32xf32> to vector<32x1xf32>
    %mul3A_1518 = arith.constant 1.60381094E-28 : f32
    %mul3A_1519 = vector.broadcast %mul3A_1518 : f32 to vector<32x1xf32>
    %mul3A_1520 = arith.mulf %broadcast_in_dim3A_1517, %mul3A_1519 : vector<32x1xf32>
    %max3A_1521 = vector.broadcast %mul3A_1520 : vector<32x1xf32> to vector<32x1024xf32>
    %max3A_1522 = arith.maximumf %mul3A_1502, %max3A_1521 : vector<32x1024xf32>
    %convert_element_type3A_1523 = arith.truncf %max3A_1522 : vector<32x1024xf32> to vector<32x1024xbf16>
    %get3A_1524 = arith.constant 0 : index
    %get3A_1525 = arith.constant 0 : index
    %get3A_1526 = vector.load %arg1[%get3A_1524, %get3A_1525] : memref<1024x1024xbf16, #tpu.memory_space<vmem>>, vector<1024x1024xbf16>
    %dot_general3A_1527 = arith.constant dense<0.000000e+00> : vector<32x1024xf32>
    %dot_general3A_1528 = tpu.matmul %convert_element_type3A_1523, %get3A_1526, %dot_general3A_1527 {dimension_numbers = #tpu.dot_dimension_numbers<[1], [0], [0], [1], [0, 0, 1, 1], [], []>, transpose_lhs_hint = false} : vector<32x1024xbf16>, vector<1024x1024xbf16>, vector<32x1024xf32> -> vector<32x1024xf32>
    %get3A_1529 = arith.constant 32 : index
    %get3A_1530 = arith.constant 0 : index
    %get3A_1531 = arith.constant 0 : index
    %get3A_1532 = vector.load %arg0[%get3A_1529, %get3A_1530, %get3A_1531] : memref<64x32x1024xf32, #tpu.memory_space<vmem>>, vector<1x32x1024xf32>
    %get3A_1533 = vector.shape_cast %get3A_1532 : vector<1x32x1024xf32> to vector<32x1024xf32>
    %exp3A_1534 = math.exp %get3A_1533 : vector<32x1024xf32>
    %div3A_1535 = arith.constant 1.000000e+00 : f32
    %div3A_1536 = vector.broadcast %div3A_1535 : f32 to vector<32x1xf32>
    %div3A_1537 = arith.divf %div3A_1536, %broadcast_in_dim3A_1517 : vector<32x1xf32>
    %mul3A_1538 = vector.broadcast %div3A_1537 : vector<32x1xf32> to vector<32x1024xf32>
    %mul3A_1539 = arith.mulf %exp3A_1534, %mul3A_1538 : vector<32x1024xf32>
    %mul3A_1540 = vector.broadcast %convert_element_type3A_66 : vector<1x1024xf32> to vector<32x1024xf32>
    %mul3A_1541 = arith.mulf %mul3A_1540, %mul3A_1539 : vector<32x1024xf32>
    %mul3A_1542 = vector.broadcast %add3A_40 : vector<1x1024xf32> to vector<32x1024xf32>
    %mul3A_1543 = arith.mulf %mul3A_1542, %mul3A_1539 : vector<32x1024xf32>
    %log3A_1544 = math.log %broadcast_in_dim3A_1517 : vector<32x1xf32>
    %add3A_1545 = arith.addf %add3A_1499, %log3A_1544 : vector<32x1xf32>
    %max3A_1546 = vector.broadcast %mul3A_1520 : vector<32x1xf32> to vector<32x1024xf32>
    %max3A_1547 = arith.maximumf %dot_general3A_1528, %max3A_1546 : vector<32x1024xf32>
    %mul3A_1548 = arith.mulf %mul3A_1541, %max3A_1547 : vector<32x1024xf32>
    %mul3A_1549 = arith.mulf %mul3A_1543, %max3A_1547 : vector<32x1024xf32>
    %reduce_sum3A_1550 = arith.constant dense<0.000000e+00> : vector<32xf32>
    %reduce_sum3A_1551 = vector.multi_reduction <add>, %mul3A_1549, %reduce_sum3A_1550 [1] : vector<32x1024xf32> to vector<32xf32>
    %broadcast_in_dim3A_1552 = vector.shape_cast %reduce_sum3A_1551 : vector<32xf32> to vector<32x1xf32>
    %log3A_1553 = math.log %broadcast_in_dim3A_1552 : vector<32x1xf32>
    %add3A_1554 = arith.addf %log3A_1553, %add3A_1545 : vector<32x1xf32>
    %dot_general3A_1555 = arith.constant dense<0.000000e+00> : vector<32x1xf32>
    %dot_general3A_1556 = tpu.matmul %convert_element_type3A_59, %add3A_1554, %dot_general3A_1555 {dimension_numbers = #tpu.dot_dimension_numbers<[1], [0], [0], [1], [0, 0, 1, 1], [], []>, precision = #tpu.contract_precision<fp32>, transpose_lhs_hint = false} : vector<32x32xf32>, vector<32x1xf32>, vector<32x1xf32> -> vector<32x1xf32>
    %eq3A_1557 = arith.constant 33 : i32
    %eq3A_1558 = vector.broadcast %eq3A_1557 : i32 to vector<32x1xi32>
    %eq3A_1559 = arith.cmpi eq, %get3A_43, %eq3A_1558 : vector<32x1xi32>
    %select_n3A_1560 = arith.select %eq3A_1559, %dot_general3A_1556, %select_n3A_1514 : vector<32x1xi1>, vector<32x1xf32>
    %reduce_sum3A_1561 = arith.constant dense<0.000000e+00> : vector<32xf32>
    %reduce_sum3A_1562 = vector.multi_reduction <add>, %mul3A_1548, %reduce_sum3A_1561 [1] : vector<32x1024xf32> to vector<32xf32>
    %broadcast_in_dim3A_1563 = vector.shape_cast %reduce_sum3A_1562 : vector<32xf32> to vector<32x1xf32>
    %mul3A_1564 = arith.constant 1.60381094E-28 : f32
    %mul3A_1565 = vector.broadcast %mul3A_1564 : f32 to vector<32x1xf32>
    %mul3A_1566 = arith.mulf %broadcast_in_dim3A_1563, %mul3A_1565 : vector<32x1xf32>
    %max3A_1567 = vector.broadcast %mul3A_1566 : vector<32x1xf32> to vector<32x1024xf32>
    %max3A_1568 = arith.maximumf %mul3A_1548, %max3A_1567 : vector<32x1024xf32>
    %convert_element_type3A_1569 = arith.truncf %max3A_1568 : vector<32x1024xf32> to vector<32x1024xbf16>
    %get3A_1570 = arith.constant 0 : index
    %get3A_1571 = arith.constant 0 : index
    %get3A_1572 = vector.load %arg1[%get3A_1570, %get3A_1571] : memref<1024x1024xbf16, #tpu.memory_space<vmem>>, vector<1024x1024xbf16>
    %dot_general3A_1573 = arith.constant dense<0.000000e+00> : vector<32x1024xf32>
    %dot_general3A_1574 = tpu.matmul %convert_element_type3A_1569, %get3A_1572, %dot_general3A_1573 {dimension_numbers = #tpu.dot_dimension_numbers<[1], [0], [0], [1], [0, 0, 1, 1], [], []>, transpose_lhs_hint = false} : vector<32x1024xbf16>, vector<1024x1024xbf16>, vector<32x1024xf32> -> vector<32x1024xf32>
    %get3A_1575 = arith.constant 33 : index
    %get3A_1576 = arith.constant 0 : index
    %get3A_1577 = arith.constant 0 : index
    %get3A_1578 = vector.load %arg0[%get3A_1575, %get3A_1576, %get3A_1577] : memref<64x32x1024xf32, #tpu.memory_space<vmem>>, vector<1x32x1024xf32>
    %get3A_1579 = vector.shape_cast %get3A_1578 : vector<1x32x1024xf32> to vector<32x1024xf32>
    %exp3A_1580 = math.exp %get3A_1579 : vector<32x1024xf32>
    %div3A_1581 = arith.constant 1.000000e+00 : f32
    %div3A_1582 = vector.broadcast %div3A_1581 : f32 to vector<32x1xf32>
    %div3A_1583 = arith.divf %div3A_1582, %broadcast_in_dim3A_1563 : vector<32x1xf32>
    %mul3A_1584 = vector.broadcast %div3A_1583 : vector<32x1xf32> to vector<32x1024xf32>
    %mul3A_1585 = arith.mulf %exp3A_1580, %mul3A_1584 : vector<32x1024xf32>
    %mul3A_1586 = vector.broadcast %convert_element_type3A_66 : vector<1x1024xf32> to vector<32x1024xf32>
    %mul3A_1587 = arith.mulf %mul3A_1586, %mul3A_1585 : vector<32x1024xf32>
    %mul3A_1588 = vector.broadcast %add3A_40 : vector<1x1024xf32> to vector<32x1024xf32>
    %mul3A_1589 = arith.mulf %mul3A_1588, %mul3A_1585 : vector<32x1024xf32>
    %log3A_1590 = math.log %broadcast_in_dim3A_1563 : vector<32x1xf32>
    %add3A_1591 = arith.addf %add3A_1545, %log3A_1590 : vector<32x1xf32>
    %max3A_1592 = vector.broadcast %mul3A_1566 : vector<32x1xf32> to vector<32x1024xf32>
    %max3A_1593 = arith.maximumf %dot_general3A_1574, %max3A_1592 : vector<32x1024xf32>
    %mul3A_1594 = arith.mulf %mul3A_1587, %max3A_1593 : vector<32x1024xf32>
    %mul3A_1595 = arith.mulf %mul3A_1589, %max3A_1593 : vector<32x1024xf32>
    %reduce_sum3A_1596 = arith.constant dense<0.000000e+00> : vector<32xf32>
    %reduce_sum3A_1597 = vector.multi_reduction <add>, %mul3A_1595, %reduce_sum3A_1596 [1] : vector<32x1024xf32> to vector<32xf32>
    %broadcast_in_dim3A_1598 = vector.shape_cast %reduce_sum3A_1597 : vector<32xf32> to vector<32x1xf32>
    %log3A_1599 = math.log %broadcast_in_dim3A_1598 : vector<32x1xf32>
    %add3A_1600 = arith.addf %log3A_1599, %add3A_1591 : vector<32x1xf32>
    %dot_general3A_1601 = arith.constant dense<0.000000e+00> : vector<32x1xf32>
    %dot_general3A_1602 = tpu.matmul %convert_element_type3A_59, %add3A_1600, %dot_general3A_1601 {dimension_numbers = #tpu.dot_dimension_numbers<[1], [0], [0], [1], [0, 0, 1, 1], [], []>, precision = #tpu.contract_precision<fp32>, transpose_lhs_hint = false} : vector<32x32xf32>, vector<32x1xf32>, vector<32x1xf32> -> vector<32x1xf32>
    %eq3A_1603 = arith.constant 34 : i32
    %eq3A_1604 = vector.broadcast %eq3A_1603 : i32 to vector<32x1xi32>
    %eq3A_1605 = arith.cmpi eq, %get3A_43, %eq3A_1604 : vector<32x1xi32>
    %select_n3A_1606 = arith.select %eq3A_1605, %dot_general3A_1602, %select_n3A_1560 : vector<32x1xi1>, vector<32x1xf32>
    %reduce_sum3A_1607 = arith.constant dense<0.000000e+00> : vector<32xf32>
    %reduce_sum3A_1608 = vector.multi_reduction <add>, %mul3A_1594, %reduce_sum3A_1607 [1] : vector<32x1024xf32> to vector<32xf32>
    %broadcast_in_dim3A_1609 = vector.shape_cast %reduce_sum3A_1608 : vector<32xf32> to vector<32x1xf32>
    %mul3A_1610 = arith.constant 1.60381094E-28 : f32
    %mul3A_1611 = vector.broadcast %mul3A_1610 : f32 to vector<32x1xf32>
    %mul3A_1612 = arith.mulf %broadcast_in_dim3A_1609, %mul3A_1611 : vector<32x1xf32>
    %max3A_1613 = vector.broadcast %mul3A_1612 : vector<32x1xf32> to vector<32x1024xf32>
    %max3A_1614 = arith.maximumf %mul3A_1594, %max3A_1613 : vector<32x1024xf32>
    %convert_element_type3A_1615 = arith.truncf %max3A_1614 : vector<32x1024xf32> to vector<32x1024xbf16>
    %get3A_1616 = arith.constant 0 : index
    %get3A_1617 = arith.constant 0 : index
    %get3A_1618 = vector.load %arg1[%get3A_1616, %get3A_1617] : memref<1024x1024xbf16, #tpu.memory_space<vmem>>, vector<1024x1024xbf16>
    %dot_general3A_1619 = arith.constant dense<0.000000e+00> : vector<32x1024xf32>
    %dot_general3A_1620 = tpu.matmul %convert_element_type3A_1615, %get3A_1618, %dot_general3A_1619 {dimension_numbers = #tpu.dot_dimension_numbers<[1], [0], [0], [1], [0, 0, 1, 1], [], []>, transpose_lhs_hint = false} : vector<32x1024xbf16>, vector<1024x1024xbf16>, vector<32x1024xf32> -> vector<32x1024xf32>
    %get3A_1621 = arith.constant 34 : index
    %get3A_1622 = arith.constant 0 : index
    %get3A_1623 = arith.constant 0 : index
    %get3A_1624 = vector.load %arg0[%get3A_1621, %get3A_1622, %get3A_1623] : memref<64x32x1024xf32, #tpu.memory_space<vmem>>, vector<1x32x1024xf32>
    %get3A_1625 = vector.shape_cast %get3A_1624 : vector<1x32x1024xf32> to vector<32x1024xf32>
    %exp3A_1626 = math.exp %get3A_1625 : vector<32x1024xf32>
    %div3A_1627 = arith.constant 1.000000e+00 : f32
    %div3A_1628 = vector.broadcast %div3A_1627 : f32 to vector<32x1xf32>
    %div3A_1629 = arith.divf %div3A_1628, %broadcast_in_dim3A_1609 : vector<32x1xf32>
    %mul3A_1630 = vector.broadcast %div3A_1629 : vector<32x1xf32> to vector<32x1024xf32>
    %mul3A_1631 = arith.mulf %exp3A_1626, %mul3A_1630 : vector<32x1024xf32>
    %mul3A_1632 = vector.broadcast %convert_element_type3A_66 : vector<1x1024xf32> to vector<32x1024xf32>
    %mul3A_1633 = arith.mulf %mul3A_1632, %mul3A_1631 : vector<32x1024xf32>
    %mul3A_1634 = vector.broadcast %add3A_40 : vector<1x1024xf32> to vector<32x1024xf32>
    %mul3A_1635 = arith.mulf %mul3A_1634, %mul3A_1631 : vector<32x1024xf32>
    %log3A_1636 = math.log %broadcast_in_dim3A_1609 : vector<32x1xf32>
    %add3A_1637 = arith.addf %add3A_1591, %log3A_1636 : vector<32x1xf32>
    %max3A_1638 = vector.broadcast %mul3A_1612 : vector<32x1xf32> to vector<32x1024xf32>
    %max3A_1639 = arith.maximumf %dot_general3A_1620, %max3A_1638 : vector<32x1024xf32>
    %mul3A_1640 = arith.mulf %mul3A_1633, %max3A_1639 : vector<32x1024xf32>
    %mul3A_1641 = arith.mulf %mul3A_1635, %max3A_1639 : vector<32x1024xf32>
    %reduce_sum3A_1642 = arith.constant dense<0.000000e+00> : vector<32xf32>
    %reduce_sum3A_1643 = vector.multi_reduction <add>, %mul3A_1641, %reduce_sum3A_1642 [1] : vector<32x1024xf32> to vector<32xf32>
    %broadcast_in_dim3A_1644 = vector.shape_cast %reduce_sum3A_1643 : vector<32xf32> to vector<32x1xf32>
    %log3A_1645 = math.log %broadcast_in_dim3A_1644 : vector<32x1xf32>
    %add3A_1646 = arith.addf %log3A_1645, %add3A_1637 : vector<32x1xf32>
    %dot_general3A_1647 = arith.constant dense<0.000000e+00> : vector<32x1xf32>
    %dot_general3A_1648 = tpu.matmul %convert_element_type3A_59, %add3A_1646, %dot_general3A_1647 {dimension_numbers = #tpu.dot_dimension_numbers<[1], [0], [0], [1], [0, 0, 1, 1], [], []>, precision = #tpu.contract_precision<fp32>, transpose_lhs_hint = false} : vector<32x32xf32>, vector<32x1xf32>, vector<32x1xf32> -> vector<32x1xf32>
    %eq3A_1649 = arith.constant 35 : i32
    %eq3A_1650 = vector.broadcast %eq3A_1649 : i32 to vector<32x1xi32>
    %eq3A_1651 = arith.cmpi eq, %get3A_43, %eq3A_1650 : vector<32x1xi32>
    %select_n3A_1652 = arith.select %eq3A_1651, %dot_general3A_1648, %select_n3A_1606 : vector<32x1xi1>, vector<32x1xf32>
    %reduce_sum3A_1653 = arith.constant dense<0.000000e+00> : vector<32xf32>
    %reduce_sum3A_1654 = vector.multi_reduction <add>, %mul3A_1640, %reduce_sum3A_1653 [1] : vector<32x1024xf32> to vector<32xf32>
    %broadcast_in_dim3A_1655 = vector.shape_cast %reduce_sum3A_1654 : vector<32xf32> to vector<32x1xf32>
    %mul3A_1656 = arith.constant 1.60381094E-28 : f32
    %mul3A_1657 = vector.broadcast %mul3A_1656 : f32 to vector<32x1xf32>
    %mul3A_1658 = arith.mulf %broadcast_in_dim3A_1655, %mul3A_1657 : vector<32x1xf32>
    %max3A_1659 = vector.broadcast %mul3A_1658 : vector<32x1xf32> to vector<32x1024xf32>
    %max3A_1660 = arith.maximumf %mul3A_1640, %max3A_1659 : vector<32x1024xf32>
    %convert_element_type3A_1661 = arith.truncf %max3A_1660 : vector<32x1024xf32> to vector<32x1024xbf16>
    %get3A_1662 = arith.constant 0 : index
    %get3A_1663 = arith.constant 0 : index
    %get3A_1664 = vector.load %arg1[%get3A_1662, %get3A_1663] : memref<1024x1024xbf16, #tpu.memory_space<vmem>>, vector<1024x1024xbf16>
    %dot_general3A_1665 = arith.constant dense<0.000000e+00> : vector<32x1024xf32>
    %dot_general3A_1666 = tpu.matmul %convert_element_type3A_1661, %get3A_1664, %dot_general3A_1665 {dimension_numbers = #tpu.dot_dimension_numbers<[1], [0], [0], [1], [0, 0, 1, 1], [], []>, transpose_lhs_hint = false} : vector<32x1024xbf16>, vector<1024x1024xbf16>, vector<32x1024xf32> -> vector<32x1024xf32>
    %get3A_1667 = arith.constant 35 : index
    %get3A_1668 = arith.constant 0 : index
    %get3A_1669 = arith.constant 0 : index
    %get3A_1670 = vector.load %arg0[%get3A_1667, %get3A_1668, %get3A_1669] : memref<64x32x1024xf32, #tpu.memory_space<vmem>>, vector<1x32x1024xf32>
    %get3A_1671 = vector.shape_cast %get3A_1670 : vector<1x32x1024xf32> to vector<32x1024xf32>
    %exp3A_1672 = math.exp %get3A_1671 : vector<32x1024xf32>
    %div3A_1673 = arith.constant 1.000000e+00 : f32
    %div3A_1674 = vector.broadcast %div3A_1673 : f32 to vector<32x1xf32>
    %div3A_1675 = arith.divf %div3A_1674, %broadcast_in_dim3A_1655 : vector<32x1xf32>
    %mul3A_1676 = vector.broadcast %div3A_1675 : vector<32x1xf32> to vector<32x1024xf32>
    %mul3A_1677 = arith.mulf %exp3A_1672, %mul3A_1676 : vector<32x1024xf32>
    %mul3A_1678 = vector.broadcast %convert_element_type3A_66 : vector<1x1024xf32> to vector<32x1024xf32>
    %mul3A_1679 = arith.mulf %mul3A_1678, %mul3A_1677 : vector<32x1024xf32>
    %mul3A_1680 = vector.broadcast %add3A_40 : vector<1x1024xf32> to vector<32x1024xf32>
    %mul3A_1681 = arith.mulf %mul3A_1680, %mul3A_1677 : vector<32x1024xf32>
    %log3A_1682 = math.log %broadcast_in_dim3A_1655 : vector<32x1xf32>
    %add3A_1683 = arith.addf %add3A_1637, %log3A_1682 : vector<32x1xf32>
    %max3A_1684 = vector.broadcast %mul3A_1658 : vector<32x1xf32> to vector<32x1024xf32>
    %max3A_1685 = arith.maximumf %dot_general3A_1666, %max3A_1684 : vector<32x1024xf32>
    %mul3A_1686 = arith.mulf %mul3A_1679, %max3A_1685 : vector<32x1024xf32>
    %mul3A_1687 = arith.mulf %mul3A_1681, %max3A_1685 : vector<32x1024xf32>
    %reduce_sum3A_1688 = arith.constant dense<0.000000e+00> : vector<32xf32>
    %reduce_sum3A_1689 = vector.multi_reduction <add>, %mul3A_1687, %reduce_sum3A_1688 [1] : vector<32x1024xf32> to vector<32xf32>
    %broadcast_in_dim3A_1690 = vector.shape_cast %reduce_sum3A_1689 : vector<32xf32> to vector<32x1xf32>
    %log3A_1691 = math.log %broadcast_in_dim3A_1690 : vector<32x1xf32>
    %add3A_1692 = arith.addf %log3A_1691, %add3A_1683 : vector<32x1xf32>
    %dot_general3A_1693 = arith.constant dense<0.000000e+00> : vector<32x1xf32>
    %dot_general3A_1694 = tpu.matmul %convert_element_type3A_59, %add3A_1692, %dot_general3A_1693 {dimension_numbers = #tpu.dot_dimension_numbers<[1], [0], [0], [1], [0, 0, 1, 1], [], []>, precision = #tpu.contract_precision<fp32>, transpose_lhs_hint = false} : vector<32x32xf32>, vector<32x1xf32>, vector<32x1xf32> -> vector<32x1xf32>
    %eq3A_1695 = arith.constant 36 : i32
    %eq3A_1696 = vector.broadcast %eq3A_1695 : i32 to vector<32x1xi32>
    %eq3A_1697 = arith.cmpi eq, %get3A_43, %eq3A_1696 : vector<32x1xi32>
    %select_n3A_1698 = arith.select %eq3A_1697, %dot_general3A_1694, %select_n3A_1652 : vector<32x1xi1>, vector<32x1xf32>
    %reduce_sum3A_1699 = arith.constant dense<0.000000e+00> : vector<32xf32>
    %reduce_sum3A_1700 = vector.multi_reduction <add>, %mul3A_1686, %reduce_sum3A_1699 [1] : vector<32x1024xf32> to vector<32xf32>
    %broadcast_in_dim3A_1701 = vector.shape_cast %reduce_sum3A_1700 : vector<32xf32> to vector<32x1xf32>
    %mul3A_1702 = arith.constant 1.60381094E-28 : f32
    %mul3A_1703 = vector.broadcast %mul3A_1702 : f32 to vector<32x1xf32>
    %mul3A_1704 = arith.mulf %broadcast_in_dim3A_1701, %mul3A_1703 : vector<32x1xf32>
    %max3A_1705 = vector.broadcast %mul3A_1704 : vector<32x1xf32> to vector<32x1024xf32>
    %max3A_1706 = arith.maximumf %mul3A_1686, %max3A_1705 : vector<32x1024xf32>
    %convert_element_type3A_1707 = arith.truncf %max3A_1706 : vector<32x1024xf32> to vector<32x1024xbf16>
    %get3A_1708 = arith.constant 0 : index
    %get3A_1709 = arith.constant 0 : index
    %get3A_1710 = vector.load %arg1[%get3A_1708, %get3A_1709] : memref<1024x1024xbf16, #tpu.memory_space<vmem>>, vector<1024x1024xbf16>
    %dot_general3A_1711 = arith.constant dense<0.000000e+00> : vector<32x1024xf32>
    %dot_general3A_1712 = tpu.matmul %convert_element_type3A_1707, %get3A_1710, %dot_general3A_1711 {dimension_numbers = #tpu.dot_dimension_numbers<[1], [0], [0], [1], [0, 0, 1, 1], [], []>, transpose_lhs_hint = false} : vector<32x1024xbf16>, vector<1024x1024xbf16>, vector<32x1024xf32> -> vector<32x1024xf32>
    %get3A_1713 = arith.constant 36 : index
    %get3A_1714 = arith.constant 0 : index
    %get3A_1715 = arith.constant 0 : index
    %get3A_1716 = vector.load %arg0[%get3A_1713, %get3A_1714, %get3A_1715] : memref<64x32x1024xf32, #tpu.memory_space<vmem>>, vector<1x32x1024xf32>
    %get3A_1717 = vector.shape_cast %get3A_1716 : vector<1x32x1024xf32> to vector<32x1024xf32>
    %exp3A_1718 = math.exp %get3A_1717 : vector<32x1024xf32>
    %div3A_1719 = arith.constant 1.000000e+00 : f32
    %div3A_1720 = vector.broadcast %div3A_1719 : f32 to vector<32x1xf32>
    %div3A_1721 = arith.divf %div3A_1720, %broadcast_in_dim3A_1701 : vector<32x1xf32>
    %mul3A_1722 = vector.broadcast %div3A_1721 : vector<32x1xf32> to vector<32x1024xf32>
    %mul3A_1723 = arith.mulf %exp3A_1718, %mul3A_1722 : vector<32x1024xf32>
    %mul3A_1724 = vector.broadcast %convert_element_type3A_66 : vector<1x1024xf32> to vector<32x1024xf32>
    %mul3A_1725 = arith.mulf %mul3A_1724, %mul3A_1723 : vector<32x1024xf32>
    %mul3A_1726 = vector.broadcast %add3A_40 : vector<1x1024xf32> to vector<32x1024xf32>
    %mul3A_1727 = arith.mulf %mul3A_1726, %mul3A_1723 : vector<32x1024xf32>
    %log3A_1728 = math.log %broadcast_in_dim3A_1701 : vector<32x1xf32>
    %add3A_1729 = arith.addf %add3A_1683, %log3A_1728 : vector<32x1xf32>
    %max3A_1730 = vector.broadcast %mul3A_1704 : vector<32x1xf32> to vector<32x1024xf32>
    %max3A_1731 = arith.maximumf %dot_general3A_1712, %max3A_1730 : vector<32x1024xf32>
    %mul3A_1732 = arith.mulf %mul3A_1725, %max3A_1731 : vector<32x1024xf32>
    %mul3A_1733 = arith.mulf %mul3A_1727, %max3A_1731 : vector<32x1024xf32>
    %reduce_sum3A_1734 = arith.constant dense<0.000000e+00> : vector<32xf32>
    %reduce_sum3A_1735 = vector.multi_reduction <add>, %mul3A_1733, %reduce_sum3A_1734 [1] : vector<32x1024xf32> to vector<32xf32>
    %broadcast_in_dim3A_1736 = vector.shape_cast %reduce_sum3A_1735 : vector<32xf32> to vector<32x1xf32>
    %log3A_1737 = math.log %broadcast_in_dim3A_1736 : vector<32x1xf32>
    %add3A_1738 = arith.addf %log3A_1737, %add3A_1729 : vector<32x1xf32>
    %dot_general3A_1739 = arith.constant dense<0.000000e+00> : vector<32x1xf32>
    %dot_general3A_1740 = tpu.matmul %convert_element_type3A_59, %add3A_1738, %dot_general3A_1739 {dimension_numbers = #tpu.dot_dimension_numbers<[1], [0], [0], [1], [0, 0, 1, 1], [], []>, precision = #tpu.contract_precision<fp32>, transpose_lhs_hint = false} : vector<32x32xf32>, vector<32x1xf32>, vector<32x1xf32> -> vector<32x1xf32>
    %eq3A_1741 = arith.constant 37 : i32
    %eq3A_1742 = vector.broadcast %eq3A_1741 : i32 to vector<32x1xi32>
    %eq3A_1743 = arith.cmpi eq, %get3A_43, %eq3A_1742 : vector<32x1xi32>
    %select_n3A_1744 = arith.select %eq3A_1743, %dot_general3A_1740, %select_n3A_1698 : vector<32x1xi1>, vector<32x1xf32>
    %reduce_sum3A_1745 = arith.constant dense<0.000000e+00> : vector<32xf32>
    %reduce_sum3A_1746 = vector.multi_reduction <add>, %mul3A_1732, %reduce_sum3A_1745 [1] : vector<32x1024xf32> to vector<32xf32>
    %broadcast_in_dim3A_1747 = vector.shape_cast %reduce_sum3A_1746 : vector<32xf32> to vector<32x1xf32>
    %mul3A_1748 = arith.constant 1.60381094E-28 : f32
    %mul3A_1749 = vector.broadcast %mul3A_1748 : f32 to vector<32x1xf32>
    %mul3A_1750 = arith.mulf %broadcast_in_dim3A_1747, %mul3A_1749 : vector<32x1xf32>
    %max3A_1751 = vector.broadcast %mul3A_1750 : vector<32x1xf32> to vector<32x1024xf32>
    %max3A_1752 = arith.maximumf %mul3A_1732, %max3A_1751 : vector<32x1024xf32>
    %convert_element_type3A_1753 = arith.truncf %max3A_1752 : vector<32x1024xf32> to vector<32x1024xbf16>
    %get3A_1754 = arith.constant 0 : index
    %get3A_1755 = arith.constant 0 : index
    %get3A_1756 = vector.load %arg1[%get3A_1754, %get3A_1755] : memref<1024x1024xbf16, #tpu.memory_space<vmem>>, vector<1024x1024xbf16>
    %dot_general3A_1757 = arith.constant dense<0.000000e+00> : vector<32x1024xf32>
    %dot_general3A_1758 = tpu.matmul %convert_element_type3A_1753, %get3A_1756, %dot_general3A_1757 {dimension_numbers = #tpu.dot_dimension_numbers<[1], [0], [0], [1], [0, 0, 1, 1], [], []>, transpose_lhs_hint = false} : vector<32x1024xbf16>, vector<1024x1024xbf16>, vector<32x1024xf32> -> vector<32x1024xf32>
    %get3A_1759 = arith.constant 37 : index
    %get3A_1760 = arith.constant 0 : index
    %get3A_1761 = arith.constant 0 : index
    %get3A_1762 = vector.load %arg0[%get3A_1759, %get3A_1760, %get3A_1761] : memref<64x32x1024xf32, #tpu.memory_space<vmem>>, vector<1x32x1024xf32>
    %get3A_1763 = vector.shape_cast %get3A_1762 : vector<1x32x1024xf32> to vector<32x1024xf32>
    %exp3A_1764 = math.exp %get3A_1763 : vector<32x1024xf32>
    %div3A_1765 = arith.constant 1.000000e+00 : f32
    %div3A_1766 = vector.broadcast %div3A_1765 : f32 to vector<32x1xf32>
    %div3A_1767 = arith.divf %div3A_1766, %broadcast_in_dim3A_1747 : vector<32x1xf32>
    %mul3A_1768 = vector.broadcast %div3A_1767 : vector<32x1xf32> to vector<32x1024xf32>
    %mul3A_1769 = arith.mulf %exp3A_1764, %mul3A_1768 : vector<32x1024xf32>
    %mul3A_1770 = vector.broadcast %convert_element_type3A_66 : vector<1x1024xf32> to vector<32x1024xf32>
    %mul3A_1771 = arith.mulf %mul3A_1770, %mul3A_1769 : vector<32x1024xf32>
    %mul3A_1772 = vector.broadcast %add3A_40 : vector<1x1024xf32> to vector<32x1024xf32>
    %mul3A_1773 = arith.mulf %mul3A_1772, %mul3A_1769 : vector<32x1024xf32>
    %log3A_1774 = math.log %broadcast_in_dim3A_1747 : vector<32x1xf32>
    %add3A_1775 = arith.addf %add3A_1729, %log3A_1774 : vector<32x1xf32>
    %max3A_1776 = vector.broadcast %mul3A_1750 : vector<32x1xf32> to vector<32x1024xf32>
    %max3A_1777 = arith.maximumf %dot_general3A_1758, %max3A_1776 : vector<32x1024xf32>
    %mul3A_1778 = arith.mulf %mul3A_1771, %max3A_1777 : vector<32x1024xf32>
    %mul3A_1779 = arith.mulf %mul3A_1773, %max3A_1777 : vector<32x1024xf32>
    %reduce_sum3A_1780 = arith.constant dense<0.000000e+00> : vector<32xf32>
    %reduce_sum3A_1781 = vector.multi_reduction <add>, %mul3A_1779, %reduce_sum3A_1780 [1] : vector<32x1024xf32> to vector<32xf32>
    %broadcast_in_dim3A_1782 = vector.shape_cast %reduce_sum3A_1781 : vector<32xf32> to vector<32x1xf32>
    %log3A_1783 = math.log %broadcast_in_dim3A_1782 : vector<32x1xf32>
    %add3A_1784 = arith.addf %log3A_1783, %add3A_1775 : vector<32x1xf32>
    %dot_general3A_1785 = arith.constant dense<0.000000e+00> : vector<32x1xf32>
    %dot_general3A_1786 = tpu.matmul %convert_element_type3A_59, %add3A_1784, %dot_general3A_1785 {dimension_numbers = #tpu.dot_dimension_numbers<[1], [0], [0], [1], [0, 0, 1, 1], [], []>, precision = #tpu.contract_precision<fp32>, transpose_lhs_hint = false} : vector<32x32xf32>, vector<32x1xf32>, vector<32x1xf32> -> vector<32x1xf32>
    %eq3A_1787 = arith.constant 38 : i32
    %eq3A_1788 = vector.broadcast %eq3A_1787 : i32 to vector<32x1xi32>
    %eq3A_1789 = arith.cmpi eq, %get3A_43, %eq3A_1788 : vector<32x1xi32>
    %select_n3A_1790 = arith.select %eq3A_1789, %dot_general3A_1786, %select_n3A_1744 : vector<32x1xi1>, vector<32x1xf32>
    %reduce_sum3A_1791 = arith.constant dense<0.000000e+00> : vector<32xf32>
    %reduce_sum3A_1792 = vector.multi_reduction <add>, %mul3A_1778, %reduce_sum3A_1791 [1] : vector<32x1024xf32> to vector<32xf32>
    %broadcast_in_dim3A_1793 = vector.shape_cast %reduce_sum3A_1792 : vector<32xf32> to vector<32x1xf32>
    %mul3A_1794 = arith.constant 1.60381094E-28 : f32
    %mul3A_1795 = vector.broadcast %mul3A_1794 : f32 to vector<32x1xf32>
    %mul3A_1796 = arith.mulf %broadcast_in_dim3A_1793, %mul3A_1795 : vector<32x1xf32>
    %max3A_1797 = vector.broadcast %mul3A_1796 : vector<32x1xf32> to vector<32x1024xf32>
    %max3A_1798 = arith.maximumf %mul3A_1778, %max3A_1797 : vector<32x1024xf32>
    %convert_element_type3A_1799 = arith.truncf %max3A_1798 : vector<32x1024xf32> to vector<32x1024xbf16>
    %get3A_1800 = arith.constant 0 : index
    %get3A_1801 = arith.constant 0 : index
    %get3A_1802 = vector.load %arg1[%get3A_1800, %get3A_1801] : memref<1024x1024xbf16, #tpu.memory_space<vmem>>, vector<1024x1024xbf16>
    %dot_general3A_1803 = arith.constant dense<0.000000e+00> : vector<32x1024xf32>
    %dot_general3A_1804 = tpu.matmul %convert_element_type3A_1799, %get3A_1802, %dot_general3A_1803 {dimension_numbers = #tpu.dot_dimension_numbers<[1], [0], [0], [1], [0, 0, 1, 1], [], []>, transpose_lhs_hint = false} : vector<32x1024xbf16>, vector<1024x1024xbf16>, vector<32x1024xf32> -> vector<32x1024xf32>
    %get3A_1805 = arith.constant 38 : index
    %get3A_1806 = arith.constant 0 : index
    %get3A_1807 = arith.constant 0 : index
    %get3A_1808 = vector.load %arg0[%get3A_1805, %get3A_1806, %get3A_1807] : memref<64x32x1024xf32, #tpu.memory_space<vmem>>, vector<1x32x1024xf32>
    %get3A_1809 = vector.shape_cast %get3A_1808 : vector<1x32x1024xf32> to vector<32x1024xf32>
    %exp3A_1810 = math.exp %get3A_1809 : vector<32x1024xf32>
    %div3A_1811 = arith.constant 1.000000e+00 : f32
    %div3A_1812 = vector.broadcast %div3A_1811 : f32 to vector<32x1xf32>
    %div3A_1813 = arith.divf %div3A_1812, %broadcast_in_dim3A_1793 : vector<32x1xf32>
    %mul3A_1814 = vector.broadcast %div3A_1813 : vector<32x1xf32> to vector<32x1024xf32>
    %mul3A_1815 = arith.mulf %exp3A_1810, %mul3A_1814 : vector<32x1024xf32>
    %mul3A_1816 = vector.broadcast %convert_element_type3A_66 : vector<1x1024xf32> to vector<32x1024xf32>
    %mul3A_1817 = arith.mulf %mul3A_1816, %mul3A_1815 : vector<32x1024xf32>
    %mul3A_1818 = vector.broadcast %add3A_40 : vector<1x1024xf32> to vector<32x1024xf32>
    %mul3A_1819 = arith.mulf %mul3A_1818, %mul3A_1815 : vector<32x1024xf32>
    %log3A_1820 = math.log %broadcast_in_dim3A_1793 : vector<32x1xf32>
    %add3A_1821 = arith.addf %add3A_1775, %log3A_1820 : vector<32x1xf32>
    %max3A_1822 = vector.broadcast %mul3A_1796 : vector<32x1xf32> to vector<32x1024xf32>
    %max3A_1823 = arith.maximumf %dot_general3A_1804, %max3A_1822 : vector<32x1024xf32>
    %mul3A_1824 = arith.mulf %mul3A_1817, %max3A_1823 : vector<32x1024xf32>
    %mul3A_1825 = arith.mulf %mul3A_1819, %max3A_1823 : vector<32x1024xf32>
    %reduce_sum3A_1826 = arith.constant dense<0.000000e+00> : vector<32xf32>
    %reduce_sum3A_1827 = vector.multi_reduction <add>, %mul3A_1825, %reduce_sum3A_1826 [1] : vector<32x1024xf32> to vector<32xf32>
    %broadcast_in_dim3A_1828 = vector.shape_cast %reduce_sum3A_1827 : vector<32xf32> to vector<32x1xf32>
    %log3A_1829 = math.log %broadcast_in_dim3A_1828 : vector<32x1xf32>
    %add3A_1830 = arith.addf %log3A_1829, %add3A_1821 : vector<32x1xf32>
    %dot_general3A_1831 = arith.constant dense<0.000000e+00> : vector<32x1xf32>
    %dot_general3A_1832 = tpu.matmul %convert_element_type3A_59, %add3A_1830, %dot_general3A_1831 {dimension_numbers = #tpu.dot_dimension_numbers<[1], [0], [0], [1], [0, 0, 1, 1], [], []>, precision = #tpu.contract_precision<fp32>, transpose_lhs_hint = false} : vector<32x32xf32>, vector<32x1xf32>, vector<32x1xf32> -> vector<32x1xf32>
    %eq3A_1833 = arith.constant 39 : i32
    %eq3A_1834 = vector.broadcast %eq3A_1833 : i32 to vector<32x1xi32>
    %eq3A_1835 = arith.cmpi eq, %get3A_43, %eq3A_1834 : vector<32x1xi32>
    %select_n3A_1836 = arith.select %eq3A_1835, %dot_general3A_1832, %select_n3A_1790 : vector<32x1xi1>, vector<32x1xf32>
    %reduce_sum3A_1837 = arith.constant dense<0.000000e+00> : vector<32xf32>
    %reduce_sum3A_1838 = vector.multi_reduction <add>, %mul3A_1824, %reduce_sum3A_1837 [1] : vector<32x1024xf32> to vector<32xf32>
    %broadcast_in_dim3A_1839 = vector.shape_cast %reduce_sum3A_1838 : vector<32xf32> to vector<32x1xf32>
    %mul3A_1840 = arith.constant 1.60381094E-28 : f32
    %mul3A_1841 = vector.broadcast %mul3A_1840 : f32 to vector<32x1xf32>
    %mul3A_1842 = arith.mulf %broadcast_in_dim3A_1839, %mul3A_1841 : vector<32x1xf32>
    %max3A_1843 = vector.broadcast %mul3A_1842 : vector<32x1xf32> to vector<32x1024xf32>
    %max3A_1844 = arith.maximumf %mul3A_1824, %max3A_1843 : vector<32x1024xf32>
    %convert_element_type3A_1845 = arith.truncf %max3A_1844 : vector<32x1024xf32> to vector<32x1024xbf16>
    %get3A_1846 = arith.constant 0 : index
    %get3A_1847 = arith.constant 0 : index
    %get3A_1848 = vector.load %arg1[%get3A_1846, %get3A_1847] : memref<1024x1024xbf16, #tpu.memory_space<vmem>>, vector<1024x1024xbf16>
    %dot_general3A_1849 = arith.constant dense<0.000000e+00> : vector<32x1024xf32>
    %dot_general3A_1850 = tpu.matmul %convert_element_type3A_1845, %get3A_1848, %dot_general3A_1849 {dimension_numbers = #tpu.dot_dimension_numbers<[1], [0], [0], [1], [0, 0, 1, 1], [], []>, transpose_lhs_hint = false} : vector<32x1024xbf16>, vector<1024x1024xbf16>, vector<32x1024xf32> -> vector<32x1024xf32>
    %get3A_1851 = arith.constant 39 : index
    %get3A_1852 = arith.constant 0 : index
    %get3A_1853 = arith.constant 0 : index
    %get3A_1854 = vector.load %arg0[%get3A_1851, %get3A_1852, %get3A_1853] : memref<64x32x1024xf32, #tpu.memory_space<vmem>>, vector<1x32x1024xf32>
    %get3A_1855 = vector.shape_cast %get3A_1854 : vector<1x32x1024xf32> to vector<32x1024xf32>
    %exp3A_1856 = math.exp %get3A_1855 : vector<32x1024xf32>
    %div3A_1857 = arith.constant 1.000000e+00 : f32
    %div3A_1858 = vector.broadcast %div3A_1857 : f32 to vector<32x1xf32>
    %div3A_1859 = arith.divf %div3A_1858, %broadcast_in_dim3A_1839 : vector<32x1xf32>
    %mul3A_1860 = vector.broadcast %div3A_1859 : vector<32x1xf32> to vector<32x1024xf32>
    %mul3A_1861 = arith.mulf %exp3A_1856, %mul3A_1860 : vector<32x1024xf32>
    %mul3A_1862 = vector.broadcast %convert_element_type3A_66 : vector<1x1024xf32> to vector<32x1024xf32>
    %mul3A_1863 = arith.mulf %mul3A_1862, %mul3A_1861 : vector<32x1024xf32>
    %mul3A_1864 = vector.broadcast %add3A_40 : vector<1x1024xf32> to vector<32x1024xf32>
    %mul3A_1865 = arith.mulf %mul3A_1864, %mul3A_1861 : vector<32x1024xf32>
    %log3A_1866 = math.log %broadcast_in_dim3A_1839 : vector<32x1xf32>
    %add3A_1867 = arith.addf %add3A_1821, %log3A_1866 : vector<32x1xf32>
    %max3A_1868 = vector.broadcast %mul3A_1842 : vector<32x1xf32> to vector<32x1024xf32>
    %max3A_1869 = arith.maximumf %dot_general3A_1850, %max3A_1868 : vector<32x1024xf32>
    %mul3A_1870 = arith.mulf %mul3A_1863, %max3A_1869 : vector<32x1024xf32>
    %mul3A_1871 = arith.mulf %mul3A_1865, %max3A_1869 : vector<32x1024xf32>
    %reduce_sum3A_1872 = arith.constant dense<0.000000e+00> : vector<32xf32>
    %reduce_sum3A_1873 = vector.multi_reduction <add>, %mul3A_1871, %reduce_sum3A_1872 [1] : vector<32x1024xf32> to vector<32xf32>
    %broadcast_in_dim3A_1874 = vector.shape_cast %reduce_sum3A_1873 : vector<32xf32> to vector<32x1xf32>
    %log3A_1875 = math.log %broadcast_in_dim3A_1874 : vector<32x1xf32>
    %add3A_1876 = arith.addf %log3A_1875, %add3A_1867 : vector<32x1xf32>
    %dot_general3A_1877 = arith.constant dense<0.000000e+00> : vector<32x1xf32>
    %dot_general3A_1878 = tpu.matmul %convert_element_type3A_59, %add3A_1876, %dot_general3A_1877 {dimension_numbers = #tpu.dot_dimension_numbers<[1], [0], [0], [1], [0, 0, 1, 1], [], []>, precision = #tpu.contract_precision<fp32>, transpose_lhs_hint = false} : vector<32x32xf32>, vector<32x1xf32>, vector<32x1xf32> -> vector<32x1xf32>
    %eq3A_1879 = arith.constant 40 : i32
    %eq3A_1880 = vector.broadcast %eq3A_1879 : i32 to vector<32x1xi32>
    %eq3A_1881 = arith.cmpi eq, %get3A_43, %eq3A_1880 : vector<32x1xi32>
    %select_n3A_1882 = arith.select %eq3A_1881, %dot_general3A_1878, %select_n3A_1836 : vector<32x1xi1>, vector<32x1xf32>
    %reduce_sum3A_1883 = arith.constant dense<0.000000e+00> : vector<32xf32>
    %reduce_sum3A_1884 = vector.multi_reduction <add>, %mul3A_1870, %reduce_sum3A_1883 [1] : vector<32x1024xf32> to vector<32xf32>
    %broadcast_in_dim3A_1885 = vector.shape_cast %reduce_sum3A_1884 : vector<32xf32> to vector<32x1xf32>
    %mul3A_1886 = arith.constant 1.60381094E-28 : f32
    %mul3A_1887 = vector.broadcast %mul3A_1886 : f32 to vector<32x1xf32>
    %mul3A_1888 = arith.mulf %broadcast_in_dim3A_1885, %mul3A_1887 : vector<32x1xf32>
    %max3A_1889 = vector.broadcast %mul3A_1888 : vector<32x1xf32> to vector<32x1024xf32>
    %max3A_1890 = arith.maximumf %mul3A_1870, %max3A_1889 : vector<32x1024xf32>
    %convert_element_type3A_1891 = arith.truncf %max3A_1890 : vector<32x1024xf32> to vector<32x1024xbf16>
    %get3A_1892 = arith.constant 0 : index
    %get3A_1893 = arith.constant 0 : index
    %get3A_1894 = vector.load %arg1[%get3A_1892, %get3A_1893] : memref<1024x1024xbf16, #tpu.memory_space<vmem>>, vector<1024x1024xbf16>
    %dot_general3A_1895 = arith.constant dense<0.000000e+00> : vector<32x1024xf32>
    %dot_general3A_1896 = tpu.matmul %convert_element_type3A_1891, %get3A_1894, %dot_general3A_1895 {dimension_numbers = #tpu.dot_dimension_numbers<[1], [0], [0], [1], [0, 0, 1, 1], [], []>, transpose_lhs_hint = false} : vector<32x1024xbf16>, vector<1024x1024xbf16>, vector<32x1024xf32> -> vector<32x1024xf32>
    %get3A_1897 = arith.constant 40 : index
    %get3A_1898 = arith.constant 0 : index
    %get3A_1899 = arith.constant 0 : index
    %get3A_1900 = vector.load %arg0[%get3A_1897, %get3A_1898, %get3A_1899] : memref<64x32x1024xf32, #tpu.memory_space<vmem>>, vector<1x32x1024xf32>
    %get3A_1901 = vector.shape_cast %get3A_1900 : vector<1x32x1024xf32> to vector<32x1024xf32>
    %exp3A_1902 = math.exp %get3A_1901 : vector<32x1024xf32>
    %div3A_1903 = arith.constant 1.000000e+00 : f32
    %div3A_1904 = vector.broadcast %div3A_1903 : f32 to vector<32x1xf32>
    %div3A_1905 = arith.divf %div3A_1904, %broadcast_in_dim3A_1885 : vector<32x1xf32>
    %mul3A_1906 = vector.broadcast %div3A_1905 : vector<32x1xf32> to vector<32x1024xf32>
    %mul3A_1907 = arith.mulf %exp3A_1902, %mul3A_1906 : vector<32x1024xf32>
    %mul3A_1908 = vector.broadcast %convert_element_type3A_66 : vector<1x1024xf32> to vector<32x1024xf32>
    %mul3A_1909 = arith.mulf %mul3A_1908, %mul3A_1907 : vector<32x1024xf32>
    %mul3A_1910 = vector.broadcast %add3A_40 : vector<1x1024xf32> to vector<32x1024xf32>
    %mul3A_1911 = arith.mulf %mul3A_1910, %mul3A_1907 : vector<32x1024xf32>
    %log3A_1912 = math.log %broadcast_in_dim3A_1885 : vector<32x1xf32>
    %add3A_1913 = arith.addf %add3A_1867, %log3A_1912 : vector<32x1xf32>
    %max3A_1914 = vector.broadcast %mul3A_1888 : vector<32x1xf32> to vector<32x1024xf32>
    %max3A_1915 = arith.maximumf %dot_general3A_1896, %max3A_1914 : vector<32x1024xf32>
    %mul3A_1916 = arith.mulf %mul3A_1909, %max3A_1915 : vector<32x1024xf32>
    %mul3A_1917 = arith.mulf %mul3A_1911, %max3A_1915 : vector<32x1024xf32>
    %reduce_sum3A_1918 = arith.constant dense<0.000000e+00> : vector<32xf32>
    %reduce_sum3A_1919 = vector.multi_reduction <add>, %mul3A_1917, %reduce_sum3A_1918 [1] : vector<32x1024xf32> to vector<32xf32>
    %broadcast_in_dim3A_1920 = vector.shape_cast %reduce_sum3A_1919 : vector<32xf32> to vector<32x1xf32>
    %log3A_1921 = math.log %broadcast_in_dim3A_1920 : vector<32x1xf32>
    %add3A_1922 = arith.addf %log3A_1921, %add3A_1913 : vector<32x1xf32>
    %dot_general3A_1923 = arith.constant dense<0.000000e+00> : vector<32x1xf32>
    %dot_general3A_1924 = tpu.matmul %convert_element_type3A_59, %add3A_1922, %dot_general3A_1923 {dimension_numbers = #tpu.dot_dimension_numbers<[1], [0], [0], [1], [0, 0, 1, 1], [], []>, precision = #tpu.contract_precision<fp32>, transpose_lhs_hint = false} : vector<32x32xf32>, vector<32x1xf32>, vector<32x1xf32> -> vector<32x1xf32>
    %eq3A_1925 = arith.constant 41 : i32
    %eq3A_1926 = vector.broadcast %eq3A_1925 : i32 to vector<32x1xi32>
    %eq3A_1927 = arith.cmpi eq, %get3A_43, %eq3A_1926 : vector<32x1xi32>
    %select_n3A_1928 = arith.select %eq3A_1927, %dot_general3A_1924, %select_n3A_1882 : vector<32x1xi1>, vector<32x1xf32>
    %reduce_sum3A_1929 = arith.constant dense<0.000000e+00> : vector<32xf32>
    %reduce_sum3A_1930 = vector.multi_reduction <add>, %mul3A_1916, %reduce_sum3A_1929 [1] : vector<32x1024xf32> to vector<32xf32>
    %broadcast_in_dim3A_1931 = vector.shape_cast %reduce_sum3A_1930 : vector<32xf32> to vector<32x1xf32>
    %mul3A_1932 = arith.constant 1.60381094E-28 : f32
    %mul3A_1933 = vector.broadcast %mul3A_1932 : f32 to vector<32x1xf32>
    %mul3A_1934 = arith.mulf %broadcast_in_dim3A_1931, %mul3A_1933 : vector<32x1xf32>
    %max3A_1935 = vector.broadcast %mul3A_1934 : vector<32x1xf32> to vector<32x1024xf32>
    %max3A_1936 = arith.maximumf %mul3A_1916, %max3A_1935 : vector<32x1024xf32>
    %convert_element_type3A_1937 = arith.truncf %max3A_1936 : vector<32x1024xf32> to vector<32x1024xbf16>
    %get3A_1938 = arith.constant 0 : index
    %get3A_1939 = arith.constant 0 : index
    %get3A_1940 = vector.load %arg1[%get3A_1938, %get3A_1939] : memref<1024x1024xbf16, #tpu.memory_space<vmem>>, vector<1024x1024xbf16>
    %dot_general3A_1941 = arith.constant dense<0.000000e+00> : vector<32x1024xf32>
    %dot_general3A_1942 = tpu.matmul %convert_element_type3A_1937, %get3A_1940, %dot_general3A_1941 {dimension_numbers = #tpu.dot_dimension_numbers<[1], [0], [0], [1], [0, 0, 1, 1], [], []>, transpose_lhs_hint = false} : vector<32x1024xbf16>, vector<1024x1024xbf16>, vector<32x1024xf32> -> vector<32x1024xf32>
    %get3A_1943 = arith.constant 41 : index
    %get3A_1944 = arith.constant 0 : index
    %get3A_1945 = arith.constant 0 : index
    %get3A_1946 = vector.load %arg0[%get3A_1943, %get3A_1944, %get3A_1945] : memref<64x32x1024xf32, #tpu.memory_space<vmem>>, vector<1x32x1024xf32>
    %get3A_1947 = vector.shape_cast %get3A_1946 : vector<1x32x1024xf32> to vector<32x1024xf32>
    %exp3A_1948 = math.exp %get3A_1947 : vector<32x1024xf32>
    %div3A_1949 = arith.constant 1.000000e+00 : f32
    %div3A_1950 = vector.broadcast %div3A_1949 : f32 to vector<32x1xf32>
    %div3A_1951 = arith.divf %div3A_1950, %broadcast_in_dim3A_1931 : vector<32x1xf32>
    %mul3A_1952 = vector.broadcast %div3A_1951 : vector<32x1xf32> to vector<32x1024xf32>
    %mul3A_1953 = arith.mulf %exp3A_1948, %mul3A_1952 : vector<32x1024xf32>
    %mul3A_1954 = vector.broadcast %convert_element_type3A_66 : vector<1x1024xf32> to vector<32x1024xf32>
    %mul3A_1955 = arith.mulf %mul3A_1954, %mul3A_1953 : vector<32x1024xf32>
    %mul3A_1956 = vector.broadcast %add3A_40 : vector<1x1024xf32> to vector<32x1024xf32>
    %mul3A_1957 = arith.mulf %mul3A_1956, %mul3A_1953 : vector<32x1024xf32>
    %log3A_1958 = math.log %broadcast_in_dim3A_1931 : vector<32x1xf32>
    %add3A_1959 = arith.addf %add3A_1913, %log3A_1958 : vector<32x1xf32>
    %max3A_1960 = vector.broadcast %mul3A_1934 : vector<32x1xf32> to vector<32x1024xf32>
    %max3A_1961 = arith.maximumf %dot_general3A_1942, %max3A_1960 : vector<32x1024xf32>
    %mul3A_1962 = arith.mulf %mul3A_1955, %max3A_1961 : vector<32x1024xf32>
    %mul3A_1963 = arith.mulf %mul3A_1957, %max3A_1961 : vector<32x1024xf32>
    %reduce_sum3A_1964 = arith.constant dense<0.000000e+00> : vector<32xf32>
    %reduce_sum3A_1965 = vector.multi_reduction <add>, %mul3A_1963, %reduce_sum3A_1964 [1] : vector<32x1024xf32> to vector<32xf32>
    %broadcast_in_dim3A_1966 = vector.shape_cast %reduce_sum3A_1965 : vector<32xf32> to vector<32x1xf32>
    %log3A_1967 = math.log %broadcast_in_dim3A_1966 : vector<32x1xf32>
    %add3A_1968 = arith.addf %log3A_1967, %add3A_1959 : vector<32x1xf32>
    %dot_general3A_1969 = arith.constant dense<0.000000e+00> : vector<32x1xf32>
    %dot_general3A_1970 = tpu.matmul %convert_element_type3A_59, %add3A_1968, %dot_general3A_1969 {dimension_numbers = #tpu.dot_dimension_numbers<[1], [0], [0], [1], [0, 0, 1, 1], [], []>, precision = #tpu.contract_precision<fp32>, transpose_lhs_hint = false} : vector<32x32xf32>, vector<32x1xf32>, vector<32x1xf32> -> vector<32x1xf32>
    %eq3A_1971 = arith.constant 42 : i32
    %eq3A_1972 = vector.broadcast %eq3A_1971 : i32 to vector<32x1xi32>
    %eq3A_1973 = arith.cmpi eq, %get3A_43, %eq3A_1972 : vector<32x1xi32>
    %select_n3A_1974 = arith.select %eq3A_1973, %dot_general3A_1970, %select_n3A_1928 : vector<32x1xi1>, vector<32x1xf32>
    %reduce_sum3A_1975 = arith.constant dense<0.000000e+00> : vector<32xf32>
    %reduce_sum3A_1976 = vector.multi_reduction <add>, %mul3A_1962, %reduce_sum3A_1975 [1] : vector<32x1024xf32> to vector<32xf32>
    %broadcast_in_dim3A_1977 = vector.shape_cast %reduce_sum3A_1976 : vector<32xf32> to vector<32x1xf32>
    %mul3A_1978 = arith.constant 1.60381094E-28 : f32
    %mul3A_1979 = vector.broadcast %mul3A_1978 : f32 to vector<32x1xf32>
    %mul3A_1980 = arith.mulf %broadcast_in_dim3A_1977, %mul3A_1979 : vector<32x1xf32>
    %max3A_1981 = vector.broadcast %mul3A_1980 : vector<32x1xf32> to vector<32x1024xf32>
    %max3A_1982 = arith.maximumf %mul3A_1962, %max3A_1981 : vector<32x1024xf32>
    %convert_element_type3A_1983 = arith.truncf %max3A_1982 : vector<32x1024xf32> to vector<32x1024xbf16>
    %get3A_1984 = arith.constant 0 : index
    %get3A_1985 = arith.constant 0 : index
    %get3A_1986 = vector.load %arg1[%get3A_1984, %get3A_1985] : memref<1024x1024xbf16, #tpu.memory_space<vmem>>, vector<1024x1024xbf16>
    %dot_general3A_1987 = arith.constant dense<0.000000e+00> : vector<32x1024xf32>
    %dot_general3A_1988 = tpu.matmul %convert_element_type3A_1983, %get3A_1986, %dot_general3A_1987 {dimension_numbers = #tpu.dot_dimension_numbers<[1], [0], [0], [1], [0, 0, 1, 1], [], []>, transpose_lhs_hint = false} : vector<32x1024xbf16>, vector<1024x1024xbf16>, vector<32x1024xf32> -> vector<32x1024xf32>
    %get3A_1989 = arith.constant 42 : index
    %get3A_1990 = arith.constant 0 : index
    %get3A_1991 = arith.constant 0 : index
    %get3A_1992 = vector.load %arg0[%get3A_1989, %get3A_1990, %get3A_1991] : memref<64x32x1024xf32, #tpu.memory_space<vmem>>, vector<1x32x1024xf32>
    %get3A_1993 = vector.shape_cast %get3A_1992 : vector<1x32x1024xf32> to vector<32x1024xf32>
    %exp3A_1994 = math.exp %get3A_1993 : vector<32x1024xf32>
    %div3A_1995 = arith.constant 1.000000e+00 : f32
    %div3A_1996 = vector.broadcast %div3A_1995 : f32 to vector<32x1xf32>
    %div3A_1997 = arith.divf %div3A_1996, %broadcast_in_dim3A_1977 : vector<32x1xf32>
    %mul3A_1998 = vector.broadcast %div3A_1997 : vector<32x1xf32> to vector<32x1024xf32>
    %mul3A_1999 = arith.mulf %exp3A_1994, %mul3A_1998 : vector<32x1024xf32>
    %mul3A_2000 = vector.broadcast %convert_element_type3A_66 : vector<1x1024xf32> to vector<32x1024xf32>
    %mul3A_2001 = arith.mulf %mul3A_2000, %mul3A_1999 : vector<32x1024xf32>
    %mul3A_2002 = vector.broadcast %add3A_40 : vector<1x1024xf32> to vector<32x1024xf32>
    %mul3A_2003 = arith.mulf %mul3A_2002, %mul3A_1999 : vector<32x1024xf32>
    %log3A_2004 = math.log %broadcast_in_dim3A_1977 : vector<32x1xf32>
    %add3A_2005 = arith.addf %add3A_1959, %log3A_2004 : vector<32x1xf32>
    %max3A_2006 = vector.broadcast %mul3A_1980 : vector<32x1xf32> to vector<32x1024xf32>
    %max3A_2007 = arith.maximumf %dot_general3A_1988, %max3A_2006 : vector<32x1024xf32>
    %mul3A_2008 = arith.mulf %mul3A_2001, %max3A_2007 : vector<32x1024xf32>
    %mul3A_2009 = arith.mulf %mul3A_2003, %max3A_2007 : vector<32x1024xf32>
    %reduce_sum3A_2010 = arith.constant dense<0.000000e+00> : vector<32xf32>
    %reduce_sum3A_2011 = vector.multi_reduction <add>, %mul3A_2009, %reduce_sum3A_2010 [1] : vector<32x1024xf32> to vector<32xf32>
    %broadcast_in_dim3A_2012 = vector.shape_cast %reduce_sum3A_2011 : vector<32xf32> to vector<32x1xf32>
    %log3A_2013 = math.log %broadcast_in_dim3A_2012 : vector<32x1xf32>
    %add3A_2014 = arith.addf %log3A_2013, %add3A_2005 : vector<32x1xf32>
    %dot_general3A_2015 = arith.constant dense<0.000000e+00> : vector<32x1xf32>
    %dot_general3A_2016 = tpu.matmul %convert_element_type3A_59, %add3A_2014, %dot_general3A_2015 {dimension_numbers = #tpu.dot_dimension_numbers<[1], [0], [0], [1], [0, 0, 1, 1], [], []>, precision = #tpu.contract_precision<fp32>, transpose_lhs_hint = false} : vector<32x32xf32>, vector<32x1xf32>, vector<32x1xf32> -> vector<32x1xf32>
    %eq3A_2017 = arith.constant 43 : i32
    %eq3A_2018 = vector.broadcast %eq3A_2017 : i32 to vector<32x1xi32>
    %eq3A_2019 = arith.cmpi eq, %get3A_43, %eq3A_2018 : vector<32x1xi32>
    %select_n3A_2020 = arith.select %eq3A_2019, %dot_general3A_2016, %select_n3A_1974 : vector<32x1xi1>, vector<32x1xf32>
    %reduce_sum3A_2021 = arith.constant dense<0.000000e+00> : vector<32xf32>
    %reduce_sum3A_2022 = vector.multi_reduction <add>, %mul3A_2008, %reduce_sum3A_2021 [1] : vector<32x1024xf32> to vector<32xf32>
    %broadcast_in_dim3A_2023 = vector.shape_cast %reduce_sum3A_2022 : vector<32xf32> to vector<32x1xf32>
    %mul3A_2024 = arith.constant 1.60381094E-28 : f32
    %mul3A_2025 = vector.broadcast %mul3A_2024 : f32 to vector<32x1xf32>
    %mul3A_2026 = arith.mulf %broadcast_in_dim3A_2023, %mul3A_2025 : vector<32x1xf32>
    %max3A_2027 = vector.broadcast %mul3A_2026 : vector<32x1xf32> to vector<32x1024xf32>
    %max3A_2028 = arith.maximumf %mul3A_2008, %max3A_2027 : vector<32x1024xf32>
    %convert_element_type3A_2029 = arith.truncf %max3A_2028 : vector<32x1024xf32> to vector<32x1024xbf16>
    %get3A_2030 = arith.constant 0 : index
    %get3A_2031 = arith.constant 0 : index
    %get3A_2032 = vector.load %arg1[%get3A_2030, %get3A_2031] : memref<1024x1024xbf16, #tpu.memory_space<vmem>>, vector<1024x1024xbf16>
    %dot_general3A_2033 = arith.constant dense<0.000000e+00> : vector<32x1024xf32>
    %dot_general3A_2034 = tpu.matmul %convert_element_type3A_2029, %get3A_2032, %dot_general3A_2033 {dimension_numbers = #tpu.dot_dimension_numbers<[1], [0], [0], [1], [0, 0, 1, 1], [], []>, transpose_lhs_hint = false} : vector<32x1024xbf16>, vector<1024x1024xbf16>, vector<32x1024xf32> -> vector<32x1024xf32>
    %get3A_2035 = arith.constant 43 : index
    %get3A_2036 = arith.constant 0 : index
    %get3A_2037 = arith.constant 0 : index
    %get3A_2038 = vector.load %arg0[%get3A_2035, %get3A_2036, %get3A_2037] : memref<64x32x1024xf32, #tpu.memory_space<vmem>>, vector<1x32x1024xf32>
    %get3A_2039 = vector.shape_cast %get3A_2038 : vector<1x32x1024xf32> to vector<32x1024xf32>
    %exp3A_2040 = math.exp %get3A_2039 : vector<32x1024xf32>
    %div3A_2041 = arith.constant 1.000000e+00 : f32
    %div3A_2042 = vector.broadcast %div3A_2041 : f32 to vector<32x1xf32>
    %div3A_2043 = arith.divf %div3A_2042, %broadcast_in_dim3A_2023 : vector<32x1xf32>
    %mul3A_2044 = vector.broadcast %div3A_2043 : vector<32x1xf32> to vector<32x1024xf32>
    %mul3A_2045 = arith.mulf %exp3A_2040, %mul3A_2044 : vector<32x1024xf32>
    %mul3A_2046 = vector.broadcast %convert_element_type3A_66 : vector<1x1024xf32> to vector<32x1024xf32>
    %mul3A_2047 = arith.mulf %mul3A_2046, %mul3A_2045 : vector<32x1024xf32>
    %mul3A_2048 = vector.broadcast %add3A_40 : vector<1x1024xf32> to vector<32x1024xf32>
    %mul3A_2049 = arith.mulf %mul3A_2048, %mul3A_2045 : vector<32x1024xf32>
    %log3A_2050 = math.log %broadcast_in_dim3A_2023 : vector<32x1xf32>
    %add3A_2051 = arith.addf %add3A_2005, %log3A_2050 : vector<32x1xf32>
    %max3A_2052 = vector.broadcast %mul3A_2026 : vector<32x1xf32> to vector<32x1024xf32>
    %max3A_2053 = arith.maximumf %dot_general3A_2034, %max3A_2052 : vector<32x1024xf32>
    %mul3A_2054 = arith.mulf %mul3A_2047, %max3A_2053 : vector<32x1024xf32>
    %mul3A_2055 = arith.mulf %mul3A_2049, %max3A_2053 : vector<32x1024xf32>
    %reduce_sum3A_2056 = arith.constant dense<0.000000e+00> : vector<32xf32>
    %reduce_sum3A_2057 = vector.multi_reduction <add>, %mul3A_2055, %reduce_sum3A_2056 [1] : vector<32x1024xf32> to vector<32xf32>
    %broadcast_in_dim3A_2058 = vector.shape_cast %reduce_sum3A_2057 : vector<32xf32> to vector<32x1xf32>
    %log3A_2059 = math.log %broadcast_in_dim3A_2058 : vector<32x1xf32>
    %add3A_2060 = arith.addf %log3A_2059, %add3A_2051 : vector<32x1xf32>
    %dot_general3A_2061 = arith.constant dense<0.000000e+00> : vector<32x1xf32>
    %dot_general3A_2062 = tpu.matmul %convert_element_type3A_59, %add3A_2060, %dot_general3A_2061 {dimension_numbers = #tpu.dot_dimension_numbers<[1], [0], [0], [1], [0, 0, 1, 1], [], []>, precision = #tpu.contract_precision<fp32>, transpose_lhs_hint = false} : vector<32x32xf32>, vector<32x1xf32>, vector<32x1xf32> -> vector<32x1xf32>
    %eq3A_2063 = arith.constant 44 : i32
    %eq3A_2064 = vector.broadcast %eq3A_2063 : i32 to vector<32x1xi32>
    %eq3A_2065 = arith.cmpi eq, %get3A_43, %eq3A_2064 : vector<32x1xi32>
    %select_n3A_2066 = arith.select %eq3A_2065, %dot_general3A_2062, %select_n3A_2020 : vector<32x1xi1>, vector<32x1xf32>
    %reduce_sum3A_2067 = arith.constant dense<0.000000e+00> : vector<32xf32>
    %reduce_sum3A_2068 = vector.multi_reduction <add>, %mul3A_2054, %reduce_sum3A_2067 [1] : vector<32x1024xf32> to vector<32xf32>
    %broadcast_in_dim3A_2069 = vector.shape_cast %reduce_sum3A_2068 : vector<32xf32> to vector<32x1xf32>
    %mul3A_2070 = arith.constant 1.60381094E-28 : f32
    %mul3A_2071 = vector.broadcast %mul3A_2070 : f32 to vector<32x1xf32>
    %mul3A_2072 = arith.mulf %broadcast_in_dim3A_2069, %mul3A_2071 : vector<32x1xf32>
    %max3A_2073 = vector.broadcast %mul3A_2072 : vector<32x1xf32> to vector<32x1024xf32>
    %max3A_2074 = arith.maximumf %mul3A_2054, %max3A_2073 : vector<32x1024xf32>
    %convert_element_type3A_2075 = arith.truncf %max3A_2074 : vector<32x1024xf32> to vector<32x1024xbf16>
    %get3A_2076 = arith.constant 0 : index
    %get3A_2077 = arith.constant 0 : index
    %get3A_2078 = vector.load %arg1[%get3A_2076, %get3A_2077] : memref<1024x1024xbf16, #tpu.memory_space<vmem>>, vector<1024x1024xbf16>
    %dot_general3A_2079 = arith.constant dense<0.000000e+00> : vector<32x1024xf32>
    %dot_general3A_2080 = tpu.matmul %convert_element_type3A_2075, %get3A_2078, %dot_general3A_2079 {dimension_numbers = #tpu.dot_dimension_numbers<[1], [0], [0], [1], [0, 0, 1, 1], [], []>, transpose_lhs_hint = false} : vector<32x1024xbf16>, vector<1024x1024xbf16>, vector<32x1024xf32> -> vector<32x1024xf32>
    %get3A_2081 = arith.constant 44 : index
    %get3A_2082 = arith.constant 0 : index
    %get3A_2083 = arith.constant 0 : index
    %get3A_2084 = vector.load %arg0[%get3A_2081, %get3A_2082, %get3A_2083] : memref<64x32x1024xf32, #tpu.memory_space<vmem>>, vector<1x32x1024xf32>
    %get3A_2085 = vector.shape_cast %get3A_2084 : vector<1x32x1024xf32> to vector<32x1024xf32>
    %exp3A_2086 = math.exp %get3A_2085 : vector<32x1024xf32>
    %div3A_2087 = arith.constant 1.000000e+00 : f32
    %div3A_2088 = vector.broadcast %div3A_2087 : f32 to vector<32x1xf32>
    %div3A_2089 = arith.divf %div3A_2088, %broadcast_in_dim3A_2069 : vector<32x1xf32>
    %mul3A_2090 = vector.broadcast %div3A_2089 : vector<32x1xf32> to vector<32x1024xf32>
    %mul3A_2091 = arith.mulf %exp3A_2086, %mul3A_2090 : vector<32x1024xf32>
    %mul3A_2092 = vector.broadcast %convert_element_type3A_66 : vector<1x1024xf32> to vector<32x1024xf32>
    %mul3A_2093 = arith.mulf %mul3A_2092, %mul3A_2091 : vector<32x1024xf32>
    %mul3A_2094 = vector.broadcast %add3A_40 : vector<1x1024xf32> to vector<32x1024xf32>
    %mul3A_2095 = arith.mulf %mul3A_2094, %mul3A_2091 : vector<32x1024xf32>
    %log3A_2096 = math.log %broadcast_in_dim3A_2069 : vector<32x1xf32>
    %add3A_2097 = arith.addf %add3A_2051, %log3A_2096 : vector<32x1xf32>
    %max3A_2098 = vector.broadcast %mul3A_2072 : vector<32x1xf32> to vector<32x1024xf32>
    %max3A_2099 = arith.maximumf %dot_general3A_2080, %max3A_2098 : vector<32x1024xf32>
    %mul3A_2100 = arith.mulf %mul3A_2093, %max3A_2099 : vector<32x1024xf32>
    %mul3A_2101 = arith.mulf %mul3A_2095, %max3A_2099 : vector<32x1024xf32>
    %reduce_sum3A_2102 = arith.constant dense<0.000000e+00> : vector<32xf32>
    %reduce_sum3A_2103 = vector.multi_reduction <add>, %mul3A_2101, %reduce_sum3A_2102 [1] : vector<32x1024xf32> to vector<32xf32>
    %broadcast_in_dim3A_2104 = vector.shape_cast %reduce_sum3A_2103 : vector<32xf32> to vector<32x1xf32>
    %log3A_2105 = math.log %broadcast_in_dim3A_2104 : vector<32x1xf32>
    %add3A_2106 = arith.addf %log3A_2105, %add3A_2097 : vector<32x1xf32>
    %dot_general3A_2107 = arith.constant dense<0.000000e+00> : vector<32x1xf32>
    %dot_general3A_2108 = tpu.matmul %convert_element_type3A_59, %add3A_2106, %dot_general3A_2107 {dimension_numbers = #tpu.dot_dimension_numbers<[1], [0], [0], [1], [0, 0, 1, 1], [], []>, precision = #tpu.contract_precision<fp32>, transpose_lhs_hint = false} : vector<32x32xf32>, vector<32x1xf32>, vector<32x1xf32> -> vector<32x1xf32>
    %eq3A_2109 = arith.constant 45 : i32
    %eq3A_2110 = vector.broadcast %eq3A_2109 : i32 to vector<32x1xi32>
    %eq3A_2111 = arith.cmpi eq, %get3A_43, %eq3A_2110 : vector<32x1xi32>
    %select_n3A_2112 = arith.select %eq3A_2111, %dot_general3A_2108, %select_n3A_2066 : vector<32x1xi1>, vector<32x1xf32>
    %reduce_sum3A_2113 = arith.constant dense<0.000000e+00> : vector<32xf32>
    %reduce_sum3A_2114 = vector.multi_reduction <add>, %mul3A_2100, %reduce_sum3A_2113 [1] : vector<32x1024xf32> to vector<32xf32>
    %broadcast_in_dim3A_2115 = vector.shape_cast %reduce_sum3A_2114 : vector<32xf32> to vector<32x1xf32>
    %mul3A_2116 = arith.constant 1.60381094E-28 : f32
    %mul3A_2117 = vector.broadcast %mul3A_2116 : f32 to vector<32x1xf32>
    %mul3A_2118 = arith.mulf %broadcast_in_dim3A_2115, %mul3A_2117 : vector<32x1xf32>
    %max3A_2119 = vector.broadcast %mul3A_2118 : vector<32x1xf32> to vector<32x1024xf32>
    %max3A_2120 = arith.maximumf %mul3A_2100, %max3A_2119 : vector<32x1024xf32>
    %convert_element_type3A_2121 = arith.truncf %max3A_2120 : vector<32x1024xf32> to vector<32x1024xbf16>
    %get3A_2122 = arith.constant 0 : index
    %get3A_2123 = arith.constant 0 : index
    %get3A_2124 = vector.load %arg1[%get3A_2122, %get3A_2123] : memref<1024x1024xbf16, #tpu.memory_space<vmem>>, vector<1024x1024xbf16>
    %dot_general3A_2125 = arith.constant dense<0.000000e+00> : vector<32x1024xf32>
    %dot_general3A_2126 = tpu.matmul %convert_element_type3A_2121, %get3A_2124, %dot_general3A_2125 {dimension_numbers = #tpu.dot_dimension_numbers<[1], [0], [0], [1], [0, 0, 1, 1], [], []>, transpose_lhs_hint = false} : vector<32x1024xbf16>, vector<1024x1024xbf16>, vector<32x1024xf32> -> vector<32x1024xf32>
    %get3A_2127 = arith.constant 45 : index
    %get3A_2128 = arith.constant 0 : index
    %get3A_2129 = arith.constant 0 : index
    %get3A_2130 = vector.load %arg0[%get3A_2127, %get3A_2128, %get3A_2129] : memref<64x32x1024xf32, #tpu.memory_space<vmem>>, vector<1x32x1024xf32>
    %get3A_2131 = vector.shape_cast %get3A_2130 : vector<1x32x1024xf32> to vector<32x1024xf32>
    %exp3A_2132 = math.exp %get3A_2131 : vector<32x1024xf32>
    %div3A_2133 = arith.constant 1.000000e+00 : f32
    %div3A_2134 = vector.broadcast %div3A_2133 : f32 to vector<32x1xf32>
    %div3A_2135 = arith.divf %div3A_2134, %broadcast_in_dim3A_2115 : vector<32x1xf32>
    %mul3A_2136 = vector.broadcast %div3A_2135 : vector<32x1xf32> to vector<32x1024xf32>
    %mul3A_2137 = arith.mulf %exp3A_2132, %mul3A_2136 : vector<32x1024xf32>
    %mul3A_2138 = vector.broadcast %convert_element_type3A_66 : vector<1x1024xf32> to vector<32x1024xf32>
    %mul3A_2139 = arith.mulf %mul3A_2138, %mul3A_2137 : vector<32x1024xf32>
    %mul3A_2140 = vector.broadcast %add3A_40 : vector<1x1024xf32> to vector<32x1024xf32>
    %mul3A_2141 = arith.mulf %mul3A_2140, %mul3A_2137 : vector<32x1024xf32>
    %log3A_2142 = math.log %broadcast_in_dim3A_2115 : vector<32x1xf32>
    %add3A_2143 = arith.addf %add3A_2097, %log3A_2142 : vector<32x1xf32>
    %max3A_2144 = vector.broadcast %mul3A_2118 : vector<32x1xf32> to vector<32x1024xf32>
    %max3A_2145 = arith.maximumf %dot_general3A_2126, %max3A_2144 : vector<32x1024xf32>
    %mul3A_2146 = arith.mulf %mul3A_2139, %max3A_2145 : vector<32x1024xf32>
    %mul3A_2147 = arith.mulf %mul3A_2141, %max3A_2145 : vector<32x1024xf32>
    %reduce_sum3A_2148 = arith.constant dense<0.000000e+00> : vector<32xf32>
    %reduce_sum3A_2149 = vector.multi_reduction <add>, %mul3A_2147, %reduce_sum3A_2148 [1] : vector<32x1024xf32> to vector<32xf32>
    %broadcast_in_dim3A_2150 = vector.shape_cast %reduce_sum3A_2149 : vector<32xf32> to vector<32x1xf32>
    %log3A_2151 = math.log %broadcast_in_dim3A_2150 : vector<32x1xf32>
    %add3A_2152 = arith.addf %log3A_2151, %add3A_2143 : vector<32x1xf32>
    %dot_general3A_2153 = arith.constant dense<0.000000e+00> : vector<32x1xf32>
    %dot_general3A_2154 = tpu.matmul %convert_element_type3A_59, %add3A_2152, %dot_general3A_2153 {dimension_numbers = #tpu.dot_dimension_numbers<[1], [0], [0], [1], [0, 0, 1, 1], [], []>, precision = #tpu.contract_precision<fp32>, transpose_lhs_hint = false} : vector<32x32xf32>, vector<32x1xf32>, vector<32x1xf32> -> vector<32x1xf32>
    %eq3A_2155 = arith.constant 46 : i32
    %eq3A_2156 = vector.broadcast %eq3A_2155 : i32 to vector<32x1xi32>
    %eq3A_2157 = arith.cmpi eq, %get3A_43, %eq3A_2156 : vector<32x1xi32>
    %select_n3A_2158 = arith.select %eq3A_2157, %dot_general3A_2154, %select_n3A_2112 : vector<32x1xi1>, vector<32x1xf32>
    %reduce_sum3A_2159 = arith.constant dense<0.000000e+00> : vector<32xf32>
    %reduce_sum3A_2160 = vector.multi_reduction <add>, %mul3A_2146, %reduce_sum3A_2159 [1] : vector<32x1024xf32> to vector<32xf32>
    %broadcast_in_dim3A_2161 = vector.shape_cast %reduce_sum3A_2160 : vector<32xf32> to vector<32x1xf32>
    %mul3A_2162 = arith.constant 1.60381094E-28 : f32
    %mul3A_2163 = vector.broadcast %mul3A_2162 : f32 to vector<32x1xf32>
    %mul3A_2164 = arith.mulf %broadcast_in_dim3A_2161, %mul3A_2163 : vector<32x1xf32>
    %max3A_2165 = vector.broadcast %mul3A_2164 : vector<32x1xf32> to vector<32x1024xf32>
    %max3A_2166 = arith.maximumf %mul3A_2146, %max3A_2165 : vector<32x1024xf32>
    %convert_element_type3A_2167 = arith.truncf %max3A_2166 : vector<32x1024xf32> to vector<32x1024xbf16>
    %get3A_2168 = arith.constant 0 : index
    %get3A_2169 = arith.constant 0 : index
    %get3A_2170 = vector.load %arg1[%get3A_2168, %get3A_2169] : memref<1024x1024xbf16, #tpu.memory_space<vmem>>, vector<1024x1024xbf16>
    %dot_general3A_2171 = arith.constant dense<0.000000e+00> : vector<32x1024xf32>
    %dot_general3A_2172 = tpu.matmul %convert_element_type3A_2167, %get3A_2170, %dot_general3A_2171 {dimension_numbers = #tpu.dot_dimension_numbers<[1], [0], [0], [1], [0, 0, 1, 1], [], []>, transpose_lhs_hint = false} : vector<32x1024xbf16>, vector<1024x1024xbf16>, vector<32x1024xf32> -> vector<32x1024xf32>
    %get3A_2173 = arith.constant 46 : index
    %get3A_2174 = arith.constant 0 : index
    %get3A_2175 = arith.constant 0 : index
    %get3A_2176 = vector.load %arg0[%get3A_2173, %get3A_2174, %get3A_2175] : memref<64x32x1024xf32, #tpu.memory_space<vmem>>, vector<1x32x1024xf32>
    %get3A_2177 = vector.shape_cast %get3A_2176 : vector<1x32x1024xf32> to vector<32x1024xf32>
    %exp3A_2178 = math.exp %get3A_2177 : vector<32x1024xf32>
    %div3A_2179 = arith.constant 1.000000e+00 : f32
    %div3A_2180 = vector.broadcast %div3A_2179 : f32 to vector<32x1xf32>
    %div3A_2181 = arith.divf %div3A_2180, %broadcast_in_dim3A_2161 : vector<32x1xf32>
    %mul3A_2182 = vector.broadcast %div3A_2181 : vector<32x1xf32> to vector<32x1024xf32>
    %mul3A_2183 = arith.mulf %exp3A_2178, %mul3A_2182 : vector<32x1024xf32>
    %mul3A_2184 = vector.broadcast %convert_element_type3A_66 : vector<1x1024xf32> to vector<32x1024xf32>
    %mul3A_2185 = arith.mulf %mul3A_2184, %mul3A_2183 : vector<32x1024xf32>
    %mul3A_2186 = vector.broadcast %add3A_40 : vector<1x1024xf32> to vector<32x1024xf32>
    %mul3A_2187 = arith.mulf %mul3A_2186, %mul3A_2183 : vector<32x1024xf32>
    %log3A_2188 = math.log %broadcast_in_dim3A_2161 : vector<32x1xf32>
    %add3A_2189 = arith.addf %add3A_2143, %log3A_2188 : vector<32x1xf32>
    %max3A_2190 = vector.broadcast %mul3A_2164 : vector<32x1xf32> to vector<32x1024xf32>
    %max3A_2191 = arith.maximumf %dot_general3A_2172, %max3A_2190 : vector<32x1024xf32>
    %mul3A_2192 = arith.mulf %mul3A_2185, %max3A_2191 : vector<32x1024xf32>
    %mul3A_2193 = arith.mulf %mul3A_2187, %max3A_2191 : vector<32x1024xf32>
    %reduce_sum3A_2194 = arith.constant dense<0.000000e+00> : vector<32xf32>
    %reduce_sum3A_2195 = vector.multi_reduction <add>, %mul3A_2193, %reduce_sum3A_2194 [1] : vector<32x1024xf32> to vector<32xf32>
    %broadcast_in_dim3A_2196 = vector.shape_cast %reduce_sum3A_2195 : vector<32xf32> to vector<32x1xf32>
    %log3A_2197 = math.log %broadcast_in_dim3A_2196 : vector<32x1xf32>
    %add3A_2198 = arith.addf %log3A_2197, %add3A_2189 : vector<32x1xf32>
    %dot_general3A_2199 = arith.constant dense<0.000000e+00> : vector<32x1xf32>
    %dot_general3A_2200 = tpu.matmul %convert_element_type3A_59, %add3A_2198, %dot_general3A_2199 {dimension_numbers = #tpu.dot_dimension_numbers<[1], [0], [0], [1], [0, 0, 1, 1], [], []>, precision = #tpu.contract_precision<fp32>, transpose_lhs_hint = false} : vector<32x32xf32>, vector<32x1xf32>, vector<32x1xf32> -> vector<32x1xf32>
    %eq3A_2201 = arith.constant 47 : i32
    %eq3A_2202 = vector.broadcast %eq3A_2201 : i32 to vector<32x1xi32>
    %eq3A_2203 = arith.cmpi eq, %get3A_43, %eq3A_2202 : vector<32x1xi32>
    %select_n3A_2204 = arith.select %eq3A_2203, %dot_general3A_2200, %select_n3A_2158 : vector<32x1xi1>, vector<32x1xf32>
    %reduce_sum3A_2205 = arith.constant dense<0.000000e+00> : vector<32xf32>
    %reduce_sum3A_2206 = vector.multi_reduction <add>, %mul3A_2192, %reduce_sum3A_2205 [1] : vector<32x1024xf32> to vector<32xf32>
    %broadcast_in_dim3A_2207 = vector.shape_cast %reduce_sum3A_2206 : vector<32xf32> to vector<32x1xf32>
    %mul3A_2208 = arith.constant 1.60381094E-28 : f32
    %mul3A_2209 = vector.broadcast %mul3A_2208 : f32 to vector<32x1xf32>
    %mul3A_2210 = arith.mulf %broadcast_in_dim3A_2207, %mul3A_2209 : vector<32x1xf32>
    %max3A_2211 = vector.broadcast %mul3A_2210 : vector<32x1xf32> to vector<32x1024xf32>
    %max3A_2212 = arith.maximumf %mul3A_2192, %max3A_2211 : vector<32x1024xf32>
    %convert_element_type3A_2213 = arith.truncf %max3A_2212 : vector<32x1024xf32> to vector<32x1024xbf16>
    %get3A_2214 = arith.constant 0 : index
    %get3A_2215 = arith.constant 0 : index
    %get3A_2216 = vector.load %arg1[%get3A_2214, %get3A_2215] : memref<1024x1024xbf16, #tpu.memory_space<vmem>>, vector<1024x1024xbf16>
    %dot_general3A_2217 = arith.constant dense<0.000000e+00> : vector<32x1024xf32>
    %dot_general3A_2218 = tpu.matmul %convert_element_type3A_2213, %get3A_2216, %dot_general3A_2217 {dimension_numbers = #tpu.dot_dimension_numbers<[1], [0], [0], [1], [0, 0, 1, 1], [], []>, transpose_lhs_hint = false} : vector<32x1024xbf16>, vector<1024x1024xbf16>, vector<32x1024xf32> -> vector<32x1024xf32>
    %get3A_2219 = arith.constant 47 : index
    %get3A_2220 = arith.constant 0 : index
    %get3A_2221 = arith.constant 0 : index
    %get3A_2222 = vector.load %arg0[%get3A_2219, %get3A_2220, %get3A_2221] : memref<64x32x1024xf32, #tpu.memory_space<vmem>>, vector<1x32x1024xf32>
    %get3A_2223 = vector.shape_cast %get3A_2222 : vector<1x32x1024xf32> to vector<32x1024xf32>
    %exp3A_2224 = math.exp %get3A_2223 : vector<32x1024xf32>
    %div3A_2225 = arith.constant 1.000000e+00 : f32
    %div3A_2226 = vector.broadcast %div3A_2225 : f32 to vector<32x1xf32>
    %div3A_2227 = arith.divf %div3A_2226, %broadcast_in_dim3A_2207 : vector<32x1xf32>
    %mul3A_2228 = vector.broadcast %div3A_2227 : vector<32x1xf32> to vector<32x1024xf32>
    %mul3A_2229 = arith.mulf %exp3A_2224, %mul3A_2228 : vector<32x1024xf32>
    %mul3A_2230 = vector.broadcast %convert_element_type3A_66 : vector<1x1024xf32> to vector<32x1024xf32>
    %mul3A_2231 = arith.mulf %mul3A_2230, %mul3A_2229 : vector<32x1024xf32>
    %mul3A_2232 = vector.broadcast %add3A_40 : vector<1x1024xf32> to vector<32x1024xf32>
    %mul3A_2233 = arith.mulf %mul3A_2232, %mul3A_2229 : vector<32x1024xf32>
    %log3A_2234 = math.log %broadcast_in_dim3A_2207 : vector<32x1xf32>
    %add3A_2235 = arith.addf %add3A_2189, %log3A_2234 : vector<32x1xf32>
    %max3A_2236 = vector.broadcast %mul3A_2210 : vector<32x1xf32> to vector<32x1024xf32>
    %max3A_2237 = arith.maximumf %dot_general3A_2218, %max3A_2236 : vector<32x1024xf32>
    %mul3A_2238 = arith.mulf %mul3A_2231, %max3A_2237 : vector<32x1024xf32>
    %mul3A_2239 = arith.mulf %mul3A_2233, %max3A_2237 : vector<32x1024xf32>
    %reduce_sum3A_2240 = arith.constant dense<0.000000e+00> : vector<32xf32>
    %reduce_sum3A_2241 = vector.multi_reduction <add>, %mul3A_2239, %reduce_sum3A_2240 [1] : vector<32x1024xf32> to vector<32xf32>
    %broadcast_in_dim3A_2242 = vector.shape_cast %reduce_sum3A_2241 : vector<32xf32> to vector<32x1xf32>
    %log3A_2243 = math.log %broadcast_in_dim3A_2242 : vector<32x1xf32>
    %add3A_2244 = arith.addf %log3A_2243, %add3A_2235 : vector<32x1xf32>
    %dot_general3A_2245 = arith.constant dense<0.000000e+00> : vector<32x1xf32>
    %dot_general3A_2246 = tpu.matmul %convert_element_type3A_59, %add3A_2244, %dot_general3A_2245 {dimension_numbers = #tpu.dot_dimension_numbers<[1], [0], [0], [1], [0, 0, 1, 1], [], []>, precision = #tpu.contract_precision<fp32>, transpose_lhs_hint = false} : vector<32x32xf32>, vector<32x1xf32>, vector<32x1xf32> -> vector<32x1xf32>
    %eq3A_2247 = arith.constant 48 : i32
    %eq3A_2248 = vector.broadcast %eq3A_2247 : i32 to vector<32x1xi32>
    %eq3A_2249 = arith.cmpi eq, %get3A_43, %eq3A_2248 : vector<32x1xi32>
    %select_n3A_2250 = arith.select %eq3A_2249, %dot_general3A_2246, %select_n3A_2204 : vector<32x1xi1>, vector<32x1xf32>
    %reduce_sum3A_2251 = arith.constant dense<0.000000e+00> : vector<32xf32>
    %reduce_sum3A_2252 = vector.multi_reduction <add>, %mul3A_2238, %reduce_sum3A_2251 [1] : vector<32x1024xf32> to vector<32xf32>
    %broadcast_in_dim3A_2253 = vector.shape_cast %reduce_sum3A_2252 : vector<32xf32> to vector<32x1xf32>
    %mul3A_2254 = arith.constant 1.60381094E-28 : f32
    %mul3A_2255 = vector.broadcast %mul3A_2254 : f32 to vector<32x1xf32>
    %mul3A_2256 = arith.mulf %broadcast_in_dim3A_2253, %mul3A_2255 : vector<32x1xf32>
    %max3A_2257 = vector.broadcast %mul3A_2256 : vector<32x1xf32> to vector<32x1024xf32>
    %max3A_2258 = arith.maximumf %mul3A_2238, %max3A_2257 : vector<32x1024xf32>
    %convert_element_type3A_2259 = arith.truncf %max3A_2258 : vector<32x1024xf32> to vector<32x1024xbf16>
    %get3A_2260 = arith.constant 0 : index
    %get3A_2261 = arith.constant 0 : index
    %get3A_2262 = vector.load %arg1[%get3A_2260, %get3A_2261] : memref<1024x1024xbf16, #tpu.memory_space<vmem>>, vector<1024x1024xbf16>
    %dot_general3A_2263 = arith.constant dense<0.000000e+00> : vector<32x1024xf32>
    %dot_general3A_2264 = tpu.matmul %convert_element_type3A_2259, %get3A_2262, %dot_general3A_2263 {dimension_numbers = #tpu.dot_dimension_numbers<[1], [0], [0], [1], [0, 0, 1, 1], [], []>, transpose_lhs_hint = false} : vector<32x1024xbf16>, vector<1024x1024xbf16>, vector<32x1024xf32> -> vector<32x1024xf32>
    %get3A_2265 = arith.constant 48 : index
    %get3A_2266 = arith.constant 0 : index
    %get3A_2267 = arith.constant 0 : index
    %get3A_2268 = vector.load %arg0[%get3A_2265, %get3A_2266, %get3A_2267] : memref<64x32x1024xf32, #tpu.memory_space<vmem>>, vector<1x32x1024xf32>
    %get3A_2269 = vector.shape_cast %get3A_2268 : vector<1x32x1024xf32> to vector<32x1024xf32>
    %exp3A_2270 = math.exp %get3A_2269 : vector<32x1024xf32>
    %div3A_2271 = arith.constant 1.000000e+00 : f32
    %div3A_2272 = vector.broadcast %div3A_2271 : f32 to vector<32x1xf32>
    %div3A_2273 = arith.divf %div3A_2272, %broadcast_in_dim3A_2253 : vector<32x1xf32>
    %mul3A_2274 = vector.broadcast %div3A_2273 : vector<32x1xf32> to vector<32x1024xf32>
    %mul3A_2275 = arith.mulf %exp3A_2270, %mul3A_2274 : vector<32x1024xf32>
    %mul3A_2276 = vector.broadcast %convert_element_type3A_66 : vector<1x1024xf32> to vector<32x1024xf32>
    %mul3A_2277 = arith.mulf %mul3A_2276, %mul3A_2275 : vector<32x1024xf32>
    %mul3A_2278 = vector.broadcast %add3A_40 : vector<1x1024xf32> to vector<32x1024xf32>
    %mul3A_2279 = arith.mulf %mul3A_2278, %mul3A_2275 : vector<32x1024xf32>
    %log3A_2280 = math.log %broadcast_in_dim3A_2253 : vector<32x1xf32>
    %add3A_2281 = arith.addf %add3A_2235, %log3A_2280 : vector<32x1xf32>
    %max3A_2282 = vector.broadcast %mul3A_2256 : vector<32x1xf32> to vector<32x1024xf32>
    %max3A_2283 = arith.maximumf %dot_general3A_2264, %max3A_2282 : vector<32x1024xf32>
    %mul3A_2284 = arith.mulf %mul3A_2277, %max3A_2283 : vector<32x1024xf32>
    %mul3A_2285 = arith.mulf %mul3A_2279, %max3A_2283 : vector<32x1024xf32>
    %reduce_sum3A_2286 = arith.constant dense<0.000000e+00> : vector<32xf32>
    %reduce_sum3A_2287 = vector.multi_reduction <add>, %mul3A_2285, %reduce_sum3A_2286 [1] : vector<32x1024xf32> to vector<32xf32>
    %broadcast_in_dim3A_2288 = vector.shape_cast %reduce_sum3A_2287 : vector<32xf32> to vector<32x1xf32>
    %log3A_2289 = math.log %broadcast_in_dim3A_2288 : vector<32x1xf32>
    %add3A_2290 = arith.addf %log3A_2289, %add3A_2281 : vector<32x1xf32>
    %dot_general3A_2291 = arith.constant dense<0.000000e+00> : vector<32x1xf32>
    %dot_general3A_2292 = tpu.matmul %convert_element_type3A_59, %add3A_2290, %dot_general3A_2291 {dimension_numbers = #tpu.dot_dimension_numbers<[1], [0], [0], [1], [0, 0, 1, 1], [], []>, precision = #tpu.contract_precision<fp32>, transpose_lhs_hint = false} : vector<32x32xf32>, vector<32x1xf32>, vector<32x1xf32> -> vector<32x1xf32>
    %eq3A_2293 = arith.constant 49 : i32
    %eq3A_2294 = vector.broadcast %eq3A_2293 : i32 to vector<32x1xi32>
    %eq3A_2295 = arith.cmpi eq, %get3A_43, %eq3A_2294 : vector<32x1xi32>
    %select_n3A_2296 = arith.select %eq3A_2295, %dot_general3A_2292, %select_n3A_2250 : vector<32x1xi1>, vector<32x1xf32>
    %reduce_sum3A_2297 = arith.constant dense<0.000000e+00> : vector<32xf32>
    %reduce_sum3A_2298 = vector.multi_reduction <add>, %mul3A_2284, %reduce_sum3A_2297 [1] : vector<32x1024xf32> to vector<32xf32>
    %broadcast_in_dim3A_2299 = vector.shape_cast %reduce_sum3A_2298 : vector<32xf32> to vector<32x1xf32>
    %mul3A_2300 = arith.constant 1.60381094E-28 : f32
    %mul3A_2301 = vector.broadcast %mul3A_2300 : f32 to vector<32x1xf32>
    %mul3A_2302 = arith.mulf %broadcast_in_dim3A_2299, %mul3A_2301 : vector<32x1xf32>
    %max3A_2303 = vector.broadcast %mul3A_2302 : vector<32x1xf32> to vector<32x1024xf32>
    %max3A_2304 = arith.maximumf %mul3A_2284, %max3A_2303 : vector<32x1024xf32>
    %convert_element_type3A_2305 = arith.truncf %max3A_2304 : vector<32x1024xf32> to vector<32x1024xbf16>
    %get3A_2306 = arith.constant 0 : index
    %get3A_2307 = arith.constant 0 : index
    %get3A_2308 = vector.load %arg1[%get3A_2306, %get3A_2307] : memref<1024x1024xbf16, #tpu.memory_space<vmem>>, vector<1024x1024xbf16>
    %dot_general3A_2309 = arith.constant dense<0.000000e+00> : vector<32x1024xf32>
    %dot_general3A_2310 = tpu.matmul %convert_element_type3A_2305, %get3A_2308, %dot_general3A_2309 {dimension_numbers = #tpu.dot_dimension_numbers<[1], [0], [0], [1], [0, 0, 1, 1], [], []>, transpose_lhs_hint = false} : vector<32x1024xbf16>, vector<1024x1024xbf16>, vector<32x1024xf32> -> vector<32x1024xf32>
    %get3A_2311 = arith.constant 49 : index
    %get3A_2312 = arith.constant 0 : index
    %get3A_2313 = arith.constant 0 : index
    %get3A_2314 = vector.load %arg0[%get3A_2311, %get3A_2312, %get3A_2313] : memref<64x32x1024xf32, #tpu.memory_space<vmem>>, vector<1x32x1024xf32>
    %get3A_2315 = vector.shape_cast %get3A_2314 : vector<1x32x1024xf32> to vector<32x1024xf32>
    %exp3A_2316 = math.exp %get3A_2315 : vector<32x1024xf32>
    %div3A_2317 = arith.constant 1.000000e+00 : f32
    %div3A_2318 = vector.broadcast %div3A_2317 : f32 to vector<32x1xf32>
    %div3A_2319 = arith.divf %div3A_2318, %broadcast_in_dim3A_2299 : vector<32x1xf32>
    %mul3A_2320 = vector.broadcast %div3A_2319 : vector<32x1xf32> to vector<32x1024xf32>
    %mul3A_2321 = arith.mulf %exp3A_2316, %mul3A_2320 : vector<32x1024xf32>
    %mul3A_2322 = vector.broadcast %convert_element_type3A_66 : vector<1x1024xf32> to vector<32x1024xf32>
    %mul3A_2323 = arith.mulf %mul3A_2322, %mul3A_2321 : vector<32x1024xf32>
    %mul3A_2324 = vector.broadcast %add3A_40 : vector<1x1024xf32> to vector<32x1024xf32>
    %mul3A_2325 = arith.mulf %mul3A_2324, %mul3A_2321 : vector<32x1024xf32>
    %log3A_2326 = math.log %broadcast_in_dim3A_2299 : vector<32x1xf32>
    %add3A_2327 = arith.addf %add3A_2281, %log3A_2326 : vector<32x1xf32>
    %max3A_2328 = vector.broadcast %mul3A_2302 : vector<32x1xf32> to vector<32x1024xf32>
    %max3A_2329 = arith.maximumf %dot_general3A_2310, %max3A_2328 : vector<32x1024xf32>
    %mul3A_2330 = arith.mulf %mul3A_2323, %max3A_2329 : vector<32x1024xf32>
    %mul3A_2331 = arith.mulf %mul3A_2325, %max3A_2329 : vector<32x1024xf32>
    %reduce_sum3A_2332 = arith.constant dense<0.000000e+00> : vector<32xf32>
    %reduce_sum3A_2333 = vector.multi_reduction <add>, %mul3A_2331, %reduce_sum3A_2332 [1] : vector<32x1024xf32> to vector<32xf32>
    %broadcast_in_dim3A_2334 = vector.shape_cast %reduce_sum3A_2333 : vector<32xf32> to vector<32x1xf32>
    %log3A_2335 = math.log %broadcast_in_dim3A_2334 : vector<32x1xf32>
    %add3A_2336 = arith.addf %log3A_2335, %add3A_2327 : vector<32x1xf32>
    %dot_general3A_2337 = arith.constant dense<0.000000e+00> : vector<32x1xf32>
    %dot_general3A_2338 = tpu.matmul %convert_element_type3A_59, %add3A_2336, %dot_general3A_2337 {dimension_numbers = #tpu.dot_dimension_numbers<[1], [0], [0], [1], [0, 0, 1, 1], [], []>, precision = #tpu.contract_precision<fp32>, transpose_lhs_hint = false} : vector<32x32xf32>, vector<32x1xf32>, vector<32x1xf32> -> vector<32x1xf32>
    %eq3A_2339 = arith.constant 50 : i32
    %eq3A_2340 = vector.broadcast %eq3A_2339 : i32 to vector<32x1xi32>
    %eq3A_2341 = arith.cmpi eq, %get3A_43, %eq3A_2340 : vector<32x1xi32>
    %select_n3A_2342 = arith.select %eq3A_2341, %dot_general3A_2338, %select_n3A_2296 : vector<32x1xi1>, vector<32x1xf32>
    %reduce_sum3A_2343 = arith.constant dense<0.000000e+00> : vector<32xf32>
    %reduce_sum3A_2344 = vector.multi_reduction <add>, %mul3A_2330, %reduce_sum3A_2343 [1] : vector<32x1024xf32> to vector<32xf32>
    %broadcast_in_dim3A_2345 = vector.shape_cast %reduce_sum3A_2344 : vector<32xf32> to vector<32x1xf32>
    %mul3A_2346 = arith.constant 1.60381094E-28 : f32
    %mul3A_2347 = vector.broadcast %mul3A_2346 : f32 to vector<32x1xf32>
    %mul3A_2348 = arith.mulf %broadcast_in_dim3A_2345, %mul3A_2347 : vector<32x1xf32>
    %max3A_2349 = vector.broadcast %mul3A_2348 : vector<32x1xf32> to vector<32x1024xf32>
    %max3A_2350 = arith.maximumf %mul3A_2330, %max3A_2349 : vector<32x1024xf32>
    %convert_element_type3A_2351 = arith.truncf %max3A_2350 : vector<32x1024xf32> to vector<32x1024xbf16>
    %get3A_2352 = arith.constant 0 : index
    %get3A_2353 = arith.constant 0 : index
    %get3A_2354 = vector.load %arg1[%get3A_2352, %get3A_2353] : memref<1024x1024xbf16, #tpu.memory_space<vmem>>, vector<1024x1024xbf16>
    %dot_general3A_2355 = arith.constant dense<0.000000e+00> : vector<32x1024xf32>
    %dot_general3A_2356 = tpu.matmul %convert_element_type3A_2351, %get3A_2354, %dot_general3A_2355 {dimension_numbers = #tpu.dot_dimension_numbers<[1], [0], [0], [1], [0, 0, 1, 1], [], []>, transpose_lhs_hint = false} : vector<32x1024xbf16>, vector<1024x1024xbf16>, vector<32x1024xf32> -> vector<32x1024xf32>
    %get3A_2357 = arith.constant 50 : index
    %get3A_2358 = arith.constant 0 : index
    %get3A_2359 = arith.constant 0 : index
    %get3A_2360 = vector.load %arg0[%get3A_2357, %get3A_2358, %get3A_2359] : memref<64x32x1024xf32, #tpu.memory_space<vmem>>, vector<1x32x1024xf32>
    %get3A_2361 = vector.shape_cast %get3A_2360 : vector<1x32x1024xf32> to vector<32x1024xf32>
    %exp3A_2362 = math.exp %get3A_2361 : vector<32x1024xf32>
    %div3A_2363 = arith.constant 1.000000e+00 : f32
    %div3A_2364 = vector.broadcast %div3A_2363 : f32 to vector<32x1xf32>
    %div3A_2365 = arith.divf %div3A_2364, %broadcast_in_dim3A_2345 : vector<32x1xf32>
    %mul3A_2366 = vector.broadcast %div3A_2365 : vector<32x1xf32> to vector<32x1024xf32>
    %mul3A_2367 = arith.mulf %exp3A_2362, %mul3A_2366 : vector<32x1024xf32>
    %mul3A_2368 = vector.broadcast %convert_element_type3A_66 : vector<1x1024xf32> to vector<32x1024xf32>
    %mul3A_2369 = arith.mulf %mul3A_2368, %mul3A_2367 : vector<32x1024xf32>
    %mul3A_2370 = vector.broadcast %add3A_40 : vector<1x1024xf32> to vector<32x1024xf32>
    %mul3A_2371 = arith.mulf %mul3A_2370, %mul3A_2367 : vector<32x1024xf32>
    %log3A_2372 = math.log %broadcast_in_dim3A_2345 : vector<32x1xf32>
    %add3A_2373 = arith.addf %add3A_2327, %log3A_2372 : vector<32x1xf32>
    %max3A_2374 = vector.broadcast %mul3A_2348 : vector<32x1xf32> to vector<32x1024xf32>
    %max3A_2375 = arith.maximumf %dot_general3A_2356, %max3A_2374 : vector<32x1024xf32>
    %mul3A_2376 = arith.mulf %mul3A_2369, %max3A_2375 : vector<32x1024xf32>
    %mul3A_2377 = arith.mulf %mul3A_2371, %max3A_2375 : vector<32x1024xf32>
    %reduce_sum3A_2378 = arith.constant dense<0.000000e+00> : vector<32xf32>
    %reduce_sum3A_2379 = vector.multi_reduction <add>, %mul3A_2377, %reduce_sum3A_2378 [1] : vector<32x1024xf32> to vector<32xf32>
    %broadcast_in_dim3A_2380 = vector.shape_cast %reduce_sum3A_2379 : vector<32xf32> to vector<32x1xf32>
    %log3A_2381 = math.log %broadcast_in_dim3A_2380 : vector<32x1xf32>
    %add3A_2382 = arith.addf %log3A_2381, %add3A_2373 : vector<32x1xf32>
    %dot_general3A_2383 = arith.constant dense<0.000000e+00> : vector<32x1xf32>
    %dot_general3A_2384 = tpu.matmul %convert_element_type3A_59, %add3A_2382, %dot_general3A_2383 {dimension_numbers = #tpu.dot_dimension_numbers<[1], [0], [0], [1], [0, 0, 1, 1], [], []>, precision = #tpu.contract_precision<fp32>, transpose_lhs_hint = false} : vector<32x32xf32>, vector<32x1xf32>, vector<32x1xf32> -> vector<32x1xf32>
    %eq3A_2385 = arith.constant 51 : i32
    %eq3A_2386 = vector.broadcast %eq3A_2385 : i32 to vector<32x1xi32>
    %eq3A_2387 = arith.cmpi eq, %get3A_43, %eq3A_2386 : vector<32x1xi32>
    %select_n3A_2388 = arith.select %eq3A_2387, %dot_general3A_2384, %select_n3A_2342 : vector<32x1xi1>, vector<32x1xf32>
    %reduce_sum3A_2389 = arith.constant dense<0.000000e+00> : vector<32xf32>
    %reduce_sum3A_2390 = vector.multi_reduction <add>, %mul3A_2376, %reduce_sum3A_2389 [1] : vector<32x1024xf32> to vector<32xf32>
    %broadcast_in_dim3A_2391 = vector.shape_cast %reduce_sum3A_2390 : vector<32xf32> to vector<32x1xf32>
    %mul3A_2392 = arith.constant 1.60381094E-28 : f32
    %mul3A_2393 = vector.broadcast %mul3A_2392 : f32 to vector<32x1xf32>
    %mul3A_2394 = arith.mulf %broadcast_in_dim3A_2391, %mul3A_2393 : vector<32x1xf32>
    %max3A_2395 = vector.broadcast %mul3A_2394 : vector<32x1xf32> to vector<32x1024xf32>
    %max3A_2396 = arith.maximumf %mul3A_2376, %max3A_2395 : vector<32x1024xf32>
    %convert_element_type3A_2397 = arith.truncf %max3A_2396 : vector<32x1024xf32> to vector<32x1024xbf16>
    %get3A_2398 = arith.constant 0 : index
    %get3A_2399 = arith.constant 0 : index
    %get3A_2400 = vector.load %arg1[%get3A_2398, %get3A_2399] : memref<1024x1024xbf16, #tpu.memory_space<vmem>>, vector<1024x1024xbf16>
    %dot_general3A_2401 = arith.constant dense<0.000000e+00> : vector<32x1024xf32>
    %dot_general3A_2402 = tpu.matmul %convert_element_type3A_2397, %get3A_2400, %dot_general3A_2401 {dimension_numbers = #tpu.dot_dimension_numbers<[1], [0], [0], [1], [0, 0, 1, 1], [], []>, transpose_lhs_hint = false} : vector<32x1024xbf16>, vector<1024x1024xbf16>, vector<32x1024xf32> -> vector<32x1024xf32>
    %get3A_2403 = arith.constant 51 : index
    %get3A_2404 = arith.constant 0 : index
    %get3A_2405 = arith.constant 0 : index
    %get3A_2406 = vector.load %arg0[%get3A_2403, %get3A_2404, %get3A_2405] : memref<64x32x1024xf32, #tpu.memory_space<vmem>>, vector<1x32x1024xf32>
    %get3A_2407 = vector.shape_cast %get3A_2406 : vector<1x32x1024xf32> to vector<32x1024xf32>
    %exp3A_2408 = math.exp %get3A_2407 : vector<32x1024xf32>
    %div3A_2409 = arith.constant 1.000000e+00 : f32
    %div3A_2410 = vector.broadcast %div3A_2409 : f32 to vector<32x1xf32>
    %div3A_2411 = arith.divf %div3A_2410, %broadcast_in_dim3A_2391 : vector<32x1xf32>
    %mul3A_2412 = vector.broadcast %div3A_2411 : vector<32x1xf32> to vector<32x1024xf32>
    %mul3A_2413 = arith.mulf %exp3A_2408, %mul3A_2412 : vector<32x1024xf32>
    %mul3A_2414 = vector.broadcast %convert_element_type3A_66 : vector<1x1024xf32> to vector<32x1024xf32>
    %mul3A_2415 = arith.mulf %mul3A_2414, %mul3A_2413 : vector<32x1024xf32>
    %mul3A_2416 = vector.broadcast %add3A_40 : vector<1x1024xf32> to vector<32x1024xf32>
    %mul3A_2417 = arith.mulf %mul3A_2416, %mul3A_2413 : vector<32x1024xf32>
    %log3A_2418 = math.log %broadcast_in_dim3A_2391 : vector<32x1xf32>
    %add3A_2419 = arith.addf %add3A_2373, %log3A_2418 : vector<32x1xf32>
    %max3A_2420 = vector.broadcast %mul3A_2394 : vector<32x1xf32> to vector<32x1024xf32>
    %max3A_2421 = arith.maximumf %dot_general3A_2402, %max3A_2420 : vector<32x1024xf32>
    %mul3A_2422 = arith.mulf %mul3A_2415, %max3A_2421 : vector<32x1024xf32>
    %mul3A_2423 = arith.mulf %mul3A_2417, %max3A_2421 : vector<32x1024xf32>
    %reduce_sum3A_2424 = arith.constant dense<0.000000e+00> : vector<32xf32>
    %reduce_sum3A_2425 = vector.multi_reduction <add>, %mul3A_2423, %reduce_sum3A_2424 [1] : vector<32x1024xf32> to vector<32xf32>
    %broadcast_in_dim3A_2426 = vector.shape_cast %reduce_sum3A_2425 : vector<32xf32> to vector<32x1xf32>
    %log3A_2427 = math.log %broadcast_in_dim3A_2426 : vector<32x1xf32>
    %add3A_2428 = arith.addf %log3A_2427, %add3A_2419 : vector<32x1xf32>
    %dot_general3A_2429 = arith.constant dense<0.000000e+00> : vector<32x1xf32>
    %dot_general3A_2430 = tpu.matmul %convert_element_type3A_59, %add3A_2428, %dot_general3A_2429 {dimension_numbers = #tpu.dot_dimension_numbers<[1], [0], [0], [1], [0, 0, 1, 1], [], []>, precision = #tpu.contract_precision<fp32>, transpose_lhs_hint = false} : vector<32x32xf32>, vector<32x1xf32>, vector<32x1xf32> -> vector<32x1xf32>
    %eq3A_2431 = arith.constant 52 : i32
    %eq3A_2432 = vector.broadcast %eq3A_2431 : i32 to vector<32x1xi32>
    %eq3A_2433 = arith.cmpi eq, %get3A_43, %eq3A_2432 : vector<32x1xi32>
    %select_n3A_2434 = arith.select %eq3A_2433, %dot_general3A_2430, %select_n3A_2388 : vector<32x1xi1>, vector<32x1xf32>
    %reduce_sum3A_2435 = arith.constant dense<0.000000e+00> : vector<32xf32>
    %reduce_sum3A_2436 = vector.multi_reduction <add>, %mul3A_2422, %reduce_sum3A_2435 [1] : vector<32x1024xf32> to vector<32xf32>
    %broadcast_in_dim3A_2437 = vector.shape_cast %reduce_sum3A_2436 : vector<32xf32> to vector<32x1xf32>
    %mul3A_2438 = arith.constant 1.60381094E-28 : f32
    %mul3A_2439 = vector.broadcast %mul3A_2438 : f32 to vector<32x1xf32>
    %mul3A_2440 = arith.mulf %broadcast_in_dim3A_2437, %mul3A_2439 : vector<32x1xf32>
    %max3A_2441 = vector.broadcast %mul3A_2440 : vector<32x1xf32> to vector<32x1024xf32>
    %max3A_2442 = arith.maximumf %mul3A_2422, %max3A_2441 : vector<32x1024xf32>
    %convert_element_type3A_2443 = arith.truncf %max3A_2442 : vector<32x1024xf32> to vector<32x1024xbf16>
    %get3A_2444 = arith.constant 0 : index
    %get3A_2445 = arith.constant 0 : index
    %get3A_2446 = vector.load %arg1[%get3A_2444, %get3A_2445] : memref<1024x1024xbf16, #tpu.memory_space<vmem>>, vector<1024x1024xbf16>
    %dot_general3A_2447 = arith.constant dense<0.000000e+00> : vector<32x1024xf32>
    %dot_general3A_2448 = tpu.matmul %convert_element_type3A_2443, %get3A_2446, %dot_general3A_2447 {dimension_numbers = #tpu.dot_dimension_numbers<[1], [0], [0], [1], [0, 0, 1, 1], [], []>, transpose_lhs_hint = false} : vector<32x1024xbf16>, vector<1024x1024xbf16>, vector<32x1024xf32> -> vector<32x1024xf32>
    %get3A_2449 = arith.constant 52 : index
    %get3A_2450 = arith.constant 0 : index
    %get3A_2451 = arith.constant 0 : index
    %get3A_2452 = vector.load %arg0[%get3A_2449, %get3A_2450, %get3A_2451] : memref<64x32x1024xf32, #tpu.memory_space<vmem>>, vector<1x32x1024xf32>
    %get3A_2453 = vector.shape_cast %get3A_2452 : vector<1x32x1024xf32> to vector<32x1024xf32>
    %exp3A_2454 = math.exp %get3A_2453 : vector<32x1024xf32>
    %div3A_2455 = arith.constant 1.000000e+00 : f32
    %div3A_2456 = vector.broadcast %div3A_2455 : f32 to vector<32x1xf32>
    %div3A_2457 = arith.divf %div3A_2456, %broadcast_in_dim3A_2437 : vector<32x1xf32>
    %mul3A_2458 = vector.broadcast %div3A_2457 : vector<32x1xf32> to vector<32x1024xf32>
    %mul3A_2459 = arith.mulf %exp3A_2454, %mul3A_2458 : vector<32x1024xf32>
    %mul3A_2460 = vector.broadcast %convert_element_type3A_66 : vector<1x1024xf32> to vector<32x1024xf32>
    %mul3A_2461 = arith.mulf %mul3A_2460, %mul3A_2459 : vector<32x1024xf32>
    %mul3A_2462 = vector.broadcast %add3A_40 : vector<1x1024xf32> to vector<32x1024xf32>
    %mul3A_2463 = arith.mulf %mul3A_2462, %mul3A_2459 : vector<32x1024xf32>
    %log3A_2464 = math.log %broadcast_in_dim3A_2437 : vector<32x1xf32>
    %add3A_2465 = arith.addf %add3A_2419, %log3A_2464 : vector<32x1xf32>
    %max3A_2466 = vector.broadcast %mul3A_2440 : vector<32x1xf32> to vector<32x1024xf32>
    %max3A_2467 = arith.maximumf %dot_general3A_2448, %max3A_2466 : vector<32x1024xf32>
    %mul3A_2468 = arith.mulf %mul3A_2461, %max3A_2467 : vector<32x1024xf32>
    %mul3A_2469 = arith.mulf %mul3A_2463, %max3A_2467 : vector<32x1024xf32>
    %reduce_sum3A_2470 = arith.constant dense<0.000000e+00> : vector<32xf32>
    %reduce_sum3A_2471 = vector.multi_reduction <add>, %mul3A_2469, %reduce_sum3A_2470 [1] : vector<32x1024xf32> to vector<32xf32>
    %broadcast_in_dim3A_2472 = vector.shape_cast %reduce_sum3A_2471 : vector<32xf32> to vector<32x1xf32>
    %log3A_2473 = math.log %broadcast_in_dim3A_2472 : vector<32x1xf32>
    %add3A_2474 = arith.addf %log3A_2473, %add3A_2465 : vector<32x1xf32>
    %dot_general3A_2475 = arith.constant dense<0.000000e+00> : vector<32x1xf32>
    %dot_general3A_2476 = tpu.matmul %convert_element_type3A_59, %add3A_2474, %dot_general3A_2475 {dimension_numbers = #tpu.dot_dimension_numbers<[1], [0], [0], [1], [0, 0, 1, 1], [], []>, precision = #tpu.contract_precision<fp32>, transpose_lhs_hint = false} : vector<32x32xf32>, vector<32x1xf32>, vector<32x1xf32> -> vector<32x1xf32>
    %eq3A_2477 = arith.constant 53 : i32
    %eq3A_2478 = vector.broadcast %eq3A_2477 : i32 to vector<32x1xi32>
    %eq3A_2479 = arith.cmpi eq, %get3A_43, %eq3A_2478 : vector<32x1xi32>
    %select_n3A_2480 = arith.select %eq3A_2479, %dot_general3A_2476, %select_n3A_2434 : vector<32x1xi1>, vector<32x1xf32>
    %reduce_sum3A_2481 = arith.constant dense<0.000000e+00> : vector<32xf32>
    %reduce_sum3A_2482 = vector.multi_reduction <add>, %mul3A_2468, %reduce_sum3A_2481 [1] : vector<32x1024xf32> to vector<32xf32>
    %broadcast_in_dim3A_2483 = vector.shape_cast %reduce_sum3A_2482 : vector<32xf32> to vector<32x1xf32>
    %mul3A_2484 = arith.constant 1.60381094E-28 : f32
    %mul3A_2485 = vector.broadcast %mul3A_2484 : f32 to vector<32x1xf32>
    %mul3A_2486 = arith.mulf %broadcast_in_dim3A_2483, %mul3A_2485 : vector<32x1xf32>
    %max3A_2487 = vector.broadcast %mul3A_2486 : vector<32x1xf32> to vector<32x1024xf32>
    %max3A_2488 = arith.maximumf %mul3A_2468, %max3A_2487 : vector<32x1024xf32>
    %convert_element_type3A_2489 = arith.truncf %max3A_2488 : vector<32x1024xf32> to vector<32x1024xbf16>
    %get3A_2490 = arith.constant 0 : index
    %get3A_2491 = arith.constant 0 : index
    %get3A_2492 = vector.load %arg1[%get3A_2490, %get3A_2491] : memref<1024x1024xbf16, #tpu.memory_space<vmem>>, vector<1024x1024xbf16>
    %dot_general3A_2493 = arith.constant dense<0.000000e+00> : vector<32x1024xf32>
    %dot_general3A_2494 = tpu.matmul %convert_element_type3A_2489, %get3A_2492, %dot_general3A_2493 {dimension_numbers = #tpu.dot_dimension_numbers<[1], [0], [0], [1], [0, 0, 1, 1], [], []>, transpose_lhs_hint = false} : vector<32x1024xbf16>, vector<1024x1024xbf16>, vector<32x1024xf32> -> vector<32x1024xf32>
    %get3A_2495 = arith.constant 53 : index
    %get3A_2496 = arith.constant 0 : index
    %get3A_2497 = arith.constant 0 : index
    %get3A_2498 = vector.load %arg0[%get3A_2495, %get3A_2496, %get3A_2497] : memref<64x32x1024xf32, #tpu.memory_space<vmem>>, vector<1x32x1024xf32>
    %get3A_2499 = vector.shape_cast %get3A_2498 : vector<1x32x1024xf32> to vector<32x1024xf32>
    %exp3A_2500 = math.exp %get3A_2499 : vector<32x1024xf32>
    %div3A_2501 = arith.constant 1.000000e+00 : f32
    %div3A_2502 = vector.broadcast %div3A_2501 : f32 to vector<32x1xf32>
    %div3A_2503 = arith.divf %div3A_2502, %broadcast_in_dim3A_2483 : vector<32x1xf32>
    %mul3A_2504 = vector.broadcast %div3A_2503 : vector<32x1xf32> to vector<32x1024xf32>
    %mul3A_2505 = arith.mulf %exp3A_2500, %mul3A_2504 : vector<32x1024xf32>
    %mul3A_2506 = vector.broadcast %convert_element_type3A_66 : vector<1x1024xf32> to vector<32x1024xf32>
    %mul3A_2507 = arith.mulf %mul3A_2506, %mul3A_2505 : vector<32x1024xf32>
    %mul3A_2508 = vector.broadcast %add3A_40 : vector<1x1024xf32> to vector<32x1024xf32>
    %mul3A_2509 = arith.mulf %mul3A_2508, %mul3A_2505 : vector<32x1024xf32>
    %log3A_2510 = math.log %broadcast_in_dim3A_2483 : vector<32x1xf32>
    %add3A_2511 = arith.addf %add3A_2465, %log3A_2510 : vector<32x1xf32>
    %max3A_2512 = vector.broadcast %mul3A_2486 : vector<32x1xf32> to vector<32x1024xf32>
    %max3A_2513 = arith.maximumf %dot_general3A_2494, %max3A_2512 : vector<32x1024xf32>
    %mul3A_2514 = arith.mulf %mul3A_2507, %max3A_2513 : vector<32x1024xf32>
    %mul3A_2515 = arith.mulf %mul3A_2509, %max3A_2513 : vector<32x1024xf32>
    %reduce_sum3A_2516 = arith.constant dense<0.000000e+00> : vector<32xf32>
    %reduce_sum3A_2517 = vector.multi_reduction <add>, %mul3A_2515, %reduce_sum3A_2516 [1] : vector<32x1024xf32> to vector<32xf32>
    %broadcast_in_dim3A_2518 = vector.shape_cast %reduce_sum3A_2517 : vector<32xf32> to vector<32x1xf32>
    %log3A_2519 = math.log %broadcast_in_dim3A_2518 : vector<32x1xf32>
    %add3A_2520 = arith.addf %log3A_2519, %add3A_2511 : vector<32x1xf32>
    %dot_general3A_2521 = arith.constant dense<0.000000e+00> : vector<32x1xf32>
    %dot_general3A_2522 = tpu.matmul %convert_element_type3A_59, %add3A_2520, %dot_general3A_2521 {dimension_numbers = #tpu.dot_dimension_numbers<[1], [0], [0], [1], [0, 0, 1, 1], [], []>, precision = #tpu.contract_precision<fp32>, transpose_lhs_hint = false} : vector<32x32xf32>, vector<32x1xf32>, vector<32x1xf32> -> vector<32x1xf32>
    %eq3A_2523 = arith.constant 54 : i32
    %eq3A_2524 = vector.broadcast %eq3A_2523 : i32 to vector<32x1xi32>
    %eq3A_2525 = arith.cmpi eq, %get3A_43, %eq3A_2524 : vector<32x1xi32>
    %select_n3A_2526 = arith.select %eq3A_2525, %dot_general3A_2522, %select_n3A_2480 : vector<32x1xi1>, vector<32x1xf32>
    %reduce_sum3A_2527 = arith.constant dense<0.000000e+00> : vector<32xf32>
    %reduce_sum3A_2528 = vector.multi_reduction <add>, %mul3A_2514, %reduce_sum3A_2527 [1] : vector<32x1024xf32> to vector<32xf32>
    %broadcast_in_dim3A_2529 = vector.shape_cast %reduce_sum3A_2528 : vector<32xf32> to vector<32x1xf32>
    %mul3A_2530 = arith.constant 1.60381094E-28 : f32
    %mul3A_2531 = vector.broadcast %mul3A_2530 : f32 to vector<32x1xf32>
    %mul3A_2532 = arith.mulf %broadcast_in_dim3A_2529, %mul3A_2531 : vector<32x1xf32>
    %max3A_2533 = vector.broadcast %mul3A_2532 : vector<32x1xf32> to vector<32x1024xf32>
    %max3A_2534 = arith.maximumf %mul3A_2514, %max3A_2533 : vector<32x1024xf32>
    %convert_element_type3A_2535 = arith.truncf %max3A_2534 : vector<32x1024xf32> to vector<32x1024xbf16>
    %get3A_2536 = arith.constant 0 : index
    %get3A_2537 = arith.constant 0 : index
    %get3A_2538 = vector.load %arg1[%get3A_2536, %get3A_2537] : memref<1024x1024xbf16, #tpu.memory_space<vmem>>, vector<1024x1024xbf16>
    %dot_general3A_2539 = arith.constant dense<0.000000e+00> : vector<32x1024xf32>
    %dot_general3A_2540 = tpu.matmul %convert_element_type3A_2535, %get3A_2538, %dot_general3A_2539 {dimension_numbers = #tpu.dot_dimension_numbers<[1], [0], [0], [1], [0, 0, 1, 1], [], []>, transpose_lhs_hint = false} : vector<32x1024xbf16>, vector<1024x1024xbf16>, vector<32x1024xf32> -> vector<32x1024xf32>
    %get3A_2541 = arith.constant 54 : index
    %get3A_2542 = arith.constant 0 : index
    %get3A_2543 = arith.constant 0 : index
    %get3A_2544 = vector.load %arg0[%get3A_2541, %get3A_2542, %get3A_2543] : memref<64x32x1024xf32, #tpu.memory_space<vmem>>, vector<1x32x1024xf32>
    %get3A_2545 = vector.shape_cast %get3A_2544 : vector<1x32x1024xf32> to vector<32x1024xf32>
    %exp3A_2546 = math.exp %get3A_2545 : vector<32x1024xf32>
    %div3A_2547 = arith.constant 1.000000e+00 : f32
    %div3A_2548 = vector.broadcast %div3A_2547 : f32 to vector<32x1xf32>
    %div3A_2549 = arith.divf %div3A_2548, %broadcast_in_dim3A_2529 : vector<32x1xf32>
    %mul3A_2550 = vector.broadcast %div3A_2549 : vector<32x1xf32> to vector<32x1024xf32>
    %mul3A_2551 = arith.mulf %exp3A_2546, %mul3A_2550 : vector<32x1024xf32>
    %mul3A_2552 = vector.broadcast %convert_element_type3A_66 : vector<1x1024xf32> to vector<32x1024xf32>
    %mul3A_2553 = arith.mulf %mul3A_2552, %mul3A_2551 : vector<32x1024xf32>
    %mul3A_2554 = vector.broadcast %add3A_40 : vector<1x1024xf32> to vector<32x1024xf32>
    %mul3A_2555 = arith.mulf %mul3A_2554, %mul3A_2551 : vector<32x1024xf32>
    %log3A_2556 = math.log %broadcast_in_dim3A_2529 : vector<32x1xf32>
    %add3A_2557 = arith.addf %add3A_2511, %log3A_2556 : vector<32x1xf32>
    %max3A_2558 = vector.broadcast %mul3A_2532 : vector<32x1xf32> to vector<32x1024xf32>
    %max3A_2559 = arith.maximumf %dot_general3A_2540, %max3A_2558 : vector<32x1024xf32>
    %mul3A_2560 = arith.mulf %mul3A_2553, %max3A_2559 : vector<32x1024xf32>
    %mul3A_2561 = arith.mulf %mul3A_2555, %max3A_2559 : vector<32x1024xf32>
    %reduce_sum3A_2562 = arith.constant dense<0.000000e+00> : vector<32xf32>
    %reduce_sum3A_2563 = vector.multi_reduction <add>, %mul3A_2561, %reduce_sum3A_2562 [1] : vector<32x1024xf32> to vector<32xf32>
    %broadcast_in_dim3A_2564 = vector.shape_cast %reduce_sum3A_2563 : vector<32xf32> to vector<32x1xf32>
    %log3A_2565 = math.log %broadcast_in_dim3A_2564 : vector<32x1xf32>
    %add3A_2566 = arith.addf %log3A_2565, %add3A_2557 : vector<32x1xf32>
    %dot_general3A_2567 = arith.constant dense<0.000000e+00> : vector<32x1xf32>
    %dot_general3A_2568 = tpu.matmul %convert_element_type3A_59, %add3A_2566, %dot_general3A_2567 {dimension_numbers = #tpu.dot_dimension_numbers<[1], [0], [0], [1], [0, 0, 1, 1], [], []>, precision = #tpu.contract_precision<fp32>, transpose_lhs_hint = false} : vector<32x32xf32>, vector<32x1xf32>, vector<32x1xf32> -> vector<32x1xf32>
    %eq3A_2569 = arith.constant 55 : i32
    %eq3A_2570 = vector.broadcast %eq3A_2569 : i32 to vector<32x1xi32>
    %eq3A_2571 = arith.cmpi eq, %get3A_43, %eq3A_2570 : vector<32x1xi32>
    %select_n3A_2572 = arith.select %eq3A_2571, %dot_general3A_2568, %select_n3A_2526 : vector<32x1xi1>, vector<32x1xf32>
    %reduce_sum3A_2573 = arith.constant dense<0.000000e+00> : vector<32xf32>
    %reduce_sum3A_2574 = vector.multi_reduction <add>, %mul3A_2560, %reduce_sum3A_2573 [1] : vector<32x1024xf32> to vector<32xf32>
    %broadcast_in_dim3A_2575 = vector.shape_cast %reduce_sum3A_2574 : vector<32xf32> to vector<32x1xf32>
    %mul3A_2576 = arith.constant 1.60381094E-28 : f32
    %mul3A_2577 = vector.broadcast %mul3A_2576 : f32 to vector<32x1xf32>
    %mul3A_2578 = arith.mulf %broadcast_in_dim3A_2575, %mul3A_2577 : vector<32x1xf32>
    %max3A_2579 = vector.broadcast %mul3A_2578 : vector<32x1xf32> to vector<32x1024xf32>
    %max3A_2580 = arith.maximumf %mul3A_2560, %max3A_2579 : vector<32x1024xf32>
    %convert_element_type3A_2581 = arith.truncf %max3A_2580 : vector<32x1024xf32> to vector<32x1024xbf16>
    %get3A_2582 = arith.constant 0 : index
    %get3A_2583 = arith.constant 0 : index
    %get3A_2584 = vector.load %arg1[%get3A_2582, %get3A_2583] : memref<1024x1024xbf16, #tpu.memory_space<vmem>>, vector<1024x1024xbf16>
    %dot_general3A_2585 = arith.constant dense<0.000000e+00> : vector<32x1024xf32>
    %dot_general3A_2586 = tpu.matmul %convert_element_type3A_2581, %get3A_2584, %dot_general3A_2585 {dimension_numbers = #tpu.dot_dimension_numbers<[1], [0], [0], [1], [0, 0, 1, 1], [], []>, transpose_lhs_hint = false} : vector<32x1024xbf16>, vector<1024x1024xbf16>, vector<32x1024xf32> -> vector<32x1024xf32>
    %get3A_2587 = arith.constant 55 : index
    %get3A_2588 = arith.constant 0 : index
    %get3A_2589 = arith.constant 0 : index
    %get3A_2590 = vector.load %arg0[%get3A_2587, %get3A_2588, %get3A_2589] : memref<64x32x1024xf32, #tpu.memory_space<vmem>>, vector<1x32x1024xf32>
    %get3A_2591 = vector.shape_cast %get3A_2590 : vector<1x32x1024xf32> to vector<32x1024xf32>
    %exp3A_2592 = math.exp %get3A_2591 : vector<32x1024xf32>
    %div3A_2593 = arith.constant 1.000000e+00 : f32
    %div3A_2594 = vector.broadcast %div3A_2593 : f32 to vector<32x1xf32>
    %div3A_2595 = arith.divf %div3A_2594, %broadcast_in_dim3A_2575 : vector<32x1xf32>
    %mul3A_2596 = vector.broadcast %div3A_2595 : vector<32x1xf32> to vector<32x1024xf32>
    %mul3A_2597 = arith.mulf %exp3A_2592, %mul3A_2596 : vector<32x1024xf32>
    %mul3A_2598 = vector.broadcast %convert_element_type3A_66 : vector<1x1024xf32> to vector<32x1024xf32>
    %mul3A_2599 = arith.mulf %mul3A_2598, %mul3A_2597 : vector<32x1024xf32>
    %mul3A_2600 = vector.broadcast %add3A_40 : vector<1x1024xf32> to vector<32x1024xf32>
    %mul3A_2601 = arith.mulf %mul3A_2600, %mul3A_2597 : vector<32x1024xf32>
    %log3A_2602 = math.log %broadcast_in_dim3A_2575 : vector<32x1xf32>
    %add3A_2603 = arith.addf %add3A_2557, %log3A_2602 : vector<32x1xf32>
    %max3A_2604 = vector.broadcast %mul3A_2578 : vector<32x1xf32> to vector<32x1024xf32>
    %max3A_2605 = arith.maximumf %dot_general3A_2586, %max3A_2604 : vector<32x1024xf32>
    %mul3A_2606 = arith.mulf %mul3A_2599, %max3A_2605 : vector<32x1024xf32>
    %mul3A_2607 = arith.mulf %mul3A_2601, %max3A_2605 : vector<32x1024xf32>
    %reduce_sum3A_2608 = arith.constant dense<0.000000e+00> : vector<32xf32>
    %reduce_sum3A_2609 = vector.multi_reduction <add>, %mul3A_2607, %reduce_sum3A_2608 [1] : vector<32x1024xf32> to vector<32xf32>
    %broadcast_in_dim3A_2610 = vector.shape_cast %reduce_sum3A_2609 : vector<32xf32> to vector<32x1xf32>
    %log3A_2611 = math.log %broadcast_in_dim3A_2610 : vector<32x1xf32>
    %add3A_2612 = arith.addf %log3A_2611, %add3A_2603 : vector<32x1xf32>
    %dot_general3A_2613 = arith.constant dense<0.000000e+00> : vector<32x1xf32>
    %dot_general3A_2614 = tpu.matmul %convert_element_type3A_59, %add3A_2612, %dot_general3A_2613 {dimension_numbers = #tpu.dot_dimension_numbers<[1], [0], [0], [1], [0, 0, 1, 1], [], []>, precision = #tpu.contract_precision<fp32>, transpose_lhs_hint = false} : vector<32x32xf32>, vector<32x1xf32>, vector<32x1xf32> -> vector<32x1xf32>
    %eq3A_2615 = arith.constant 56 : i32
    %eq3A_2616 = vector.broadcast %eq3A_2615 : i32 to vector<32x1xi32>
    %eq3A_2617 = arith.cmpi eq, %get3A_43, %eq3A_2616 : vector<32x1xi32>
    %select_n3A_2618 = arith.select %eq3A_2617, %dot_general3A_2614, %select_n3A_2572 : vector<32x1xi1>, vector<32x1xf32>
    %reduce_sum3A_2619 = arith.constant dense<0.000000e+00> : vector<32xf32>
    %reduce_sum3A_2620 = vector.multi_reduction <add>, %mul3A_2606, %reduce_sum3A_2619 [1] : vector<32x1024xf32> to vector<32xf32>
    %broadcast_in_dim3A_2621 = vector.shape_cast %reduce_sum3A_2620 : vector<32xf32> to vector<32x1xf32>
    %mul3A_2622 = arith.constant 1.60381094E-28 : f32
    %mul3A_2623 = vector.broadcast %mul3A_2622 : f32 to vector<32x1xf32>
    %mul3A_2624 = arith.mulf %broadcast_in_dim3A_2621, %mul3A_2623 : vector<32x1xf32>
    %max3A_2625 = vector.broadcast %mul3A_2624 : vector<32x1xf32> to vector<32x1024xf32>
    %max3A_2626 = arith.maximumf %mul3A_2606, %max3A_2625 : vector<32x1024xf32>
    %convert_element_type3A_2627 = arith.truncf %max3A_2626 : vector<32x1024xf32> to vector<32x1024xbf16>
    %get3A_2628 = arith.constant 0 : index
    %get3A_2629 = arith.constant 0 : index
    %get3A_2630 = vector.load %arg1[%get3A_2628, %get3A_2629] : memref<1024x1024xbf16, #tpu.memory_space<vmem>>, vector<1024x1024xbf16>
    %dot_general3A_2631 = arith.constant dense<0.000000e+00> : vector<32x1024xf32>
    %dot_general3A_2632 = tpu.matmul %convert_element_type3A_2627, %get3A_2630, %dot_general3A_2631 {dimension_numbers = #tpu.dot_dimension_numbers<[1], [0], [0], [1], [0, 0, 1, 1], [], []>, transpose_lhs_hint = false} : vector<32x1024xbf16>, vector<1024x1024xbf16>, vector<32x1024xf32> -> vector<32x1024xf32>
    %get3A_2633 = arith.constant 56 : index
    %get3A_2634 = arith.constant 0 : index
    %get3A_2635 = arith.constant 0 : index
    %get3A_2636 = vector.load %arg0[%get3A_2633, %get3A_2634, %get3A_2635] : memref<64x32x1024xf32, #tpu.memory_space<vmem>>, vector<1x32x1024xf32>
    %get3A_2637 = vector.shape_cast %get3A_2636 : vector<1x32x1024xf32> to vector<32x1024xf32>
    %exp3A_2638 = math.exp %get3A_2637 : vector<32x1024xf32>
    %div3A_2639 = arith.constant 1.000000e+00 : f32
    %div3A_2640 = vector.broadcast %div3A_2639 : f32 to vector<32x1xf32>
    %div3A_2641 = arith.divf %div3A_2640, %broadcast_in_dim3A_2621 : vector<32x1xf32>
    %mul3A_2642 = vector.broadcast %div3A_2641 : vector<32x1xf32> to vector<32x1024xf32>
    %mul3A_2643 = arith.mulf %exp3A_2638, %mul3A_2642 : vector<32x1024xf32>
    %mul3A_2644 = vector.broadcast %convert_element_type3A_66 : vector<1x1024xf32> to vector<32x1024xf32>
    %mul3A_2645 = arith.mulf %mul3A_2644, %mul3A_2643 : vector<32x1024xf32>
    %mul3A_2646 = vector.broadcast %add3A_40 : vector<1x1024xf32> to vector<32x1024xf32>
    %mul3A_2647 = arith.mulf %mul3A_2646, %mul3A_2643 : vector<32x1024xf32>
    %log3A_2648 = math.log %broadcast_in_dim3A_2621 : vector<32x1xf32>
    %add3A_2649 = arith.addf %add3A_2603, %log3A_2648 : vector<32x1xf32>
    %max3A_2650 = vector.broadcast %mul3A_2624 : vector<32x1xf32> to vector<32x1024xf32>
    %max3A_2651 = arith.maximumf %dot_general3A_2632, %max3A_2650 : vector<32x1024xf32>
    %mul3A_2652 = arith.mulf %mul3A_2645, %max3A_2651 : vector<32x1024xf32>
    %mul3A_2653 = arith.mulf %mul3A_2647, %max3A_2651 : vector<32x1024xf32>
    %reduce_sum3A_2654 = arith.constant dense<0.000000e+00> : vector<32xf32>
    %reduce_sum3A_2655 = vector.multi_reduction <add>, %mul3A_2653, %reduce_sum3A_2654 [1] : vector<32x1024xf32> to vector<32xf32>
    %broadcast_in_dim3A_2656 = vector.shape_cast %reduce_sum3A_2655 : vector<32xf32> to vector<32x1xf32>
    %log3A_2657 = math.log %broadcast_in_dim3A_2656 : vector<32x1xf32>
    %add3A_2658 = arith.addf %log3A_2657, %add3A_2649 : vector<32x1xf32>
    %dot_general3A_2659 = arith.constant dense<0.000000e+00> : vector<32x1xf32>
    %dot_general3A_2660 = tpu.matmul %convert_element_type3A_59, %add3A_2658, %dot_general3A_2659 {dimension_numbers = #tpu.dot_dimension_numbers<[1], [0], [0], [1], [0, 0, 1, 1], [], []>, precision = #tpu.contract_precision<fp32>, transpose_lhs_hint = false} : vector<32x32xf32>, vector<32x1xf32>, vector<32x1xf32> -> vector<32x1xf32>
    %eq3A_2661 = arith.constant 57 : i32
    %eq3A_2662 = vector.broadcast %eq3A_2661 : i32 to vector<32x1xi32>
    %eq3A_2663 = arith.cmpi eq, %get3A_43, %eq3A_2662 : vector<32x1xi32>
    %select_n3A_2664 = arith.select %eq3A_2663, %dot_general3A_2660, %select_n3A_2618 : vector<32x1xi1>, vector<32x1xf32>
    %reduce_sum3A_2665 = arith.constant dense<0.000000e+00> : vector<32xf32>
    %reduce_sum3A_2666 = vector.multi_reduction <add>, %mul3A_2652, %reduce_sum3A_2665 [1] : vector<32x1024xf32> to vector<32xf32>
    %broadcast_in_dim3A_2667 = vector.shape_cast %reduce_sum3A_2666 : vector<32xf32> to vector<32x1xf32>
    %mul3A_2668 = arith.constant 1.60381094E-28 : f32
    %mul3A_2669 = vector.broadcast %mul3A_2668 : f32 to vector<32x1xf32>
    %mul3A_2670 = arith.mulf %broadcast_in_dim3A_2667, %mul3A_2669 : vector<32x1xf32>
    %max3A_2671 = vector.broadcast %mul3A_2670 : vector<32x1xf32> to vector<32x1024xf32>
    %max3A_2672 = arith.maximumf %mul3A_2652, %max3A_2671 : vector<32x1024xf32>
    %convert_element_type3A_2673 = arith.truncf %max3A_2672 : vector<32x1024xf32> to vector<32x1024xbf16>
    %get3A_2674 = arith.constant 0 : index
    %get3A_2675 = arith.constant 0 : index
    %get3A_2676 = vector.load %arg1[%get3A_2674, %get3A_2675] : memref<1024x1024xbf16, #tpu.memory_space<vmem>>, vector<1024x1024xbf16>
    %dot_general3A_2677 = arith.constant dense<0.000000e+00> : vector<32x1024xf32>
    %dot_general3A_2678 = tpu.matmul %convert_element_type3A_2673, %get3A_2676, %dot_general3A_2677 {dimension_numbers = #tpu.dot_dimension_numbers<[1], [0], [0], [1], [0, 0, 1, 1], [], []>, transpose_lhs_hint = false} : vector<32x1024xbf16>, vector<1024x1024xbf16>, vector<32x1024xf32> -> vector<32x1024xf32>
    %get3A_2679 = arith.constant 57 : index
    %get3A_2680 = arith.constant 0 : index
    %get3A_2681 = arith.constant 0 : index
    %get3A_2682 = vector.load %arg0[%get3A_2679, %get3A_2680, %get3A_2681] : memref<64x32x1024xf32, #tpu.memory_space<vmem>>, vector<1x32x1024xf32>
    %get3A_2683 = vector.shape_cast %get3A_2682 : vector<1x32x1024xf32> to vector<32x1024xf32>
    %exp3A_2684 = math.exp %get3A_2683 : vector<32x1024xf32>
    %div3A_2685 = arith.constant 1.000000e+00 : f32
    %div3A_2686 = vector.broadcast %div3A_2685 : f32 to vector<32x1xf32>
    %div3A_2687 = arith.divf %div3A_2686, %broadcast_in_dim3A_2667 : vector<32x1xf32>
    %mul3A_2688 = vector.broadcast %div3A_2687 : vector<32x1xf32> to vector<32x1024xf32>
    %mul3A_2689 = arith.mulf %exp3A_2684, %mul3A_2688 : vector<32x1024xf32>
    %mul3A_2690 = vector.broadcast %convert_element_type3A_66 : vector<1x1024xf32> to vector<32x1024xf32>
    %mul3A_2691 = arith.mulf %mul3A_2690, %mul3A_2689 : vector<32x1024xf32>
    %mul3A_2692 = vector.broadcast %add3A_40 : vector<1x1024xf32> to vector<32x1024xf32>
    %mul3A_2693 = arith.mulf %mul3A_2692, %mul3A_2689 : vector<32x1024xf32>
    %log3A_2694 = math.log %broadcast_in_dim3A_2667 : vector<32x1xf32>
    %add3A_2695 = arith.addf %add3A_2649, %log3A_2694 : vector<32x1xf32>
    %max3A_2696 = vector.broadcast %mul3A_2670 : vector<32x1xf32> to vector<32x1024xf32>
    %max3A_2697 = arith.maximumf %dot_general3A_2678, %max3A_2696 : vector<32x1024xf32>
    %mul3A_2698 = arith.mulf %mul3A_2691, %max3A_2697 : vector<32x1024xf32>
    %mul3A_2699 = arith.mulf %mul3A_2693, %max3A_2697 : vector<32x1024xf32>
    %reduce_sum3A_2700 = arith.constant dense<0.000000e+00> : vector<32xf32>
    %reduce_sum3A_2701 = vector.multi_reduction <add>, %mul3A_2699, %reduce_sum3A_2700 [1] : vector<32x1024xf32> to vector<32xf32>
    %broadcast_in_dim3A_2702 = vector.shape_cast %reduce_sum3A_2701 : vector<32xf32> to vector<32x1xf32>
    %log3A_2703 = math.log %broadcast_in_dim3A_2702 : vector<32x1xf32>
    %add3A_2704 = arith.addf %log3A_2703, %add3A_2695 : vector<32x1xf32>
    %dot_general3A_2705 = arith.constant dense<0.000000e+00> : vector<32x1xf32>
    %dot_general3A_2706 = tpu.matmul %convert_element_type3A_59, %add3A_2704, %dot_general3A_2705 {dimension_numbers = #tpu.dot_dimension_numbers<[1], [0], [0], [1], [0, 0, 1, 1], [], []>, precision = #tpu.contract_precision<fp32>, transpose_lhs_hint = false} : vector<32x32xf32>, vector<32x1xf32>, vector<32x1xf32> -> vector<32x1xf32>
    %eq3A_2707 = arith.constant 58 : i32
    %eq3A_2708 = vector.broadcast %eq3A_2707 : i32 to vector<32x1xi32>
    %eq3A_2709 = arith.cmpi eq, %get3A_43, %eq3A_2708 : vector<32x1xi32>
    %select_n3A_2710 = arith.select %eq3A_2709, %dot_general3A_2706, %select_n3A_2664 : vector<32x1xi1>, vector<32x1xf32>
    %reduce_sum3A_2711 = arith.constant dense<0.000000e+00> : vector<32xf32>
    %reduce_sum3A_2712 = vector.multi_reduction <add>, %mul3A_2698, %reduce_sum3A_2711 [1] : vector<32x1024xf32> to vector<32xf32>
    %broadcast_in_dim3A_2713 = vector.shape_cast %reduce_sum3A_2712 : vector<32xf32> to vector<32x1xf32>
    %mul3A_2714 = arith.constant 1.60381094E-28 : f32
    %mul3A_2715 = vector.broadcast %mul3A_2714 : f32 to vector<32x1xf32>
    %mul3A_2716 = arith.mulf %broadcast_in_dim3A_2713, %mul3A_2715 : vector<32x1xf32>
    %max3A_2717 = vector.broadcast %mul3A_2716 : vector<32x1xf32> to vector<32x1024xf32>
    %max3A_2718 = arith.maximumf %mul3A_2698, %max3A_2717 : vector<32x1024xf32>
    %convert_element_type3A_2719 = arith.truncf %max3A_2718 : vector<32x1024xf32> to vector<32x1024xbf16>
    %get3A_2720 = arith.constant 0 : index
    %get3A_2721 = arith.constant 0 : index
    %get3A_2722 = vector.load %arg1[%get3A_2720, %get3A_2721] : memref<1024x1024xbf16, #tpu.memory_space<vmem>>, vector<1024x1024xbf16>
    %dot_general3A_2723 = arith.constant dense<0.000000e+00> : vector<32x1024xf32>
    %dot_general3A_2724 = tpu.matmul %convert_element_type3A_2719, %get3A_2722, %dot_general3A_2723 {dimension_numbers = #tpu.dot_dimension_numbers<[1], [0], [0], [1], [0, 0, 1, 1], [], []>, transpose_lhs_hint = false} : vector<32x1024xbf16>, vector<1024x1024xbf16>, vector<32x1024xf32> -> vector<32x1024xf32>
    %get3A_2725 = arith.constant 58 : index
    %get3A_2726 = arith.constant 0 : index
    %get3A_2727 = arith.constant 0 : index
    %get3A_2728 = vector.load %arg0[%get3A_2725, %get3A_2726, %get3A_2727] : memref<64x32x1024xf32, #tpu.memory_space<vmem>>, vector<1x32x1024xf32>
    %get3A_2729 = vector.shape_cast %get3A_2728 : vector<1x32x1024xf32> to vector<32x1024xf32>
    %exp3A_2730 = math.exp %get3A_2729 : vector<32x1024xf32>
    %div3A_2731 = arith.constant 1.000000e+00 : f32
    %div3A_2732 = vector.broadcast %div3A_2731 : f32 to vector<32x1xf32>
    %div3A_2733 = arith.divf %div3A_2732, %broadcast_in_dim3A_2713 : vector<32x1xf32>
    %mul3A_2734 = vector.broadcast %div3A_2733 : vector<32x1xf32> to vector<32x1024xf32>
    %mul3A_2735 = arith.mulf %exp3A_2730, %mul3A_2734 : vector<32x1024xf32>
    %mul3A_2736 = vector.broadcast %convert_element_type3A_66 : vector<1x1024xf32> to vector<32x1024xf32>
    %mul3A_2737 = arith.mulf %mul3A_2736, %mul3A_2735 : vector<32x1024xf32>
    %mul3A_2738 = vector.broadcast %add3A_40 : vector<1x1024xf32> to vector<32x1024xf32>
    %mul3A_2739 = arith.mulf %mul3A_2738, %mul3A_2735 : vector<32x1024xf32>
    %log3A_2740 = math.log %broadcast_in_dim3A_2713 : vector<32x1xf32>
    %add3A_2741 = arith.addf %add3A_2695, %log3A_2740 : vector<32x1xf32>
    %max3A_2742 = vector.broadcast %mul3A_2716 : vector<32x1xf32> to vector<32x1024xf32>
    %max3A_2743 = arith.maximumf %dot_general3A_2724, %max3A_2742 : vector<32x1024xf32>
    %mul3A_2744 = arith.mulf %mul3A_2737, %max3A_2743 : vector<32x1024xf32>
    %mul3A_2745 = arith.mulf %mul3A_2739, %max3A_2743 : vector<32x1024xf32>
    %reduce_sum3A_2746 = arith.constant dense<0.000000e+00> : vector<32xf32>
    %reduce_sum3A_2747 = vector.multi_reduction <add>, %mul3A_2745, %reduce_sum3A_2746 [1] : vector<32x1024xf32> to vector<32xf32>
    %broadcast_in_dim3A_2748 = vector.shape_cast %reduce_sum3A_2747 : vector<32xf32> to vector<32x1xf32>
    %log3A_2749 = math.log %broadcast_in_dim3A_2748 : vector<32x1xf32>
    %add3A_2750 = arith.addf %log3A_2749, %add3A_2741 : vector<32x1xf32>
    %dot_general3A_2751 = arith.constant dense<0.000000e+00> : vector<32x1xf32>
    %dot_general3A_2752 = tpu.matmul %convert_element_type3A_59, %add3A_2750, %dot_general3A_2751 {dimension_numbers = #tpu.dot_dimension_numbers<[1], [0], [0], [1], [0, 0, 1, 1], [], []>, precision = #tpu.contract_precision<fp32>, transpose_lhs_hint = false} : vector<32x32xf32>, vector<32x1xf32>, vector<32x1xf32> -> vector<32x1xf32>
    %eq3A_2753 = arith.constant 59 : i32
    %eq3A_2754 = vector.broadcast %eq3A_2753 : i32 to vector<32x1xi32>
    %eq3A_2755 = arith.cmpi eq, %get3A_43, %eq3A_2754 : vector<32x1xi32>
    %select_n3A_2756 = arith.select %eq3A_2755, %dot_general3A_2752, %select_n3A_2710 : vector<32x1xi1>, vector<32x1xf32>
    %reduce_sum3A_2757 = arith.constant dense<0.000000e+00> : vector<32xf32>
    %reduce_sum3A_2758 = vector.multi_reduction <add>, %mul3A_2744, %reduce_sum3A_2757 [1] : vector<32x1024xf32> to vector<32xf32>
    %broadcast_in_dim3A_2759 = vector.shape_cast %reduce_sum3A_2758 : vector<32xf32> to vector<32x1xf32>
    %mul3A_2760 = arith.constant 1.60381094E-28 : f32
    %mul3A_2761 = vector.broadcast %mul3A_2760 : f32 to vector<32x1xf32>
    %mul3A_2762 = arith.mulf %broadcast_in_dim3A_2759, %mul3A_2761 : vector<32x1xf32>
    %max3A_2763 = vector.broadcast %mul3A_2762 : vector<32x1xf32> to vector<32x1024xf32>
    %max3A_2764 = arith.maximumf %mul3A_2744, %max3A_2763 : vector<32x1024xf32>
    %convert_element_type3A_2765 = arith.truncf %max3A_2764 : vector<32x1024xf32> to vector<32x1024xbf16>
    %get3A_2766 = arith.constant 0 : index
    %get3A_2767 = arith.constant 0 : index
    %get3A_2768 = vector.load %arg1[%get3A_2766, %get3A_2767] : memref<1024x1024xbf16, #tpu.memory_space<vmem>>, vector<1024x1024xbf16>
    %dot_general3A_2769 = arith.constant dense<0.000000e+00> : vector<32x1024xf32>
    %dot_general3A_2770 = tpu.matmul %convert_element_type3A_2765, %get3A_2768, %dot_general3A_2769 {dimension_numbers = #tpu.dot_dimension_numbers<[1], [0], [0], [1], [0, 0, 1, 1], [], []>, transpose_lhs_hint = false} : vector<32x1024xbf16>, vector<1024x1024xbf16>, vector<32x1024xf32> -> vector<32x1024xf32>
    %get3A_2771 = arith.constant 59 : index
    %get3A_2772 = arith.constant 0 : index
    %get3A_2773 = arith.constant 0 : index
    %get3A_2774 = vector.load %arg0[%get3A_2771, %get3A_2772, %get3A_2773] : memref<64x32x1024xf32, #tpu.memory_space<vmem>>, vector<1x32x1024xf32>
    %get3A_2775 = vector.shape_cast %get3A_2774 : vector<1x32x1024xf32> to vector<32x1024xf32>
    %exp3A_2776 = math.exp %get3A_2775 : vector<32x1024xf32>
    %div3A_2777 = arith.constant 1.000000e+00 : f32
    %div3A_2778 = vector.broadcast %div3A_2777 : f32 to vector<32x1xf32>
    %div3A_2779 = arith.divf %div3A_2778, %broadcast_in_dim3A_2759 : vector<32x1xf32>
    %mul3A_2780 = vector.broadcast %div3A_2779 : vector<32x1xf32> to vector<32x1024xf32>
    %mul3A_2781 = arith.mulf %exp3A_2776, %mul3A_2780 : vector<32x1024xf32>
    %mul3A_2782 = vector.broadcast %convert_element_type3A_66 : vector<1x1024xf32> to vector<32x1024xf32>
    %mul3A_2783 = arith.mulf %mul3A_2782, %mul3A_2781 : vector<32x1024xf32>
    %mul3A_2784 = vector.broadcast %add3A_40 : vector<1x1024xf32> to vector<32x1024xf32>
    %mul3A_2785 = arith.mulf %mul3A_2784, %mul3A_2781 : vector<32x1024xf32>
    %log3A_2786 = math.log %broadcast_in_dim3A_2759 : vector<32x1xf32>
    %add3A_2787 = arith.addf %add3A_2741, %log3A_2786 : vector<32x1xf32>
    %max3A_2788 = vector.broadcast %mul3A_2762 : vector<32x1xf32> to vector<32x1024xf32>
    %max3A_2789 = arith.maximumf %dot_general3A_2770, %max3A_2788 : vector<32x1024xf32>
    %mul3A_2790 = arith.mulf %mul3A_2783, %max3A_2789 : vector<32x1024xf32>
    %mul3A_2791 = arith.mulf %mul3A_2785, %max3A_2789 : vector<32x1024xf32>
    %reduce_sum3A_2792 = arith.constant dense<0.000000e+00> : vector<32xf32>
    %reduce_sum3A_2793 = vector.multi_reduction <add>, %mul3A_2791, %reduce_sum3A_2792 [1] : vector<32x1024xf32> to vector<32xf32>
    %broadcast_in_dim3A_2794 = vector.shape_cast %reduce_sum3A_2793 : vector<32xf32> to vector<32x1xf32>
    %log3A_2795 = math.log %broadcast_in_dim3A_2794 : vector<32x1xf32>
    %add3A_2796 = arith.addf %log3A_2795, %add3A_2787 : vector<32x1xf32>
    %dot_general3A_2797 = arith.constant dense<0.000000e+00> : vector<32x1xf32>
    %dot_general3A_2798 = tpu.matmul %convert_element_type3A_59, %add3A_2796, %dot_general3A_2797 {dimension_numbers = #tpu.dot_dimension_numbers<[1], [0], [0], [1], [0, 0, 1, 1], [], []>, precision = #tpu.contract_precision<fp32>, transpose_lhs_hint = false} : vector<32x32xf32>, vector<32x1xf32>, vector<32x1xf32> -> vector<32x1xf32>
    %eq3A_2799 = arith.constant 60 : i32
    %eq3A_2800 = vector.broadcast %eq3A_2799 : i32 to vector<32x1xi32>
    %eq3A_2801 = arith.cmpi eq, %get3A_43, %eq3A_2800 : vector<32x1xi32>
    %select_n3A_2802 = arith.select %eq3A_2801, %dot_general3A_2798, %select_n3A_2756 : vector<32x1xi1>, vector<32x1xf32>
    %reduce_sum3A_2803 = arith.constant dense<0.000000e+00> : vector<32xf32>
    %reduce_sum3A_2804 = vector.multi_reduction <add>, %mul3A_2790, %reduce_sum3A_2803 [1] : vector<32x1024xf32> to vector<32xf32>
    %broadcast_in_dim3A_2805 = vector.shape_cast %reduce_sum3A_2804 : vector<32xf32> to vector<32x1xf32>
    %mul3A_2806 = arith.constant 1.60381094E-28 : f32
    %mul3A_2807 = vector.broadcast %mul3A_2806 : f32 to vector<32x1xf32>
    %mul3A_2808 = arith.mulf %broadcast_in_dim3A_2805, %mul3A_2807 : vector<32x1xf32>
    %max3A_2809 = vector.broadcast %mul3A_2808 : vector<32x1xf32> to vector<32x1024xf32>
    %max3A_2810 = arith.maximumf %mul3A_2790, %max3A_2809 : vector<32x1024xf32>
    %convert_element_type3A_2811 = arith.truncf %max3A_2810 : vector<32x1024xf32> to vector<32x1024xbf16>
    %get3A_2812 = arith.constant 0 : index
    %get3A_2813 = arith.constant 0 : index
    %get3A_2814 = vector.load %arg1[%get3A_2812, %get3A_2813] : memref<1024x1024xbf16, #tpu.memory_space<vmem>>, vector<1024x1024xbf16>
    %dot_general3A_2815 = arith.constant dense<0.000000e+00> : vector<32x1024xf32>
    %dot_general3A_2816 = tpu.matmul %convert_element_type3A_2811, %get3A_2814, %dot_general3A_2815 {dimension_numbers = #tpu.dot_dimension_numbers<[1], [0], [0], [1], [0, 0, 1, 1], [], []>, transpose_lhs_hint = false} : vector<32x1024xbf16>, vector<1024x1024xbf16>, vector<32x1024xf32> -> vector<32x1024xf32>
    %get3A_2817 = arith.constant 60 : index
    %get3A_2818 = arith.constant 0 : index
    %get3A_2819 = arith.constant 0 : index
    %get3A_2820 = vector.load %arg0[%get3A_2817, %get3A_2818, %get3A_2819] : memref<64x32x1024xf32, #tpu.memory_space<vmem>>, vector<1x32x1024xf32>
    %get3A_2821 = vector.shape_cast %get3A_2820 : vector<1x32x1024xf32> to vector<32x1024xf32>
    %exp3A_2822 = math.exp %get3A_2821 : vector<32x1024xf32>
    %div3A_2823 = arith.constant 1.000000e+00 : f32
    %div3A_2824 = vector.broadcast %div3A_2823 : f32 to vector<32x1xf32>
    %div3A_2825 = arith.divf %div3A_2824, %broadcast_in_dim3A_2805 : vector<32x1xf32>
    %mul3A_2826 = vector.broadcast %div3A_2825 : vector<32x1xf32> to vector<32x1024xf32>
    %mul3A_2827 = arith.mulf %exp3A_2822, %mul3A_2826 : vector<32x1024xf32>
    %mul3A_2828 = vector.broadcast %convert_element_type3A_66 : vector<1x1024xf32> to vector<32x1024xf32>
    %mul3A_2829 = arith.mulf %mul3A_2828, %mul3A_2827 : vector<32x1024xf32>
    %mul3A_2830 = vector.broadcast %add3A_40 : vector<1x1024xf32> to vector<32x1024xf32>
    %mul3A_2831 = arith.mulf %mul3A_2830, %mul3A_2827 : vector<32x1024xf32>
    %log3A_2832 = math.log %broadcast_in_dim3A_2805 : vector<32x1xf32>
    %add3A_2833 = arith.addf %add3A_2787, %log3A_2832 : vector<32x1xf32>
    %max3A_2834 = vector.broadcast %mul3A_2808 : vector<32x1xf32> to vector<32x1024xf32>
    %max3A_2835 = arith.maximumf %dot_general3A_2816, %max3A_2834 : vector<32x1024xf32>
    %mul3A_2836 = arith.mulf %mul3A_2829, %max3A_2835 : vector<32x1024xf32>
    %mul3A_2837 = arith.mulf %mul3A_2831, %max3A_2835 : vector<32x1024xf32>
    %reduce_sum3A_2838 = arith.constant dense<0.000000e+00> : vector<32xf32>
    %reduce_sum3A_2839 = vector.multi_reduction <add>, %mul3A_2837, %reduce_sum3A_2838 [1] : vector<32x1024xf32> to vector<32xf32>
    %broadcast_in_dim3A_2840 = vector.shape_cast %reduce_sum3A_2839 : vector<32xf32> to vector<32x1xf32>
    %log3A_2841 = math.log %broadcast_in_dim3A_2840 : vector<32x1xf32>
    %add3A_2842 = arith.addf %log3A_2841, %add3A_2833 : vector<32x1xf32>
    %dot_general3A_2843 = arith.constant dense<0.000000e+00> : vector<32x1xf32>
    %dot_general3A_2844 = tpu.matmul %convert_element_type3A_59, %add3A_2842, %dot_general3A_2843 {dimension_numbers = #tpu.dot_dimension_numbers<[1], [0], [0], [1], [0, 0, 1, 1], [], []>, precision = #tpu.contract_precision<fp32>, transpose_lhs_hint = false} : vector<32x32xf32>, vector<32x1xf32>, vector<32x1xf32> -> vector<32x1xf32>
    %eq3A_2845 = arith.constant 61 : i32
    %eq3A_2846 = vector.broadcast %eq3A_2845 : i32 to vector<32x1xi32>
    %eq3A_2847 = arith.cmpi eq, %get3A_43, %eq3A_2846 : vector<32x1xi32>
    %select_n3A_2848 = arith.select %eq3A_2847, %dot_general3A_2844, %select_n3A_2802 : vector<32x1xi1>, vector<32x1xf32>
    %reduce_sum3A_2849 = arith.constant dense<0.000000e+00> : vector<32xf32>
    %reduce_sum3A_2850 = vector.multi_reduction <add>, %mul3A_2836, %reduce_sum3A_2849 [1] : vector<32x1024xf32> to vector<32xf32>
    %broadcast_in_dim3A_2851 = vector.shape_cast %reduce_sum3A_2850 : vector<32xf32> to vector<32x1xf32>
    %mul3A_2852 = arith.constant 1.60381094E-28 : f32
    %mul3A_2853 = vector.broadcast %mul3A_2852 : f32 to vector<32x1xf32>
    %mul3A_2854 = arith.mulf %broadcast_in_dim3A_2851, %mul3A_2853 : vector<32x1xf32>
    %max3A_2855 = vector.broadcast %mul3A_2854 : vector<32x1xf32> to vector<32x1024xf32>
    %max3A_2856 = arith.maximumf %mul3A_2836, %max3A_2855 : vector<32x1024xf32>
    %convert_element_type3A_2857 = arith.truncf %max3A_2856 : vector<32x1024xf32> to vector<32x1024xbf16>
    %get3A_2858 = arith.constant 0 : index
    %get3A_2859 = arith.constant 0 : index
    %get3A_2860 = vector.load %arg1[%get3A_2858, %get3A_2859] : memref<1024x1024xbf16, #tpu.memory_space<vmem>>, vector<1024x1024xbf16>
    %dot_general3A_2861 = arith.constant dense<0.000000e+00> : vector<32x1024xf32>
    %dot_general3A_2862 = tpu.matmul %convert_element_type3A_2857, %get3A_2860, %dot_general3A_2861 {dimension_numbers = #tpu.dot_dimension_numbers<[1], [0], [0], [1], [0, 0, 1, 1], [], []>, transpose_lhs_hint = false} : vector<32x1024xbf16>, vector<1024x1024xbf16>, vector<32x1024xf32> -> vector<32x1024xf32>
    %get3A_2863 = arith.constant 61 : index
    %get3A_2864 = arith.constant 0 : index
    %get3A_2865 = arith.constant 0 : index
    %get3A_2866 = vector.load %arg0[%get3A_2863, %get3A_2864, %get3A_2865] : memref<64x32x1024xf32, #tpu.memory_space<vmem>>, vector<1x32x1024xf32>
    %get3A_2867 = vector.shape_cast %get3A_2866 : vector<1x32x1024xf32> to vector<32x1024xf32>
    %exp3A_2868 = math.exp %get3A_2867 : vector<32x1024xf32>
    %div3A_2869 = arith.constant 1.000000e+00 : f32
    %div3A_2870 = vector.broadcast %div3A_2869 : f32 to vector<32x1xf32>
    %div3A_2871 = arith.divf %div3A_2870, %broadcast_in_dim3A_2851 : vector<32x1xf32>
    %mul3A_2872 = vector.broadcast %div3A_2871 : vector<32x1xf32> to vector<32x1024xf32>
    %mul3A_2873 = arith.mulf %exp3A_2868, %mul3A_2872 : vector<32x1024xf32>
    %mul3A_2874 = vector.broadcast %convert_element_type3A_66 : vector<1x1024xf32> to vector<32x1024xf32>
    %mul3A_2875 = arith.mulf %mul3A_2874, %mul3A_2873 : vector<32x1024xf32>
    %mul3A_2876 = vector.broadcast %add3A_40 : vector<1x1024xf32> to vector<32x1024xf32>
    %mul3A_2877 = arith.mulf %mul3A_2876, %mul3A_2873 : vector<32x1024xf32>
    %log3A_2878 = math.log %broadcast_in_dim3A_2851 : vector<32x1xf32>
    %add3A_2879 = arith.addf %add3A_2833, %log3A_2878 : vector<32x1xf32>
    %max3A_2880 = vector.broadcast %mul3A_2854 : vector<32x1xf32> to vector<32x1024xf32>
    %max3A_2881 = arith.maximumf %dot_general3A_2862, %max3A_2880 : vector<32x1024xf32>
    %mul3A_2882 = arith.mulf %mul3A_2875, %max3A_2881 : vector<32x1024xf32>
    %mul3A_2883 = arith.mulf %mul3A_2877, %max3A_2881 : vector<32x1024xf32>
    %reduce_sum3A_2884 = arith.constant dense<0.000000e+00> : vector<32xf32>
    %reduce_sum3A_2885 = vector.multi_reduction <add>, %mul3A_2883, %reduce_sum3A_2884 [1] : vector<32x1024xf32> to vector<32xf32>
    %broadcast_in_dim3A_2886 = vector.shape_cast %reduce_sum3A_2885 : vector<32xf32> to vector<32x1xf32>
    %log3A_2887 = math.log %broadcast_in_dim3A_2886 : vector<32x1xf32>
    %add3A_2888 = arith.addf %log3A_2887, %add3A_2879 : vector<32x1xf32>
    %dot_general3A_2889 = arith.constant dense<0.000000e+00> : vector<32x1xf32>
    %dot_general3A_2890 = tpu.matmul %convert_element_type3A_59, %add3A_2888, %dot_general3A_2889 {dimension_numbers = #tpu.dot_dimension_numbers<[1], [0], [0], [1], [0, 0, 1, 1], [], []>, precision = #tpu.contract_precision<fp32>, transpose_lhs_hint = false} : vector<32x32xf32>, vector<32x1xf32>, vector<32x1xf32> -> vector<32x1xf32>
    %eq3A_2891 = arith.constant 62 : i32
    %eq3A_2892 = vector.broadcast %eq3A_2891 : i32 to vector<32x1xi32>
    %eq3A_2893 = arith.cmpi eq, %get3A_43, %eq3A_2892 : vector<32x1xi32>
    %select_n3A_2894 = arith.select %eq3A_2893, %dot_general3A_2890, %select_n3A_2848 : vector<32x1xi1>, vector<32x1xf32>
    %reduce_sum3A_2895 = arith.constant dense<0.000000e+00> : vector<32xf32>
    %reduce_sum3A_2896 = vector.multi_reduction <add>, %mul3A_2882, %reduce_sum3A_2895 [1] : vector<32x1024xf32> to vector<32xf32>
    %broadcast_in_dim3A_2897 = vector.shape_cast %reduce_sum3A_2896 : vector<32xf32> to vector<32x1xf32>
    %mul3A_2898 = arith.constant 1.60381094E-28 : f32
    %mul3A_2899 = vector.broadcast %mul3A_2898 : f32 to vector<32x1xf32>
    %mul3A_2900 = arith.mulf %broadcast_in_dim3A_2897, %mul3A_2899 : vector<32x1xf32>
    %max3A_2901 = vector.broadcast %mul3A_2900 : vector<32x1xf32> to vector<32x1024xf32>
    %max3A_2902 = arith.maximumf %mul3A_2882, %max3A_2901 : vector<32x1024xf32>
    %convert_element_type3A_2903 = arith.truncf %max3A_2902 : vector<32x1024xf32> to vector<32x1024xbf16>
    %get3A_2904 = arith.constant 0 : index
    %get3A_2905 = arith.constant 0 : index
    %get3A_2906 = vector.load %arg1[%get3A_2904, %get3A_2905] : memref<1024x1024xbf16, #tpu.memory_space<vmem>>, vector<1024x1024xbf16>
    %dot_general3A_2907 = arith.constant dense<0.000000e+00> : vector<32x1024xf32>
    %dot_general3A_2908 = tpu.matmul %convert_element_type3A_2903, %get3A_2906, %dot_general3A_2907 {dimension_numbers = #tpu.dot_dimension_numbers<[1], [0], [0], [1], [0, 0, 1, 1], [], []>, transpose_lhs_hint = false} : vector<32x1024xbf16>, vector<1024x1024xbf16>, vector<32x1024xf32> -> vector<32x1024xf32>
    %get3A_2909 = arith.constant 62 : index
    %get3A_2910 = arith.constant 0 : index
    %get3A_2911 = arith.constant 0 : index
    %get3A_2912 = vector.load %arg0[%get3A_2909, %get3A_2910, %get3A_2911] : memref<64x32x1024xf32, #tpu.memory_space<vmem>>, vector<1x32x1024xf32>
    %get3A_2913 = vector.shape_cast %get3A_2912 : vector<1x32x1024xf32> to vector<32x1024xf32>
    %exp3A_2914 = math.exp %get3A_2913 : vector<32x1024xf32>
    %div3A_2915 = arith.constant 1.000000e+00 : f32
    %div3A_2916 = vector.broadcast %div3A_2915 : f32 to vector<32x1xf32>
    %div3A_2917 = arith.divf %div3A_2916, %broadcast_in_dim3A_2897 : vector<32x1xf32>
    %mul3A_2918 = vector.broadcast %div3A_2917 : vector<32x1xf32> to vector<32x1024xf32>
    %mul3A_2919 = arith.mulf %exp3A_2914, %mul3A_2918 : vector<32x1024xf32>
    %mul3A_2920 = vector.broadcast %convert_element_type3A_66 : vector<1x1024xf32> to vector<32x1024xf32>
    %mul3A_2921 = arith.mulf %mul3A_2920, %mul3A_2919 : vector<32x1024xf32>
    %mul3A_2922 = vector.broadcast %add3A_40 : vector<1x1024xf32> to vector<32x1024xf32>
    %mul3A_2923 = arith.mulf %mul3A_2922, %mul3A_2919 : vector<32x1024xf32>
    %log3A_2924 = math.log %broadcast_in_dim3A_2897 : vector<32x1xf32>
    %add3A_2925 = arith.addf %add3A_2879, %log3A_2924 : vector<32x1xf32>
    %max3A_2926 = vector.broadcast %mul3A_2900 : vector<32x1xf32> to vector<32x1024xf32>
    %max3A_2927 = arith.maximumf %dot_general3A_2908, %max3A_2926 : vector<32x1024xf32>
    %mul3A_2928 = arith.mulf %mul3A_2921, %max3A_2927 : vector<32x1024xf32>
    %mul3A_2929 = arith.mulf %mul3A_2923, %max3A_2927 : vector<32x1024xf32>
    %reduce_sum3A_2930 = arith.constant dense<0.000000e+00> : vector<32xf32>
    %reduce_sum3A_2931 = vector.multi_reduction <add>, %mul3A_2929, %reduce_sum3A_2930 [1] : vector<32x1024xf32> to vector<32xf32>
    %broadcast_in_dim3A_2932 = vector.shape_cast %reduce_sum3A_2931 : vector<32xf32> to vector<32x1xf32>
    %log3A_2933 = math.log %broadcast_in_dim3A_2932 : vector<32x1xf32>
    %add3A_2934 = arith.addf %log3A_2933, %add3A_2925 : vector<32x1xf32>
    %dot_general3A_2935 = arith.constant dense<0.000000e+00> : vector<32x1xf32>
    %dot_general3A_2936 = tpu.matmul %convert_element_type3A_59, %add3A_2934, %dot_general3A_2935 {dimension_numbers = #tpu.dot_dimension_numbers<[1], [0], [0], [1], [0, 0, 1, 1], [], []>, precision = #tpu.contract_precision<fp32>, transpose_lhs_hint = false} : vector<32x32xf32>, vector<32x1xf32>, vector<32x1xf32> -> vector<32x1xf32>
    %eq3A_2937 = arith.constant 63 : i32
    %eq3A_2938 = vector.broadcast %eq3A_2937 : i32 to vector<32x1xi32>
    %eq3A_2939 = arith.cmpi eq, %get3A_43, %eq3A_2938 : vector<32x1xi32>
    %select_n3A_2940 = arith.select %eq3A_2939, %dot_general3A_2936, %select_n3A_2894 : vector<32x1xi1>, vector<32x1xf32>
    %reduce_sum3A_2941 = arith.constant dense<0.000000e+00> : vector<32xf32>
    %reduce_sum3A_2942 = vector.multi_reduction <add>, %mul3A_2928, %reduce_sum3A_2941 [1] : vector<32x1024xf32> to vector<32xf32>
    %broadcast_in_dim3A_2943 = vector.shape_cast %reduce_sum3A_2942 : vector<32xf32> to vector<32x1xf32>
    %mul3A_2944 = arith.constant 1.60381094E-28 : f32
    %mul3A_2945 = vector.broadcast %mul3A_2944 : f32 to vector<32x1xf32>
    %mul3A_2946 = arith.mulf %broadcast_in_dim3A_2943, %mul3A_2945 : vector<32x1xf32>
    %max3A_2947 = vector.broadcast %mul3A_2946 : vector<32x1xf32> to vector<32x1024xf32>
    %max3A_2948 = arith.maximumf %mul3A_2928, %max3A_2947 : vector<32x1024xf32>
    %convert_element_type3A_2949 = arith.truncf %max3A_2948 : vector<32x1024xf32> to vector<32x1024xbf16>
    %get3A_2950 = arith.constant 0 : index
    %get3A_2951 = arith.constant 0 : index
    %get3A_2952 = vector.load %arg1[%get3A_2950, %get3A_2951] : memref<1024x1024xbf16, #tpu.memory_space<vmem>>, vector<1024x1024xbf16>
    %dot_general3A_2953 = arith.constant dense<0.000000e+00> : vector<32x1024xf32>
    %dot_general3A_2954 = tpu.matmul %convert_element_type3A_2949, %get3A_2952, %dot_general3A_2953 {dimension_numbers = #tpu.dot_dimension_numbers<[1], [0], [0], [1], [0, 0, 1, 1], [], []>, transpose_lhs_hint = false} : vector<32x1024xbf16>, vector<1024x1024xbf16>, vector<32x1024xf32> -> vector<32x1024xf32>
    %get3A_2955 = arith.constant 63 : index
    %get3A_2956 = arith.constant 0 : index
    %get3A_2957 = arith.constant 0 : index
    %get3A_2958 = vector.load %arg0[%get3A_2955, %get3A_2956, %get3A_2957] : memref<64x32x1024xf32, #tpu.memory_space<vmem>>, vector<1x32x1024xf32>
    %get3A_2959 = vector.shape_cast %get3A_2958 : vector<1x32x1024xf32> to vector<32x1024xf32>
    %exp3A_2960 = math.exp %get3A_2959 : vector<32x1024xf32>
    %div3A_2961 = arith.constant 1.000000e+00 : f32
    %div3A_2962 = vector.broadcast %div3A_2961 : f32 to vector<32x1xf32>
    %div3A_2963 = arith.divf %div3A_2962, %broadcast_in_dim3A_2943 : vector<32x1xf32>
    %mul3A_2964 = vector.broadcast %div3A_2963 : vector<32x1xf32> to vector<32x1024xf32>
    %mul3A_2965 = arith.mulf %exp3A_2960, %mul3A_2964 : vector<32x1024xf32>
    %mul3A_2966 = vector.broadcast %add3A_40 : vector<1x1024xf32> to vector<32x1024xf32>
    %mul3A_2967 = arith.mulf %mul3A_2966, %mul3A_2965 : vector<32x1024xf32>
    %log3A_2968 = math.log %broadcast_in_dim3A_2943 : vector<32x1xf32>
    %add3A_2969 = arith.addf %add3A_2925, %log3A_2968 : vector<32x1xf32>
    %max3A_2970 = vector.broadcast %mul3A_2946 : vector<32x1xf32> to vector<32x1024xf32>
    %max3A_2971 = arith.maximumf %dot_general3A_2954, %max3A_2970 : vector<32x1024xf32>
    %mul3A_2972 = arith.mulf %mul3A_2967, %max3A_2971 : vector<32x1024xf32>
    %reduce_sum3A_2973 = arith.constant dense<0.000000e+00> : vector<32xf32>
    %reduce_sum3A_2974 = vector.multi_reduction <add>, %mul3A_2972, %reduce_sum3A_2973 [1] : vector<32x1024xf32> to vector<32xf32>
    %broadcast_in_dim3A_2975 = vector.shape_cast %reduce_sum3A_2974 : vector<32xf32> to vector<32x1xf32>
    %log3A_2976 = math.log %broadcast_in_dim3A_2975 : vector<32x1xf32>
    %add3A_2977 = arith.addf %log3A_2976, %add3A_2969 : vector<32x1xf32>
    %dot_general3A_2978 = arith.constant dense<0.000000e+00> : vector<32x1xf32>
    %dot_general3A_2979 = tpu.matmul %convert_element_type3A_59, %add3A_2977, %dot_general3A_2978 {dimension_numbers = #tpu.dot_dimension_numbers<[1], [0], [0], [1], [0, 0, 1, 1], [], []>, precision = #tpu.contract_precision<fp32>, transpose_lhs_hint = false} : vector<32x32xf32>, vector<32x1xf32>, vector<32x1xf32> -> vector<32x1xf32>
    %eq3A_2980 = arith.constant 64 : i32
    %eq3A_2981 = vector.broadcast %eq3A_2980 : i32 to vector<32x1xi32>
    %eq3A_2982 = arith.cmpi eq, %get3A_43, %eq3A_2981 : vector<32x1xi32>
    %select_n3A_2983 = arith.select %eq3A_2982, %dot_general3A_2979, %select_n3A_2940 : vector<32x1xi1>, vector<32x1xf32>
    %neg3A = arith.constant 0.000000e+00 : f32
    %neg3A_2984 = vector.broadcast %neg3A : f32 to vector<32x1xf32>
    %neg3A_2985 = arith.subf %neg3A_2984, %select_n3A_2983 : vector<32x1xf32>
    %swap3A = arith.constant 0 : index
    %swap3A_2986 = arith.constant 0 : index
    %swap3A_2987 = vector.load %arg7[%swap3A, %swap3A_2986] : memref<32x1xf32, #tpu.memory_space<vmem>>, vector<32x1xf32>
    tpu.vector_store %arg7[%swap3A, %swap3A_2986], %neg3A_2985 {strides = array<i32>} : memref<32x1xf32, #tpu.memory_space<vmem>>, vector<32x1xf32>,
    return
  }
}

</mosaic_0001>

<sc_bundles>
// kernel: kernel.4.cloned.1.call-start
scs
__scs_entry_jumppad:
0x0: {  	(pc) =	sbr.rel $0x88, $3  }
0x1: {  	(tag) =	ssettag $0x0;
	lr =	simm.s32 $0x1  }
0x2: {  	[smem:$0x3F9B] =	sst lr;
	_ =	strace $0xD0000000  }
0x3: {  	_ = 	snop  }
0x4: {  	_ = 	snop  }
0x5: {  	_ = 	snop  }
0x6: {  	_ = 	snop  }
0x7: {  	_ = 	snop  }
__scs_overlays_trampoline_lowered:
0x8: {  	[smem:$0x3FAA] =	sst s0  }
0x9: {  	[smem:$0x3FAB] =	sst s1  }
0xa: {  	[smem:$0x3FAC] =	sst s2  }
0xb: {  	[smem:$0x3FAD] =	sst s3  }
0xc: {  	[smem:$0x3FAE] =	sst s4  }
0xd: {  	[smem:$0x3FAF] =	sst s5  }
0xe: {  	[smem:$0x3FB0] =	sst s6  }
0xf: {  	[smem:$0x3FB1] =	sst s7  }
0x10: {  	[smem:$0x3FB2] =	sst s8  }
0x11: {  	[smem:$0x3FB3] =	sst s9;
	s0 =	simm.s32 @!p0 $0x0  }
0x12: {  	s1 =	sld [smem:$0x3F99];
	s0 =	simm.s32 @p0 $0x1  }
0x13: {  	[smem:$0x3FB4] =	sst s0;
	s0 =	simm.s32 @!p1 $0x0  }
0x14: {  	s2 =	sld [smem:$0x3F98];
	s0 =	simm.s32 @p1 $0x1  }
0x15: {  	[smem:$0x3FB5] =	sst s0;
	s0 =	simm.s32 @!p2 $0x0  }
0x16: {  	s3 =	sld [smem:$0x3FDB];
	s0 =	simm.s32 @p2 $0x1  }
0x17: {  	s4 =	simm.s32 $0x1BF5;
	[smem:$0x3FB7] =	sst s0  }
0x18: {  	s0 =	sld [smem:$0x3F9A];
	_ =	swait.ge [sflag:s4], $0x0  }
0x19: {  	s7 =	sld [smem:$0x3F9B]  }
0x1a: {  	s8 =	sadd.s32 $0xFFFFE003, lr  }
0x1b: {  	s9 =	sadd.s32 $0xFFFFFEF7, lr;
	s5 =	simm.s32 $0xFFFFFFFF;
	p2 =	slt.u32 s8, $0xFFFFF086  }
0x1c: {  	p1 =	slt.u32 s9, $0xF7A;
	s5 =	simm.s32 @!p2 $0x0  }
0x1d: {  	s5 =	simm.s32 @p1 $0x1;
	p0 =	seq.s32 s7, s2  }
0x1e: {  	s7 =	smul.u32 @!p0 $0xF7A, s2;
	p2 =	seq.s32 @!p0 s5, $0x0  }
0x1f: {  	s9 =	smul.u32 $0xF7A, s1;
	s8 =	simm.s32 @!p0 $0x1BF5;
	p2 =	por !p2, p0  }
0x20: {  	[sflag:s8] =	ssyncset.s32 @!p0 $0xFFFFF086;
	s6 =	sadd.s32 @!p0 s3, s7;
	s7 =	simm.s32 @!p0 $0x108  }
0x21: {  	s3 =	sadd.s32 s3, s9;
	s6 =	sadd.s32 @!p0 $0x88, s6;
	s7 =	simm.s32 @p2 $0x1082  }
0x22: {  	[simem:s7], [sflag:s8] =	dma.local @!p0 [hbm:s6], $0xF7A  }
0x23: {  	s9 =	sor.u32 $0xD0000000, s2;
	s6 =	simm.s32 $0x108;
	_ =	swait.ge @!p0 [sflag:s8], $0x0  }
0x24: {  	s3 =	sadd.s32 $0x88, s3;
	s6 =	simm.s32 @!p1 $0x1082;
	[sflag:s4] =	ssyncset.s32 $0xFFFFF086  }
0x25: {  	[simem:s6], [sflag:s4] =	dma.local [hbm:s3], $0xF7A  }
0x26: {  	[smem:$0x3F9B] =	sst s1;
	(tag) =	ssettag s2;
	_ =	strace s9  }
0x27: {  	s1 =	sld [smem:$0x3FAB]  }
0x28: {  	s2 =	sld [smem:$0x3FAC]  }
0x29: {  	s4 =	sld [smem:$0x3FAE]  }
0x2a: {  	p0 =	seq.s32 s5, $0x0;
	s5 =	sld [smem:$0x3FAF]  }
0x2b: {  	s6 =	sld [smem:$0x3FB0]  }
0x2c: {  	s7 =	sld [smem:$0x3FB1]  }
0x2d: {  	s3 =	simm.s32 $0x108;
	s8 =	sld [smem:$0x3FB2]  }
0x2e: {  	s3 =	simm.s32 @!p0 $0x1082;
	s9 =	sld [smem:$0x3FB3]  }
0x2f: {  	lr =	sadd.s32 s0, s3;
	s0 =	sld [smem:$0x3FAA]  }
0x30: {  	s3 =	sld [smem:$0x3FAD]  }
0x31: {  	[smem:$0x3FB6] =	sst s10  }
0x32: {  	s10 =	sld [smem:$0x3FB4];
	_ =	sdelay $0x3  }
0x33: {  	p0 =	seq.s32 s10, $0x1;
	s10 =	sld [smem:$0x3FB6];
	_ =	sdelay $0x3  }
0x34: {  	[smem:$0x3FB6] =	sst s10  }
0x35: {  	s10 =	sld [smem:$0x3FB5];
	_ =	sdelay $0x3  }
0x36: {  	p1 =	seq.s32 s10, $0x1;
	s10 =	sld [smem:$0x3FB6];
	_ =	sdelay $0x3  }
0x37: {  	[smem:$0x3FB6] =	sst s10  }
0x38: {  	s10 =	sld [smem:$0x3FB7]  }
0x39: {  	_ = 	snop;
	(pc) =	sbr.ind lr, $3  }
0x3a: {  	_ = 	snop  }
0x3b: {  	_ = 	snop  }
0x3c: {  	p2 =	seq.s32 s10, $0x1;
	s10 =	sld [smem:$0x3FB6]  }
0x3d: {  	_ =	shalt  }
0x3e: {  	_ =	shalt  }
0x3f: {  	_ =	shalt  }
0x40: {  	_ =	shalt  }
0x41: {  	_ =	shalt  }
0x42: {  	_ =	shalt  }
0x43: {  	_ =	shalt  }
0x44: {  	_ =	shalt  }
0x45: {  	_ =	shalt  }
0x46: {  	_ =	shalt  }
0x47: {  	_ =	shalt  }
0x48: {  	_ =	shalt  }
0x49: {  	_ =	shalt  }
0x4a: {  	_ =	shalt  }
0x4b: {  	_ =	shalt  }
0x4c: {  	_ =	shalt  }
0x4d: {  	_ =	shalt  }
0x4e: {  	_ =	shalt  }
0x4f: {  	_ =	shalt  }
0x50: {  	_ =	shalt  }
0x51: {  	_ =	shalt  }
0x52: {  	_ =	shalt  }
0x53: {  	_ =	shalt  }
0x54: {  	_ =	shalt  }
0x55: {  	_ =	shalt  }
0x56: {  	_ =	shalt  }
0x57: {  	_ =	shalt  }
0x58: {  	_ =	shalt  }
0x59: {  	_ =	shalt  }
0x5a: {  	_ =	shalt  }
0x5b: {  	_ =	shalt  }
0x5c: {  	_ =	shalt  }
0x5d: {  	_ =	shalt  }
0x5e: {  	_ =	shalt  }
0x5f: {  	_ =	shalt  }
0x60: {  	_ =	shalt  }
0x61: {  	_ =	shalt  }
0x62: {  	_ =	shalt  }
0x63: {  	_ =	shalt  }
0x64: {  	_ =	shalt  }
0x65: {  	_ =	shalt  }
0x66: {  	_ =	shalt  }
0x67: {  	_ =	shalt  }
0x68: {  	_ =	shalt  }
0x69: {  	_ =	shalt  }
0x6a: {  	_ =	shalt  }
0x6b: {  	_ =	shalt  }
0x6c: {  	_ =	shalt  }
0x6d: {  	_ =	shalt  }
0x6e: {  	_ =	shalt  }
0x6f: {  	_ =	shalt  }
0x70: {  	_ =	shalt  }
0x71: {  	_ =	shalt  }
0x72: {  	_ =	shalt  }
0x73: {  	_ =	shalt  }
0x74: {  	_ =	shalt  }
0x75: {  	_ =	shalt  }
0x76: {  	_ =	shalt  }
0x77: {  	_ =	shalt  }
0x78: {  	_ =	shalt  }
0x79: {  	_ =	shalt  }
0x7a: {  	_ =	shalt  }
0x7b: {  	_ =	shalt  }
0x7c: {  	_ =	shalt  }
0x7d: {  	_ =	shalt  }
0x7e: {  	_ =	shalt  }
0x7f: {  	_ =	shalt  }
0x80: {  	_ =	shalt  }
0x81: {  	_ =	shalt  }
0x82: {  	_ =	shalt  }
0x83: {  	_ =	shalt  }
0x84: {  	_ =	shalt  }
0x85: {  	_ =	shalt  }
0x86: {  	_ =	shalt  }
0x87: {  	_ =	shalt  }
.Lfunc_end0:
.L_simem_size_0:
called_computation_lowered:
.L_overlay_start_0:
0x88: {  	s2 =	sld [smem:$0x3FD9]  }
0x89: {  	s3 =	sld [smem:$0x3FFE];
	_ =	sdelay $0x1  }
0x8a: {  	s1 =	srdreg.scid  }
0x8b: {  	s0 =	sand.u32 $0x1, s1  }
0x8c: {  	s17 =	sshll.u32 s0, $0xA;
	s2 =	sadd.s32 s3, s2  }
0x8d: {  	s2 =	sadd.s32 s2, s17  }
0x8e: {  	[smem:$0x3FC2] =	sst s2  }
0x8f: {  	_ = 	snop  }
0x90: {  	s2 =	sld [smem:$0x3FC7]  }
0x91: {  	s18 =	sld [smem:$0x3FC6]  }
0x92: {  	s4 =	sld [smem:$0x3FD0];
	(tm) =	ssettm $0x1  }
0x93: {  	s5 =	sld [smem:$0x3FFB];
	_ =	sdelay $0x3  }
0x94: {  	_ =	strace s5  }
0x95: {  	s5 =	sld [smem:$0x3FFC];
	_ =	sdelay $0x3  }
0x96: {  	_ =	strace s5  }
0x97: {  	s5 =	sld [smem:$0x3FFD];
	_ =	sdelay $0x3  }
0x98: {  	_ =	strace s5  }
0x99: {  	_ =	strace $0x8FFFFFFF  }
0x9a: {  	s19 =	sld [smem:$0x3FDB];
	_ =	sdelay $0x1  }
0x9b: {  	s6 =	simm.s32 $_scs_section_size  }
0x9c: {  	s7 =	simm.s32 $_size__tile_overlayer_lowered;
	s8 =	simm.s32 $_tile_overlayer_lowered  }
0x9d: {  	s22 =	simm.s32 $0x1BFF;
	s21 =	sshll.u32 s8, $0x1;
	s5 =	sadd.s32 s6, s19  }
0x9e: {  	s9 =	simm.s32 $0x0;
	s20 =	sshll.u32 s7, $0x1;
	s7 =	sadd.s32 s21, s5  }
0x9f: {  	[timem:s9], [sflag:s22] =	dma.local [hbm:s7], s20  }
0xa0: {  	_ =	swait.ge [sflag:s22], s20  }
0xa1: {  	s6 =	ssub.s32 $0x0, s20;
	[sflag:s22] =	ssyncset.done $0x0  }
0xa2: {  	[sflag:s22] =	ssyncadd.s32 s6;
	_ =	sdelay $0x1  }
0xa3: {  	s23 =	simm.s32 $0x1B8B  }
0xa4: {  	_ =	swait.ge [sflag:s23], $0x1  }
0xa5: {  	[sflag:s23] =	ssyncset.done $0x0  }
0xa6: {  	s25 =	simm.s32 $0x1B8E;
	s24 =	sld [smem:$0x3FFE];
	[sflag:s23] =	ssyncadd.s32 $0xFFFFFFFF  }
0xa7: {  	s26 =	simm.s32 $execute0_lowered;
	[smem:$0x3FD2] =	sst s25  }
0xa8: {  	s7 =	sshll.u32 s26, $0x1;
	_ =	strace $0x80000046;
	[dreg:$0x1] =	wrdreg $0xFFFFFFFF  }
0xa9: {  	s28 =	simm.s32 $_size_execute0_lowered;
	s5 =	sadd.s32 s5, s7;
	[dreg:$0x0] =	wrdreg $0x0  }
0xaa: {  	s7 =	sshll.u32 s28, $0x1;
	[dreg:$0x2] =	wrdreg s5  }
0xab: {  	[dreg:$0x3] =	wrdreg s7  }
0xac: {  	[dreg:$0x4] =	wrdreg $0xC0  }
0xad: {  	_ =	task [dreg:s9], $0x5FFFF  }
0xae: {  	[dreg:$0x1] =	wrdreg $0xFFFFFFFF  }
0xaf: {  	[dreg:$0x0] =	wrdreg $0x60  }
0xb0: {  	[dreg:$0x2] =	wrdreg s2  }
0xb1: {  	[dreg:$0x3] =	wrdreg s18  }
0xb2: {  	[dreg:$0x4] =	wrdreg s24  }
0xb3: {  	[dreg:$0x5] =	wrdreg s4  }
0xb4: {  	[dreg:$0x6] =	wrdreg $0x0  }
0xb5: {  	[dreg:$0x7] =	wrdreg $0x100000  }
0xb6: {  	[dreg:$0x8] =	wrdreg $0x9  }
0xb7: {  	_ =	task.clear_ibuf [dreg:s9], $0x9FFFF;
	_ =	strace $0x90000046  }
0xb8: {  	s29 =	simm.s32 $0x9;
	_ =	strace $0x80000048  }
0xb9: {  	_ =	swait.ge [sflag:s29], $0x1  }
0xba: {  	[sflag:s29] =	ssyncadd.s32 $0xFFFFFFFF  }
0xbb: {  	_ =	strace $0x90000048  }
0xbc: {  	_ =	sfence  }
0xbd: {  	s30 =	sld [smem:$0x0];
	_ =	sdelay $0x2  }
0xbe: {  	s31 =	sshll.u32 s1, $0xD;
	s1 =	sshrl.u32 s1, $0x2  }
0xbf: {  	s3 =	sand.u32 $0x4000, s31;
	s1 =	sadd.s32 s1, s30  }
0xc0: {  	s0 =	sor.u32 s3, s0;
	s1 =	sshll.u32 s1, $0x11  }
0xc1: {  	s0 =	sor.u32 s1, s0  }
0xc2: {  	s0 =	sadd.s32 $0x8F2B, s0  }
0xc3: {  	[sflag:s0] =	ssyncadd.remote.s32 $0x1  }
0xc4: {  	_ =	sfence.sel $0xFFFF  }
0xc5: {  	[dreg:$0x0] =	wrdreg $0xFFFFFFFF;
	(pc) =	sbr.abs _section_cstart, $3  }
0xc6: {  	[dreg:$0x1] =	wrdreg $0xFFFFFFFF  }
0xc7: {  	_ =	task.clear_ibuf [dreg:s9], $0x2FFFF;
	_ =	strace $0x9FFFFFFF  }
0xc8: {  	(tm) =	ssettm $0x7FFFFFFF  }
0xc9: {  	_ =	shalt  }
tec
execute0_lowered:
.L_overlay_start_1:
0x0: {  	(tag) =	ssettag $0x1  }
0x1: {  	s12 =	rddreg [dreg:$0x0];
	s6 =	srdreg.scid  }
0x2: {  	s13 =	rddreg [dreg:$0x1];
	s6 =	sand.u32 $0x1, s6  }
0x3: {  	s1 =	rddreg [dreg:$0x2];
	p1 =	seq.s32 s6, $0x1  }
.Ltmp0:
0x4: {  	s5 =	rddreg [dreg:$0x3];
	(pc) =	sbr.rel @p1 .LBB2_2-.Ltmp0, $4  }
0x5: {  	s4 =	rddreg [dreg:$0x4]  }
0x6: {  	s2 =	rddreg [dreg:$0x5];
	s3 =	simm.s32 $0x0  }
0x7: {  	s9 =	stileid.u32;
	[smem:$0x7FF] =	sst s3  }
0x8: {  	s0 =	rddreg [dreg:$0x6];
	p0 =	sne.s32 s9, $0x0;
	_ =	strace $0x80000047  }
0x9: {  	s11 =	simm.s32 $0x10340  }
0xa: {  	[tilespmem:s11], [sflag:$0x2] =	stream.linear.gather [hbm4b:s5+s3], $0x80, $0x38;
	[tilespmem:$0x147C0] =	vst v63  }
0xb: {  	s5 =	simm.s32 $0x2  }
0xc: {  	s6 =	sadd.s32 $0xC00, s1;
	s8 =	sshll.u32 s9, $0x10;
	_ =	swait.ge [sflag:s5], $0x80  }
0xd: {  	s7 =	sshll.u32 s9, $0x6;
	s10 =	sadd.s32 s8, s4;
	[sflag:s5] =	ssyncset.done $0x0  }
0xe: {  	s7 =	sor.u32 $0x1C01, s7;
	s14 =	sshrl.u32 s10, $0x3;
	[sflag:s5] =	ssyncadd.s32 $0xFFFFFF80  }
0xf: {  	[spmem:s14], [sflag:s7] =	dma.local [hbm:s6], $0x2000  }
0x10: {  	s7 =	sshrl.u32 @!p0 s2, $0x3;
	s14 =	simm.s32 @!p0 $0x1C02  }
0x11: {  	[spmem:s7], [sflag:s14] =	dma.local @!p0 [hbm:s6], $0x80  }
0x12: {  	s7 =	simm.s32 @!p0 $0x2  }
0x13: {  	_ =	swait.ge @!p0 [sflag:s7], $0x80  }
0x14: {  	[sflag:s7] =	ssyncset.done @!p0 $0x0  }
0x15: {  	s6 =	simm.s32 $0x1;
	[sflag:s7] =	ssyncadd.s32 @!p0 $0xFFFFFF80  }
0x16: {  	_ =	swait.ge [sflag:s6], $0x2000  }
0x17: {  	[sflag:s6] =	ssyncset.done $0x0  }
0x18: {  	s15 =	sshll.u32 s9, $0x5;
	[sflag:s6] =	ssyncadd.s32 $0xFFFFE000  }
0x19: {  	s16 =	simm.s32 $0x10040;
	s21 =	sadd.s32 s13, s15;
	[bflag:$0x0] =	sbarrier.arrive $0xFFFF  }
0x1a: {  	[tilespmem:s16], [sflag:$0x2] =	stream.linear.gather [hbm4b:s21+s3], $0x80, $0x38;
	[tilespmem:$0x147C0] =	vst v63  }
0x1b: {  	_ =	swait.ge [sflag:s5], $0x80  }
0x1c: {  	[sflag:s5] =	ssyncset.done $0x0  }
0x1d: {  	s17 =	simm.s32 $0x10140;
	s22 =	sadd.s32 s12, s15;
	[sflag:s5] =	ssyncadd.s32 $0xFFFFFF80  }
0x1e: {  	[tilespmem:s17], [sflag:$0x2] =	stream.linear.gather [hbm4b:s22+s3], $0x80, $0x38;
	[tilespmem:$0x147C0] =	vst v63  }
0x1f: {  	_ =	swait.ge [sflag:s5], $0x80  }
0x20: {  	[sflag:s5] =	ssyncset.done $0x0  }
0x21: {  	[sflag:s5] =	ssyncadd.s32 $0xFFFFFF80  }
0x22: {  	v0 =	vld [tilespmem:$0x10040]  }
0x23: {  	v1 =	vld [tilespmem:$0x10140]  }
0x24: {  	v2 =	vld [tilespmem:$0x10050]  }
0x25: {  	v3 =	vld [tilespmem:$0x10150]  }
0x26: {  	v4 =	vld [tilespmem:$0x10060]  }
0x27: {  	v5 =	vld [tilespmem:$0x10160]  }
0x28: {  	v6 =	vld [tilespmem:$0x10070]  }
0x29: {  	v7 =	vld [tilespmem:$0x10170]  }
0x2a: {  	v8 =	vld [tilespmem:$0x10080]  }
0x2b: {  	v9 =	vld [tilespmem:$0x10180]  }
0x2c: {  	v10 =	vld [tilespmem:$0x10090]  }
0x2d: {  	v11 =	vld [tilespmem:$0x10190]  }
0x2e: {  	v12 =	vld [tilespmem:$0x100A0];
	v0 =	vshll.u32 v0, $0xA  }
0x2f: {  	v18 =	vld [tilespmem:$0x101A0];
	v17 =	vshll.u32 v2, $0xA;
	v0 =	vadd.s32 v1, v0  }
0x30: {  	v21 =	vld [tilespmem:$0x100B0];
	v20 =	vshll.u32 v4, $0xA;
	v19 =	vadd.s32 v3, v17;
	[tilespmem:$0x10240] =	vst v0  }
0x31: {  	v24 =	vld [tilespmem:$0x101B0];
	v23 =	vshll.u32 v6, $0xA;
	v22 =	vadd.s32 v5, v20;
	[tilespmem:$0x10250] =	vst v19  }
0x32: {  	v26 =	vshll.u32 v8, $0xA;
	v25 =	vadd.s32 v7, v23;
	[tilespmem:$0x10260] =	vst v22  }
0x33: {  	v28 =	vshll.u32 v10, $0xA;
	v27 =	vadd.s32 v9, v26;
	[tilespmem:$0x10270] =	vst v25  }
0x34: {  	v30 =	vshll.u32 v12, $0xA;
	v29 =	vadd.s32 v11, v28;
	[tilespmem:$0x10280] =	vst v27  }
0x35: {  	v32 =	vshll.u32 v21, $0xA;
	v31 =	vadd.s32 v18, v30;
	[tilespmem:$0x10290] =	vst v29  }
0x36: {  	v33 =	vadd.s32 v24, v32;
	[tilespmem:$0x102A0] =	vst v31  }
0x37: {  	s23 =	simm.s32 $0x80;
	s24 =	simm.s32 $0x10240;
	[tilespmem:$0x102B0] =	vst v33  }
0x38: {  	[spmem:s4] =	stream.indirect.scatter.add.f32 [tilespmem:s11], [sflag:$0x2], $0x1, s24, s23, $0xb8;
	[tilespmem:$0x147C0] =	vst v63  }
0x39: {  	_ =	swait.ge [sflag:s5], $0x80  }
0x3a: {  	[sflag:s5] =	ssyncset.done $0x0  }
0x3b: {  	[sflag:s5] =	ssyncadd.s32 $0xFFFFFF80  }
0x3c: {  	[spmem:s2] =	stream.indirect.scatter.add.f32 [tilespmem:s11], [sflag:$0x2], $0x1, s16, s23, $0xb8;
	[tilespmem:$0x147C0] =	vst v63  }
0x3d: {  	_ =	swait.ge [sflag:s5], $0x80  }
0x3e: {  	s15 =	sor.u32 $0x10, s15;
	[sflag:s5] =	ssyncset.done $0x0  }
0x3f: {  	s26 =	simm.s32 $0x100C0;
	s25 =	sadd.s32 s13, s15;
	[sflag:s5] =	ssyncadd.s32 $0xFFFFFF80  }
0x40: {  	[tilespmem:s26], [sflag:$0x2] =	stream.linear.gather [hbm4b:s25+s3], $0x80, $0x38;
	[tilespmem:$0x147C0] =	vst v63  }
0x41: {  	_ =	swait.ge [sflag:s5], $0x80  }
0x42: {  	[sflag:s5] =	ssyncset.done $0x0  }
0x43: {  	s29 =	simm.s32 $0x101C0;
	s28 =	sadd.s32 s12, s15;
	[sflag:s5] =	ssyncadd.s32 $0xFFFFFF80  }
0x44: {  	[tilespmem:s29], [sflag:$0x2] =	stream.linear.gather [hbm4b:s28+s3], $0x80, $0x38;
	[tilespmem:$0x147C0] =	vst v63  }
0x45: {  	_ =	swait.ge [sflag:s5], $0x80  }
0x46: {  	[sflag:s5] =	ssyncset.done $0x0  }
0x47: {  	[sflag:s5] =	ssyncadd.s32 $0xFFFFFF80  }
0x48: {  	v34 =	vld [tilespmem:$0x100C0]  }
0x49: {  	v35 =	vld [tilespmem:$0x101C0]  }
0x4a: {  	v36 =	vld [tilespmem:$0x100D0]  }
0x4b: {  	v37 =	vld [tilespmem:$0x101D0]  }
0x4c: {  	v38 =	vld [tilespmem:$0x100E0]  }
0x4d: {  	v39 =	vld [tilespmem:$0x101E0]  }
0x4e: {  	v40 =	vld [tilespmem:$0x100F0]  }
0x4f: {  	v41 =	vld [tilespmem:$0x101F0]  }
0x50: {  	v42 =	vld [tilespmem:$0x10100]  }
0x51: {  	v43 =	vld [tilespmem:$0x10200]  }
0x52: {  	v44 =	vld [tilespmem:$0x10110]  }
0x53: {  	v45 =	vld [tilespmem:$0x10210]  }
0x54: {  	v46 =	vld [tilespmem:$0x10120];
	v0 =	vshll.u32 v34, $0xA  }
0x55: {  	v48 =	vld [tilespmem:$0x10220];
	v47 =	vshll.u32 v36, $0xA;
	v0 =	vadd.s32 v35, v0  }
0x56: {  	v51 =	vld [tilespmem:$0x10130];
	v50 =	vshll.u32 v38, $0xA;
	v49 =	vadd.s32 v37, v47;
	[tilespmem:$0x102C0] =	vst v0  }
0x57: {  	v54 =	vld [tilespmem:$0x10230];
	v53 =	vshll.u32 v40, $0xA;
	v52 =	vadd.s32 v39, v50;
	[tilespmem:$0x102D0] =	vst v49  }
0x58: {  	v56 =	vshll.u32 v42, $0xA;
	v55 =	vadd.s32 v41, v53;
	[tilespmem:$0x102E0] =	vst v52  }
0x59: {  	v58 =	vshll.u32 v44, $0xA;
	v57 =	vadd.s32 v43, v56;
	[tilespmem:$0x102F0] =	vst v55  }
0x5a: {  	v60 =	vshll.u32 v46, $0xA;
	v59 =	vadd.s32 v45, v58;
	[tilespmem:$0x10300] =	vst v57  }
0x5b: {  	v62 =	vshll.u32 v51, $0xA;
	v61 =	vadd.s32 v48, v60;
	[tilespmem:$0x10310] =	vst v59  }
0x5c: {  	v63 =	vadd.s32 v54, v62;
	[tilespmem:$0x10320] =	vst v61  }
0x5d: {  	s30 =	simm.s32 $0x102C0;
	[tilespmem:$0x10330] =	vst v63  }
0x5e: {  	[spmem:s4] =	stream.indirect.scatter.add.f32 [tilespmem:s11], [sflag:$0x2], $0x1, s30, s23, $0xb8;
	[tilespmem:$0x147C0] =	vst v63  }
0x5f: {  	_ =	swait.ge [sflag:s5], $0x80  }
0x60: {  	[sflag:s5] =	ssyncset.done $0x0  }
0x61: {  	[sflag:s5] =	ssyncadd.s32 $0xFFFFFF80  }
0x62: {  	[spmem:s2] =	stream.indirect.scatter.add.f32 [tilespmem:s11], [sflag:$0x2], $0x1, s26, s23, $0xb8;
	[tilespmem:$0x147C0] =	vst v63  }
0x63: {  	_ =	swait.ge [sflag:s5], $0x80  }
0x64: {  	[sflag:s5] =	ssyncset.done $0x0  }
0x65: {  	[sflag:s5] =	ssyncadd.s32 $0xFFFFFF80  }
0x66: {  	s31 =	simm.s32 $0x107C0;
	[bflag:$0x0] =	sbarrier.arrive $0xFFFF  }
0x67: {  	[tilespmem:s31], [sflag:$0x2] =	stream.linear.gather [spmem:s10], $0x2000, $0x38;
	[tilespmem:$0x147C0] =	vst v63  }
0x68: {  	_ =	swait.ge [sflag:s5], $0x2000  }
0x69: {  	s15 =	sshll.u32 s9, $0xD;
	s14 =	sadd.s32 $0x2C00, s1;
	[sflag:s5] =	ssyncset.done $0x0  }
0x6a: {  	s9 =	sadd.s32 s14, s15;
	s16 =	sor.u32 $0x2000, s8;
	[sflag:s5] =	ssyncadd.s32 $0xFFFFE000  }
0x6b: {  	[hbm4b:s9+s3] =	stream.linear.scatter [tilespmem:s31], [sflag:$0x1], $0x2000, $0x38;
	[tilespmem:$0x147C0] =	vst v63  }
0x6c: {  	s18 =	simm.s32 $0x127C0;
	s17 =	sadd.s32 s16, s4  }
0x6d: {  	[tilespmem:s18], [sflag:$0x2] =	stream.linear.gather [spmem:s17], $0x2000, $0x38;
	[tilespmem:$0x147C0] =	vst v63  }
0x6e: {  	_ =	swait.ge [sflag:s5], $0x2000  }
0x6f: {  	s12 =	sshrl.u32 s16, $0x3;
	[sflag:s5] =	ssyncset.done $0x0  }
0x70: {  	s12 =	sadd.s32 s14, s12;
	[sflag:s5] =	ssyncadd.s32 $0xFFFFE000  }
0x71: {  	[hbm4b:s12+s3] =	stream.linear.scatter [tilespmem:s18], [sflag:$0x1], $0x2000, $0x38;
	[tilespmem:$0x147C0] =	vst v63  }
0x72: {  	_ =	swait.ge [sflag:s6], $0x2000  }
0x73: {  	s19 =	sor.u32 $0x4000, s8;
	[sflag:s6] =	ssyncset.done $0x0  }
0x74: {  	s20 =	sadd.s32 s19, s4;
	[sflag:s6] =	ssyncadd.s32 $0xFFFFE000  }
0x75: {  	[tilespmem:s31], [sflag:$0x2] =	stream.linear.gather [spmem:s20], $0x2000, $0x38;
	[tilespmem:$0x147C0] =	vst v63  }
0x76: {  	_ =	swait.ge [sflag:s5], $0x2000  }
0x77: {  	s12 =	sshrl.u32 s19, $0x3;
	[sflag:s5] =	ssyncset.done $0x0  }
0x78: {  	s12 =	sadd.s32 s14, s12;
	[sflag:s5] =	ssyncadd.s32 $0xFFFFE000  }
0x79: {  	[hbm4b:s12+s3] =	stream.linear.scatter [tilespmem:s31], [sflag:$0x1], $0x2000, $0x38;
	[tilespmem:$0x147C0] =	vst v63  }
0x7a: {  	_ =	swait.ge [sflag:s6], $0x2000  }
0x7b: {  	s21 =	sor.u32 $0x6000, s8;
	[sflag:s6] =	ssyncset.done $0x0  }
0x7c: {  	s22 =	sadd.s32 s21, s4;
	[sflag:s6] =	ssyncadd.s32 $0xFFFFE000  }
0x7d: {  	[tilespmem:s18], [sflag:$0x2] =	stream.linear.gather [spmem:s22], $0x2000, $0x38;
	[tilespmem:$0x147C0] =	vst v63  }
0x7e: {  	_ =	swait.ge [sflag:s5], $0x2000  }
0x7f: {  	s12 =	sshrl.u32 s21, $0x3;
	[sflag:s5] =	ssyncset.done $0x0  }
0x80: {  	s12 =	sadd.s32 s14, s12;
	[sflag:s5] =	ssyncadd.s32 $0xFFFFE000  }
0x81: {  	[hbm4b:s12+s3] =	stream.linear.scatter [tilespmem:s18], [sflag:$0x1], $0x2000, $0x38;
	[tilespmem:$0x147C0] =	vst v63  }
0x82: {  	_ =	swait.ge [sflag:s6], $0x2000  }
0x83: {  	s23 =	sor.u32 $0x8000, s8;
	[sflag:s6] =	ssyncset.done $0x0  }
0x84: {  	s24 =	sadd.s32 s23, s4;
	[sflag:s6] =	ssyncadd.s32 $0xFFFFE000  }
0x85: {  	[tilespmem:s31], [sflag:$0x2] =	stream.linear.gather [spmem:s24], $0x2000, $0x38;
	[tilespmem:$0x147C0] =	vst v63  }
0x86: {  	_ =	swait.ge [sflag:s5], $0x2000  }
0x87: {  	s12 =	sshrl.u32 s23, $0x3;
	[sflag:s5] =	ssyncset.done $0x0  }
0x88: {  	s12 =	sadd.s32 s14, s12;
	[sflag:s5] =	ssyncadd.s32 $0xFFFFE000  }
0x89: {  	[hbm4b:s12+s3] =	stream.linear.scatter [tilespmem:s31], [sflag:$0x1], $0x2000, $0x38;
	[tilespmem:$0x147C0] =	vst v63  }
0x8a: {  	_ =	swait.ge [sflag:s6], $0x2000  }
0x8b: {  	s25 =	sor.u32 $0xA000, s8;
	[sflag:s6] =	ssyncset.done $0x0  }
0x8c: {  	s26 =	sadd.s32 s25, s4;
	[sflag:s6] =	ssyncadd.s32 $0xFFFFE000  }
0x8d: {  	[tilespmem:s18], [sflag:$0x2] =	stream.linear.gather [spmem:s26], $0x2000, $0x38;
	[tilespmem:$0x147C0] =	vst v63  }
0x8e: {  	_ =	swait.ge [sflag:s5], $0x2000  }
0x8f: {  	s12 =	sshrl.u32 s25, $0x3;
	[sflag:s5] =	ssyncset.done $0x0  }
0x90: {  	s12 =	sadd.s32 s14, s12;
	[sflag:s5] =	ssyncadd.s32 $0xFFFFE000  }
0x91: {  	[hbm4b:s12+s3] =	stream.linear.scatter [tilespmem:s18], [sflag:$0x1], $0x2000, $0x38;
	[tilespmem:$0x147C0] =	vst v63  }
0x92: {  	_ =	swait.ge [sflag:s6], $0x2000  }
0x93: {  	s28 =	sor.u32 $0xC000, s8;
	[sflag:s6] =	ssyncset.done $0x0  }
0x94: {  	s29 =	sadd.s32 s28, s4;
	[sflag:s6] =	ssyncadd.s32 $0xFFFFE000  }
0x95: {  	[tilespmem:s31], [sflag:$0x2] =	stream.linear.gather [spmem:s29], $0x2000, $0x38;
	[tilespmem:$0x147C0] =	vst v63  }
0x96: {  	_ =	swait.ge [sflag:s5], $0x2000  }
0x97: {  	s12 =	sshrl.u32 s28, $0x3;
	[sflag:s5] =	ssyncset.done $0x0  }
0x98: {  	s12 =	sadd.s32 s14, s12;
	[sflag:s5] =	ssyncadd.s32 $0xFFFFE000  }
0x99: {  	[hbm4b:s12+s3] =	stream.linear.scatter [tilespmem:s31], [sflag:$0x1], $0x2000, $0x38;
	[tilespmem:$0x147C0] =	vst v63  }
0x9a: {  	_ =	swait.ge [sflag:s6], $0x2000  }
0x9b: {  	s8 =	sor.u32 $0xE000, s8;
	[sflag:s6] =	ssyncset.done $0x0  }
0x9c: {  	s30 =	sadd.s32 s8, s4;
	[sflag:s6] =	ssyncadd.s32 $0xFFFFE000  }
0x9d: {  	[tilespmem:s18], [sflag:$0x2] =	stream.linear.gather [spmem:s30], $0x2000, $0x38;
	[tilespmem:$0x147C0] =	vst v63  }
0x9e: {  	_ =	swait.ge [sflag:s5], $0x2000  }
0x9f: {  	s31 =	sshrl.u32 s8, $0x3;
	[sflag:s5] =	ssyncset.done $0x0  }
0xa0: {  	s4 =	sadd.s32 s14, s31;
	[sflag:s5] =	ssyncadd.s32 $0xFFFFE000  }
0xa1: {  	[hbm4b:s4+s3] =	stream.linear.scatter [tilespmem:s18], [sflag:$0x1], $0x2000, $0x38;
	[tilespmem:$0x147C0] =	vst v63  }
0xa2: {  	s3 =	simm.s32 @!p0 $0x103C0  }
0xa3: {  	[tilespmem:s3], [sflag:$0x2] =	stream.linear.gather @!p0 [spmem:s2], $0x400, $0x38;
	[tilespmem:$0x147C0] =	vst v63  }
0xa4: {  	_ =	swait.ge @!p0 [sflag:s7], $0x400  }
0xa5: {  	[sflag:s7] =	ssyncset.done @!p0 $0x0  }
0xa6: {  	s1 =	sadd.s32 $0x22C00, s1;
	s2 =	simm.s32 @!p0 $0x0;
	[sflag:s7] =	ssyncadd.s32 @!p0 $0xFFFFFC00  }
0xa7: {  	[hbm4b:s1+s2] =	stream.linear.scatter @!p0 [tilespmem:s3], [sflag:$0x2], $0x400, $0x38;
	[tilespmem:$0x147C0] =	vst v63  }
0xa8: {  	_ =	swait.ge @!p0 [sflag:s7], $0x400  }
0xa9: {  	[sflag:s7] =	ssyncset.done @!p0 $0x0  }
0xaa: {  	[sflag:s7] =	ssyncadd.s32 @!p0 $0xFFFFFC00  }
0xab: {  	_ =	swait.ge [sflag:s6], $0x2000  }
0xac: {  	[sflag:s6] =	ssyncset.done $0x0  }
0xad: {  	[sflag:s6] =	ssyncadd.s32 $0xFFFFE000  }
0xae: {  	_ =	swait.ge [sflag:s6], $0x2000  }
0xaf: {  	[sflag:s6] =	ssyncset.done $0x0  }
0xb0: {  	[sflag:s6] =	ssyncadd.s32 $0xFFFFE000  }
.LBB2_2:
0xb1: {  	_ =	sfence.sel $0x180000  }
0xb2: {  	[bflag:$0x0] =	sbarrier.arrive $0xFFFF  }
0xb3: {  	_ =	strace $0x90000047  }
0xb4: {  	s0 =	sadd.s32 @!p0 $0x100000, s0;
	[bflag:$0x2] =	sbarrier.arrive $0xFFFF  }
0xb5: {  	[sflag:s0] =	ssyncadd.tile.s32 @!p0 $0x1;
	_ =	shalt  }
.Lfunc_end2:
_tile_overlayer_lowered:
.L_overlay_start_2:
0xb6: {  	(tag) =	ssettag $0x2  }
0xb7: {  	s0 =	rddreg [dreg:$0x0];
	s2 =	stileid.u32  }
0xb8: {  	s1 =	rddreg [dreg:$0x1];
	p0 =	sne.s32 s2, $0x0  }
0xb9: {  	s3 =	rddreg [dreg:$0x2];
	[bflag:$0x3] =	sbarrier.arrive $0xFFFF;
	s2 =	simm.s32 @!p0 $0x1C02  }
0xba: {  	[timem:s3], [sflag:s2] =	dma.local @!p0 [hbm:s0], s1  }
0xbb: {  	s0 =	simm.s32 @!p0 $0x2  }
0xbc: {  	_ =	swait.ge @!p0 [sflag:s0], s1  }
0xbd: {  	s1 =	ssub.s32 @!p0 $0x0, s1;
	[sflag:s0] =	ssyncset.done @!p0 $0x0  }
0xbe: {  	[sflag:s0] =	ssyncadd.s32 @!p0 s1  }
0xbf: {  	[bflag:$0x3] =	sbarrier.arrive $0xFFFF  }
0xc0: {  	_ =	shalt  }

</sc_bundles>
